<compile_context>
chip_gen: v7x
topology: tpu7x:2x2x1
jax: 0.10.2.dev20260603
libtpu: 0.0.44.dev20260713+nightly
codegen_flags: <defaults>
</compile_context>

<pallas_src>
import functools

import jax
import jax.numpy as jnp
from jax import lax
from jax.experimental import pallas as pl
from jax.experimental.pallas import tpu as pltpu
from jax.experimental.pallas import tpu_sc as plsc

N_SPARSE = 26
N_DENSE = 13
VOCAB = 100000
DIM = 32
B = 4096
EMB_W = N_SPARSE * DIM
OUT_W = EMB_W + N_DENSE

NC = 2
NS = 16
NW = NC * NS
NU = N_SPARSE * 4
VTAIL = 99968
CHUNK = 5632
CHUNKS = [(i * CHUNK, CHUNK) for i in range(17)] + [(17 * CHUNK, 4224)]
EDGES = [c0 for (c0, _) in CHUNKS] + [VTAIL, VOCAB + 96]


def _make_sc_embed():
    mesh = plsc.VectorSubcoreMesh(core_axis_name="c", subcore_axis_name="s")

    @functools.partial(
        pl.kernel,
        mesh=mesh,
        out_type=jax.ShapeDtypeStruct((848, B), jnp.float32),
        scratch_types=[
            pltpu.VMEM((8, CHUNK), jnp.float32),
            pltpu.VMEM((8, CHUNK), jnp.float32),
            pltpu.VMEM((B,), jnp.int32),
            pltpu.VMEM((128,), jnp.int32),
            pltpu.VMEM((8, B), jnp.float32),
            pltpu.SemaphoreType.DMA,
            pltpu.SemaphoreType.DMA,
        ],
        compiler_params=pltpu.CompilerParams(needs_layout_passes=False),
    )
    def sc_embed(xs1d_hbm, lo1d_hbm, xd_hbm, tails_hbm,
                 tables_hbm, out_hbm,
                 buf_a, buf_b, xs_v, lo_v, res_v, sem_a, sem_b):
        wid = lax.axis_index("s") * NC + lax.axis_index("c")
        bufs = (buf_a, buf_b)
        sems = (sem_a, sem_b)

        def extract(buf, c0, width, limit, g_lo, g_hi):
            def grp(g, _):
                pk16 = xs_v[pl.ds(g * 16, 16)]
                xs16 = lax.shift_right_logical(pk16, 12)
                pos = lax.bitwise_and(pk16, 4095)
                m = (xs16 >= c0) & (xs16 < c0 + limit)
                local = jnp.clip(xs16 - c0, 0, width - 1)
                for d in range(8):
                    row = jnp.full((16,), d, jnp.int32)
                    v = plsc.load_gather(buf, [row, local])
                    plsc.store_scatter(res_v, [row, pos], v, mask=m)
                return 0
            lax.fori_loop(g_lo, g_hi, grp, 0)

        def do_unit(u):
            f = u // 4
            tr8 = pl.multiple_of((u % 4) * 8, 8)
            pltpu.sync_copy(xs1d_hbm.at[pl.ds(f * B, B)], xs_v)
            pltpu.sync_copy(lo1d_hbm.at[pl.ds(f * 128, 128)], lo_v)
            edge_a = lo_v[pl.ds(0, 16)]
            edge_b = lo_v[pl.ds(16, 16)]

            def edge(i):
                return edge_a[i] if i < 16 else edge_b[i - 16]

            def start(ci):
                c0, width = CHUNKS[ci]
                return pltpu.async_copy(
                    tables_hbm.at[f, pl.ds(tr8, 8), pl.ds(c0, width)],
                    bufs[ci % 2].at[:, pl.ds(0, width)],
                    sems[ci % 2])

            cp = start(0)
            for ci, (c0, width) in enumerate(CHUNKS):
                nxt = start(ci + 1) if ci + 1 < len(CHUNKS) else None
                cp.wait()
                g_lo = edge(ci) >> 4
                g_hi = (edge(ci + 1) + 15) >> 4
                extract(bufs[ci % 2], c0, width, width, g_lo, g_hi)
                cp = nxt
            pltpu.sync_copy(tails_hbm.at[f, pl.ds(tr8, 8)],
                            buf_a.at[:, pl.ds(0, 128)])
            g_lo = edge(len(CHUNKS)) >> 4
            g_hi = (edge(len(CHUNKS) + 1) + 15) >> 4
            extract(buf_a, VTAIL, 128, VOCAB - VTAIL, g_lo, g_hi)
            pltpu.sync_copy(res_v,
                            out_hbm.at[pl.ds(pl.multiple_of(u * 8, 8), 8)])

        def unit_k(k, _):
            u = wid + NW * k

            @pl.when(u < NU)
            def _():
                do_unit(u)
            return 0

        lax.fori_loop(0, 4, unit_k, 0)

        @pl.when(wid == 8)
        def _():
            pltpu.sync_copy(xd_hbm.at[pl.ds(0, 8)], buf_a.at[:, pl.ds(0, B)])
            pltpu.sync_copy(buf_a.at[:, pl.ds(0, B)],
                            out_hbm.at[pl.ds(EMB_W, 8)])

        @pl.when(wid == 9)
        def _():
            pltpu.sync_copy(xd_hbm.at[pl.ds(8, 8)], buf_a.at[:, pl.ds(0, B)])
            pltpu.sync_copy(buf_a.at[:, pl.ds(0, B)],
                            out_hbm.at[pl.ds(EMB_W + 8, 8)])

    return sc_embed


def kernel(x_dense, x_sparse, tables):
    tables_t = jnp.transpose(tables, (0, 2, 1))
    tails = jnp.pad(tables_t[:, :, VTAIL:],
                    ((0, 0), (0, 0), (0, 128 - (VOCAB - VTAIL))))
    xs_t = jnp.transpose(x_sparse)
    packed = jnp.sort((xs_t << 12) | jnp.arange(B, dtype=jnp.int32)[None, :],
                      axis=1)
    edges = jnp.array(EDGES, dtype=jnp.int32) << 12
    lo = jax.vmap(lambda r: jnp.searchsorted(r, edges))(
        packed).astype(jnp.int32)
    lo1d = jnp.pad(lo, ((0, 0), (0, 128 - lo.shape[1]))).reshape(-1)
    xs1d = packed.reshape(N_SPARSE * B)
    xd16 = jnp.pad(jnp.transpose(x_dense), ((0, 3), (0, 0)))
    out_t = _make_sc_embed()(xs1d, lo1d, xd16, tails, tables_t)
    return jnp.transpose(out_t)[:, :OUT_W]

# --- scband reference (transcript-rebuilt; emitter-appended) ---
"""Pipeline reference for scband-model-object-47038481826131 (READ-ONLY COPY).

The authoritative reference and input builder live on the scoring server;
editing this copy changes nothing except your own understanding.
"""

import jax, jax.numpy as jnp
import numpy as np

N_SPARSE = 26
N_DENSE = 13
VOCAB = 100000
DIM = 32
B = 4096


def setup_inputs(seed: int = 0) -> dict:
    key = jax.random.key(seed)
    k1, k2, k3 = jax.random.split(key, 3)
    x_dense = jax.random.normal(k1, (B, N_DENSE), dtype=jnp.float32)
    x_sparse = jax.random.randint(k2, (B, N_SPARSE), 0, VOCAB, dtype=jnp.int32)
    # one embedding table per sparse feature, stacked: [N_SPARSE, VOCAB, DIM]
    tables = jax.random.normal(k3, (N_SPARSE, VOCAB, DIM), dtype=jnp.float32) * 0.01
    return {"x_dense": x_dense, "x_sparse": x_sparse, "tables": tables}


def reference(x_dense, x_sparse, tables):
    # get_sparse_embedding_values: per-feature slice of x cast to long -> embedding lookup
    embedding_values = [jnp.take(tables[f], x_sparse[:, f], axis=0) for f in range(N_SPARSE)]  # each [B, DIM]
    # get_dense_values: per-feature slice of dense columns
    dense_values = [x_dense[:, i:i + 1] for i in range(N_DENSE)]  # each [B, 1]
    emb = jnp.concatenate(embedding_values, axis=-1)  # [B, N_SPARSE*DIM]
    dense = jnp.concatenate(dense_values, axis=-1)    # [B, N_DENSE]
    return jnp.concatenate([emb, dense], axis=-1)     # [B, N_SPARSE*DIM + N_DENSE]

if __name__ == "__main__":
    import jax
    _d = setup_inputs()
    print(jax.jit(kernel)(*tuple(_d.values())))

</pallas_src>

<mosaic_0001>
#map = affine_map<(d0, d1) -> (0)>
#map1 = affine_map<(d0, d1) -> (0, 0)>
#map2 = affine_map<(d0, d1) -> (0, 0, 0)>
module attributes {stable_mosaic.version = 14 : i64} {
  func.func @sc_embed(%arg0: i32, %arg1: i32, %arg2: memref<106496xi32, #tpu.memory_space<hbm>>, %arg3: memref<3328xi32, #tpu.memory_space<hbm>>, %arg4: memref<16x4096xf32, #tpu.memory_space<hbm>>, %arg5: memref<26x32x128xf32, #tpu.memory_space<hbm>>, %arg6: memref<26x32x100000xf32, #tpu.memory_space<hbm>>, %arg7: memref<848x4096xf32, #tpu.memory_space<hbm>>, %arg8: memref<8x5632xf32, #tpu.memory_space<vmem>>, %arg9: memref<8x5632xf32, #tpu.memory_space<vmem>>, %arg10: memref<4096xi32, #tpu.memory_space<vmem>>, %arg11: memref<128xi32, #tpu.memory_space<vmem>>, %arg12: memref<8x4096xf32, #tpu.memory_space<vmem>>, %arg13: memref<!tpu.dma_semaphore, #tpu.memory_space<semaphore_mem>>, %arg14: memref<!tpu.dma_semaphore, #tpu.memory_space<semaphore_mem>>) attributes {dimension_semantics = [#tpu.dimension_semantics<core_parallel>, #tpu.dimension_semantics<subcore_parallel>], iteration_bounds = array<i64: 2, 16>, scalar_prefetch = 0 : i64, scratch_operands = 7 : i64, tpu.core_type = #tpu.core_type<sc_vector_subcore>, window_params = [{transform_indices = #map}, {transform_indices = #map}, {transform_indices = #map1}, {transform_indices = #map2}, {transform_indices = #map2}, {transform_indices = #map1}]} {
    %mul3A = arith.constant 2 : i32
    %mul3A_0 = arith.muli %arg1, %mul3A : i32
    %add3A = arith.addi %mul3A_0, %arg0 : i32
    %scan3A = arith.constant 0 : i32
    %scan3A_1 = arith.constant 0 : i32
    %scan3A_2 = arith.constant 4 : i32
    %scan3A_3 = arith.addi %scan3A_1, %scan3A_2 : i32
    %scan3A_4 = arith.constant 1 : i32
    %scan3A_5 = scf.for %scan3A_14 = %scan3A_1 to %scan3A_3 step %scan3A_4 iter_args(%scan3A_15 = %scan3A) -> (i32)  : i32 {
      %mul3A_16 = arith.constant 32 : i32
      %mul3A_17 = arith.muli %mul3A_16, %scan3A_14 : i32
      %add3A_18 = arith.addi %add3A, %mul3A_17 : i32
      %lt3A = arith.constant 104 : i32
      %lt3A_19 = arith.cmpi slt, %add3A_18, %lt3A : i32
      %convert_element_type3A_20 = arith.extui %lt3A_19 : i1 to i32
      %cond3A_21 = arith.constant 0 : i32
      %cond3A_22 = arith.cmpi ne, %convert_element_type3A_20, %cond3A_21 : i32
      scf.if %cond3A_22 {
        %jit3A = arith.constant 4 : i32
        %div3A = arith.divsi %add3A_18, %jit3A : i32
        %sign3A = arith.constant 0 : i32
        %sign3A_24 = arith.cmpi sgt, %add3A_18, %sign3A : i32
        %sign3A_25 = arith.extui %sign3A_24 : i1 to i32
        %sign3A_26 = arith.constant 0 : i32
        %sign3A_27 = arith.cmpi slt, %add3A_18, %sign3A_26 : i32
        %sign3A_28 = arith.extui %sign3A_27 : i1 to i32
        %sign3A_29 = arith.subi %sign3A_25, %sign3A_28 : i32
        %sign3A_30 = arith.constant 0 : i32
        %sign3A_31 = arith.cmpi sgt, %jit3A, %sign3A_30 : i32
        %sign3A_32 = arith.extui %sign3A_31 : i1 to i32
        %sign3A_33 = arith.constant 0 : i32
        %sign3A_34 = arith.cmpi slt, %jit3A, %sign3A_33 : i32
        %sign3A_35 = arith.extui %sign3A_34 : i1 to i32
        %sign3A_36 = arith.subi %sign3A_32, %sign3A_35 : i32
        %ne3A = arith.cmpi ne, %sign3A_29, %sign3A_36 : i32
        %rem3A = arith.remsi %add3A_18, %jit3A : i32
        %ne3A_37 = arith.constant 0 : i32
        %ne3A_38 = arith.cmpi ne, %rem3A, %ne3A_37 : i32
        %and3A = arith.andi %ne3A, %ne3A_38 : i1
        %sub3A = arith.constant 1 : i32
        %sub3A_39 = arith.subi %div3A, %sub3A : i32
        %select_n3A = arith.select %and3A, %sub3A_39, %div3A : i32
        %jit3A_40 = arith.constant 4 : i32
        %eq3A_41 = arith.constant 0 : i32
        %eq3A_42 = arith.cmpi eq, %jit3A_40, %eq3A_41 : i32
        %jit3A_43 = arith.constant 1 : i32
        %select_n3A_44 = arith.select %eq3A_42, %jit3A_43, %jit3A_40 : i32
        %rem3A_45 = arith.remsi %add3A_18, %select_n3A_44 : i32
        %ne3A_46 = arith.constant 0 : i32
        %ne3A_47 = arith.cmpi ne, %rem3A_45, %ne3A_46 : i32
        %lt3A_48 = arith.constant 0 : i32
        %lt3A_49 = arith.cmpi slt, %rem3A_45, %lt3A_48 : i32
        %lt3A_50 = arith.constant 0 : i32
        %lt3A_51 = arith.cmpi slt, %select_n3A_44, %lt3A_50 : i32
        %ne3A_52 = arith.xori %lt3A_49, %lt3A_51 : i1
        %and3A_53 = arith.andi %ne3A_52, %ne3A_47 : i1
        %add3A_54 = arith.addi %rem3A_45, %select_n3A_44 : i32
        %select_n3A_55 = arith.select %and3A_53, %add3A_54, %rem3A_45 : i32
        %mul3A_56 = arith.constant 8 : i32
        %mul3A_57 = arith.muli %select_n3A_55, %mul3A_56 : i32
        %multiple_of3A = tpu.assume_multiple %mul3A_57, 8 : i32
        %mul3A_58 = arith.constant 4096 : i32
        %mul3A_59 = arith.muli %select_n3A, %mul3A_58 : i32
        "tpu.region"() ({
          %run_scoped3A = tpu.sem_alloc : memref<!tpu.dma_semaphore, #tpu.memory_space<semaphore_mem>>
          %dma_start3A_893 = tpu.memref_slice %arg2[%mul3A_59] : memref<106496xi32, #tpu.memory_space<hbm>> -> memref<4096xi32, #tpu.memory_space<hbm>>
          %dma_start3A_894 = tpu.memref_slice %arg2[%mul3A_59] : memref<106496xi32, #tpu.memory_space<hbm>> -> memref<4096xi32, #tpu.memory_space<hbm>>
          tpu.enqueue_dma source(%dma_start3A_894 : memref<4096xi32, #tpu.memory_space<hbm>>) target(%arg10 : memref<4096xi32, #tpu.memory_space<vmem>>) target_semaphore(%run_scoped3A : memref<!tpu.dma_semaphore, #tpu.memory_space<semaphore_mem>>)
          %dma_wait3A_895 = tpu.memref_slice %arg2[%mul3A_59] : memref<106496xi32, #tpu.memory_space<hbm>> -> memref<4096xi32, #tpu.memory_space<hbm>>
          %dma_wait3A_896 = tpu.memref_slice %arg2[%mul3A_59] : memref<106496xi32, #tpu.memory_space<hbm>> -> memref<4096xi32, #tpu.memory_space<hbm>>
          tpu.wait_dma2 semaphore(%run_scoped3A : memref<!tpu.dma_semaphore, #tpu.memory_space<semaphore_mem>>) src(%dma_wait3A_896 : memref<4096xi32, #tpu.memory_space<hbm>>) dst(%arg10 : memref<4096xi32, #tpu.memory_space<vmem>>)
          tpu.yield
        }) : () -> ()
        %mul3A_60 = arith.constant 128 : i32
        %mul3A_61 = arith.muli %select_n3A, %mul3A_60 : i32
        "tpu.region"() ({
          %run_scoped3A = tpu.sem_alloc : memref<!tpu.dma_semaphore, #tpu.memory_space<semaphore_mem>>
          %dma_start3A_893 = tpu.memref_slice %arg3[%mul3A_61] : memref<3328xi32, #tpu.memory_space<hbm>> -> memref<128xi32, #tpu.memory_space<hbm>>
          %dma_start3A_894 = tpu.memref_slice %arg3[%mul3A_61] : memref<3328xi32, #tpu.memory_space<hbm>> -> memref<128xi32, #tpu.memory_space<hbm>>
          tpu.enqueue_dma source(%dma_start3A_894 : memref<128xi32, #tpu.memory_space<hbm>>) target(%arg11 : memref<128xi32, #tpu.memory_space<vmem>>) target_semaphore(%run_scoped3A : memref<!tpu.dma_semaphore, #tpu.memory_space<semaphore_mem>>)
          %dma_wait3A_895 = tpu.memref_slice %arg3[%mul3A_61] : memref<3328xi32, #tpu.memory_space<hbm>> -> memref<128xi32, #tpu.memory_space<hbm>>
          %dma_wait3A_896 = tpu.memref_slice %arg3[%mul3A_61] : memref<3328xi32, #tpu.memory_space<hbm>> -> memref<128xi32, #tpu.memory_space<hbm>>
          tpu.wait_dma2 semaphore(%run_scoped3A : memref<!tpu.dma_semaphore, #tpu.memory_space<semaphore_mem>>) src(%dma_wait3A_896 : memref<128xi32, #tpu.memory_space<hbm>>) dst(%arg11 : memref<128xi32, #tpu.memory_space<vmem>>)
          tpu.yield
        }) : () -> ()
        %get3A = arith.constant 0 : index
        %get3A_62 = tpu.vector_load %arg11[%get3A] {strides = array<i32>} : memref<128xi32, #tpu.memory_space<vmem>>, vector<16xi32>,
        %get3A_63 = arith.constant 16 : index
        %get3A_64 = tpu.vector_load %arg11[%get3A_63] {strides = array<i32>} : memref<128xi32, #tpu.memory_space<vmem>>, vector<16xi32>,
        %dma_start3A = arith.constant 0 : i32
        %dma_start3A_65 = arith.constant 0 : i32
        %dma_start3A_66 = tpu.memref_slice %arg8[%dma_start3A, %dma_start3A_65] : memref<8x5632xf32, #tpu.memory_space<vmem>> -> memref<8x5632xf32, #tpu.memory_space<vmem>>
        %dma_start3A_67 = arith.constant 0 : i32
        %dma_start3A_68 = tpu.memref_slice %arg6[%select_n3A, %multiple_of3A, %dma_start3A_67] : memref<26x32x100000xf32, #tpu.memory_space<hbm>> -> memref<1x8x5632xf32, #tpu.memory_space<hbm>>
        %dma_start3A_69 = tpu.memref_squeeze %dma_start3A_68 : memref<1x8x5632xf32, #tpu.memory_space<hbm>> -> memref<8x5632xf32, #tpu.memory_space<hbm>>
        %dma_start3A_70 = arith.constant 0 : i32
        %dma_start3A_71 = arith.constant 0 : i32
        %dma_start3A_72 = tpu.memref_slice %arg8[%dma_start3A_70, %dma_start3A_71] : memref<8x5632xf32, #tpu.memory_space<vmem>> -> memref<8x5632xf32, #tpu.memory_space<vmem>>
        %dma_start3A_73 = arith.constant 0 : i32
        %dma_start3A_74 = tpu.memref_slice %arg6[%select_n3A, %multiple_of3A, %dma_start3A_73] : memref<26x32x100000xf32, #tpu.memory_space<hbm>> -> memref<1x8x5632xf32, #tpu.memory_space<hbm>>
        %dma_start3A_75 = tpu.memref_squeeze %dma_start3A_74 : memref<1x8x5632xf32, #tpu.memory_space<hbm>> -> memref<8x5632xf32, #tpu.memory_space<hbm>>
        tpu.enqueue_dma source(%dma_start3A_75 : memref<8x5632xf32, #tpu.memory_space<hbm>>) target(%dma_start3A_72 : memref<8x5632xf32, #tpu.memory_space<vmem>>) target_semaphore(%arg13 : memref<!tpu.dma_semaphore, #tpu.memory_space<semaphore_mem>>)
        %dma_start3A_76 = arith.constant 0 : i32
        %dma_start3A_77 = arith.constant 0 : i32
        %dma_start3A_78 = tpu.memref_slice %arg9[%dma_start3A_76, %dma_start3A_77] : memref<8x5632xf32, #tpu.memory_space<vmem>> -> memref<8x5632xf32, #tpu.memory_space<vmem>>
        %dma_start3A_79 = arith.constant 5632 : i32
        %dma_start3A_80 = tpu.memref_slice %arg6[%select_n3A, %multiple_of3A, %dma_start3A_79] : memref<26x32x100000xf32, #tpu.memory_space<hbm>> -> memref<1x8x5632xf32, #tpu.memory_space<hbm>>
        %dma_start3A_81 = tpu.memref_squeeze %dma_start3A_80 : memref<1x8x5632xf32, #tpu.memory_space<hbm>> -> memref<8x5632xf32, #tpu.memory_space<hbm>>
        %dma_start3A_82 = arith.constant 0 : i32
        %dma_start3A_83 = arith.constant 0 : i32
        %dma_start3A_84 = tpu.memref_slice %arg9[%dma_start3A_82, %dma_start3A_83] : memref<8x5632xf32, #tpu.memory_space<vmem>> -> memref<8x5632xf32, #tpu.memory_space<vmem>>
        %dma_start3A_85 = arith.constant 5632 : i32
        %dma_start3A_86 = tpu.memref_slice %arg6[%select_n3A, %multiple_of3A, %dma_start3A_85] : memref<26x32x100000xf32, #tpu.memory_space<hbm>> -> memref<1x8x5632xf32, #tpu.memory_space<hbm>>
        %dma_start3A_87 = tpu.memref_squeeze %dma_start3A_86 : memref<1x8x5632xf32, #tpu.memory_space<hbm>> -> memref<8x5632xf32, #tpu.memory_space<hbm>>
        tpu.enqueue_dma source(%dma_start3A_87 : memref<8x5632xf32, #tpu.memory_space<hbm>>) target(%dma_start3A_84 : memref<8x5632xf32, #tpu.memory_space<vmem>>) target_semaphore(%arg14 : memref<!tpu.dma_semaphore, #tpu.memory_space<semaphore_mem>>)
        %dma_wait3A = arith.constant 0 : i32
        %dma_wait3A_88 = arith.constant 0 : i32
        %dma_wait3A_89 = tpu.memref_slice %arg8[%dma_wait3A, %dma_wait3A_88] : memref<8x5632xf32, #tpu.memory_space<vmem>> -> memref<8x5632xf32, #tpu.memory_space<vmem>>
        %dma_wait3A_90 = arith.constant 0 : i32
        %dma_wait3A_91 = tpu.memref_slice %arg6[%select_n3A, %multiple_of3A, %dma_wait3A_90] : memref<26x32x100000xf32, #tpu.memory_space<hbm>> -> memref<1x8x5632xf32, #tpu.memory_space<hbm>>
        %dma_wait3A_92 = tpu.memref_squeeze %dma_wait3A_91 : memref<1x8x5632xf32, #tpu.memory_space<hbm>> -> memref<8x5632xf32, #tpu.memory_space<hbm>>
        %dma_wait3A_93 = arith.constant 0 : i32
        %dma_wait3A_94 = arith.constant 0 : i32
        %dma_wait3A_95 = tpu.memref_slice %arg8[%dma_wait3A_93, %dma_wait3A_94] : memref<8x5632xf32, #tpu.memory_space<vmem>> -> memref<8x5632xf32, #tpu.memory_space<vmem>>
        %dma_wait3A_96 = arith.constant 0 : i32
        %dma_wait3A_97 = tpu.memref_slice %arg6[%select_n3A, %multiple_of3A, %dma_wait3A_96] : memref<26x32x100000xf32, #tpu.memory_space<hbm>> -> memref<1x8x5632xf32, #tpu.memory_space<hbm>>
        %dma_wait3A_98 = tpu.memref_squeeze %dma_wait3A_97 : memref<1x8x5632xf32, #tpu.memory_space<hbm>> -> memref<8x5632xf32, #tpu.memory_space<hbm>>
        tpu.wait_dma2 semaphore(%arg13 : memref<!tpu.dma_semaphore, #tpu.memory_space<semaphore_mem>>) src(%dma_wait3A_98 : memref<8x5632xf32, #tpu.memory_space<hbm>>) dst(%dma_wait3A_95 : memref<8x5632xf32, #tpu.memory_space<vmem>>)
        %slice3A = vector.extract_strided_slice %get3A_62 {offsets = [0], sizes = [1], strides = [1]} : vector<16xi32> to vector<1xi32>
        %squeeze3A = vector.extract %slice3A[0] : i32 from vector<1xi32>
        %shift_right_arithmetic3A = arith.constant 4 : i32
        %shift_right_arithmetic3A_99 = arith.shrsi %squeeze3A, %shift_right_arithmetic3A : i32
        %slice3A_100 = vector.extract_strided_slice %get3A_62 {offsets = [1], sizes = [1], strides = [1]} : vector<16xi32> to vector<1xi32>
        %squeeze3A_101 = vector.extract %slice3A_100[0] : i32 from vector<1xi32>
        %add3A_102 = arith.constant 15 : i32
        %add3A_103 = arith.addi %squeeze3A_101, %add3A_102 : i32
        %shift_right_arithmetic3A_104 = arith.constant 4 : i32
        %shift_right_arithmetic3A_105 = arith.shrsi %add3A_103, %shift_right_arithmetic3A_104 : i32
        %while3A = arith.constant 0 : i32
        %while3A_106 = arith.subi %shift_right_arithmetic3A_105, %shift_right_arithmetic3A_99 : i32
        %while3A_107 = arith.addi %shift_right_arithmetic3A_99, %while3A_106 : i32
        %while3A_108 = arith.constant 1 : i32
        %while3A_109 = arith.divsi %while3A_106, %while3A_108 : i32
        %while3A_110 = arith.muli %while3A_109, %while3A_108 : i32
        %while3A_111 = arith.addi %shift_right_arithmetic3A_99, %while3A_110 : i32
        %while3A_112 = arith.constant 1 : i32
        %while3A_113 = scf.for %while3A_893 = %shift_right_arithmetic3A_99 to %while3A_111 step %while3A_112 iter_args(%while3A_894 = %while3A) -> (i32)  : i32 {
          %mul3A_895 = arith.constant 16 : i32
          %mul3A_896 = arith.muli %while3A_893, %mul3A_895 : i32
          %get3A_897 = arith.index_cast %mul3A_896 : i32 to index
          %get3A_898 = tpu.vector_load %arg10[%get3A_897] {strides = array<i32>} : memref<4096xi32, #tpu.memory_space<vmem>>, vector<16xi32>,
          %shift_right_logical3A = arith.constant 12 : i32
          %shift_right_logical3A_899 = vector.broadcast %shift_right_logical3A : i32 to vector<16xi32>
          %shift_right_logical3A_900 = arith.shrui %get3A_898, %shift_right_logical3A_899 : vector<16xi32>
          %and3A_901 = arith.constant 4095 : i32
          %and3A_902 = vector.broadcast %and3A_901 : i32 to vector<16xi32>
          %and3A_903 = arith.andi %get3A_898, %and3A_902 : vector<16xi32>
          %ge3A = arith.constant 0 : i32
          %ge3A_904 = vector.broadcast %ge3A : i32 to vector<16xi32>
          %ge3A_905 = arith.cmpi sge, %shift_right_logical3A_900, %ge3A_904 : vector<16xi32>
          %lt3A_906 = arith.constant 5632 : i32
          %lt3A_907 = vector.broadcast %lt3A_906 : i32 to vector<16xi32>
          %lt3A_908 = arith.cmpi slt, %shift_right_logical3A_900, %lt3A_907 : vector<16xi32>
          %and3A_909 = arith.andi %ge3A_905, %lt3A_908 : vector<16xi1>
          %sub3A_910 = arith.constant 0 : i32
          %sub3A_911 = vector.broadcast %sub3A_910 : i32 to vector<16xi32>
          %sub3A_912 = arith.subi %shift_right_logical3A_900, %sub3A_911 : vector<16xi32>
          %jit3A_913 = arith.constant 0 : i32
          %jit3A_914 = arith.constant 5631 : i32
          %max3A = vector.broadcast %jit3A_913 : i32 to vector<16xi32>
          %max3A_915 = arith.maxsi %max3A, %sub3A_912 : vector<16xi32>
          %min3A = vector.broadcast %jit3A_914 : i32 to vector<16xi32>
          %min3A_916 = arith.minsi %min3A, %max3A_915 : vector<16xi32>
          %broadcast_in_dim3A = arith.constant 0 : i32
          %broadcast_in_dim3A_917 = vector.broadcast %broadcast_in_dim3A : i32 to vector<16xi32>
          %gather3A = tpu.vector_load_idx %arg8[%broadcast_in_dim3A_917, %min3A_916] : memref<8x5632xf32, #tpu.memory_space<vmem>>[vector<16xi32>, vector<16xi32>], vector<16xf32>,
          tpu.vector_store_idx %arg12[%broadcast_in_dim3A_917, %and3A_903], %gather3A masked %and3A_909 : memref<8x4096xf32, #tpu.memory_space<vmem>>[vector<16xi32>, vector<16xi32>], vector<16xf32>, vector<16xi1>
          %broadcast_in_dim3A_918 = arith.constant 1 : i32
          %broadcast_in_dim3A_919 = vector.broadcast %broadcast_in_dim3A_918 : i32 to vector<16xi32>
          %gather3A_920 = tpu.vector_load_idx %arg8[%broadcast_in_dim3A_919, %min3A_916] : memref<8x5632xf32, #tpu.memory_space<vmem>>[vector<16xi32>, vector<16xi32>], vector<16xf32>,
          tpu.vector_store_idx %arg12[%broadcast_in_dim3A_919, %and3A_903], %gather3A_920 masked %and3A_909 : memref<8x4096xf32, #tpu.memory_space<vmem>>[vector<16xi32>, vector<16xi32>], vector<16xf32>, vector<16xi1>
          %broadcast_in_dim3A_921 = arith.constant 2 : i32
          %broadcast_in_dim3A_922 = vector.broadcast %broadcast_in_dim3A_921 : i32 to vector<16xi32>
          %gather3A_923 = tpu.vector_load_idx %arg8[%broadcast_in_dim3A_922, %min3A_916] : memref<8x5632xf32, #tpu.memory_space<vmem>>[vector<16xi32>, vector<16xi32>], vector<16xf32>,
          tpu.vector_store_idx %arg12[%broadcast_in_dim3A_922, %and3A_903], %gather3A_923 masked %and3A_909 : memref<8x4096xf32, #tpu.memory_space<vmem>>[vector<16xi32>, vector<16xi32>], vector<16xf32>, vector<16xi1>
          %broadcast_in_dim3A_924 = arith.constant 3 : i32
          %broadcast_in_dim3A_925 = vector.broadcast %broadcast_in_dim3A_924 : i32 to vector<16xi32>
          %gather3A_926 = tpu.vector_load_idx %arg8[%broadcast_in_dim3A_925, %min3A_916] : memref<8x5632xf32, #tpu.memory_space<vmem>>[vector<16xi32>, vector<16xi32>], vector<16xf32>,
          tpu.vector_store_idx %arg12[%broadcast_in_dim3A_925, %and3A_903], %gather3A_926 masked %and3A_909 : memref<8x4096xf32, #tpu.memory_space<vmem>>[vector<16xi32>, vector<16xi32>], vector<16xf32>, vector<16xi1>
          %broadcast_in_dim3A_927 = arith.constant 4 : i32
          %broadcast_in_dim3A_928 = vector.broadcast %broadcast_in_dim3A_927 : i32 to vector<16xi32>
          %gather3A_929 = tpu.vector_load_idx %arg8[%broadcast_in_dim3A_928, %min3A_916] : memref<8x5632xf32, #tpu.memory_space<vmem>>[vector<16xi32>, vector<16xi32>], vector<16xf32>,
          tpu.vector_store_idx %arg12[%broadcast_in_dim3A_928, %and3A_903], %gather3A_929 masked %and3A_909 : memref<8x4096xf32, #tpu.memory_space<vmem>>[vector<16xi32>, vector<16xi32>], vector<16xf32>, vector<16xi1>
          %broadcast_in_dim3A_930 = arith.constant 5 : i32
          %broadcast_in_dim3A_931 = vector.broadcast %broadcast_in_dim3A_930 : i32 to vector<16xi32>
          %gather3A_932 = tpu.vector_load_idx %arg8[%broadcast_in_dim3A_931, %min3A_916] : memref<8x5632xf32, #tpu.memory_space<vmem>>[vector<16xi32>, vector<16xi32>], vector<16xf32>,
          tpu.vector_store_idx %arg12[%broadcast_in_dim3A_931, %and3A_903], %gather3A_932 masked %and3A_909 : memref<8x4096xf32, #tpu.memory_space<vmem>>[vector<16xi32>, vector<16xi32>], vector<16xf32>, vector<16xi1>
          %broadcast_in_dim3A_933 = arith.constant 6 : i32
          %broadcast_in_dim3A_934 = vector.broadcast %broadcast_in_dim3A_933 : i32 to vector<16xi32>
          %gather3A_935 = tpu.vector_load_idx %arg8[%broadcast_in_dim3A_934, %min3A_916] : memref<8x5632xf32, #tpu.memory_space<vmem>>[vector<16xi32>, vector<16xi32>], vector<16xf32>,
          tpu.vector_store_idx %arg12[%broadcast_in_dim3A_934, %and3A_903], %gather3A_935 masked %and3A_909 : memref<8x4096xf32, #tpu.memory_space<vmem>>[vector<16xi32>, vector<16xi32>], vector<16xf32>, vector<16xi1>
          %broadcast_in_dim3A_936 = arith.constant 7 : i32
          %broadcast_in_dim3A_937 = vector.broadcast %broadcast_in_dim3A_936 : i32 to vector<16xi32>
          %gather3A_938 = tpu.vector_load_idx %arg8[%broadcast_in_dim3A_937, %min3A_916] : memref<8x5632xf32, #tpu.memory_space<vmem>>[vector<16xi32>, vector<16xi32>], vector<16xf32>,
          tpu.vector_store_idx %arg12[%broadcast_in_dim3A_937, %and3A_903], %gather3A_938 masked %and3A_909 : memref<8x4096xf32, #tpu.memory_space<vmem>>[vector<16xi32>, vector<16xi32>], vector<16xf32>, vector<16xi1>
          %while3A_939 = arith.constant 0 : i32
          scf.yield %while3A_939 : i32
        }
        %while3A_114 = arith.constant 1 : i32
        %while3A_115 = scf.for %while3A_893 = %while3A_111 to %while3A_107 step %while3A_114 iter_args(%while3A_894 = %while3A_113) -> (i32)  : i32 {
          %mul3A_895 = arith.constant 16 : i32
          %mul3A_896 = arith.muli %while3A_893, %mul3A_895 : i32
          %get3A_897 = arith.index_cast %mul3A_896 : i32 to index
          %get3A_898 = tpu.vector_load %arg10[%get3A_897] {strides = array<i32>} : memref<4096xi32, #tpu.memory_space<vmem>>, vector<16xi32>,
          %shift_right_logical3A = arith.constant 12 : i32
          %shift_right_logical3A_899 = vector.broadcast %shift_right_logical3A : i32 to vector<16xi32>
          %shift_right_logical3A_900 = arith.shrui %get3A_898, %shift_right_logical3A_899 : vector<16xi32>
          %and3A_901 = arith.constant 4095 : i32
          %and3A_902 = vector.broadcast %and3A_901 : i32 to vector<16xi32>
          %and3A_903 = arith.andi %get3A_898, %and3A_902 : vector<16xi32>
          %ge3A = arith.constant 0 : i32
          %ge3A_904 = vector.broadcast %ge3A : i32 to vector<16xi32>
          %ge3A_905 = arith.cmpi sge, %shift_right_logical3A_900, %ge3A_904 : vector<16xi32>
          %lt3A_906 = arith.constant 5632 : i32
          %lt3A_907 = vector.broadcast %lt3A_906 : i32 to vector<16xi32>
          %lt3A_908 = arith.cmpi slt, %shift_right_logical3A_900, %lt3A_907 : vector<16xi32>
          %and3A_909 = arith.andi %ge3A_905, %lt3A_908 : vector<16xi1>
          %sub3A_910 = arith.constant 0 : i32
          %sub3A_911 = vector.broadcast %sub3A_910 : i32 to vector<16xi32>
          %sub3A_912 = arith.subi %shift_right_logical3A_900, %sub3A_911 : vector<16xi32>
          %jit3A_913 = arith.constant 0 : i32
          %jit3A_914 = arith.constant 5631 : i32
          %max3A = vector.broadcast %jit3A_913 : i32 to vector<16xi32>
          %max3A_915 = arith.maxsi %max3A, %sub3A_912 : vector<16xi32>
          %min3A = vector.broadcast %jit3A_914 : i32 to vector<16xi32>
          %min3A_916 = arith.minsi %min3A, %max3A_915 : vector<16xi32>
          %broadcast_in_dim3A = arith.constant 0 : i32
          %broadcast_in_dim3A_917 = vector.broadcast %broadcast_in_dim3A : i32 to vector<16xi32>
          %gather3A = tpu.vector_load_idx %arg8[%broadcast_in_dim3A_917, %min3A_916] : memref<8x5632xf32, #tpu.memory_space<vmem>>[vector<16xi32>, vector<16xi32>], vector<16xf32>,
          tpu.vector_store_idx %arg12[%broadcast_in_dim3A_917, %and3A_903], %gather3A masked %and3A_909 : memref<8x4096xf32, #tpu.memory_space<vmem>>[vector<16xi32>, vector<16xi32>], vector<16xf32>, vector<16xi1>
          %broadcast_in_dim3A_918 = arith.constant 1 : i32
          %broadcast_in_dim3A_919 = vector.broadcast %broadcast_in_dim3A_918 : i32 to vector<16xi32>
          %gather3A_920 = tpu.vector_load_idx %arg8[%broadcast_in_dim3A_919, %min3A_916] : memref<8x5632xf32, #tpu.memory_space<vmem>>[vector<16xi32>, vector<16xi32>], vector<16xf32>,
          tpu.vector_store_idx %arg12[%broadcast_in_dim3A_919, %and3A_903], %gather3A_920 masked %and3A_909 : memref<8x4096xf32, #tpu.memory_space<vmem>>[vector<16xi32>, vector<16xi32>], vector<16xf32>, vector<16xi1>
          %broadcast_in_dim3A_921 = arith.constant 2 : i32
          %broadcast_in_dim3A_922 = vector.broadcast %broadcast_in_dim3A_921 : i32 to vector<16xi32>
          %gather3A_923 = tpu.vector_load_idx %arg8[%broadcast_in_dim3A_922, %min3A_916] : memref<8x5632xf32, #tpu.memory_space<vmem>>[vector<16xi32>, vector<16xi32>], vector<16xf32>,
          tpu.vector_store_idx %arg12[%broadcast_in_dim3A_922, %and3A_903], %gather3A_923 masked %and3A_909 : memref<8x4096xf32, #tpu.memory_space<vmem>>[vector<16xi32>, vector<16xi32>], vector<16xf32>, vector<16xi1>
          %broadcast_in_dim3A_924 = arith.constant 3 : i32
          %broadcast_in_dim3A_925 = vector.broadcast %broadcast_in_dim3A_924 : i32 to vector<16xi32>
          %gather3A_926 = tpu.vector_load_idx %arg8[%broadcast_in_dim3A_925, %min3A_916] : memref<8x5632xf32, #tpu.memory_space<vmem>>[vector<16xi32>, vector<16xi32>], vector<16xf32>,
          tpu.vector_store_idx %arg12[%broadcast_in_dim3A_925, %and3A_903], %gather3A_926 masked %and3A_909 : memref<8x4096xf32, #tpu.memory_space<vmem>>[vector<16xi32>, vector<16xi32>], vector<16xf32>, vector<16xi1>
          %broadcast_in_dim3A_927 = arith.constant 4 : i32
          %broadcast_in_dim3A_928 = vector.broadcast %broadcast_in_dim3A_927 : i32 to vector<16xi32>
          %gather3A_929 = tpu.vector_load_idx %arg8[%broadcast_in_dim3A_928, %min3A_916] : memref<8x5632xf32, #tpu.memory_space<vmem>>[vector<16xi32>, vector<16xi32>], vector<16xf32>,
          tpu.vector_store_idx %arg12[%broadcast_in_dim3A_928, %and3A_903], %gather3A_929 masked %and3A_909 : memref<8x4096xf32, #tpu.memory_space<vmem>>[vector<16xi32>, vector<16xi32>], vector<16xf32>, vector<16xi1>
          %broadcast_in_dim3A_930 = arith.constant 5 : i32
          %broadcast_in_dim3A_931 = vector.broadcast %broadcast_in_dim3A_930 : i32 to vector<16xi32>
          %gather3A_932 = tpu.vector_load_idx %arg8[%broadcast_in_dim3A_931, %min3A_916] : memref<8x5632xf32, #tpu.memory_space<vmem>>[vector<16xi32>, vector<16xi32>], vector<16xf32>,
          tpu.vector_store_idx %arg12[%broadcast_in_dim3A_931, %and3A_903], %gather3A_932 masked %and3A_909 : memref<8x4096xf32, #tpu.memory_space<vmem>>[vector<16xi32>, vector<16xi32>], vector<16xf32>, vector<16xi1>
          %broadcast_in_dim3A_933 = arith.constant 6 : i32
          %broadcast_in_dim3A_934 = vector.broadcast %broadcast_in_dim3A_933 : i32 to vector<16xi32>
          %gather3A_935 = tpu.vector_load_idx %arg8[%broadcast_in_dim3A_934, %min3A_916] : memref<8x5632xf32, #tpu.memory_space<vmem>>[vector<16xi32>, vector<16xi32>], vector<16xf32>,
          tpu.vector_store_idx %arg12[%broadcast_in_dim3A_934, %and3A_903], %gather3A_935 masked %and3A_909 : memref<8x4096xf32, #tpu.memory_space<vmem>>[vector<16xi32>, vector<16xi32>], vector<16xf32>, vector<16xi1>
          %broadcast_in_dim3A_936 = arith.constant 7 : i32
          %broadcast_in_dim3A_937 = vector.broadcast %broadcast_in_dim3A_936 : i32 to vector<16xi32>
          %gather3A_938 = tpu.vector_load_idx %arg8[%broadcast_in_dim3A_937, %min3A_916] : memref<8x5632xf32, #tpu.memory_space<vmem>>[vector<16xi32>, vector<16xi32>], vector<16xf32>,
          tpu.vector_store_idx %arg12[%broadcast_in_dim3A_937, %and3A_903], %gather3A_938 masked %and3A_909 : memref<8x4096xf32, #tpu.memory_space<vmem>>[vector<16xi32>, vector<16xi32>], vector<16xf32>, vector<16xi1>
          %while3A_939 = arith.constant 0 : i32
          scf.yield %while3A_939 : i32
        }
        %dma_start3A_116 = arith.constant 0 : i32
        %dma_start3A_117 = arith.constant 0 : i32
        %dma_start3A_118 = tpu.memref_slice %arg8[%dma_start3A_116, %dma_start3A_117] : memref<8x5632xf32, #tpu.memory_space<vmem>> -> memref<8x5632xf32, #tpu.memory_space<vmem>>
        %dma_start3A_119 = arith.constant 11264 : i32
        %dma_start3A_120 = tpu.memref_slice %arg6[%select_n3A, %multiple_of3A, %dma_start3A_119] : memref<26x32x100000xf32, #tpu.memory_space<hbm>> -> memref<1x8x5632xf32, #tpu.memory_space<hbm>>
        %dma_start3A_121 = tpu.memref_squeeze %dma_start3A_120 : memref<1x8x5632xf32, #tpu.memory_space<hbm>> -> memref<8x5632xf32, #tpu.memory_space<hbm>>
        %dma_start3A_122 = arith.constant 0 : i32
        %dma_start3A_123 = arith.constant 0 : i32
        %dma_start3A_124 = tpu.memref_slice %arg8[%dma_start3A_122, %dma_start3A_123] : memref<8x5632xf32, #tpu.memory_space<vmem>> -> memref<8x5632xf32, #tpu.memory_space<vmem>>
        %dma_start3A_125 = arith.constant 11264 : i32
        %dma_start3A_126 = tpu.memref_slice %arg6[%select_n3A, %multiple_of3A, %dma_start3A_125] : memref<26x32x100000xf32, #tpu.memory_space<hbm>> -> memref<1x8x5632xf32, #tpu.memory_space<hbm>>
        %dma_start3A_127 = tpu.memref_squeeze %dma_start3A_126 : memref<1x8x5632xf32, #tpu.memory_space<hbm>> -> memref<8x5632xf32, #tpu.memory_space<hbm>>
        tpu.enqueue_dma source(%dma_start3A_127 : memref<8x5632xf32, #tpu.memory_space<hbm>>) target(%dma_start3A_124 : memref<8x5632xf32, #tpu.memory_space<vmem>>) target_semaphore(%arg13 : memref<!tpu.dma_semaphore, #tpu.memory_space<semaphore_mem>>)
        %dma_wait3A_128 = arith.constant 0 : i32
        %dma_wait3A_129 = arith.constant 0 : i32
        %dma_wait3A_130 = tpu.memref_slice %arg9[%dma_wait3A_128, %dma_wait3A_129] : memref<8x5632xf32, #tpu.memory_space<vmem>> -> memref<8x5632xf32, #tpu.memory_space<vmem>>
        %dma_wait3A_131 = arith.constant 5632 : i32
        %dma_wait3A_132 = tpu.memref_slice %arg6[%select_n3A, %multiple_of3A, %dma_wait3A_131] : memref<26x32x100000xf32, #tpu.memory_space<hbm>> -> memref<1x8x5632xf32, #tpu.memory_space<hbm>>
        %dma_wait3A_133 = tpu.memref_squeeze %dma_wait3A_132 : memref<1x8x5632xf32, #tpu.memory_space<hbm>> -> memref<8x5632xf32, #tpu.memory_space<hbm>>
        %dma_wait3A_134 = arith.constant 0 : i32
        %dma_wait3A_135 = arith.constant 0 : i32
        %dma_wait3A_136 = tpu.memref_slice %arg9[%dma_wait3A_134, %dma_wait3A_135] : memref<8x5632xf32, #tpu.memory_space<vmem>> -> memref<8x5632xf32, #tpu.memory_space<vmem>>
        %dma_wait3A_137 = arith.constant 5632 : i32
        %dma_wait3A_138 = tpu.memref_slice %arg6[%select_n3A, %multiple_of3A, %dma_wait3A_137] : memref<26x32x100000xf32, #tpu.memory_space<hbm>> -> memref<1x8x5632xf32, #tpu.memory_space<hbm>>
        %dma_wait3A_139 = tpu.memref_squeeze %dma_wait3A_138 : memref<1x8x5632xf32, #tpu.memory_space<hbm>> -> memref<8x5632xf32, #tpu.memory_space<hbm>>
        tpu.wait_dma2 semaphore(%arg14 : memref<!tpu.dma_semaphore, #tpu.memory_space<semaphore_mem>>) src(%dma_wait3A_139 : memref<8x5632xf32, #tpu.memory_space<hbm>>) dst(%dma_wait3A_136 : memref<8x5632xf32, #tpu.memory_space<vmem>>)
        %slice3A_140 = vector.extract_strided_slice %get3A_62 {offsets = [1], sizes = [1], strides = [1]} : vector<16xi32> to vector<1xi32>
        %squeeze3A_141 = vector.extract %slice3A_140[0] : i32 from vector<1xi32>
        %shift_right_arithmetic3A_142 = arith.constant 4 : i32
        %shift_right_arithmetic3A_143 = arith.shrsi %squeeze3A_141, %shift_right_arithmetic3A_142 : i32
        %slice3A_144 = vector.extract_strided_slice %get3A_62 {offsets = [2], sizes = [1], strides = [1]} : vector<16xi32> to vector<1xi32>
        %squeeze3A_145 = vector.extract %slice3A_144[0] : i32 from vector<1xi32>
        %add3A_146 = arith.constant 15 : i32
        %add3A_147 = arith.addi %squeeze3A_145, %add3A_146 : i32
        %shift_right_arithmetic3A_148 = arith.constant 4 : i32
        %shift_right_arithmetic3A_149 = arith.shrsi %add3A_147, %shift_right_arithmetic3A_148 : i32
        %while3A_150 = arith.constant 0 : i32
        %while3A_151 = arith.subi %shift_right_arithmetic3A_149, %shift_right_arithmetic3A_143 : i32
        %while3A_152 = arith.addi %shift_right_arithmetic3A_143, %while3A_151 : i32
        %while3A_153 = arith.constant 1 : i32
        %while3A_154 = arith.divsi %while3A_151, %while3A_153 : i32
        %while3A_155 = arith.muli %while3A_154, %while3A_153 : i32
        %while3A_156 = arith.addi %shift_right_arithmetic3A_143, %while3A_155 : i32
        %while3A_157 = arith.constant 1 : i32
        %while3A_158 = scf.for %while3A_893 = %shift_right_arithmetic3A_143 to %while3A_156 step %while3A_157 iter_args(%while3A_894 = %while3A_150) -> (i32)  : i32 {
          %mul3A_895 = arith.constant 16 : i32
          %mul3A_896 = arith.muli %while3A_893, %mul3A_895 : i32
          %get3A_897 = arith.index_cast %mul3A_896 : i32 to index
          %get3A_898 = tpu.vector_load %arg10[%get3A_897] {strides = array<i32>} : memref<4096xi32, #tpu.memory_space<vmem>>, vector<16xi32>,
          %shift_right_logical3A = arith.constant 12 : i32
          %shift_right_logical3A_899 = vector.broadcast %shift_right_logical3A : i32 to vector<16xi32>
          %shift_right_logical3A_900 = arith.shrui %get3A_898, %shift_right_logical3A_899 : vector<16xi32>
          %and3A_901 = arith.constant 4095 : i32
          %and3A_902 = vector.broadcast %and3A_901 : i32 to vector<16xi32>
          %and3A_903 = arith.andi %get3A_898, %and3A_902 : vector<16xi32>
          %ge3A = arith.constant 5632 : i32
          %ge3A_904 = vector.broadcast %ge3A : i32 to vector<16xi32>
          %ge3A_905 = arith.cmpi sge, %shift_right_logical3A_900, %ge3A_904 : vector<16xi32>
          %lt3A_906 = arith.constant 11264 : i32
          %lt3A_907 = vector.broadcast %lt3A_906 : i32 to vector<16xi32>
          %lt3A_908 = arith.cmpi slt, %shift_right_logical3A_900, %lt3A_907 : vector<16xi32>
          %and3A_909 = arith.andi %ge3A_905, %lt3A_908 : vector<16xi1>
          %sub3A_910 = arith.constant 5632 : i32
          %sub3A_911 = vector.broadcast %sub3A_910 : i32 to vector<16xi32>
          %sub3A_912 = arith.subi %shift_right_logical3A_900, %sub3A_911 : vector<16xi32>
          %jit3A_913 = arith.constant 0 : i32
          %jit3A_914 = arith.constant 5631 : i32
          %max3A = vector.broadcast %jit3A_913 : i32 to vector<16xi32>
          %max3A_915 = arith.maxsi %max3A, %sub3A_912 : vector<16xi32>
          %min3A = vector.broadcast %jit3A_914 : i32 to vector<16xi32>
          %min3A_916 = arith.minsi %min3A, %max3A_915 : vector<16xi32>
          %broadcast_in_dim3A = arith.constant 0 : i32
          %broadcast_in_dim3A_917 = vector.broadcast %broadcast_in_dim3A : i32 to vector<16xi32>
          %gather3A = tpu.vector_load_idx %arg9[%broadcast_in_dim3A_917, %min3A_916] : memref<8x5632xf32, #tpu.memory_space<vmem>>[vector<16xi32>, vector<16xi32>], vector<16xf32>,
          tpu.vector_store_idx %arg12[%broadcast_in_dim3A_917, %and3A_903], %gather3A masked %and3A_909 : memref<8x4096xf32, #tpu.memory_space<vmem>>[vector<16xi32>, vector<16xi32>], vector<16xf32>, vector<16xi1>
          %broadcast_in_dim3A_918 = arith.constant 1 : i32
          %broadcast_in_dim3A_919 = vector.broadcast %broadcast_in_dim3A_918 : i32 to vector<16xi32>
          %gather3A_920 = tpu.vector_load_idx %arg9[%broadcast_in_dim3A_919, %min3A_916] : memref<8x5632xf32, #tpu.memory_space<vmem>>[vector<16xi32>, vector<16xi32>], vector<16xf32>,
          tpu.vector_store_idx %arg12[%broadcast_in_dim3A_919, %and3A_903], %gather3A_920 masked %and3A_909 : memref<8x4096xf32, #tpu.memory_space<vmem>>[vector<16xi32>, vector<16xi32>], vector<16xf32>, vector<16xi1>
          %broadcast_in_dim3A_921 = arith.constant 2 : i32
          %broadcast_in_dim3A_922 = vector.broadcast %broadcast_in_dim3A_921 : i32 to vector<16xi32>
          %gather3A_923 = tpu.vector_load_idx %arg9[%broadcast_in_dim3A_922, %min3A_916] : memref<8x5632xf32, #tpu.memory_space<vmem>>[vector<16xi32>, vector<16xi32>], vector<16xf32>,
          tpu.vector_store_idx %arg12[%broadcast_in_dim3A_922, %and3A_903], %gather3A_923 masked %and3A_909 : memref<8x4096xf32, #tpu.memory_space<vmem>>[vector<16xi32>, vector<16xi32>], vector<16xf32>, vector<16xi1>
          %broadcast_in_dim3A_924 = arith.constant 3 : i32
          %broadcast_in_dim3A_925 = vector.broadcast %broadcast_in_dim3A_924 : i32 to vector<16xi32>
          %gather3A_926 = tpu.vector_load_idx %arg9[%broadcast_in_dim3A_925, %min3A_916] : memref<8x5632xf32, #tpu.memory_space<vmem>>[vector<16xi32>, vector<16xi32>], vector<16xf32>,
          tpu.vector_store_idx %arg12[%broadcast_in_dim3A_925, %and3A_903], %gather3A_926 masked %and3A_909 : memref<8x4096xf32, #tpu.memory_space<vmem>>[vector<16xi32>, vector<16xi32>], vector<16xf32>, vector<16xi1>
          %broadcast_in_dim3A_927 = arith.constant 4 : i32
          %broadcast_in_dim3A_928 = vector.broadcast %broadcast_in_dim3A_927 : i32 to vector<16xi32>
          %gather3A_929 = tpu.vector_load_idx %arg9[%broadcast_in_dim3A_928, %min3A_916] : memref<8x5632xf32, #tpu.memory_space<vmem>>[vector<16xi32>, vector<16xi32>], vector<16xf32>,
          tpu.vector_store_idx %arg12[%broadcast_in_dim3A_928, %and3A_903], %gather3A_929 masked %and3A_909 : memref<8x4096xf32, #tpu.memory_space<vmem>>[vector<16xi32>, vector<16xi32>], vector<16xf32>, vector<16xi1>
          %broadcast_in_dim3A_930 = arith.constant 5 : i32
          %broadcast_in_dim3A_931 = vector.broadcast %broadcast_in_dim3A_930 : i32 to vector<16xi32>
          %gather3A_932 = tpu.vector_load_idx %arg9[%broadcast_in_dim3A_931, %min3A_916] : memref<8x5632xf32, #tpu.memory_space<vmem>>[vector<16xi32>, vector<16xi32>], vector<16xf32>,
          tpu.vector_store_idx %arg12[%broadcast_in_dim3A_931, %and3A_903], %gather3A_932 masked %and3A_909 : memref<8x4096xf32, #tpu.memory_space<vmem>>[vector<16xi32>, vector<16xi32>], vector<16xf32>, vector<16xi1>
          %broadcast_in_dim3A_933 = arith.constant 6 : i32
          %broadcast_in_dim3A_934 = vector.broadcast %broadcast_in_dim3A_933 : i32 to vector<16xi32>
          %gather3A_935 = tpu.vector_load_idx %arg9[%broadcast_in_dim3A_934, %min3A_916] : memref<8x5632xf32, #tpu.memory_space<vmem>>[vector<16xi32>, vector<16xi32>], vector<16xf32>,
          tpu.vector_store_idx %arg12[%broadcast_in_dim3A_934, %and3A_903], %gather3A_935 masked %and3A_909 : memref<8x4096xf32, #tpu.memory_space<vmem>>[vector<16xi32>, vector<16xi32>], vector<16xf32>, vector<16xi1>
          %broadcast_in_dim3A_936 = arith.constant 7 : i32
          %broadcast_in_dim3A_937 = vector.broadcast %broadcast_in_dim3A_936 : i32 to vector<16xi32>
          %gather3A_938 = tpu.vector_load_idx %arg9[%broadcast_in_dim3A_937, %min3A_916] : memref<8x5632xf32, #tpu.memory_space<vmem>>[vector<16xi32>, vector<16xi32>], vector<16xf32>,
          tpu.vector_store_idx %arg12[%broadcast_in_dim3A_937, %and3A_903], %gather3A_938 masked %and3A_909 : memref<8x4096xf32, #tpu.memory_space<vmem>>[vector<16xi32>, vector<16xi32>], vector<16xf32>, vector<16xi1>
          %while3A_939 = arith.constant 0 : i32
          scf.yield %while3A_939 : i32
        }
        %while3A_159 = arith.constant 1 : i32
        %while3A_160 = scf.for %while3A_893 = %while3A_156 to %while3A_152 step %while3A_159 iter_args(%while3A_894 = %while3A_158) -> (i32)  : i32 {
          %mul3A_895 = arith.constant 16 : i32
          %mul3A_896 = arith.muli %while3A_893, %mul3A_895 : i32
          %get3A_897 = arith.index_cast %mul3A_896 : i32 to index
          %get3A_898 = tpu.vector_load %arg10[%get3A_897] {strides = array<i32>} : memref<4096xi32, #tpu.memory_space<vmem>>, vector<16xi32>,
          %shift_right_logical3A = arith.constant 12 : i32
          %shift_right_logical3A_899 = vector.broadcast %shift_right_logical3A : i32 to vector<16xi32>
          %shift_right_logical3A_900 = arith.shrui %get3A_898, %shift_right_logical3A_899 : vector<16xi32>
          %and3A_901 = arith.constant 4095 : i32
          %and3A_902 = vector.broadcast %and3A_901 : i32 to vector<16xi32>
          %and3A_903 = arith.andi %get3A_898, %and3A_902 : vector<16xi32>
          %ge3A = arith.constant 5632 : i32
          %ge3A_904 = vector.broadcast %ge3A : i32 to vector<16xi32>
          %ge3A_905 = arith.cmpi sge, %shift_right_logical3A_900, %ge3A_904 : vector<16xi32>
          %lt3A_906 = arith.constant 11264 : i32
          %lt3A_907 = vector.broadcast %lt3A_906 : i32 to vector<16xi32>
          %lt3A_908 = arith.cmpi slt, %shift_right_logical3A_900, %lt3A_907 : vector<16xi32>
          %and3A_909 = arith.andi %ge3A_905, %lt3A_908 : vector<16xi1>
          %sub3A_910 = arith.constant 5632 : i32
          %sub3A_911 = vector.broadcast %sub3A_910 : i32 to vector<16xi32>
          %sub3A_912 = arith.subi %shift_right_logical3A_900, %sub3A_911 : vector<16xi32>
          %jit3A_913 = arith.constant 0 : i32
          %jit3A_914 = arith.constant 5631 : i32
          %max3A = vector.broadcast %jit3A_913 : i32 to vector<16xi32>
          %max3A_915 = arith.maxsi %max3A, %sub3A_912 : vector<16xi32>
          %min3A = vector.broadcast %jit3A_914 : i32 to vector<16xi32>
          %min3A_916 = arith.minsi %min3A, %max3A_915 : vector<16xi32>
          %broadcast_in_dim3A = arith.constant 0 : i32
          %broadcast_in_dim3A_917 = vector.broadcast %broadcast_in_dim3A : i32 to vector<16xi32>
          %gather3A = tpu.vector_load_idx %arg9[%broadcast_in_dim3A_917, %min3A_916] : memref<8x5632xf32, #tpu.memory_space<vmem>>[vector<16xi32>, vector<16xi32>], vector<16xf32>,
          tpu.vector_store_idx %arg12[%broadcast_in_dim3A_917, %and3A_903], %gather3A masked %and3A_909 : memref<8x4096xf32, #tpu.memory_space<vmem>>[vector<16xi32>, vector<16xi32>], vector<16xf32>, vector<16xi1>
          %broadcast_in_dim3A_918 = arith.constant 1 : i32
          %broadcast_in_dim3A_919 = vector.broadcast %broadcast_in_dim3A_918 : i32 to vector<16xi32>
          %gather3A_920 = tpu.vector_load_idx %arg9[%broadcast_in_dim3A_919, %min3A_916] : memref<8x5632xf32, #tpu.memory_space<vmem>>[vector<16xi32>, vector<16xi32>], vector<16xf32>,
          tpu.vector_store_idx %arg12[%broadcast_in_dim3A_919, %and3A_903], %gather3A_920 masked %and3A_909 : memref<8x4096xf32, #tpu.memory_space<vmem>>[vector<16xi32>, vector<16xi32>], vector<16xf32>, vector<16xi1>
          %broadcast_in_dim3A_921 = arith.constant 2 : i32
          %broadcast_in_dim3A_922 = vector.broadcast %broadcast_in_dim3A_921 : i32 to vector<16xi32>
          %gather3A_923 = tpu.vector_load_idx %arg9[%broadcast_in_dim3A_922, %min3A_916] : memref<8x5632xf32, #tpu.memory_space<vmem>>[vector<16xi32>, vector<16xi32>], vector<16xf32>,
          tpu.vector_store_idx %arg12[%broadcast_in_dim3A_922, %and3A_903], %gather3A_923 masked %and3A_909 : memref<8x4096xf32, #tpu.memory_space<vmem>>[vector<16xi32>, vector<16xi32>], vector<16xf32>, vector<16xi1>
          %broadcast_in_dim3A_924 = arith.constant 3 : i32
          %broadcast_in_dim3A_925 = vector.broadcast %broadcast_in_dim3A_924 : i32 to vector<16xi32>
          %gather3A_926 = tpu.vector_load_idx %arg9[%broadcast_in_dim3A_925, %min3A_916] : memref<8x5632xf32, #tpu.memory_space<vmem>>[vector<16xi32>, vector<16xi32>], vector<16xf32>,
          tpu.vector_store_idx %arg12[%broadcast_in_dim3A_925, %and3A_903], %gather3A_926 masked %and3A_909 : memref<8x4096xf32, #tpu.memory_space<vmem>>[vector<16xi32>, vector<16xi32>], vector<16xf32>, vector<16xi1>
          %broadcast_in_dim3A_927 = arith.constant 4 : i32
          %broadcast_in_dim3A_928 = vector.broadcast %broadcast_in_dim3A_927 : i32 to vector<16xi32>
          %gather3A_929 = tpu.vector_load_idx %arg9[%broadcast_in_dim3A_928, %min3A_916] : memref<8x5632xf32, #tpu.memory_space<vmem>>[vector<16xi32>, vector<16xi32>], vector<16xf32>,
          tpu.vector_store_idx %arg12[%broadcast_in_dim3A_928, %and3A_903], %gather3A_929 masked %and3A_909 : memref<8x4096xf32, #tpu.memory_space<vmem>>[vector<16xi32>, vector<16xi32>], vector<16xf32>, vector<16xi1>
          %broadcast_in_dim3A_930 = arith.constant 5 : i32
          %broadcast_in_dim3A_931 = vector.broadcast %broadcast_in_dim3A_930 : i32 to vector<16xi32>
          %gather3A_932 = tpu.vector_load_idx %arg9[%broadcast_in_dim3A_931, %min3A_916] : memref<8x5632xf32, #tpu.memory_space<vmem>>[vector<16xi32>, vector<16xi32>], vector<16xf32>,
          tpu.vector_store_idx %arg12[%broadcast_in_dim3A_931, %and3A_903], %gather3A_932 masked %and3A_909 : memref<8x4096xf32, #tpu.memory_space<vmem>>[vector<16xi32>, vector<16xi32>], vector<16xf32>, vector<16xi1>
          %broadcast_in_dim3A_933 = arith.constant 6 : i32
          %broadcast_in_dim3A_934 = vector.broadcast %broadcast_in_dim3A_933 : i32 to vector<16xi32>
          %gather3A_935 = tpu.vector_load_idx %arg9[%broadcast_in_dim3A_934, %min3A_916] : memref<8x5632xf32, #tpu.memory_space<vmem>>[vector<16xi32>, vector<16xi32>], vector<16xf32>,
          tpu.vector_store_idx %arg12[%broadcast_in_dim3A_934, %and3A_903], %gather3A_935 masked %and3A_909 : memref<8x4096xf32, #tpu.memory_space<vmem>>[vector<16xi32>, vector<16xi32>], vector<16xf32>, vector<16xi1>
          %broadcast_in_dim3A_936 = arith.constant 7 : i32
          %broadcast_in_dim3A_937 = vector.broadcast %broadcast_in_dim3A_936 : i32 to vector<16xi32>
          %gather3A_938 = tpu.vector_load_idx %arg9[%broadcast_in_dim3A_937, %min3A_916] : memref<8x5632xf32, #tpu.memory_space<vmem>>[vector<16xi32>, vector<16xi32>], vector<16xf32>,
          tpu.vector_store_idx %arg12[%broadcast_in_dim3A_937, %and3A_903], %gather3A_938 masked %and3A_909 : memref<8x4096xf32, #tpu.memory_space<vmem>>[vector<16xi32>, vector<16xi32>], vector<16xf32>, vector<16xi1>
          %while3A_939 = arith.constant 0 : i32
          scf.yield %while3A_939 : i32
        }
        %dma_start3A_161 = arith.constant 0 : i32
        %dma_start3A_162 = arith.constant 0 : i32
        %dma_start3A_163 = tpu.memref_slice %arg9[%dma_start3A_161, %dma_start3A_162] : memref<8x5632xf32, #tpu.memory_space<vmem>> -> memref<8x5632xf32, #tpu.memory_space<vmem>>
        %dma_start3A_164 = arith.constant 16896 : i32
        %dma_start3A_165 = tpu.memref_slice %arg6[%select_n3A, %multiple_of3A, %dma_start3A_164] : memref<26x32x100000xf32, #tpu.memory_space<hbm>> -> memref<1x8x5632xf32, #tpu.memory_space<hbm>>
        %dma_start3A_166 = tpu.memref_squeeze %dma_start3A_165 : memref<1x8x5632xf32, #tpu.memory_space<hbm>> -> memref<8x5632xf32, #tpu.memory_space<hbm>>
        %dma_start3A_167 = arith.constant 0 : i32
        %dma_start3A_168 = arith.constant 0 : i32
        %dma_start3A_169 = tpu.memref_slice %arg9[%dma_start3A_167, %dma_start3A_168] : memref<8x5632xf32, #tpu.memory_space<vmem>> -> memref<8x5632xf32, #tpu.memory_space<vmem>>
        %dma_start3A_170 = arith.constant 16896 : i32
        %dma_start3A_171 = tpu.memref_slice %arg6[%select_n3A, %multiple_of3A, %dma_start3A_170] : memref<26x32x100000xf32, #tpu.memory_space<hbm>> -> memref<1x8x5632xf32, #tpu.memory_space<hbm>>
        %dma_start3A_172 = tpu.memref_squeeze %dma_start3A_171 : memref<1x8x5632xf32, #tpu.memory_space<hbm>> -> memref<8x5632xf32, #tpu.memory_space<hbm>>
        tpu.enqueue_dma source(%dma_start3A_172 : memref<8x5632xf32, #tpu.memory_space<hbm>>) target(%dma_start3A_169 : memref<8x5632xf32, #tpu.memory_space<vmem>>) target_semaphore(%arg14 : memref<!tpu.dma_semaphore, #tpu.memory_space<semaphore_mem>>)
        %dma_wait3A_173 = arith.constant 0 : i32
        %dma_wait3A_174 = arith.constant 0 : i32
        %dma_wait3A_175 = tpu.memref_slice %arg8[%dma_wait3A_173, %dma_wait3A_174] : memref<8x5632xf32, #tpu.memory_space<vmem>> -> memref<8x5632xf32, #tpu.memory_space<vmem>>
        %dma_wait3A_176 = arith.constant 11264 : i32
        %dma_wait3A_177 = tpu.memref_slice %arg6[%select_n3A, %multiple_of3A, %dma_wait3A_176] : memref<26x32x100000xf32, #tpu.memory_space<hbm>> -> memref<1x8x5632xf32, #tpu.memory_space<hbm>>
        %dma_wait3A_178 = tpu.memref_squeeze %dma_wait3A_177 : memref<1x8x5632xf32, #tpu.memory_space<hbm>> -> memref<8x5632xf32, #tpu.memory_space<hbm>>
        %dma_wait3A_179 = arith.constant 0 : i32
        %dma_wait3A_180 = arith.constant 0 : i32
        %dma_wait3A_181 = tpu.memref_slice %arg8[%dma_wait3A_179, %dma_wait3A_180] : memref<8x5632xf32, #tpu.memory_space<vmem>> -> memref<8x5632xf32, #tpu.memory_space<vmem>>
        %dma_wait3A_182 = arith.constant 11264 : i32
        %dma_wait3A_183 = tpu.memref_slice %arg6[%select_n3A, %multiple_of3A, %dma_wait3A_182] : memref<26x32x100000xf32, #tpu.memory_space<hbm>> -> memref<1x8x5632xf32, #tpu.memory_space<hbm>>
        %dma_wait3A_184 = tpu.memref_squeeze %dma_wait3A_183 : memref<1x8x5632xf32, #tpu.memory_space<hbm>> -> memref<8x5632xf32, #tpu.memory_space<hbm>>
        tpu.wait_dma2 semaphore(%arg13 : memref<!tpu.dma_semaphore, #tpu.memory_space<semaphore_mem>>) src(%dma_wait3A_184 : memref<8x5632xf32, #tpu.memory_space<hbm>>) dst(%dma_wait3A_181 : memref<8x5632xf32, #tpu.memory_space<vmem>>)
        %slice3A_185 = vector.extract_strided_slice %get3A_62 {offsets = [2], sizes = [1], strides = [1]} : vector<16xi32> to vector<1xi32>
        %squeeze3A_186 = vector.extract %slice3A_185[0] : i32 from vector<1xi32>
        %shift_right_arithmetic3A_187 = arith.constant 4 : i32
        %shift_right_arithmetic3A_188 = arith.shrsi %squeeze3A_186, %shift_right_arithmetic3A_187 : i32
        %slice3A_189 = vector.extract_strided_slice %get3A_62 {offsets = [3], sizes = [1], strides = [1]} : vector<16xi32> to vector<1xi32>
        %squeeze3A_190 = vector.extract %slice3A_189[0] : i32 from vector<1xi32>
        %add3A_191 = arith.constant 15 : i32
        %add3A_192 = arith.addi %squeeze3A_190, %add3A_191 : i32
        %shift_right_arithmetic3A_193 = arith.constant 4 : i32
        %shift_right_arithmetic3A_194 = arith.shrsi %add3A_192, %shift_right_arithmetic3A_193 : i32
        %while3A_195 = arith.constant 0 : i32
        %while3A_196 = arith.subi %shift_right_arithmetic3A_194, %shift_right_arithmetic3A_188 : i32
        %while3A_197 = arith.addi %shift_right_arithmetic3A_188, %while3A_196 : i32
        %while3A_198 = arith.constant 1 : i32
        %while3A_199 = arith.divsi %while3A_196, %while3A_198 : i32
        %while3A_200 = arith.muli %while3A_199, %while3A_198 : i32
        %while3A_201 = arith.addi %shift_right_arithmetic3A_188, %while3A_200 : i32
        %while3A_202 = arith.constant 1 : i32
        %while3A_203 = scf.for %while3A_893 = %shift_right_arithmetic3A_188 to %while3A_201 step %while3A_202 iter_args(%while3A_894 = %while3A_195) -> (i32)  : i32 {
          %mul3A_895 = arith.constant 16 : i32
          %mul3A_896 = arith.muli %while3A_893, %mul3A_895 : i32
          %get3A_897 = arith.index_cast %mul3A_896 : i32 to index
          %get3A_898 = tpu.vector_load %arg10[%get3A_897] {strides = array<i32>} : memref<4096xi32, #tpu.memory_space<vmem>>, vector<16xi32>,
          %shift_right_logical3A = arith.constant 12 : i32
          %shift_right_logical3A_899 = vector.broadcast %shift_right_logical3A : i32 to vector<16xi32>
          %shift_right_logical3A_900 = arith.shrui %get3A_898, %shift_right_logical3A_899 : vector<16xi32>
          %and3A_901 = arith.constant 4095 : i32
          %and3A_902 = vector.broadcast %and3A_901 : i32 to vector<16xi32>
          %and3A_903 = arith.andi %get3A_898, %and3A_902 : vector<16xi32>
          %ge3A = arith.constant 11264 : i32
          %ge3A_904 = vector.broadcast %ge3A : i32 to vector<16xi32>
          %ge3A_905 = arith.cmpi sge, %shift_right_logical3A_900, %ge3A_904 : vector<16xi32>
          %lt3A_906 = arith.constant 16896 : i32
          %lt3A_907 = vector.broadcast %lt3A_906 : i32 to vector<16xi32>
          %lt3A_908 = arith.cmpi slt, %shift_right_logical3A_900, %lt3A_907 : vector<16xi32>
          %and3A_909 = arith.andi %ge3A_905, %lt3A_908 : vector<16xi1>
          %sub3A_910 = arith.constant 11264 : i32
          %sub3A_911 = vector.broadcast %sub3A_910 : i32 to vector<16xi32>
          %sub3A_912 = arith.subi %shift_right_logical3A_900, %sub3A_911 : vector<16xi32>
          %jit3A_913 = arith.constant 0 : i32
          %jit3A_914 = arith.constant 5631 : i32
          %max3A = vector.broadcast %jit3A_913 : i32 to vector<16xi32>
          %max3A_915 = arith.maxsi %max3A, %sub3A_912 : vector<16xi32>
          %min3A = vector.broadcast %jit3A_914 : i32 to vector<16xi32>
          %min3A_916 = arith.minsi %min3A, %max3A_915 : vector<16xi32>
          %broadcast_in_dim3A = arith.constant 0 : i32
          %broadcast_in_dim3A_917 = vector.broadcast %broadcast_in_dim3A : i32 to vector<16xi32>
          %gather3A = tpu.vector_load_idx %arg8[%broadcast_in_dim3A_917, %min3A_916] : memref<8x5632xf32, #tpu.memory_space<vmem>>[vector<16xi32>, vector<16xi32>], vector<16xf32>,
          tpu.vector_store_idx %arg12[%broadcast_in_dim3A_917, %and3A_903], %gather3A masked %and3A_909 : memref<8x4096xf32, #tpu.memory_space<vmem>>[vector<16xi32>, vector<16xi32>], vector<16xf32>, vector<16xi1>
          %broadcast_in_dim3A_918 = arith.constant 1 : i32
          %broadcast_in_dim3A_919 = vector.broadcast %broadcast_in_dim3A_918 : i32 to vector<16xi32>
          %gather3A_920 = tpu.vector_load_idx %arg8[%broadcast_in_dim3A_919, %min3A_916] : memref<8x5632xf32, #tpu.memory_space<vmem>>[vector<16xi32>, vector<16xi32>], vector<16xf32>,
          tpu.vector_store_idx %arg12[%broadcast_in_dim3A_919, %and3A_903], %gather3A_920 masked %and3A_909 : memref<8x4096xf32, #tpu.memory_space<vmem>>[vector<16xi32>, vector<16xi32>], vector<16xf32>, vector<16xi1>
          %broadcast_in_dim3A_921 = arith.constant 2 : i32
          %broadcast_in_dim3A_922 = vector.broadcast %broadcast_in_dim3A_921 : i32 to vector<16xi32>
          %gather3A_923 = tpu.vector_load_idx %arg8[%broadcast_in_dim3A_922, %min3A_916] : memref<8x5632xf32, #tpu.memory_space<vmem>>[vector<16xi32>, vector<16xi32>], vector<16xf32>,
          tpu.vector_store_idx %arg12[%broadcast_in_dim3A_922, %and3A_903], %gather3A_923 masked %and3A_909 : memref<8x4096xf32, #tpu.memory_space<vmem>>[vector<16xi32>, vector<16xi32>], vector<16xf32>, vector<16xi1>
          %broadcast_in_dim3A_924 = arith.constant 3 : i32
          %broadcast_in_dim3A_925 = vector.broadcast %broadcast_in_dim3A_924 : i32 to vector<16xi32>
          %gather3A_926 = tpu.vector_load_idx %arg8[%broadcast_in_dim3A_925, %min3A_916] : memref<8x5632xf32, #tpu.memory_space<vmem>>[vector<16xi32>, vector<16xi32>], vector<16xf32>,
          tpu.vector_store_idx %arg12[%broadcast_in_dim3A_925, %and3A_903], %gather3A_926 masked %and3A_909 : memref<8x4096xf32, #tpu.memory_space<vmem>>[vector<16xi32>, vector<16xi32>], vector<16xf32>, vector<16xi1>
          %broadcast_in_dim3A_927 = arith.constant 4 : i32
          %broadcast_in_dim3A_928 = vector.broadcast %broadcast_in_dim3A_927 : i32 to vector<16xi32>
          %gather3A_929 = tpu.vector_load_idx %arg8[%broadcast_in_dim3A_928, %min3A_916] : memref<8x5632xf32, #tpu.memory_space<vmem>>[vector<16xi32>, vector<16xi32>], vector<16xf32>,
          tpu.vector_store_idx %arg12[%broadcast_in_dim3A_928, %and3A_903], %gather3A_929 masked %and3A_909 : memref<8x4096xf32, #tpu.memory_space<vmem>>[vector<16xi32>, vector<16xi32>], vector<16xf32>, vector<16xi1>
          %broadcast_in_dim3A_930 = arith.constant 5 : i32
          %broadcast_in_dim3A_931 = vector.broadcast %broadcast_in_dim3A_930 : i32 to vector<16xi32>
          %gather3A_932 = tpu.vector_load_idx %arg8[%broadcast_in_dim3A_931, %min3A_916] : memref<8x5632xf32, #tpu.memory_space<vmem>>[vector<16xi32>, vector<16xi32>], vector<16xf32>,
          tpu.vector_store_idx %arg12[%broadcast_in_dim3A_931, %and3A_903], %gather3A_932 masked %and3A_909 : memref<8x4096xf32, #tpu.memory_space<vmem>>[vector<16xi32>, vector<16xi32>], vector<16xf32>, vector<16xi1>
          %broadcast_in_dim3A_933 = arith.constant 6 : i32
          %broadcast_in_dim3A_934 = vector.broadcast %broadcast_in_dim3A_933 : i32 to vector<16xi32>
          %gather3A_935 = tpu.vector_load_idx %arg8[%broadcast_in_dim3A_934, %min3A_916] : memref<8x5632xf32, #tpu.memory_space<vmem>>[vector<16xi32>, vector<16xi32>], vector<16xf32>,
          tpu.vector_store_idx %arg12[%broadcast_in_dim3A_934, %and3A_903], %gather3A_935 masked %and3A_909 : memref<8x4096xf32, #tpu.memory_space<vmem>>[vector<16xi32>, vector<16xi32>], vector<16xf32>, vector<16xi1>
          %broadcast_in_dim3A_936 = arith.constant 7 : i32
          %broadcast_in_dim3A_937 = vector.broadcast %broadcast_in_dim3A_936 : i32 to vector<16xi32>
          %gather3A_938 = tpu.vector_load_idx %arg8[%broadcast_in_dim3A_937, %min3A_916] : memref<8x5632xf32, #tpu.memory_space<vmem>>[vector<16xi32>, vector<16xi32>], vector<16xf32>,
          tpu.vector_store_idx %arg12[%broadcast_in_dim3A_937, %and3A_903], %gather3A_938 masked %and3A_909 : memref<8x4096xf32, #tpu.memory_space<vmem>>[vector<16xi32>, vector<16xi32>], vector<16xf32>, vector<16xi1>
          %while3A_939 = arith.constant 0 : i32
          scf.yield %while3A_939 : i32
        }
        %while3A_204 = arith.constant 1 : i32
        %while3A_205 = scf.for %while3A_893 = %while3A_201 to %while3A_197 step %while3A_204 iter_args(%while3A_894 = %while3A_203) -> (i32)  : i32 {
          %mul3A_895 = arith.constant 16 : i32
          %mul3A_896 = arith.muli %while3A_893, %mul3A_895 : i32
          %get3A_897 = arith.index_cast %mul3A_896 : i32 to index
          %get3A_898 = tpu.vector_load %arg10[%get3A_897] {strides = array<i32>} : memref<4096xi32, #tpu.memory_space<vmem>>, vector<16xi32>,
          %shift_right_logical3A = arith.constant 12 : i32
          %shift_right_logical3A_899 = vector.broadcast %shift_right_logical3A : i32 to vector<16xi32>
          %shift_right_logical3A_900 = arith.shrui %get3A_898, %shift_right_logical3A_899 : vector<16xi32>
          %and3A_901 = arith.constant 4095 : i32
          %and3A_902 = vector.broadcast %and3A_901 : i32 to vector<16xi32>
          %and3A_903 = arith.andi %get3A_898, %and3A_902 : vector<16xi32>
          %ge3A = arith.constant 11264 : i32
          %ge3A_904 = vector.broadcast %ge3A : i32 to vector<16xi32>
          %ge3A_905 = arith.cmpi sge, %shift_right_logical3A_900, %ge3A_904 : vector<16xi32>
          %lt3A_906 = arith.constant 16896 : i32
          %lt3A_907 = vector.broadcast %lt3A_906 : i32 to vector<16xi32>
          %lt3A_908 = arith.cmpi slt, %shift_right_logical3A_900, %lt3A_907 : vector<16xi32>
          %and3A_909 = arith.andi %ge3A_905, %lt3A_908 : vector<16xi1>
          %sub3A_910 = arith.constant 11264 : i32
          %sub3A_911 = vector.broadcast %sub3A_910 : i32 to vector<16xi32>
          %sub3A_912 = arith.subi %shift_right_logical3A_900, %sub3A_911 : vector<16xi32>
          %jit3A_913 = arith.constant 0 : i32
          %jit3A_914 = arith.constant 5631 : i32
          %max3A = vector.broadcast %jit3A_913 : i32 to vector<16xi32>
          %max3A_915 = arith.maxsi %max3A, %sub3A_912 : vector<16xi32>
          %min3A = vector.broadcast %jit3A_914 : i32 to vector<16xi32>
          %min3A_916 = arith.minsi %min3A, %max3A_915 : vector<16xi32>
          %broadcast_in_dim3A = arith.constant 0 : i32
          %broadcast_in_dim3A_917 = vector.broadcast %broadcast_in_dim3A : i32 to vector<16xi32>
          %gather3A = tpu.vector_load_idx %arg8[%broadcast_in_dim3A_917, %min3A_916] : memref<8x5632xf32, #tpu.memory_space<vmem>>[vector<16xi32>, vector<16xi32>], vector<16xf32>,
          tpu.vector_store_idx %arg12[%broadcast_in_dim3A_917, %and3A_903], %gather3A masked %and3A_909 : memref<8x4096xf32, #tpu.memory_space<vmem>>[vector<16xi32>, vector<16xi32>], vector<16xf32>, vector<16xi1>
          %broadcast_in_dim3A_918 = arith.constant 1 : i32
          %broadcast_in_dim3A_919 = vector.broadcast %broadcast_in_dim3A_918 : i32 to vector<16xi32>
          %gather3A_920 = tpu.vector_load_idx %arg8[%broadcast_in_dim3A_919, %min3A_916] : memref<8x5632xf32, #tpu.memory_space<vmem>>[vector<16xi32>, vector<16xi32>], vector<16xf32>,
          tpu.vector_store_idx %arg12[%broadcast_in_dim3A_919, %and3A_903], %gather3A_920 masked %and3A_909 : memref<8x4096xf32, #tpu.memory_space<vmem>>[vector<16xi32>, vector<16xi32>], vector<16xf32>, vector<16xi1>
          %broadcast_in_dim3A_921 = arith.constant 2 : i32
          %broadcast_in_dim3A_922 = vector.broadcast %broadcast_in_dim3A_921 : i32 to vector<16xi32>
          %gather3A_923 = tpu.vector_load_idx %arg8[%broadcast_in_dim3A_922, %min3A_916] : memref<8x5632xf32, #tpu.memory_space<vmem>>[vector<16xi32>, vector<16xi32>], vector<16xf32>,
          tpu.vector_store_idx %arg12[%broadcast_in_dim3A_922, %and3A_903], %gather3A_923 masked %and3A_909 : memref<8x4096xf32, #tpu.memory_space<vmem>>[vector<16xi32>, vector<16xi32>], vector<16xf32>, vector<16xi1>
          %broadcast_in_dim3A_924 = arith.constant 3 : i32
          %broadcast_in_dim3A_925 = vector.broadcast %broadcast_in_dim3A_924 : i32 to vector<16xi32>
          %gather3A_926 = tpu.vector_load_idx %arg8[%broadcast_in_dim3A_925, %min3A_916] : memref<8x5632xf32, #tpu.memory_space<vmem>>[vector<16xi32>, vector<16xi32>], vector<16xf32>,
          tpu.vector_store_idx %arg12[%broadcast_in_dim3A_925, %and3A_903], %gather3A_926 masked %and3A_909 : memref<8x4096xf32, #tpu.memory_space<vmem>>[vector<16xi32>, vector<16xi32>], vector<16xf32>, vector<16xi1>
          %broadcast_in_dim3A_927 = arith.constant 4 : i32
          %broadcast_in_dim3A_928 = vector.broadcast %broadcast_in_dim3A_927 : i32 to vector<16xi32>
          %gather3A_929 = tpu.vector_load_idx %arg8[%broadcast_in_dim3A_928, %min3A_916] : memref<8x5632xf32, #tpu.memory_space<vmem>>[vector<16xi32>, vector<16xi32>], vector<16xf32>,
          tpu.vector_store_idx %arg12[%broadcast_in_dim3A_928, %and3A_903], %gather3A_929 masked %and3A_909 : memref<8x4096xf32, #tpu.memory_space<vmem>>[vector<16xi32>, vector<16xi32>], vector<16xf32>, vector<16xi1>
          %broadcast_in_dim3A_930 = arith.constant 5 : i32
          %broadcast_in_dim3A_931 = vector.broadcast %broadcast_in_dim3A_930 : i32 to vector<16xi32>
          %gather3A_932 = tpu.vector_load_idx %arg8[%broadcast_in_dim3A_931, %min3A_916] : memref<8x5632xf32, #tpu.memory_space<vmem>>[vector<16xi32>, vector<16xi32>], vector<16xf32>,
          tpu.vector_store_idx %arg12[%broadcast_in_dim3A_931, %and3A_903], %gather3A_932 masked %and3A_909 : memref<8x4096xf32, #tpu.memory_space<vmem>>[vector<16xi32>, vector<16xi32>], vector<16xf32>, vector<16xi1>
          %broadcast_in_dim3A_933 = arith.constant 6 : i32
          %broadcast_in_dim3A_934 = vector.broadcast %broadcast_in_dim3A_933 : i32 to vector<16xi32>
          %gather3A_935 = tpu.vector_load_idx %arg8[%broadcast_in_dim3A_934, %min3A_916] : memref<8x5632xf32, #tpu.memory_space<vmem>>[vector<16xi32>, vector<16xi32>], vector<16xf32>,
          tpu.vector_store_idx %arg12[%broadcast_in_dim3A_934, %and3A_903], %gather3A_935 masked %and3A_909 : memref<8x4096xf32, #tpu.memory_space<vmem>>[vector<16xi32>, vector<16xi32>], vector<16xf32>, vector<16xi1>
          %broadcast_in_dim3A_936 = arith.constant 7 : i32
          %broadcast_in_dim3A_937 = vector.broadcast %broadcast_in_dim3A_936 : i32 to vector<16xi32>
          %gather3A_938 = tpu.vector_load_idx %arg8[%broadcast_in_dim3A_937, %min3A_916] : memref<8x5632xf32, #tpu.memory_space<vmem>>[vector<16xi32>, vector<16xi32>], vector<16xf32>,
          tpu.vector_store_idx %arg12[%broadcast_in_dim3A_937, %and3A_903], %gather3A_938 masked %and3A_909 : memref<8x4096xf32, #tpu.memory_space<vmem>>[vector<16xi32>, vector<16xi32>], vector<16xf32>, vector<16xi1>
          %while3A_939 = arith.constant 0 : i32
          scf.yield %while3A_939 : i32
        }
        %dma_start3A_206 = arith.constant 0 : i32
        %dma_start3A_207 = arith.constant 0 : i32
        %dma_start3A_208 = tpu.memref_slice %arg8[%dma_start3A_206, %dma_start3A_207] : memref<8x5632xf32, #tpu.memory_space<vmem>> -> memref<8x5632xf32, #tpu.memory_space<vmem>>
        %dma_start3A_209 = arith.constant 22528 : i32
        %dma_start3A_210 = tpu.memref_slice %arg6[%select_n3A, %multiple_of3A, %dma_start3A_209] : memref<26x32x100000xf32, #tpu.memory_space<hbm>> -> memref<1x8x5632xf32, #tpu.memory_space<hbm>>
        %dma_start3A_211 = tpu.memref_squeeze %dma_start3A_210 : memref<1x8x5632xf32, #tpu.memory_space<hbm>> -> memref<8x5632xf32, #tpu.memory_space<hbm>>
        %dma_start3A_212 = arith.constant 0 : i32
        %dma_start3A_213 = arith.constant 0 : i32
        %dma_start3A_214 = tpu.memref_slice %arg8[%dma_start3A_212, %dma_start3A_213] : memref<8x5632xf32, #tpu.memory_space<vmem>> -> memref<8x5632xf32, #tpu.memory_space<vmem>>
        %dma_start3A_215 = arith.constant 22528 : i32
        %dma_start3A_216 = tpu.memref_slice %arg6[%select_n3A, %multiple_of3A, %dma_start3A_215] : memref<26x32x100000xf32, #tpu.memory_space<hbm>> -> memref<1x8x5632xf32, #tpu.memory_space<hbm>>
        %dma_start3A_217 = tpu.memref_squeeze %dma_start3A_216 : memref<1x8x5632xf32, #tpu.memory_space<hbm>> -> memref<8x5632xf32, #tpu.memory_space<hbm>>
        tpu.enqueue_dma source(%dma_start3A_217 : memref<8x5632xf32, #tpu.memory_space<hbm>>) target(%dma_start3A_214 : memref<8x5632xf32, #tpu.memory_space<vmem>>) target_semaphore(%arg13 : memref<!tpu.dma_semaphore, #tpu.memory_space<semaphore_mem>>)
        %dma_wait3A_218 = arith.constant 0 : i32
        %dma_wait3A_219 = arith.constant 0 : i32
        %dma_wait3A_220 = tpu.memref_slice %arg9[%dma_wait3A_218, %dma_wait3A_219] : memref<8x5632xf32, #tpu.memory_space<vmem>> -> memref<8x5632xf32, #tpu.memory_space<vmem>>
        %dma_wait3A_221 = arith.constant 16896 : i32
        %dma_wait3A_222 = tpu.memref_slice %arg6[%select_n3A, %multiple_of3A, %dma_wait3A_221] : memref<26x32x100000xf32, #tpu.memory_space<hbm>> -> memref<1x8x5632xf32, #tpu.memory_space<hbm>>
        %dma_wait3A_223 = tpu.memref_squeeze %dma_wait3A_222 : memref<1x8x5632xf32, #tpu.memory_space<hbm>> -> memref<8x5632xf32, #tpu.memory_space<hbm>>
        %dma_wait3A_224 = arith.constant 0 : i32
        %dma_wait3A_225 = arith.constant 0 : i32
        %dma_wait3A_226 = tpu.memref_slice %arg9[%dma_wait3A_224, %dma_wait3A_225] : memref<8x5632xf32, #tpu.memory_space<vmem>> -> memref<8x5632xf32, #tpu.memory_space<vmem>>
        %dma_wait3A_227 = arith.constant 16896 : i32
        %dma_wait3A_228 = tpu.memref_slice %arg6[%select_n3A, %multiple_of3A, %dma_wait3A_227] : memref<26x32x100000xf32, #tpu.memory_space<hbm>> -> memref<1x8x5632xf32, #tpu.memory_space<hbm>>
        %dma_wait3A_229 = tpu.memref_squeeze %dma_wait3A_228 : memref<1x8x5632xf32, #tpu.memory_space<hbm>> -> memref<8x5632xf32, #tpu.memory_space<hbm>>
        tpu.wait_dma2 semaphore(%arg14 : memref<!tpu.dma_semaphore, #tpu.memory_space<semaphore_mem>>) src(%dma_wait3A_229 : memref<8x5632xf32, #tpu.memory_space<hbm>>) dst(%dma_wait3A_226 : memref<8x5632xf32, #tpu.memory_space<vmem>>)
        %slice3A_230 = vector.extract_strided_slice %get3A_62 {offsets = [3], sizes = [1], strides = [1]} : vector<16xi32> to vector<1xi32>
        %squeeze3A_231 = vector.extract %slice3A_230[0] : i32 from vector<1xi32>
        %shift_right_arithmetic3A_232 = arith.constant 4 : i32
        %shift_right_arithmetic3A_233 = arith.shrsi %squeeze3A_231, %shift_right_arithmetic3A_232 : i32
        %slice3A_234 = vector.extract_strided_slice %get3A_62 {offsets = [4], sizes = [1], strides = [1]} : vector<16xi32> to vector<1xi32>
        %squeeze3A_235 = vector.extract %slice3A_234[0] : i32 from vector<1xi32>
        %add3A_236 = arith.constant 15 : i32
        %add3A_237 = arith.addi %squeeze3A_235, %add3A_236 : i32
        %shift_right_arithmetic3A_238 = arith.constant 4 : i32
        %shift_right_arithmetic3A_239 = arith.shrsi %add3A_237, %shift_right_arithmetic3A_238 : i32
        %while3A_240 = arith.constant 0 : i32
        %while3A_241 = arith.subi %shift_right_arithmetic3A_239, %shift_right_arithmetic3A_233 : i32
        %while3A_242 = arith.addi %shift_right_arithmetic3A_233, %while3A_241 : i32
        %while3A_243 = arith.constant 1 : i32
        %while3A_244 = arith.divsi %while3A_241, %while3A_243 : i32
        %while3A_245 = arith.muli %while3A_244, %while3A_243 : i32
        %while3A_246 = arith.addi %shift_right_arithmetic3A_233, %while3A_245 : i32
        %while3A_247 = arith.constant 1 : i32
        %while3A_248 = scf.for %while3A_893 = %shift_right_arithmetic3A_233 to %while3A_246 step %while3A_247 iter_args(%while3A_894 = %while3A_240) -> (i32)  : i32 {
          %mul3A_895 = arith.constant 16 : i32
          %mul3A_896 = arith.muli %while3A_893, %mul3A_895 : i32
          %get3A_897 = arith.index_cast %mul3A_896 : i32 to index
          %get3A_898 = tpu.vector_load %arg10[%get3A_897] {strides = array<i32>} : memref<4096xi32, #tpu.memory_space<vmem>>, vector<16xi32>,
          %shift_right_logical3A = arith.constant 12 : i32
          %shift_right_logical3A_899 = vector.broadcast %shift_right_logical3A : i32 to vector<16xi32>
          %shift_right_logical3A_900 = arith.shrui %get3A_898, %shift_right_logical3A_899 : vector<16xi32>
          %and3A_901 = arith.constant 4095 : i32
          %and3A_902 = vector.broadcast %and3A_901 : i32 to vector<16xi32>
          %and3A_903 = arith.andi %get3A_898, %and3A_902 : vector<16xi32>
          %ge3A = arith.constant 16896 : i32
          %ge3A_904 = vector.broadcast %ge3A : i32 to vector<16xi32>
          %ge3A_905 = arith.cmpi sge, %shift_right_logical3A_900, %ge3A_904 : vector<16xi32>
          %lt3A_906 = arith.constant 22528 : i32
          %lt3A_907 = vector.broadcast %lt3A_906 : i32 to vector<16xi32>
          %lt3A_908 = arith.cmpi slt, %shift_right_logical3A_900, %lt3A_907 : vector<16xi32>
          %and3A_909 = arith.andi %ge3A_905, %lt3A_908 : vector<16xi1>
          %sub3A_910 = arith.constant 16896 : i32
          %sub3A_911 = vector.broadcast %sub3A_910 : i32 to vector<16xi32>
          %sub3A_912 = arith.subi %shift_right_logical3A_900, %sub3A_911 : vector<16xi32>
          %jit3A_913 = arith.constant 0 : i32
          %jit3A_914 = arith.constant 5631 : i32
          %max3A = vector.broadcast %jit3A_913 : i32 to vector<16xi32>
          %max3A_915 = arith.maxsi %max3A, %sub3A_912 : vector<16xi32>
          %min3A = vector.broadcast %jit3A_914 : i32 to vector<16xi32>
          %min3A_916 = arith.minsi %min3A, %max3A_915 : vector<16xi32>
          %broadcast_in_dim3A = arith.constant 0 : i32
          %broadcast_in_dim3A_917 = vector.broadcast %broadcast_in_dim3A : i32 to vector<16xi32>
          %gather3A = tpu.vector_load_idx %arg9[%broadcast_in_dim3A_917, %min3A_916] : memref<8x5632xf32, #tpu.memory_space<vmem>>[vector<16xi32>, vector<16xi32>], vector<16xf32>,
          tpu.vector_store_idx %arg12[%broadcast_in_dim3A_917, %and3A_903], %gather3A masked %and3A_909 : memref<8x4096xf32, #tpu.memory_space<vmem>>[vector<16xi32>, vector<16xi32>], vector<16xf32>, vector<16xi1>
          %broadcast_in_dim3A_918 = arith.constant 1 : i32
          %broadcast_in_dim3A_919 = vector.broadcast %broadcast_in_dim3A_918 : i32 to vector<16xi32>
          %gather3A_920 = tpu.vector_load_idx %arg9[%broadcast_in_dim3A_919, %min3A_916] : memref<8x5632xf32, #tpu.memory_space<vmem>>[vector<16xi32>, vector<16xi32>], vector<16xf32>,
          tpu.vector_store_idx %arg12[%broadcast_in_dim3A_919, %and3A_903], %gather3A_920 masked %and3A_909 : memref<8x4096xf32, #tpu.memory_space<vmem>>[vector<16xi32>, vector<16xi32>], vector<16xf32>, vector<16xi1>
          %broadcast_in_dim3A_921 = arith.constant 2 : i32
          %broadcast_in_dim3A_922 = vector.broadcast %broadcast_in_dim3A_921 : i32 to vector<16xi32>
          %gather3A_923 = tpu.vector_load_idx %arg9[%broadcast_in_dim3A_922, %min3A_916] : memref<8x5632xf32, #tpu.memory_space<vmem>>[vector<16xi32>, vector<16xi32>], vector<16xf32>,
          tpu.vector_store_idx %arg12[%broadcast_in_dim3A_922, %and3A_903], %gather3A_923 masked %and3A_909 : memref<8x4096xf32, #tpu.memory_space<vmem>>[vector<16xi32>, vector<16xi32>], vector<16xf32>, vector<16xi1>
          %broadcast_in_dim3A_924 = arith.constant 3 : i32
          %broadcast_in_dim3A_925 = vector.broadcast %broadcast_in_dim3A_924 : i32 to vector<16xi32>
          %gather3A_926 = tpu.vector_load_idx %arg9[%broadcast_in_dim3A_925, %min3A_916] : memref<8x5632xf32, #tpu.memory_space<vmem>>[vector<16xi32>, vector<16xi32>], vector<16xf32>,
          tpu.vector_store_idx %arg12[%broadcast_in_dim3A_925, %and3A_903], %gather3A_926 masked %and3A_909 : memref<8x4096xf32, #tpu.memory_space<vmem>>[vector<16xi32>, vector<16xi32>], vector<16xf32>, vector<16xi1>
          %broadcast_in_dim3A_927 = arith.constant 4 : i32
          %broadcast_in_dim3A_928 = vector.broadcast %broadcast_in_dim3A_927 : i32 to vector<16xi32>
          %gather3A_929 = tpu.vector_load_idx %arg9[%broadcast_in_dim3A_928, %min3A_916] : memref<8x5632xf32, #tpu.memory_space<vmem>>[vector<16xi32>, vector<16xi32>], vector<16xf32>,
          tpu.vector_store_idx %arg12[%broadcast_in_dim3A_928, %and3A_903], %gather3A_929 masked %and3A_909 : memref<8x4096xf32, #tpu.memory_space<vmem>>[vector<16xi32>, vector<16xi32>], vector<16xf32>, vector<16xi1>
          %broadcast_in_dim3A_930 = arith.constant 5 : i32
          %broadcast_in_dim3A_931 = vector.broadcast %broadcast_in_dim3A_930 : i32 to vector<16xi32>
          %gather3A_932 = tpu.vector_load_idx %arg9[%broadcast_in_dim3A_931, %min3A_916] : memref<8x5632xf32, #tpu.memory_space<vmem>>[vector<16xi32>, vector<16xi32>], vector<16xf32>,
          tpu.vector_store_idx %arg12[%broadcast_in_dim3A_931, %and3A_903], %gather3A_932 masked %and3A_909 : memref<8x4096xf32, #tpu.memory_space<vmem>>[vector<16xi32>, vector<16xi32>], vector<16xf32>, vector<16xi1>
          %broadcast_in_dim3A_933 = arith.constant 6 : i32
          %broadcast_in_dim3A_934 = vector.broadcast %broadcast_in_dim3A_933 : i32 to vector<16xi32>
          %gather3A_935 = tpu.vector_load_idx %arg9[%broadcast_in_dim3A_934, %min3A_916] : memref<8x5632xf32, #tpu.memory_space<vmem>>[vector<16xi32>, vector<16xi32>], vector<16xf32>,
          tpu.vector_store_idx %arg12[%broadcast_in_dim3A_934, %and3A_903], %gather3A_935 masked %and3A_909 : memref<8x4096xf32, #tpu.memory_space<vmem>>[vector<16xi32>, vector<16xi32>], vector<16xf32>, vector<16xi1>
          %broadcast_in_dim3A_936 = arith.constant 7 : i32
          %broadcast_in_dim3A_937 = vector.broadcast %broadcast_in_dim3A_936 : i32 to vector<16xi32>
          %gather3A_938 = tpu.vector_load_idx %arg9[%broadcast_in_dim3A_937, %min3A_916] : memref<8x5632xf32, #tpu.memory_space<vmem>>[vector<16xi32>, vector<16xi32>], vector<16xf32>,
          tpu.vector_store_idx %arg12[%broadcast_in_dim3A_937, %and3A_903], %gather3A_938 masked %and3A_909 : memref<8x4096xf32, #tpu.memory_space<vmem>>[vector<16xi32>, vector<16xi32>], vector<16xf32>, vector<16xi1>
          %while3A_939 = arith.constant 0 : i32
          scf.yield %while3A_939 : i32
        }
        %while3A_249 = arith.constant 1 : i32
        %while3A_250 = scf.for %while3A_893 = %while3A_246 to %while3A_242 step %while3A_249 iter_args(%while3A_894 = %while3A_248) -> (i32)  : i32 {
          %mul3A_895 = arith.constant 16 : i32
          %mul3A_896 = arith.muli %while3A_893, %mul3A_895 : i32
          %get3A_897 = arith.index_cast %mul3A_896 : i32 to index
          %get3A_898 = tpu.vector_load %arg10[%get3A_897] {strides = array<i32>} : memref<4096xi32, #tpu.memory_space<vmem>>, vector<16xi32>,
          %shift_right_logical3A = arith.constant 12 : i32
          %shift_right_logical3A_899 = vector.broadcast %shift_right_logical3A : i32 to vector<16xi32>
          %shift_right_logical3A_900 = arith.shrui %get3A_898, %shift_right_logical3A_899 : vector<16xi32>
          %and3A_901 = arith.constant 4095 : i32
          %and3A_902 = vector.broadcast %and3A_901 : i32 to vector<16xi32>
          %and3A_903 = arith.andi %get3A_898, %and3A_902 : vector<16xi32>
          %ge3A = arith.constant 16896 : i32
          %ge3A_904 = vector.broadcast %ge3A : i32 to vector<16xi32>
          %ge3A_905 = arith.cmpi sge, %shift_right_logical3A_900, %ge3A_904 : vector<16xi32>
          %lt3A_906 = arith.constant 22528 : i32
          %lt3A_907 = vector.broadcast %lt3A_906 : i32 to vector<16xi32>
          %lt3A_908 = arith.cmpi slt, %shift_right_logical3A_900, %lt3A_907 : vector<16xi32>
          %and3A_909 = arith.andi %ge3A_905, %lt3A_908 : vector<16xi1>
          %sub3A_910 = arith.constant 16896 : i32
          %sub3A_911 = vector.broadcast %sub3A_910 : i32 to vector<16xi32>
          %sub3A_912 = arith.subi %shift_right_logical3A_900, %sub3A_911 : vector<16xi32>
          %jit3A_913 = arith.constant 0 : i32
          %jit3A_914 = arith.constant 5631 : i32
          %max3A = vector.broadcast %jit3A_913 : i32 to vector<16xi32>
          %max3A_915 = arith.maxsi %max3A, %sub3A_912 : vector<16xi32>
          %min3A = vector.broadcast %jit3A_914 : i32 to vector<16xi32>
          %min3A_916 = arith.minsi %min3A, %max3A_915 : vector<16xi32>
          %broadcast_in_dim3A = arith.constant 0 : i32
          %broadcast_in_dim3A_917 = vector.broadcast %broadcast_in_dim3A : i32 to vector<16xi32>
          %gather3A = tpu.vector_load_idx %arg9[%broadcast_in_dim3A_917, %min3A_916] : memref<8x5632xf32, #tpu.memory_space<vmem>>[vector<16xi32>, vector<16xi32>], vector<16xf32>,
          tpu.vector_store_idx %arg12[%broadcast_in_dim3A_917, %and3A_903], %gather3A masked %and3A_909 : memref<8x4096xf32, #tpu.memory_space<vmem>>[vector<16xi32>, vector<16xi32>], vector<16xf32>, vector<16xi1>
          %broadcast_in_dim3A_918 = arith.constant 1 : i32
          %broadcast_in_dim3A_919 = vector.broadcast %broadcast_in_dim3A_918 : i32 to vector<16xi32>
          %gather3A_920 = tpu.vector_load_idx %arg9[%broadcast_in_dim3A_919, %min3A_916] : memref<8x5632xf32, #tpu.memory_space<vmem>>[vector<16xi32>, vector<16xi32>], vector<16xf32>,
          tpu.vector_store_idx %arg12[%broadcast_in_dim3A_919, %and3A_903], %gather3A_920 masked %and3A_909 : memref<8x4096xf32, #tpu.memory_space<vmem>>[vector<16xi32>, vector<16xi32>], vector<16xf32>, vector<16xi1>
          %broadcast_in_dim3A_921 = arith.constant 2 : i32
          %broadcast_in_dim3A_922 = vector.broadcast %broadcast_in_dim3A_921 : i32 to vector<16xi32>
          %gather3A_923 = tpu.vector_load_idx %arg9[%broadcast_in_dim3A_922, %min3A_916] : memref<8x5632xf32, #tpu.memory_space<vmem>>[vector<16xi32>, vector<16xi32>], vector<16xf32>,
          tpu.vector_store_idx %arg12[%broadcast_in_dim3A_922, %and3A_903], %gather3A_923 masked %and3A_909 : memref<8x4096xf32, #tpu.memory_space<vmem>>[vector<16xi32>, vector<16xi32>], vector<16xf32>, vector<16xi1>
          %broadcast_in_dim3A_924 = arith.constant 3 : i32
          %broadcast_in_dim3A_925 = vector.broadcast %broadcast_in_dim3A_924 : i32 to vector<16xi32>
          %gather3A_926 = tpu.vector_load_idx %arg9[%broadcast_in_dim3A_925, %min3A_916] : memref<8x5632xf32, #tpu.memory_space<vmem>>[vector<16xi32>, vector<16xi32>], vector<16xf32>,
          tpu.vector_store_idx %arg12[%broadcast_in_dim3A_925, %and3A_903], %gather3A_926 masked %and3A_909 : memref<8x4096xf32, #tpu.memory_space<vmem>>[vector<16xi32>, vector<16xi32>], vector<16xf32>, vector<16xi1>
          %broadcast_in_dim3A_927 = arith.constant 4 : i32
          %broadcast_in_dim3A_928 = vector.broadcast %broadcast_in_dim3A_927 : i32 to vector<16xi32>
          %gather3A_929 = tpu.vector_load_idx %arg9[%broadcast_in_dim3A_928, %min3A_916] : memref<8x5632xf32, #tpu.memory_space<vmem>>[vector<16xi32>, vector<16xi32>], vector<16xf32>,
          tpu.vector_store_idx %arg12[%broadcast_in_dim3A_928, %and3A_903], %gather3A_929 masked %and3A_909 : memref<8x4096xf32, #tpu.memory_space<vmem>>[vector<16xi32>, vector<16xi32>], vector<16xf32>, vector<16xi1>
          %broadcast_in_dim3A_930 = arith.constant 5 : i32
          %broadcast_in_dim3A_931 = vector.broadcast %broadcast_in_dim3A_930 : i32 to vector<16xi32>
          %gather3A_932 = tpu.vector_load_idx %arg9[%broadcast_in_dim3A_931, %min3A_916] : memref<8x5632xf32, #tpu.memory_space<vmem>>[vector<16xi32>, vector<16xi32>], vector<16xf32>,
          tpu.vector_store_idx %arg12[%broadcast_in_dim3A_931, %and3A_903], %gather3A_932 masked %and3A_909 : memref<8x4096xf32, #tpu.memory_space<vmem>>[vector<16xi32>, vector<16xi32>], vector<16xf32>, vector<16xi1>
          %broadcast_in_dim3A_933 = arith.constant 6 : i32
          %broadcast_in_dim3A_934 = vector.broadcast %broadcast_in_dim3A_933 : i32 to vector<16xi32>
          %gather3A_935 = tpu.vector_load_idx %arg9[%broadcast_in_dim3A_934, %min3A_916] : memref<8x5632xf32, #tpu.memory_space<vmem>>[vector<16xi32>, vector<16xi32>], vector<16xf32>,
          tpu.vector_store_idx %arg12[%broadcast_in_dim3A_934, %and3A_903], %gather3A_935 masked %and3A_909 : memref<8x4096xf32, #tpu.memory_space<vmem>>[vector<16xi32>, vector<16xi32>], vector<16xf32>, vector<16xi1>
          %broadcast_in_dim3A_936 = arith.constant 7 : i32
          %broadcast_in_dim3A_937 = vector.broadcast %broadcast_in_dim3A_936 : i32 to vector<16xi32>
          %gather3A_938 = tpu.vector_load_idx %arg9[%broadcast_in_dim3A_937, %min3A_916] : memref<8x5632xf32, #tpu.memory_space<vmem>>[vector<16xi32>, vector<16xi32>], vector<16xf32>,
          tpu.vector_store_idx %arg12[%broadcast_in_dim3A_937, %and3A_903], %gather3A_938 masked %and3A_909 : memref<8x4096xf32, #tpu.memory_space<vmem>>[vector<16xi32>, vector<16xi32>], vector<16xf32>, vector<16xi1>
          %while3A_939 = arith.constant 0 : i32
          scf.yield %while3A_939 : i32
        }
        %dma_start3A_251 = arith.constant 0 : i32
        %dma_start3A_252 = arith.constant 0 : i32
        %dma_start3A_253 = tpu.memref_slice %arg9[%dma_start3A_251, %dma_start3A_252] : memref<8x5632xf32, #tpu.memory_space<vmem>> -> memref<8x5632xf32, #tpu.memory_space<vmem>>
        %dma_start3A_254 = arith.constant 28160 : i32
        %dma_start3A_255 = tpu.memref_slice %arg6[%select_n3A, %multiple_of3A, %dma_start3A_254] : memref<26x32x100000xf32, #tpu.memory_space<hbm>> -> memref<1x8x5632xf32, #tpu.memory_space<hbm>>
        %dma_start3A_256 = tpu.memref_squeeze %dma_start3A_255 : memref<1x8x5632xf32, #tpu.memory_space<hbm>> -> memref<8x5632xf32, #tpu.memory_space<hbm>>
        %dma_start3A_257 = arith.constant 0 : i32
        %dma_start3A_258 = arith.constant 0 : i32
        %dma_start3A_259 = tpu.memref_slice %arg9[%dma_start3A_257, %dma_start3A_258] : memref<8x5632xf32, #tpu.memory_space<vmem>> -> memref<8x5632xf32, #tpu.memory_space<vmem>>
        %dma_start3A_260 = arith.constant 28160 : i32
        %dma_start3A_261 = tpu.memref_slice %arg6[%select_n3A, %multiple_of3A, %dma_start3A_260] : memref<26x32x100000xf32, #tpu.memory_space<hbm>> -> memref<1x8x5632xf32, #tpu.memory_space<hbm>>
        %dma_start3A_262 = tpu.memref_squeeze %dma_start3A_261 : memref<1x8x5632xf32, #tpu.memory_space<hbm>> -> memref<8x5632xf32, #tpu.memory_space<hbm>>
        tpu.enqueue_dma source(%dma_start3A_262 : memref<8x5632xf32, #tpu.memory_space<hbm>>) target(%dma_start3A_259 : memref<8x5632xf32, #tpu.memory_space<vmem>>) target_semaphore(%arg14 : memref<!tpu.dma_semaphore, #tpu.memory_space<semaphore_mem>>)
        %dma_wait3A_263 = arith.constant 0 : i32
        %dma_wait3A_264 = arith.constant 0 : i32
        %dma_wait3A_265 = tpu.memref_slice %arg8[%dma_wait3A_263, %dma_wait3A_264] : memref<8x5632xf32, #tpu.memory_space<vmem>> -> memref<8x5632xf32, #tpu.memory_space<vmem>>
        %dma_wait3A_266 = arith.constant 22528 : i32
        %dma_wait3A_267 = tpu.memref_slice %arg6[%select_n3A, %multiple_of3A, %dma_wait3A_266] : memref<26x32x100000xf32, #tpu.memory_space<hbm>> -> memref<1x8x5632xf32, #tpu.memory_space<hbm>>
        %dma_wait3A_268 = tpu.memref_squeeze %dma_wait3A_267 : memref<1x8x5632xf32, #tpu.memory_space<hbm>> -> memref<8x5632xf32, #tpu.memory_space<hbm>>
        %dma_wait3A_269 = arith.constant 0 : i32
        %dma_wait3A_270 = arith.constant 0 : i32
        %dma_wait3A_271 = tpu.memref_slice %arg8[%dma_wait3A_269, %dma_wait3A_270] : memref<8x5632xf32, #tpu.memory_space<vmem>> -> memref<8x5632xf32, #tpu.memory_space<vmem>>
        %dma_wait3A_272 = arith.constant 22528 : i32
        %dma_wait3A_273 = tpu.memref_slice %arg6[%select_n3A, %multiple_of3A, %dma_wait3A_272] : memref<26x32x100000xf32, #tpu.memory_space<hbm>> -> memref<1x8x5632xf32, #tpu.memory_space<hbm>>
        %dma_wait3A_274 = tpu.memref_squeeze %dma_wait3A_273 : memref<1x8x5632xf32, #tpu.memory_space<hbm>> -> memref<8x5632xf32, #tpu.memory_space<hbm>>
        tpu.wait_dma2 semaphore(%arg13 : memref<!tpu.dma_semaphore, #tpu.memory_space<semaphore_mem>>) src(%dma_wait3A_274 : memref<8x5632xf32, #tpu.memory_space<hbm>>) dst(%dma_wait3A_271 : memref<8x5632xf32, #tpu.memory_space<vmem>>)
        %slice3A_275 = vector.extract_strided_slice %get3A_62 {offsets = [4], sizes = [1], strides = [1]} : vector<16xi32> to vector<1xi32>
        %squeeze3A_276 = vector.extract %slice3A_275[0] : i32 from vector<1xi32>
        %shift_right_arithmetic3A_277 = arith.constant 4 : i32
        %shift_right_arithmetic3A_278 = arith.shrsi %squeeze3A_276, %shift_right_arithmetic3A_277 : i32
        %slice3A_279 = vector.extract_strided_slice %get3A_62 {offsets = [5], sizes = [1], strides = [1]} : vector<16xi32> to vector<1xi32>
        %squeeze3A_280 = vector.extract %slice3A_279[0] : i32 from vector<1xi32>
        %add3A_281 = arith.constant 15 : i32
        %add3A_282 = arith.addi %squeeze3A_280, %add3A_281 : i32
        %shift_right_arithmetic3A_283 = arith.constant 4 : i32
        %shift_right_arithmetic3A_284 = arith.shrsi %add3A_282, %shift_right_arithmetic3A_283 : i32
        %while3A_285 = arith.constant 0 : i32
        %while3A_286 = arith.subi %shift_right_arithmetic3A_284, %shift_right_arithmetic3A_278 : i32
        %while3A_287 = arith.addi %shift_right_arithmetic3A_278, %while3A_286 : i32
        %while3A_288 = arith.constant 1 : i32
        %while3A_289 = arith.divsi %while3A_286, %while3A_288 : i32
        %while3A_290 = arith.muli %while3A_289, %while3A_288 : i32
        %while3A_291 = arith.addi %shift_right_arithmetic3A_278, %while3A_290 : i32
        %while3A_292 = arith.constant 1 : i32
        %while3A_293 = scf.for %while3A_893 = %shift_right_arithmetic3A_278 to %while3A_291 step %while3A_292 iter_args(%while3A_894 = %while3A_285) -> (i32)  : i32 {
          %mul3A_895 = arith.constant 16 : i32
          %mul3A_896 = arith.muli %while3A_893, %mul3A_895 : i32
          %get3A_897 = arith.index_cast %mul3A_896 : i32 to index
          %get3A_898 = tpu.vector_load %arg10[%get3A_897] {strides = array<i32>} : memref<4096xi32, #tpu.memory_space<vmem>>, vector<16xi32>,
          %shift_right_logical3A = arith.constant 12 : i32
          %shift_right_logical3A_899 = vector.broadcast %shift_right_logical3A : i32 to vector<16xi32>
          %shift_right_logical3A_900 = arith.shrui %get3A_898, %shift_right_logical3A_899 : vector<16xi32>
          %and3A_901 = arith.constant 4095 : i32
          %and3A_902 = vector.broadcast %and3A_901 : i32 to vector<16xi32>
          %and3A_903 = arith.andi %get3A_898, %and3A_902 : vector<16xi32>
          %ge3A = arith.constant 22528 : i32
          %ge3A_904 = vector.broadcast %ge3A : i32 to vector<16xi32>
          %ge3A_905 = arith.cmpi sge, %shift_right_logical3A_900, %ge3A_904 : vector<16xi32>
          %lt3A_906 = arith.constant 28160 : i32
          %lt3A_907 = vector.broadcast %lt3A_906 : i32 to vector<16xi32>
          %lt3A_908 = arith.cmpi slt, %shift_right_logical3A_900, %lt3A_907 : vector<16xi32>
          %and3A_909 = arith.andi %ge3A_905, %lt3A_908 : vector<16xi1>
          %sub3A_910 = arith.constant 22528 : i32
          %sub3A_911 = vector.broadcast %sub3A_910 : i32 to vector<16xi32>
          %sub3A_912 = arith.subi %shift_right_logical3A_900, %sub3A_911 : vector<16xi32>
          %jit3A_913 = arith.constant 0 : i32
          %jit3A_914 = arith.constant 5631 : i32
          %max3A = vector.broadcast %jit3A_913 : i32 to vector<16xi32>
          %max3A_915 = arith.maxsi %max3A, %sub3A_912 : vector<16xi32>
          %min3A = vector.broadcast %jit3A_914 : i32 to vector<16xi32>
          %min3A_916 = arith.minsi %min3A, %max3A_915 : vector<16xi32>
          %broadcast_in_dim3A = arith.constant 0 : i32
          %broadcast_in_dim3A_917 = vector.broadcast %broadcast_in_dim3A : i32 to vector<16xi32>
          %gather3A = tpu.vector_load_idx %arg8[%broadcast_in_dim3A_917, %min3A_916] : memref<8x5632xf32, #tpu.memory_space<vmem>>[vector<16xi32>, vector<16xi32>], vector<16xf32>,
          tpu.vector_store_idx %arg12[%broadcast_in_dim3A_917, %and3A_903], %gather3A masked %and3A_909 : memref<8x4096xf32, #tpu.memory_space<vmem>>[vector<16xi32>, vector<16xi32>], vector<16xf32>, vector<16xi1>
          %broadcast_in_dim3A_918 = arith.constant 1 : i32
          %broadcast_in_dim3A_919 = vector.broadcast %broadcast_in_dim3A_918 : i32 to vector<16xi32>
          %gather3A_920 = tpu.vector_load_idx %arg8[%broadcast_in_dim3A_919, %min3A_916] : memref<8x5632xf32, #tpu.memory_space<vmem>>[vector<16xi32>, vector<16xi32>], vector<16xf32>,
          tpu.vector_store_idx %arg12[%broadcast_in_dim3A_919, %and3A_903], %gather3A_920 masked %and3A_909 : memref<8x4096xf32, #tpu.memory_space<vmem>>[vector<16xi32>, vector<16xi32>], vector<16xf32>, vector<16xi1>
          %broadcast_in_dim3A_921 = arith.constant 2 : i32
          %broadcast_in_dim3A_922 = vector.broadcast %broadcast_in_dim3A_921 : i32 to vector<16xi32>
          %gather3A_923 = tpu.vector_load_idx %arg8[%broadcast_in_dim3A_922, %min3A_916] : memref<8x5632xf32, #tpu.memory_space<vmem>>[vector<16xi32>, vector<16xi32>], vector<16xf32>,
          tpu.vector_store_idx %arg12[%broadcast_in_dim3A_922, %and3A_903], %gather3A_923 masked %and3A_909 : memref<8x4096xf32, #tpu.memory_space<vmem>>[vector<16xi32>, vector<16xi32>], vector<16xf32>, vector<16xi1>
          %broadcast_in_dim3A_924 = arith.constant 3 : i32
          %broadcast_in_dim3A_925 = vector.broadcast %broadcast_in_dim3A_924 : i32 to vector<16xi32>
          %gather3A_926 = tpu.vector_load_idx %arg8[%broadcast_in_dim3A_925, %min3A_916] : memref<8x5632xf32, #tpu.memory_space<vmem>>[vector<16xi32>, vector<16xi32>], vector<16xf32>,
          tpu.vector_store_idx %arg12[%broadcast_in_dim3A_925, %and3A_903], %gather3A_926 masked %and3A_909 : memref<8x4096xf32, #tpu.memory_space<vmem>>[vector<16xi32>, vector<16xi32>], vector<16xf32>, vector<16xi1>
          %broadcast_in_dim3A_927 = arith.constant 4 : i32
          %broadcast_in_dim3A_928 = vector.broadcast %broadcast_in_dim3A_927 : i32 to vector<16xi32>
          %gather3A_929 = tpu.vector_load_idx %arg8[%broadcast_in_dim3A_928, %min3A_916] : memref<8x5632xf32, #tpu.memory_space<vmem>>[vector<16xi32>, vector<16xi32>], vector<16xf32>,
          tpu.vector_store_idx %arg12[%broadcast_in_dim3A_928, %and3A_903], %gather3A_929 masked %and3A_909 : memref<8x4096xf32, #tpu.memory_space<vmem>>[vector<16xi32>, vector<16xi32>], vector<16xf32>, vector<16xi1>
          %broadcast_in_dim3A_930 = arith.constant 5 : i32
          %broadcast_in_dim3A_931 = vector.broadcast %broadcast_in_dim3A_930 : i32 to vector<16xi32>
          %gather3A_932 = tpu.vector_load_idx %arg8[%broadcast_in_dim3A_931, %min3A_916] : memref<8x5632xf32, #tpu.memory_space<vmem>>[vector<16xi32>, vector<16xi32>], vector<16xf32>,
          tpu.vector_store_idx %arg12[%broadcast_in_dim3A_931, %and3A_903], %gather3A_932 masked %and3A_909 : memref<8x4096xf32, #tpu.memory_space<vmem>>[vector<16xi32>, vector<16xi32>], vector<16xf32>, vector<16xi1>
          %broadcast_in_dim3A_933 = arith.constant 6 : i32
          %broadcast_in_dim3A_934 = vector.broadcast %broadcast_in_dim3A_933 : i32 to vector<16xi32>
          %gather3A_935 = tpu.vector_load_idx %arg8[%broadcast_in_dim3A_934, %min3A_916] : memref<8x5632xf32, #tpu.memory_space<vmem>>[vector<16xi32>, vector<16xi32>], vector<16xf32>,
          tpu.vector_store_idx %arg12[%broadcast_in_dim3A_934, %and3A_903], %gather3A_935 masked %and3A_909 : memref<8x4096xf32, #tpu.memory_space<vmem>>[vector<16xi32>, vector<16xi32>], vector<16xf32>, vector<16xi1>
          %broadcast_in_dim3A_936 = arith.constant 7 : i32
          %broadcast_in_dim3A_937 = vector.broadcast %broadcast_in_dim3A_936 : i32 to vector<16xi32>
          %gather3A_938 = tpu.vector_load_idx %arg8[%broadcast_in_dim3A_937, %min3A_916] : memref<8x5632xf32, #tpu.memory_space<vmem>>[vector<16xi32>, vector<16xi32>], vector<16xf32>,
          tpu.vector_store_idx %arg12[%broadcast_in_dim3A_937, %and3A_903], %gather3A_938 masked %and3A_909 : memref<8x4096xf32, #tpu.memory_space<vmem>>[vector<16xi32>, vector<16xi32>], vector<16xf32>, vector<16xi1>
          %while3A_939 = arith.constant 0 : i32
          scf.yield %while3A_939 : i32
        }
        %while3A_294 = arith.constant 1 : i32
        %while3A_295 = scf.for %while3A_893 = %while3A_291 to %while3A_287 step %while3A_294 iter_args(%while3A_894 = %while3A_293) -> (i32)  : i32 {
          %mul3A_895 = arith.constant 16 : i32
          %mul3A_896 = arith.muli %while3A_893, %mul3A_895 : i32
          %get3A_897 = arith.index_cast %mul3A_896 : i32 to index
          %get3A_898 = tpu.vector_load %arg10[%get3A_897] {strides = array<i32>} : memref<4096xi32, #tpu.memory_space<vmem>>, vector<16xi32>,
          %shift_right_logical3A = arith.constant 12 : i32
          %shift_right_logical3A_899 = vector.broadcast %shift_right_logical3A : i32 to vector<16xi32>
          %shift_right_logical3A_900 = arith.shrui %get3A_898, %shift_right_logical3A_899 : vector<16xi32>
          %and3A_901 = arith.constant 4095 : i32
          %and3A_902 = vector.broadcast %and3A_901 : i32 to vector<16xi32>
          %and3A_903 = arith.andi %get3A_898, %and3A_902 : vector<16xi32>
          %ge3A = arith.constant 22528 : i32
          %ge3A_904 = vector.broadcast %ge3A : i32 to vector<16xi32>
          %ge3A_905 = arith.cmpi sge, %shift_right_logical3A_900, %ge3A_904 : vector<16xi32>
          %lt3A_906 = arith.constant 28160 : i32
          %lt3A_907 = vector.broadcast %lt3A_906 : i32 to vector<16xi32>
          %lt3A_908 = arith.cmpi slt, %shift_right_logical3A_900, %lt3A_907 : vector<16xi32>
          %and3A_909 = arith.andi %ge3A_905, %lt3A_908 : vector<16xi1>
          %sub3A_910 = arith.constant 22528 : i32
          %sub3A_911 = vector.broadcast %sub3A_910 : i32 to vector<16xi32>
          %sub3A_912 = arith.subi %shift_right_logical3A_900, %sub3A_911 : vector<16xi32>
          %jit3A_913 = arith.constant 0 : i32
          %jit3A_914 = arith.constant 5631 : i32
          %max3A = vector.broadcast %jit3A_913 : i32 to vector<16xi32>
          %max3A_915 = arith.maxsi %max3A, %sub3A_912 : vector<16xi32>
          %min3A = vector.broadcast %jit3A_914 : i32 to vector<16xi32>
          %min3A_916 = arith.minsi %min3A, %max3A_915 : vector<16xi32>
          %broadcast_in_dim3A = arith.constant 0 : i32
          %broadcast_in_dim3A_917 = vector.broadcast %broadcast_in_dim3A : i32 to vector<16xi32>
          %gather3A = tpu.vector_load_idx %arg8[%broadcast_in_dim3A_917, %min3A_916] : memref<8x5632xf32, #tpu.memory_space<vmem>>[vector<16xi32>, vector<16xi32>], vector<16xf32>,
          tpu.vector_store_idx %arg12[%broadcast_in_dim3A_917, %and3A_903], %gather3A masked %and3A_909 : memref<8x4096xf32, #tpu.memory_space<vmem>>[vector<16xi32>, vector<16xi32>], vector<16xf32>, vector<16xi1>
          %broadcast_in_dim3A_918 = arith.constant 1 : i32
          %broadcast_in_dim3A_919 = vector.broadcast %broadcast_in_dim3A_918 : i32 to vector<16xi32>
          %gather3A_920 = tpu.vector_load_idx %arg8[%broadcast_in_dim3A_919, %min3A_916] : memref<8x5632xf32, #tpu.memory_space<vmem>>[vector<16xi32>, vector<16xi32>], vector<16xf32>,
          tpu.vector_store_idx %arg12[%broadcast_in_dim3A_919, %and3A_903], %gather3A_920 masked %and3A_909 : memref<8x4096xf32, #tpu.memory_space<vmem>>[vector<16xi32>, vector<16xi32>], vector<16xf32>, vector<16xi1>
          %broadcast_in_dim3A_921 = arith.constant 2 : i32
          %broadcast_in_dim3A_922 = vector.broadcast %broadcast_in_dim3A_921 : i32 to vector<16xi32>
          %gather3A_923 = tpu.vector_load_idx %arg8[%broadcast_in_dim3A_922, %min3A_916] : memref<8x5632xf32, #tpu.memory_space<vmem>>[vector<16xi32>, vector<16xi32>], vector<16xf32>,
          tpu.vector_store_idx %arg12[%broadcast_in_dim3A_922, %and3A_903], %gather3A_923 masked %and3A_909 : memref<8x4096xf32, #tpu.memory_space<vmem>>[vector<16xi32>, vector<16xi32>], vector<16xf32>, vector<16xi1>
          %broadcast_in_dim3A_924 = arith.constant 3 : i32
          %broadcast_in_dim3A_925 = vector.broadcast %broadcast_in_dim3A_924 : i32 to vector<16xi32>
          %gather3A_926 = tpu.vector_load_idx %arg8[%broadcast_in_dim3A_925, %min3A_916] : memref<8x5632xf32, #tpu.memory_space<vmem>>[vector<16xi32>, vector<16xi32>], vector<16xf32>,
          tpu.vector_store_idx %arg12[%broadcast_in_dim3A_925, %and3A_903], %gather3A_926 masked %and3A_909 : memref<8x4096xf32, #tpu.memory_space<vmem>>[vector<16xi32>, vector<16xi32>], vector<16xf32>, vector<16xi1>
          %broadcast_in_dim3A_927 = arith.constant 4 : i32
          %broadcast_in_dim3A_928 = vector.broadcast %broadcast_in_dim3A_927 : i32 to vector<16xi32>
          %gather3A_929 = tpu.vector_load_idx %arg8[%broadcast_in_dim3A_928, %min3A_916] : memref<8x5632xf32, #tpu.memory_space<vmem>>[vector<16xi32>, vector<16xi32>], vector<16xf32>,
          tpu.vector_store_idx %arg12[%broadcast_in_dim3A_928, %and3A_903], %gather3A_929 masked %and3A_909 : memref<8x4096xf32, #tpu.memory_space<vmem>>[vector<16xi32>, vector<16xi32>], vector<16xf32>, vector<16xi1>
          %broadcast_in_dim3A_930 = arith.constant 5 : i32
          %broadcast_in_dim3A_931 = vector.broadcast %broadcast_in_dim3A_930 : i32 to vector<16xi32>
          %gather3A_932 = tpu.vector_load_idx %arg8[%broadcast_in_dim3A_931, %min3A_916] : memref<8x5632xf32, #tpu.memory_space<vmem>>[vector<16xi32>, vector<16xi32>], vector<16xf32>,
          tpu.vector_store_idx %arg12[%broadcast_in_dim3A_931, %and3A_903], %gather3A_932 masked %and3A_909 : memref<8x4096xf32, #tpu.memory_space<vmem>>[vector<16xi32>, vector<16xi32>], vector<16xf32>, vector<16xi1>
          %broadcast_in_dim3A_933 = arith.constant 6 : i32
          %broadcast_in_dim3A_934 = vector.broadcast %broadcast_in_dim3A_933 : i32 to vector<16xi32>
          %gather3A_935 = tpu.vector_load_idx %arg8[%broadcast_in_dim3A_934, %min3A_916] : memref<8x5632xf32, #tpu.memory_space<vmem>>[vector<16xi32>, vector<16xi32>], vector<16xf32>,
          tpu.vector_store_idx %arg12[%broadcast_in_dim3A_934, %and3A_903], %gather3A_935 masked %and3A_909 : memref<8x4096xf32, #tpu.memory_space<vmem>>[vector<16xi32>, vector<16xi32>], vector<16xf32>, vector<16xi1>
          %broadcast_in_dim3A_936 = arith.constant 7 : i32
          %broadcast_in_dim3A_937 = vector.broadcast %broadcast_in_dim3A_936 : i32 to vector<16xi32>
          %gather3A_938 = tpu.vector_load_idx %arg8[%broadcast_in_dim3A_937, %min3A_916] : memref<8x5632xf32, #tpu.memory_space<vmem>>[vector<16xi32>, vector<16xi32>], vector<16xf32>,
          tpu.vector_store_idx %arg12[%broadcast_in_dim3A_937, %and3A_903], %gather3A_938 masked %and3A_909 : memref<8x4096xf32, #tpu.memory_space<vmem>>[vector<16xi32>, vector<16xi32>], vector<16xf32>, vector<16xi1>
          %while3A_939 = arith.constant 0 : i32
          scf.yield %while3A_939 : i32
        }
        %dma_start3A_296 = arith.constant 0 : i32
        %dma_start3A_297 = arith.constant 0 : i32
        %dma_start3A_298 = tpu.memref_slice %arg8[%dma_start3A_296, %dma_start3A_297] : memref<8x5632xf32, #tpu.memory_space<vmem>> -> memref<8x5632xf32, #tpu.memory_space<vmem>>
        %dma_start3A_299 = arith.constant 33792 : i32
        %dma_start3A_300 = tpu.memref_slice %arg6[%select_n3A, %multiple_of3A, %dma_start3A_299] : memref<26x32x100000xf32, #tpu.memory_space<hbm>> -> memref<1x8x5632xf32, #tpu.memory_space<hbm>>
        %dma_start3A_301 = tpu.memref_squeeze %dma_start3A_300 : memref<1x8x5632xf32, #tpu.memory_space<hbm>> -> memref<8x5632xf32, #tpu.memory_space<hbm>>
        %dma_start3A_302 = arith.constant 0 : i32
        %dma_start3A_303 = arith.constant 0 : i32
        %dma_start3A_304 = tpu.memref_slice %arg8[%dma_start3A_302, %dma_start3A_303] : memref<8x5632xf32, #tpu.memory_space<vmem>> -> memref<8x5632xf32, #tpu.memory_space<vmem>>
        %dma_start3A_305 = arith.constant 33792 : i32
        %dma_start3A_306 = tpu.memref_slice %arg6[%select_n3A, %multiple_of3A, %dma_start3A_305] : memref<26x32x100000xf32, #tpu.memory_space<hbm>> -> memref<1x8x5632xf32, #tpu.memory_space<hbm>>
        %dma_start3A_307 = tpu.memref_squeeze %dma_start3A_306 : memref<1x8x5632xf32, #tpu.memory_space<hbm>> -> memref<8x5632xf32, #tpu.memory_space<hbm>>
        tpu.enqueue_dma source(%dma_start3A_307 : memref<8x5632xf32, #tpu.memory_space<hbm>>) target(%dma_start3A_304 : memref<8x5632xf32, #tpu.memory_space<vmem>>) target_semaphore(%arg13 : memref<!tpu.dma_semaphore, #tpu.memory_space<semaphore_mem>>)
        %dma_wait3A_308 = arith.constant 0 : i32
        %dma_wait3A_309 = arith.constant 0 : i32
        %dma_wait3A_310 = tpu.memref_slice %arg9[%dma_wait3A_308, %dma_wait3A_309] : memref<8x5632xf32, #tpu.memory_space<vmem>> -> memref<8x5632xf32, #tpu.memory_space<vmem>>
        %dma_wait3A_311 = arith.constant 28160 : i32
        %dma_wait3A_312 = tpu.memref_slice %arg6[%select_n3A, %multiple_of3A, %dma_wait3A_311] : memref<26x32x100000xf32, #tpu.memory_space<hbm>> -> memref<1x8x5632xf32, #tpu.memory_space<hbm>>
        %dma_wait3A_313 = tpu.memref_squeeze %dma_wait3A_312 : memref<1x8x5632xf32, #tpu.memory_space<hbm>> -> memref<8x5632xf32, #tpu.memory_space<hbm>>
        %dma_wait3A_314 = arith.constant 0 : i32
        %dma_wait3A_315 = arith.constant 0 : i32
        %dma_wait3A_316 = tpu.memref_slice %arg9[%dma_wait3A_314, %dma_wait3A_315] : memref<8x5632xf32, #tpu.memory_space<vmem>> -> memref<8x5632xf32, #tpu.memory_space<vmem>>
        %dma_wait3A_317 = arith.constant 28160 : i32
        %dma_wait3A_318 = tpu.memref_slice %arg6[%select_n3A, %multiple_of3A, %dma_wait3A_317] : memref<26x32x100000xf32, #tpu.memory_space<hbm>> -> memref<1x8x5632xf32, #tpu.memory_space<hbm>>
        %dma_wait3A_319 = tpu.memref_squeeze %dma_wait3A_318 : memref<1x8x5632xf32, #tpu.memory_space<hbm>> -> memref<8x5632xf32, #tpu.memory_space<hbm>>
        tpu.wait_dma2 semaphore(%arg14 : memref<!tpu.dma_semaphore, #tpu.memory_space<semaphore_mem>>) src(%dma_wait3A_319 : memref<8x5632xf32, #tpu.memory_space<hbm>>) dst(%dma_wait3A_316 : memref<8x5632xf32, #tpu.memory_space<vmem>>)
        %slice3A_320 = vector.extract_strided_slice %get3A_62 {offsets = [5], sizes = [1], strides = [1]} : vector<16xi32> to vector<1xi32>
        %squeeze3A_321 = vector.extract %slice3A_320[0] : i32 from vector<1xi32>
        %shift_right_arithmetic3A_322 = arith.constant 4 : i32
        %shift_right_arithmetic3A_323 = arith.shrsi %squeeze3A_321, %shift_right_arithmetic3A_322 : i32
        %slice3A_324 = vector.extract_strided_slice %get3A_62 {offsets = [6], sizes = [1], strides = [1]} : vector<16xi32> to vector<1xi32>
        %squeeze3A_325 = vector.extract %slice3A_324[0] : i32 from vector<1xi32>
        %add3A_326 = arith.constant 15 : i32
        %add3A_327 = arith.addi %squeeze3A_325, %add3A_326 : i32
        %shift_right_arithmetic3A_328 = arith.constant 4 : i32
        %shift_right_arithmetic3A_329 = arith.shrsi %add3A_327, %shift_right_arithmetic3A_328 : i32
        %while3A_330 = arith.constant 0 : i32
        %while3A_331 = arith.subi %shift_right_arithmetic3A_329, %shift_right_arithmetic3A_323 : i32
        %while3A_332 = arith.addi %shift_right_arithmetic3A_323, %while3A_331 : i32
        %while3A_333 = arith.constant 1 : i32
        %while3A_334 = arith.divsi %while3A_331, %while3A_333 : i32
        %while3A_335 = arith.muli %while3A_334, %while3A_333 : i32
        %while3A_336 = arith.addi %shift_right_arithmetic3A_323, %while3A_335 : i32
        %while3A_337 = arith.constant 1 : i32
        %while3A_338 = scf.for %while3A_893 = %shift_right_arithmetic3A_323 to %while3A_336 step %while3A_337 iter_args(%while3A_894 = %while3A_330) -> (i32)  : i32 {
          %mul3A_895 = arith.constant 16 : i32
          %mul3A_896 = arith.muli %while3A_893, %mul3A_895 : i32
          %get3A_897 = arith.index_cast %mul3A_896 : i32 to index
          %get3A_898 = tpu.vector_load %arg10[%get3A_897] {strides = array<i32>} : memref<4096xi32, #tpu.memory_space<vmem>>, vector<16xi32>,
          %shift_right_logical3A = arith.constant 12 : i32
          %shift_right_logical3A_899 = vector.broadcast %shift_right_logical3A : i32 to vector<16xi32>
          %shift_right_logical3A_900 = arith.shrui %get3A_898, %shift_right_logical3A_899 : vector<16xi32>
          %and3A_901 = arith.constant 4095 : i32
          %and3A_902 = vector.broadcast %and3A_901 : i32 to vector<16xi32>
          %and3A_903 = arith.andi %get3A_898, %and3A_902 : vector<16xi32>
          %ge3A = arith.constant 28160 : i32
          %ge3A_904 = vector.broadcast %ge3A : i32 to vector<16xi32>
          %ge3A_905 = arith.cmpi sge, %shift_right_logical3A_900, %ge3A_904 : vector<16xi32>
          %lt3A_906 = arith.constant 33792 : i32
          %lt3A_907 = vector.broadcast %lt3A_906 : i32 to vector<16xi32>
          %lt3A_908 = arith.cmpi slt, %shift_right_logical3A_900, %lt3A_907 : vector<16xi32>
          %and3A_909 = arith.andi %ge3A_905, %lt3A_908 : vector<16xi1>
          %sub3A_910 = arith.constant 28160 : i32
          %sub3A_911 = vector.broadcast %sub3A_910 : i32 to vector<16xi32>
          %sub3A_912 = arith.subi %shift_right_logical3A_900, %sub3A_911 : vector<16xi32>
          %jit3A_913 = arith.constant 0 : i32
          %jit3A_914 = arith.constant 5631 : i32
          %max3A = vector.broadcast %jit3A_913 : i32 to vector<16xi32>
          %max3A_915 = arith.maxsi %max3A, %sub3A_912 : vector<16xi32>
          %min3A = vector.broadcast %jit3A_914 : i32 to vector<16xi32>
          %min3A_916 = arith.minsi %min3A, %max3A_915 : vector<16xi32>
          %broadcast_in_dim3A = arith.constant 0 : i32
          %broadcast_in_dim3A_917 = vector.broadcast %broadcast_in_dim3A : i32 to vector<16xi32>
          %gather3A = tpu.vector_load_idx %arg9[%broadcast_in_dim3A_917, %min3A_916] : memref<8x5632xf32, #tpu.memory_space<vmem>>[vector<16xi32>, vector<16xi32>], vector<16xf32>,
          tpu.vector_store_idx %arg12[%broadcast_in_dim3A_917, %and3A_903], %gather3A masked %and3A_909 : memref<8x4096xf32, #tpu.memory_space<vmem>>[vector<16xi32>, vector<16xi32>], vector<16xf32>, vector<16xi1>
          %broadcast_in_dim3A_918 = arith.constant 1 : i32
          %broadcast_in_dim3A_919 = vector.broadcast %broadcast_in_dim3A_918 : i32 to vector<16xi32>
          %gather3A_920 = tpu.vector_load_idx %arg9[%broadcast_in_dim3A_919, %min3A_916] : memref<8x5632xf32, #tpu.memory_space<vmem>>[vector<16xi32>, vector<16xi32>], vector<16xf32>,
          tpu.vector_store_idx %arg12[%broadcast_in_dim3A_919, %and3A_903], %gather3A_920 masked %and3A_909 : memref<8x4096xf32, #tpu.memory_space<vmem>>[vector<16xi32>, vector<16xi32>], vector<16xf32>, vector<16xi1>
          %broadcast_in_dim3A_921 = arith.constant 2 : i32
          %broadcast_in_dim3A_922 = vector.broadcast %broadcast_in_dim3A_921 : i32 to vector<16xi32>
          %gather3A_923 = tpu.vector_load_idx %arg9[%broadcast_in_dim3A_922, %min3A_916] : memref<8x5632xf32, #tpu.memory_space<vmem>>[vector<16xi32>, vector<16xi32>], vector<16xf32>,
          tpu.vector_store_idx %arg12[%broadcast_in_dim3A_922, %and3A_903], %gather3A_923 masked %and3A_909 : memref<8x4096xf32, #tpu.memory_space<vmem>>[vector<16xi32>, vector<16xi32>], vector<16xf32>, vector<16xi1>
          %broadcast_in_dim3A_924 = arith.constant 3 : i32
          %broadcast_in_dim3A_925 = vector.broadcast %broadcast_in_dim3A_924 : i32 to vector<16xi32>
          %gather3A_926 = tpu.vector_load_idx %arg9[%broadcast_in_dim3A_925, %min3A_916] : memref<8x5632xf32, #tpu.memory_space<vmem>>[vector<16xi32>, vector<16xi32>], vector<16xf32>,
          tpu.vector_store_idx %arg12[%broadcast_in_dim3A_925, %and3A_903], %gather3A_926 masked %and3A_909 : memref<8x4096xf32, #tpu.memory_space<vmem>>[vector<16xi32>, vector<16xi32>], vector<16xf32>, vector<16xi1>
          %broadcast_in_dim3A_927 = arith.constant 4 : i32
          %broadcast_in_dim3A_928 = vector.broadcast %broadcast_in_dim3A_927 : i32 to vector<16xi32>
          %gather3A_929 = tpu.vector_load_idx %arg9[%broadcast_in_dim3A_928, %min3A_916] : memref<8x5632xf32, #tpu.memory_space<vmem>>[vector<16xi32>, vector<16xi32>], vector<16xf32>,
          tpu.vector_store_idx %arg12[%broadcast_in_dim3A_928, %and3A_903], %gather3A_929 masked %and3A_909 : memref<8x4096xf32, #tpu.memory_space<vmem>>[vector<16xi32>, vector<16xi32>], vector<16xf32>, vector<16xi1>
          %broadcast_in_dim3A_930 = arith.constant 5 : i32
          %broadcast_in_dim3A_931 = vector.broadcast %broadcast_in_dim3A_930 : i32 to vector<16xi32>
          %gather3A_932 = tpu.vector_load_idx %arg9[%broadcast_in_dim3A_931, %min3A_916] : memref<8x5632xf32, #tpu.memory_space<vmem>>[vector<16xi32>, vector<16xi32>], vector<16xf32>,
          tpu.vector_store_idx %arg12[%broadcast_in_dim3A_931, %and3A_903], %gather3A_932 masked %and3A_909 : memref<8x4096xf32, #tpu.memory_space<vmem>>[vector<16xi32>, vector<16xi32>], vector<16xf32>, vector<16xi1>
          %broadcast_in_dim3A_933 = arith.constant 6 : i32
          %broadcast_in_dim3A_934 = vector.broadcast %broadcast_in_dim3A_933 : i32 to vector<16xi32>
          %gather3A_935 = tpu.vector_load_idx %arg9[%broadcast_in_dim3A_934, %min3A_916] : memref<8x5632xf32, #tpu.memory_space<vmem>>[vector<16xi32>, vector<16xi32>], vector<16xf32>,
          tpu.vector_store_idx %arg12[%broadcast_in_dim3A_934, %and3A_903], %gather3A_935 masked %and3A_909 : memref<8x4096xf32, #tpu.memory_space<vmem>>[vector<16xi32>, vector<16xi32>], vector<16xf32>, vector<16xi1>
          %broadcast_in_dim3A_936 = arith.constant 7 : i32
          %broadcast_in_dim3A_937 = vector.broadcast %broadcast_in_dim3A_936 : i32 to vector<16xi32>
          %gather3A_938 = tpu.vector_load_idx %arg9[%broadcast_in_dim3A_937, %min3A_916] : memref<8x5632xf32, #tpu.memory_space<vmem>>[vector<16xi32>, vector<16xi32>], vector<16xf32>,
          tpu.vector_store_idx %arg12[%broadcast_in_dim3A_937, %and3A_903], %gather3A_938 masked %and3A_909 : memref<8x4096xf32, #tpu.memory_space<vmem>>[vector<16xi32>, vector<16xi32>], vector<16xf32>, vector<16xi1>
          %while3A_939 = arith.constant 0 : i32
          scf.yield %while3A_939 : i32
        }
        %while3A_339 = arith.constant 1 : i32
        %while3A_340 = scf.for %while3A_893 = %while3A_336 to %while3A_332 step %while3A_339 iter_args(%while3A_894 = %while3A_338) -> (i32)  : i32 {
          %mul3A_895 = arith.constant 16 : i32
          %mul3A_896 = arith.muli %while3A_893, %mul3A_895 : i32
          %get3A_897 = arith.index_cast %mul3A_896 : i32 to index
          %get3A_898 = tpu.vector_load %arg10[%get3A_897] {strides = array<i32>} : memref<4096xi32, #tpu.memory_space<vmem>>, vector<16xi32>,
          %shift_right_logical3A = arith.constant 12 : i32
          %shift_right_logical3A_899 = vector.broadcast %shift_right_logical3A : i32 to vector<16xi32>
          %shift_right_logical3A_900 = arith.shrui %get3A_898, %shift_right_logical3A_899 : vector<16xi32>
          %and3A_901 = arith.constant 4095 : i32
          %and3A_902 = vector.broadcast %and3A_901 : i32 to vector<16xi32>
          %and3A_903 = arith.andi %get3A_898, %and3A_902 : vector<16xi32>
          %ge3A = arith.constant 28160 : i32
          %ge3A_904 = vector.broadcast %ge3A : i32 to vector<16xi32>
          %ge3A_905 = arith.cmpi sge, %shift_right_logical3A_900, %ge3A_904 : vector<16xi32>
          %lt3A_906 = arith.constant 33792 : i32
          %lt3A_907 = vector.broadcast %lt3A_906 : i32 to vector<16xi32>
          %lt3A_908 = arith.cmpi slt, %shift_right_logical3A_900, %lt3A_907 : vector<16xi32>
          %and3A_909 = arith.andi %ge3A_905, %lt3A_908 : vector<16xi1>
          %sub3A_910 = arith.constant 28160 : i32
          %sub3A_911 = vector.broadcast %sub3A_910 : i32 to vector<16xi32>
          %sub3A_912 = arith.subi %shift_right_logical3A_900, %sub3A_911 : vector<16xi32>
          %jit3A_913 = arith.constant 0 : i32
          %jit3A_914 = arith.constant 5631 : i32
          %max3A = vector.broadcast %jit3A_913 : i32 to vector<16xi32>
          %max3A_915 = arith.maxsi %max3A, %sub3A_912 : vector<16xi32>
          %min3A = vector.broadcast %jit3A_914 : i32 to vector<16xi32>
          %min3A_916 = arith.minsi %min3A, %max3A_915 : vector<16xi32>
          %broadcast_in_dim3A = arith.constant 0 : i32
          %broadcast_in_dim3A_917 = vector.broadcast %broadcast_in_dim3A : i32 to vector<16xi32>
          %gather3A = tpu.vector_load_idx %arg9[%broadcast_in_dim3A_917, %min3A_916] : memref<8x5632xf32, #tpu.memory_space<vmem>>[vector<16xi32>, vector<16xi32>], vector<16xf32>,
          tpu.vector_store_idx %arg12[%broadcast_in_dim3A_917, %and3A_903], %gather3A masked %and3A_909 : memref<8x4096xf32, #tpu.memory_space<vmem>>[vector<16xi32>, vector<16xi32>], vector<16xf32>, vector<16xi1>
          %broadcast_in_dim3A_918 = arith.constant 1 : i32
          %broadcast_in_dim3A_919 = vector.broadcast %broadcast_in_dim3A_918 : i32 to vector<16xi32>
          %gather3A_920 = tpu.vector_load_idx %arg9[%broadcast_in_dim3A_919, %min3A_916] : memref<8x5632xf32, #tpu.memory_space<vmem>>[vector<16xi32>, vector<16xi32>], vector<16xf32>,
          tpu.vector_store_idx %arg12[%broadcast_in_dim3A_919, %and3A_903], %gather3A_920 masked %and3A_909 : memref<8x4096xf32, #tpu.memory_space<vmem>>[vector<16xi32>, vector<16xi32>], vector<16xf32>, vector<16xi1>
          %broadcast_in_dim3A_921 = arith.constant 2 : i32
          %broadcast_in_dim3A_922 = vector.broadcast %broadcast_in_dim3A_921 : i32 to vector<16xi32>
          %gather3A_923 = tpu.vector_load_idx %arg9[%broadcast_in_dim3A_922, %min3A_916] : memref<8x5632xf32, #tpu.memory_space<vmem>>[vector<16xi32>, vector<16xi32>], vector<16xf32>,
          tpu.vector_store_idx %arg12[%broadcast_in_dim3A_922, %and3A_903], %gather3A_923 masked %and3A_909 : memref<8x4096xf32, #tpu.memory_space<vmem>>[vector<16xi32>, vector<16xi32>], vector<16xf32>, vector<16xi1>
          %broadcast_in_dim3A_924 = arith.constant 3 : i32
          %broadcast_in_dim3A_925 = vector.broadcast %broadcast_in_dim3A_924 : i32 to vector<16xi32>
          %gather3A_926 = tpu.vector_load_idx %arg9[%broadcast_in_dim3A_925, %min3A_916] : memref<8x5632xf32, #tpu.memory_space<vmem>>[vector<16xi32>, vector<16xi32>], vector<16xf32>,
          tpu.vector_store_idx %arg12[%broadcast_in_dim3A_925, %and3A_903], %gather3A_926 masked %and3A_909 : memref<8x4096xf32, #tpu.memory_space<vmem>>[vector<16xi32>, vector<16xi32>], vector<16xf32>, vector<16xi1>
          %broadcast_in_dim3A_927 = arith.constant 4 : i32
          %broadcast_in_dim3A_928 = vector.broadcast %broadcast_in_dim3A_927 : i32 to vector<16xi32>
          %gather3A_929 = tpu.vector_load_idx %arg9[%broadcast_in_dim3A_928, %min3A_916] : memref<8x5632xf32, #tpu.memory_space<vmem>>[vector<16xi32>, vector<16xi32>], vector<16xf32>,
          tpu.vector_store_idx %arg12[%broadcast_in_dim3A_928, %and3A_903], %gather3A_929 masked %and3A_909 : memref<8x4096xf32, #tpu.memory_space<vmem>>[vector<16xi32>, vector<16xi32>], vector<16xf32>, vector<16xi1>
          %broadcast_in_dim3A_930 = arith.constant 5 : i32
          %broadcast_in_dim3A_931 = vector.broadcast %broadcast_in_dim3A_930 : i32 to vector<16xi32>
          %gather3A_932 = tpu.vector_load_idx %arg9[%broadcast_in_dim3A_931, %min3A_916] : memref<8x5632xf32, #tpu.memory_space<vmem>>[vector<16xi32>, vector<16xi32>], vector<16xf32>,
          tpu.vector_store_idx %arg12[%broadcast_in_dim3A_931, %and3A_903], %gather3A_932 masked %and3A_909 : memref<8x4096xf32, #tpu.memory_space<vmem>>[vector<16xi32>, vector<16xi32>], vector<16xf32>, vector<16xi1>
          %broadcast_in_dim3A_933 = arith.constant 6 : i32
          %broadcast_in_dim3A_934 = vector.broadcast %broadcast_in_dim3A_933 : i32 to vector<16xi32>
          %gather3A_935 = tpu.vector_load_idx %arg9[%broadcast_in_dim3A_934, %min3A_916] : memref<8x5632xf32, #tpu.memory_space<vmem>>[vector<16xi32>, vector<16xi32>], vector<16xf32>,
          tpu.vector_store_idx %arg12[%broadcast_in_dim3A_934, %and3A_903], %gather3A_935 masked %and3A_909 : memref<8x4096xf32, #tpu.memory_space<vmem>>[vector<16xi32>, vector<16xi32>], vector<16xf32>, vector<16xi1>
          %broadcast_in_dim3A_936 = arith.constant 7 : i32
          %broadcast_in_dim3A_937 = vector.broadcast %broadcast_in_dim3A_936 : i32 to vector<16xi32>
          %gather3A_938 = tpu.vector_load_idx %arg9[%broadcast_in_dim3A_937, %min3A_916] : memref<8x5632xf32, #tpu.memory_space<vmem>>[vector<16xi32>, vector<16xi32>], vector<16xf32>,
          tpu.vector_store_idx %arg12[%broadcast_in_dim3A_937, %and3A_903], %gather3A_938 masked %and3A_909 : memref<8x4096xf32, #tpu.memory_space<vmem>>[vector<16xi32>, vector<16xi32>], vector<16xf32>, vector<16xi1>
          %while3A_939 = arith.constant 0 : i32
          scf.yield %while3A_939 : i32
        }
        %dma_start3A_341 = arith.constant 0 : i32
        %dma_start3A_342 = arith.constant 0 : i32
        %dma_start3A_343 = tpu.memref_slice %arg9[%dma_start3A_341, %dma_start3A_342] : memref<8x5632xf32, #tpu.memory_space<vmem>> -> memref<8x5632xf32, #tpu.memory_space<vmem>>
        %dma_start3A_344 = arith.constant 39424 : i32
        %dma_start3A_345 = tpu.memref_slice %arg6[%select_n3A, %multiple_of3A, %dma_start3A_344] : memref<26x32x100000xf32, #tpu.memory_space<hbm>> -> memref<1x8x5632xf32, #tpu.memory_space<hbm>>
        %dma_start3A_346 = tpu.memref_squeeze %dma_start3A_345 : memref<1x8x5632xf32, #tpu.memory_space<hbm>> -> memref<8x5632xf32, #tpu.memory_space<hbm>>
        %dma_start3A_347 = arith.constant 0 : i32
        %dma_start3A_348 = arith.constant 0 : i32
        %dma_start3A_349 = tpu.memref_slice %arg9[%dma_start3A_347, %dma_start3A_348] : memref<8x5632xf32, #tpu.memory_space<vmem>> -> memref<8x5632xf32, #tpu.memory_space<vmem>>
        %dma_start3A_350 = arith.constant 39424 : i32
        %dma_start3A_351 = tpu.memref_slice %arg6[%select_n3A, %multiple_of3A, %dma_start3A_350] : memref<26x32x100000xf32, #tpu.memory_space<hbm>> -> memref<1x8x5632xf32, #tpu.memory_space<hbm>>
        %dma_start3A_352 = tpu.memref_squeeze %dma_start3A_351 : memref<1x8x5632xf32, #tpu.memory_space<hbm>> -> memref<8x5632xf32, #tpu.memory_space<hbm>>
        tpu.enqueue_dma source(%dma_start3A_352 : memref<8x5632xf32, #tpu.memory_space<hbm>>) target(%dma_start3A_349 : memref<8x5632xf32, #tpu.memory_space<vmem>>) target_semaphore(%arg14 : memref<!tpu.dma_semaphore, #tpu.memory_space<semaphore_mem>>)
        %dma_wait3A_353 = arith.constant 0 : i32
        %dma_wait3A_354 = arith.constant 0 : i32
        %dma_wait3A_355 = tpu.memref_slice %arg8[%dma_wait3A_353, %dma_wait3A_354] : memref<8x5632xf32, #tpu.memory_space<vmem>> -> memref<8x5632xf32, #tpu.memory_space<vmem>>
        %dma_wait3A_356 = arith.constant 33792 : i32
        %dma_wait3A_357 = tpu.memref_slice %arg6[%select_n3A, %multiple_of3A, %dma_wait3A_356] : memref<26x32x100000xf32, #tpu.memory_space<hbm>> -> memref<1x8x5632xf32, #tpu.memory_space<hbm>>
        %dma_wait3A_358 = tpu.memref_squeeze %dma_wait3A_357 : memref<1x8x5632xf32, #tpu.memory_space<hbm>> -> memref<8x5632xf32, #tpu.memory_space<hbm>>
        %dma_wait3A_359 = arith.constant 0 : i32
        %dma_wait3A_360 = arith.constant 0 : i32
        %dma_wait3A_361 = tpu.memref_slice %arg8[%dma_wait3A_359, %dma_wait3A_360] : memref<8x5632xf32, #tpu.memory_space<vmem>> -> memref<8x5632xf32, #tpu.memory_space<vmem>>
        %dma_wait3A_362 = arith.constant 33792 : i32
        %dma_wait3A_363 = tpu.memref_slice %arg6[%select_n3A, %multiple_of3A, %dma_wait3A_362] : memref<26x32x100000xf32, #tpu.memory_space<hbm>> -> memref<1x8x5632xf32, #tpu.memory_space<hbm>>
        %dma_wait3A_364 = tpu.memref_squeeze %dma_wait3A_363 : memref<1x8x5632xf32, #tpu.memory_space<hbm>> -> memref<8x5632xf32, #tpu.memory_space<hbm>>
        tpu.wait_dma2 semaphore(%arg13 : memref<!tpu.dma_semaphore, #tpu.memory_space<semaphore_mem>>) src(%dma_wait3A_364 : memref<8x5632xf32, #tpu.memory_space<hbm>>) dst(%dma_wait3A_361 : memref<8x5632xf32, #tpu.memory_space<vmem>>)
        %slice3A_365 = vector.extract_strided_slice %get3A_62 {offsets = [6], sizes = [1], strides = [1]} : vector<16xi32> to vector<1xi32>
        %squeeze3A_366 = vector.extract %slice3A_365[0] : i32 from vector<1xi32>
        %shift_right_arithmetic3A_367 = arith.constant 4 : i32
        %shift_right_arithmetic3A_368 = arith.shrsi %squeeze3A_366, %shift_right_arithmetic3A_367 : i32
        %slice3A_369 = vector.extract_strided_slice %get3A_62 {offsets = [7], sizes = [1], strides = [1]} : vector<16xi32> to vector<1xi32>
        %squeeze3A_370 = vector.extract %slice3A_369[0] : i32 from vector<1xi32>
        %add3A_371 = arith.constant 15 : i32
        %add3A_372 = arith.addi %squeeze3A_370, %add3A_371 : i32
        %shift_right_arithmetic3A_373 = arith.constant 4 : i32
        %shift_right_arithmetic3A_374 = arith.shrsi %add3A_372, %shift_right_arithmetic3A_373 : i32
        %while3A_375 = arith.constant 0 : i32
        %while3A_376 = arith.subi %shift_right_arithmetic3A_374, %shift_right_arithmetic3A_368 : i32
        %while3A_377 = arith.addi %shift_right_arithmetic3A_368, %while3A_376 : i32
        %while3A_378 = arith.constant 1 : i32
        %while3A_379 = arith.divsi %while3A_376, %while3A_378 : i32
        %while3A_380 = arith.muli %while3A_379, %while3A_378 : i32
        %while3A_381 = arith.addi %shift_right_arithmetic3A_368, %while3A_380 : i32
        %while3A_382 = arith.constant 1 : i32
        %while3A_383 = scf.for %while3A_893 = %shift_right_arithmetic3A_368 to %while3A_381 step %while3A_382 iter_args(%while3A_894 = %while3A_375) -> (i32)  : i32 {
          %mul3A_895 = arith.constant 16 : i32
          %mul3A_896 = arith.muli %while3A_893, %mul3A_895 : i32
          %get3A_897 = arith.index_cast %mul3A_896 : i32 to index
          %get3A_898 = tpu.vector_load %arg10[%get3A_897] {strides = array<i32>} : memref<4096xi32, #tpu.memory_space<vmem>>, vector<16xi32>,
          %shift_right_logical3A = arith.constant 12 : i32
          %shift_right_logical3A_899 = vector.broadcast %shift_right_logical3A : i32 to vector<16xi32>
          %shift_right_logical3A_900 = arith.shrui %get3A_898, %shift_right_logical3A_899 : vector<16xi32>
          %and3A_901 = arith.constant 4095 : i32
          %and3A_902 = vector.broadcast %and3A_901 : i32 to vector<16xi32>
          %and3A_903 = arith.andi %get3A_898, %and3A_902 : vector<16xi32>
          %ge3A = arith.constant 33792 : i32
          %ge3A_904 = vector.broadcast %ge3A : i32 to vector<16xi32>
          %ge3A_905 = arith.cmpi sge, %shift_right_logical3A_900, %ge3A_904 : vector<16xi32>
          %lt3A_906 = arith.constant 39424 : i32
          %lt3A_907 = vector.broadcast %lt3A_906 : i32 to vector<16xi32>
          %lt3A_908 = arith.cmpi slt, %shift_right_logical3A_900, %lt3A_907 : vector<16xi32>
          %and3A_909 = arith.andi %ge3A_905, %lt3A_908 : vector<16xi1>
          %sub3A_910 = arith.constant 33792 : i32
          %sub3A_911 = vector.broadcast %sub3A_910 : i32 to vector<16xi32>
          %sub3A_912 = arith.subi %shift_right_logical3A_900, %sub3A_911 : vector<16xi32>
          %jit3A_913 = arith.constant 0 : i32
          %jit3A_914 = arith.constant 5631 : i32
          %max3A = vector.broadcast %jit3A_913 : i32 to vector<16xi32>
          %max3A_915 = arith.maxsi %max3A, %sub3A_912 : vector<16xi32>
          %min3A = vector.broadcast %jit3A_914 : i32 to vector<16xi32>
          %min3A_916 = arith.minsi %min3A, %max3A_915 : vector<16xi32>
          %broadcast_in_dim3A = arith.constant 0 : i32
          %broadcast_in_dim3A_917 = vector.broadcast %broadcast_in_dim3A : i32 to vector<16xi32>
          %gather3A = tpu.vector_load_idx %arg8[%broadcast_in_dim3A_917, %min3A_916] : memref<8x5632xf32, #tpu.memory_space<vmem>>[vector<16xi32>, vector<16xi32>], vector<16xf32>,
          tpu.vector_store_idx %arg12[%broadcast_in_dim3A_917, %and3A_903], %gather3A masked %and3A_909 : memref<8x4096xf32, #tpu.memory_space<vmem>>[vector<16xi32>, vector<16xi32>], vector<16xf32>, vector<16xi1>
          %broadcast_in_dim3A_918 = arith.constant 1 : i32
          %broadcast_in_dim3A_919 = vector.broadcast %broadcast_in_dim3A_918 : i32 to vector<16xi32>
          %gather3A_920 = tpu.vector_load_idx %arg8[%broadcast_in_dim3A_919, %min3A_916] : memref<8x5632xf32, #tpu.memory_space<vmem>>[vector<16xi32>, vector<16xi32>], vector<16xf32>,
          tpu.vector_store_idx %arg12[%broadcast_in_dim3A_919, %and3A_903], %gather3A_920 masked %and3A_909 : memref<8x4096xf32, #tpu.memory_space<vmem>>[vector<16xi32>, vector<16xi32>], vector<16xf32>, vector<16xi1>
          %broadcast_in_dim3A_921 = arith.constant 2 : i32
          %broadcast_in_dim3A_922 = vector.broadcast %broadcast_in_dim3A_921 : i32 to vector<16xi32>
          %gather3A_923 = tpu.vector_load_idx %arg8[%broadcast_in_dim3A_922, %min3A_916] : memref<8x5632xf32, #tpu.memory_space<vmem>>[vector<16xi32>, vector<16xi32>], vector<16xf32>,
          tpu.vector_store_idx %arg12[%broadcast_in_dim3A_922, %and3A_903], %gather3A_923 masked %and3A_909 : memref<8x4096xf32, #tpu.memory_space<vmem>>[vector<16xi32>, vector<16xi32>], vector<16xf32>, vector<16xi1>
          %broadcast_in_dim3A_924 = arith.constant 3 : i32
          %broadcast_in_dim3A_925 = vector.broadcast %broadcast_in_dim3A_924 : i32 to vector<16xi32>
          %gather3A_926 = tpu.vector_load_idx %arg8[%broadcast_in_dim3A_925, %min3A_916] : memref<8x5632xf32, #tpu.memory_space<vmem>>[vector<16xi32>, vector<16xi32>], vector<16xf32>,
          tpu.vector_store_idx %arg12[%broadcast_in_dim3A_925, %and3A_903], %gather3A_926 masked %and3A_909 : memref<8x4096xf32, #tpu.memory_space<vmem>>[vector<16xi32>, vector<16xi32>], vector<16xf32>, vector<16xi1>
          %broadcast_in_dim3A_927 = arith.constant 4 : i32
          %broadcast_in_dim3A_928 = vector.broadcast %broadcast_in_dim3A_927 : i32 to vector<16xi32>
          %gather3A_929 = tpu.vector_load_idx %arg8[%broadcast_in_dim3A_928, %min3A_916] : memref<8x5632xf32, #tpu.memory_space<vmem>>[vector<16xi32>, vector<16xi32>], vector<16xf32>,
          tpu.vector_store_idx %arg12[%broadcast_in_dim3A_928, %and3A_903], %gather3A_929 masked %and3A_909 : memref<8x4096xf32, #tpu.memory_space<vmem>>[vector<16xi32>, vector<16xi32>], vector<16xf32>, vector<16xi1>
          %broadcast_in_dim3A_930 = arith.constant 5 : i32
          %broadcast_in_dim3A_931 = vector.broadcast %broadcast_in_dim3A_930 : i32 to vector<16xi32>
          %gather3A_932 = tpu.vector_load_idx %arg8[%broadcast_in_dim3A_931, %min3A_916] : memref<8x5632xf32, #tpu.memory_space<vmem>>[vector<16xi32>, vector<16xi32>], vector<16xf32>,
          tpu.vector_store_idx %arg12[%broadcast_in_dim3A_931, %and3A_903], %gather3A_932 masked %and3A_909 : memref<8x4096xf32, #tpu.memory_space<vmem>>[vector<16xi32>, vector<16xi32>], vector<16xf32>, vector<16xi1>
          %broadcast_in_dim3A_933 = arith.constant 6 : i32
          %broadcast_in_dim3A_934 = vector.broadcast %broadcast_in_dim3A_933 : i32 to vector<16xi32>
          %gather3A_935 = tpu.vector_load_idx %arg8[%broadcast_in_dim3A_934, %min3A_916] : memref<8x5632xf32, #tpu.memory_space<vmem>>[vector<16xi32>, vector<16xi32>], vector<16xf32>,
          tpu.vector_store_idx %arg12[%broadcast_in_dim3A_934, %and3A_903], %gather3A_935 masked %and3A_909 : memref<8x4096xf32, #tpu.memory_space<vmem>>[vector<16xi32>, vector<16xi32>], vector<16xf32>, vector<16xi1>
          %broadcast_in_dim3A_936 = arith.constant 7 : i32
          %broadcast_in_dim3A_937 = vector.broadcast %broadcast_in_dim3A_936 : i32 to vector<16xi32>
          %gather3A_938 = tpu.vector_load_idx %arg8[%broadcast_in_dim3A_937, %min3A_916] : memref<8x5632xf32, #tpu.memory_space<vmem>>[vector<16xi32>, vector<16xi32>], vector<16xf32>,
          tpu.vector_store_idx %arg12[%broadcast_in_dim3A_937, %and3A_903], %gather3A_938 masked %and3A_909 : memref<8x4096xf32, #tpu.memory_space<vmem>>[vector<16xi32>, vector<16xi32>], vector<16xf32>, vector<16xi1>
          %while3A_939 = arith.constant 0 : i32
          scf.yield %while3A_939 : i32
        }
        %while3A_384 = arith.constant 1 : i32
        %while3A_385 = scf.for %while3A_893 = %while3A_381 to %while3A_377 step %while3A_384 iter_args(%while3A_894 = %while3A_383) -> (i32)  : i32 {
          %mul3A_895 = arith.constant 16 : i32
          %mul3A_896 = arith.muli %while3A_893, %mul3A_895 : i32
          %get3A_897 = arith.index_cast %mul3A_896 : i32 to index
          %get3A_898 = tpu.vector_load %arg10[%get3A_897] {strides = array<i32>} : memref<4096xi32, #tpu.memory_space<vmem>>, vector<16xi32>,
          %shift_right_logical3A = arith.constant 12 : i32
          %shift_right_logical3A_899 = vector.broadcast %shift_right_logical3A : i32 to vector<16xi32>
          %shift_right_logical3A_900 = arith.shrui %get3A_898, %shift_right_logical3A_899 : vector<16xi32>
          %and3A_901 = arith.constant 4095 : i32
          %and3A_902 = vector.broadcast %and3A_901 : i32 to vector<16xi32>
          %and3A_903 = arith.andi %get3A_898, %and3A_902 : vector<16xi32>
          %ge3A = arith.constant 33792 : i32
          %ge3A_904 = vector.broadcast %ge3A : i32 to vector<16xi32>
          %ge3A_905 = arith.cmpi sge, %shift_right_logical3A_900, %ge3A_904 : vector<16xi32>
          %lt3A_906 = arith.constant 39424 : i32
          %lt3A_907 = vector.broadcast %lt3A_906 : i32 to vector<16xi32>
          %lt3A_908 = arith.cmpi slt, %shift_right_logical3A_900, %lt3A_907 : vector<16xi32>
          %and3A_909 = arith.andi %ge3A_905, %lt3A_908 : vector<16xi1>
          %sub3A_910 = arith.constant 33792 : i32
          %sub3A_911 = vector.broadcast %sub3A_910 : i32 to vector<16xi32>
          %sub3A_912 = arith.subi %shift_right_logical3A_900, %sub3A_911 : vector<16xi32>
          %jit3A_913 = arith.constant 0 : i32
          %jit3A_914 = arith.constant 5631 : i32
          %max3A = vector.broadcast %jit3A_913 : i32 to vector<16xi32>
          %max3A_915 = arith.maxsi %max3A, %sub3A_912 : vector<16xi32>
          %min3A = vector.broadcast %jit3A_914 : i32 to vector<16xi32>
          %min3A_916 = arith.minsi %min3A, %max3A_915 : vector<16xi32>
          %broadcast_in_dim3A = arith.constant 0 : i32
          %broadcast_in_dim3A_917 = vector.broadcast %broadcast_in_dim3A : i32 to vector<16xi32>
          %gather3A = tpu.vector_load_idx %arg8[%broadcast_in_dim3A_917, %min3A_916] : memref<8x5632xf32, #tpu.memory_space<vmem>>[vector<16xi32>, vector<16xi32>], vector<16xf32>,
          tpu.vector_store_idx %arg12[%broadcast_in_dim3A_917, %and3A_903], %gather3A masked %and3A_909 : memref<8x4096xf32, #tpu.memory_space<vmem>>[vector<16xi32>, vector<16xi32>], vector<16xf32>, vector<16xi1>
          %broadcast_in_dim3A_918 = arith.constant 1 : i32
          %broadcast_in_dim3A_919 = vector.broadcast %broadcast_in_dim3A_918 : i32 to vector<16xi32>
          %gather3A_920 = tpu.vector_load_idx %arg8[%broadcast_in_dim3A_919, %min3A_916] : memref<8x5632xf32, #tpu.memory_space<vmem>>[vector<16xi32>, vector<16xi32>], vector<16xf32>,
          tpu.vector_store_idx %arg12[%broadcast_in_dim3A_919, %and3A_903], %gather3A_920 masked %and3A_909 : memref<8x4096xf32, #tpu.memory_space<vmem>>[vector<16xi32>, vector<16xi32>], vector<16xf32>, vector<16xi1>
          %broadcast_in_dim3A_921 = arith.constant 2 : i32
          %broadcast_in_dim3A_922 = vector.broadcast %broadcast_in_dim3A_921 : i32 to vector<16xi32>
          %gather3A_923 = tpu.vector_load_idx %arg8[%broadcast_in_dim3A_922, %min3A_916] : memref<8x5632xf32, #tpu.memory_space<vmem>>[vector<16xi32>, vector<16xi32>], vector<16xf32>,
          tpu.vector_store_idx %arg12[%broadcast_in_dim3A_922, %and3A_903], %gather3A_923 masked %and3A_909 : memref<8x4096xf32, #tpu.memory_space<vmem>>[vector<16xi32>, vector<16xi32>], vector<16xf32>, vector<16xi1>
          %broadcast_in_dim3A_924 = arith.constant 3 : i32
          %broadcast_in_dim3A_925 = vector.broadcast %broadcast_in_dim3A_924 : i32 to vector<16xi32>
          %gather3A_926 = tpu.vector_load_idx %arg8[%broadcast_in_dim3A_925, %min3A_916] : memref<8x5632xf32, #tpu.memory_space<vmem>>[vector<16xi32>, vector<16xi32>], vector<16xf32>,
          tpu.vector_store_idx %arg12[%broadcast_in_dim3A_925, %and3A_903], %gather3A_926 masked %and3A_909 : memref<8x4096xf32, #tpu.memory_space<vmem>>[vector<16xi32>, vector<16xi32>], vector<16xf32>, vector<16xi1>
          %broadcast_in_dim3A_927 = arith.constant 4 : i32
          %broadcast_in_dim3A_928 = vector.broadcast %broadcast_in_dim3A_927 : i32 to vector<16xi32>
          %gather3A_929 = tpu.vector_load_idx %arg8[%broadcast_in_dim3A_928, %min3A_916] : memref<8x5632xf32, #tpu.memory_space<vmem>>[vector<16xi32>, vector<16xi32>], vector<16xf32>,
          tpu.vector_store_idx %arg12[%broadcast_in_dim3A_928, %and3A_903], %gather3A_929 masked %and3A_909 : memref<8x4096xf32, #tpu.memory_space<vmem>>[vector<16xi32>, vector<16xi32>], vector<16xf32>, vector<16xi1>
          %broadcast_in_dim3A_930 = arith.constant 5 : i32
          %broadcast_in_dim3A_931 = vector.broadcast %broadcast_in_dim3A_930 : i32 to vector<16xi32>
          %gather3A_932 = tpu.vector_load_idx %arg8[%broadcast_in_dim3A_931, %min3A_916] : memref<8x5632xf32, #tpu.memory_space<vmem>>[vector<16xi32>, vector<16xi32>], vector<16xf32>,
          tpu.vector_store_idx %arg12[%broadcast_in_dim3A_931, %and3A_903], %gather3A_932 masked %and3A_909 : memref<8x4096xf32, #tpu.memory_space<vmem>>[vector<16xi32>, vector<16xi32>], vector<16xf32>, vector<16xi1>
          %broadcast_in_dim3A_933 = arith.constant 6 : i32
          %broadcast_in_dim3A_934 = vector.broadcast %broadcast_in_dim3A_933 : i32 to vector<16xi32>
          %gather3A_935 = tpu.vector_load_idx %arg8[%broadcast_in_dim3A_934, %min3A_916] : memref<8x5632xf32, #tpu.memory_space<vmem>>[vector<16xi32>, vector<16xi32>], vector<16xf32>,
          tpu.vector_store_idx %arg12[%broadcast_in_dim3A_934, %and3A_903], %gather3A_935 masked %and3A_909 : memref<8x4096xf32, #tpu.memory_space<vmem>>[vector<16xi32>, vector<16xi32>], vector<16xf32>, vector<16xi1>
          %broadcast_in_dim3A_936 = arith.constant 7 : i32
          %broadcast_in_dim3A_937 = vector.broadcast %broadcast_in_dim3A_936 : i32 to vector<16xi32>
          %gather3A_938 = tpu.vector_load_idx %arg8[%broadcast_in_dim3A_937, %min3A_916] : memref<8x5632xf32, #tpu.memory_space<vmem>>[vector<16xi32>, vector<16xi32>], vector<16xf32>,
          tpu.vector_store_idx %arg12[%broadcast_in_dim3A_937, %and3A_903], %gather3A_938 masked %and3A_909 : memref<8x4096xf32, #tpu.memory_space<vmem>>[vector<16xi32>, vector<16xi32>], vector<16xf32>, vector<16xi1>
          %while3A_939 = arith.constant 0 : i32
          scf.yield %while3A_939 : i32
        }
        %dma_start3A_386 = arith.constant 0 : i32
        %dma_start3A_387 = arith.constant 0 : i32
        %dma_start3A_388 = tpu.memref_slice %arg8[%dma_start3A_386, %dma_start3A_387] : memref<8x5632xf32, #tpu.memory_space<vmem>> -> memref<8x5632xf32, #tpu.memory_space<vmem>>
        %dma_start3A_389 = arith.constant 45056 : i32
        %dma_start3A_390 = tpu.memref_slice %arg6[%select_n3A, %multiple_of3A, %dma_start3A_389] : memref<26x32x100000xf32, #tpu.memory_space<hbm>> -> memref<1x8x5632xf32, #tpu.memory_space<hbm>>
        %dma_start3A_391 = tpu.memref_squeeze %dma_start3A_390 : memref<1x8x5632xf32, #tpu.memory_space<hbm>> -> memref<8x5632xf32, #tpu.memory_space<hbm>>
        %dma_start3A_392 = arith.constant 0 : i32
        %dma_start3A_393 = arith.constant 0 : i32
        %dma_start3A_394 = tpu.memref_slice %arg8[%dma_start3A_392, %dma_start3A_393] : memref<8x5632xf32, #tpu.memory_space<vmem>> -> memref<8x5632xf32, #tpu.memory_space<vmem>>
        %dma_start3A_395 = arith.constant 45056 : i32
        %dma_start3A_396 = tpu.memref_slice %arg6[%select_n3A, %multiple_of3A, %dma_start3A_395] : memref<26x32x100000xf32, #tpu.memory_space<hbm>> -> memref<1x8x5632xf32, #tpu.memory_space<hbm>>
        %dma_start3A_397 = tpu.memref_squeeze %dma_start3A_396 : memref<1x8x5632xf32, #tpu.memory_space<hbm>> -> memref<8x5632xf32, #tpu.memory_space<hbm>>
        tpu.enqueue_dma source(%dma_start3A_397 : memref<8x5632xf32, #tpu.memory_space<hbm>>) target(%dma_start3A_394 : memref<8x5632xf32, #tpu.memory_space<vmem>>) target_semaphore(%arg13 : memref<!tpu.dma_semaphore, #tpu.memory_space<semaphore_mem>>)
        %dma_wait3A_398 = arith.constant 0 : i32
        %dma_wait3A_399 = arith.constant 0 : i32
        %dma_wait3A_400 = tpu.memref_slice %arg9[%dma_wait3A_398, %dma_wait3A_399] : memref<8x5632xf32, #tpu.memory_space<vmem>> -> memref<8x5632xf32, #tpu.memory_space<vmem>>
        %dma_wait3A_401 = arith.constant 39424 : i32
        %dma_wait3A_402 = tpu.memref_slice %arg6[%select_n3A, %multiple_of3A, %dma_wait3A_401] : memref<26x32x100000xf32, #tpu.memory_space<hbm>> -> memref<1x8x5632xf32, #tpu.memory_space<hbm>>
        %dma_wait3A_403 = tpu.memref_squeeze %dma_wait3A_402 : memref<1x8x5632xf32, #tpu.memory_space<hbm>> -> memref<8x5632xf32, #tpu.memory_space<hbm>>
        %dma_wait3A_404 = arith.constant 0 : i32
        %dma_wait3A_405 = arith.constant 0 : i32
        %dma_wait3A_406 = tpu.memref_slice %arg9[%dma_wait3A_404, %dma_wait3A_405] : memref<8x5632xf32, #tpu.memory_space<vmem>> -> memref<8x5632xf32, #tpu.memory_space<vmem>>
        %dma_wait3A_407 = arith.constant 39424 : i32
        %dma_wait3A_408 = tpu.memref_slice %arg6[%select_n3A, %multiple_of3A, %dma_wait3A_407] : memref<26x32x100000xf32, #tpu.memory_space<hbm>> -> memref<1x8x5632xf32, #tpu.memory_space<hbm>>
        %dma_wait3A_409 = tpu.memref_squeeze %dma_wait3A_408 : memref<1x8x5632xf32, #tpu.memory_space<hbm>> -> memref<8x5632xf32, #tpu.memory_space<hbm>>
        tpu.wait_dma2 semaphore(%arg14 : memref<!tpu.dma_semaphore, #tpu.memory_space<semaphore_mem>>) src(%dma_wait3A_409 : memref<8x5632xf32, #tpu.memory_space<hbm>>) dst(%dma_wait3A_406 : memref<8x5632xf32, #tpu.memory_space<vmem>>)
        %slice3A_410 = vector.extract_strided_slice %get3A_62 {offsets = [7], sizes = [1], strides = [1]} : vector<16xi32> to vector<1xi32>
        %squeeze3A_411 = vector.extract %slice3A_410[0] : i32 from vector<1xi32>
        %shift_right_arithmetic3A_412 = arith.constant 4 : i32
        %shift_right_arithmetic3A_413 = arith.shrsi %squeeze3A_411, %shift_right_arithmetic3A_412 : i32
        %slice3A_414 = vector.extract_strided_slice %get3A_62 {offsets = [8], sizes = [1], strides = [1]} : vector<16xi32> to vector<1xi32>
        %squeeze3A_415 = vector.extract %slice3A_414[0] : i32 from vector<1xi32>
        %add3A_416 = arith.constant 15 : i32
        %add3A_417 = arith.addi %squeeze3A_415, %add3A_416 : i32
        %shift_right_arithmetic3A_418 = arith.constant 4 : i32
        %shift_right_arithmetic3A_419 = arith.shrsi %add3A_417, %shift_right_arithmetic3A_418 : i32
        %while3A_420 = arith.constant 0 : i32
        %while3A_421 = arith.subi %shift_right_arithmetic3A_419, %shift_right_arithmetic3A_413 : i32
        %while3A_422 = arith.addi %shift_right_arithmetic3A_413, %while3A_421 : i32
        %while3A_423 = arith.constant 1 : i32
        %while3A_424 = arith.divsi %while3A_421, %while3A_423 : i32
        %while3A_425 = arith.muli %while3A_424, %while3A_423 : i32
        %while3A_426 = arith.addi %shift_right_arithmetic3A_413, %while3A_425 : i32
        %while3A_427 = arith.constant 1 : i32
        %while3A_428 = scf.for %while3A_893 = %shift_right_arithmetic3A_413 to %while3A_426 step %while3A_427 iter_args(%while3A_894 = %while3A_420) -> (i32)  : i32 {
          %mul3A_895 = arith.constant 16 : i32
          %mul3A_896 = arith.muli %while3A_893, %mul3A_895 : i32
          %get3A_897 = arith.index_cast %mul3A_896 : i32 to index
          %get3A_898 = tpu.vector_load %arg10[%get3A_897] {strides = array<i32>} : memref<4096xi32, #tpu.memory_space<vmem>>, vector<16xi32>,
          %shift_right_logical3A = arith.constant 12 : i32
          %shift_right_logical3A_899 = vector.broadcast %shift_right_logical3A : i32 to vector<16xi32>
          %shift_right_logical3A_900 = arith.shrui %get3A_898, %shift_right_logical3A_899 : vector<16xi32>
          %and3A_901 = arith.constant 4095 : i32
          %and3A_902 = vector.broadcast %and3A_901 : i32 to vector<16xi32>
          %and3A_903 = arith.andi %get3A_898, %and3A_902 : vector<16xi32>
          %ge3A = arith.constant 39424 : i32
          %ge3A_904 = vector.broadcast %ge3A : i32 to vector<16xi32>
          %ge3A_905 = arith.cmpi sge, %shift_right_logical3A_900, %ge3A_904 : vector<16xi32>
          %lt3A_906 = arith.constant 45056 : i32
          %lt3A_907 = vector.broadcast %lt3A_906 : i32 to vector<16xi32>
          %lt3A_908 = arith.cmpi slt, %shift_right_logical3A_900, %lt3A_907 : vector<16xi32>
          %and3A_909 = arith.andi %ge3A_905, %lt3A_908 : vector<16xi1>
          %sub3A_910 = arith.constant 39424 : i32
          %sub3A_911 = vector.broadcast %sub3A_910 : i32 to vector<16xi32>
          %sub3A_912 = arith.subi %shift_right_logical3A_900, %sub3A_911 : vector<16xi32>
          %jit3A_913 = arith.constant 0 : i32
          %jit3A_914 = arith.constant 5631 : i32
          %max3A = vector.broadcast %jit3A_913 : i32 to vector<16xi32>
          %max3A_915 = arith.maxsi %max3A, %sub3A_912 : vector<16xi32>
          %min3A = vector.broadcast %jit3A_914 : i32 to vector<16xi32>
          %min3A_916 = arith.minsi %min3A, %max3A_915 : vector<16xi32>
          %broadcast_in_dim3A = arith.constant 0 : i32
          %broadcast_in_dim3A_917 = vector.broadcast %broadcast_in_dim3A : i32 to vector<16xi32>
          %gather3A = tpu.vector_load_idx %arg9[%broadcast_in_dim3A_917, %min3A_916] : memref<8x5632xf32, #tpu.memory_space<vmem>>[vector<16xi32>, vector<16xi32>], vector<16xf32>,
          tpu.vector_store_idx %arg12[%broadcast_in_dim3A_917, %and3A_903], %gather3A masked %and3A_909 : memref<8x4096xf32, #tpu.memory_space<vmem>>[vector<16xi32>, vector<16xi32>], vector<16xf32>, vector<16xi1>
          %broadcast_in_dim3A_918 = arith.constant 1 : i32
          %broadcast_in_dim3A_919 = vector.broadcast %broadcast_in_dim3A_918 : i32 to vector<16xi32>
          %gather3A_920 = tpu.vector_load_idx %arg9[%broadcast_in_dim3A_919, %min3A_916] : memref<8x5632xf32, #tpu.memory_space<vmem>>[vector<16xi32>, vector<16xi32>], vector<16xf32>,
          tpu.vector_store_idx %arg12[%broadcast_in_dim3A_919, %and3A_903], %gather3A_920 masked %and3A_909 : memref<8x4096xf32, #tpu.memory_space<vmem>>[vector<16xi32>, vector<16xi32>], vector<16xf32>, vector<16xi1>
          %broadcast_in_dim3A_921 = arith.constant 2 : i32
          %broadcast_in_dim3A_922 = vector.broadcast %broadcast_in_dim3A_921 : i32 to vector<16xi32>
          %gather3A_923 = tpu.vector_load_idx %arg9[%broadcast_in_dim3A_922, %min3A_916] : memref<8x5632xf32, #tpu.memory_space<vmem>>[vector<16xi32>, vector<16xi32>], vector<16xf32>,
          tpu.vector_store_idx %arg12[%broadcast_in_dim3A_922, %and3A_903], %gather3A_923 masked %and3A_909 : memref<8x4096xf32, #tpu.memory_space<vmem>>[vector<16xi32>, vector<16xi32>], vector<16xf32>, vector<16xi1>
          %broadcast_in_dim3A_924 = arith.constant 3 : i32
          %broadcast_in_dim3A_925 = vector.broadcast %broadcast_in_dim3A_924 : i32 to vector<16xi32>
          %gather3A_926 = tpu.vector_load_idx %arg9[%broadcast_in_dim3A_925, %min3A_916] : memref<8x5632xf32, #tpu.memory_space<vmem>>[vector<16xi32>, vector<16xi32>], vector<16xf32>,
          tpu.vector_store_idx %arg12[%broadcast_in_dim3A_925, %and3A_903], %gather3A_926 masked %and3A_909 : memref<8x4096xf32, #tpu.memory_space<vmem>>[vector<16xi32>, vector<16xi32>], vector<16xf32>, vector<16xi1>
          %broadcast_in_dim3A_927 = arith.constant 4 : i32
          %broadcast_in_dim3A_928 = vector.broadcast %broadcast_in_dim3A_927 : i32 to vector<16xi32>
          %gather3A_929 = tpu.vector_load_idx %arg9[%broadcast_in_dim3A_928, %min3A_916] : memref<8x5632xf32, #tpu.memory_space<vmem>>[vector<16xi32>, vector<16xi32>], vector<16xf32>,
          tpu.vector_store_idx %arg12[%broadcast_in_dim3A_928, %and3A_903], %gather3A_929 masked %and3A_909 : memref<8x4096xf32, #tpu.memory_space<vmem>>[vector<16xi32>, vector<16xi32>], vector<16xf32>, vector<16xi1>
          %broadcast_in_dim3A_930 = arith.constant 5 : i32
          %broadcast_in_dim3A_931 = vector.broadcast %broadcast_in_dim3A_930 : i32 to vector<16xi32>
          %gather3A_932 = tpu.vector_load_idx %arg9[%broadcast_in_dim3A_931, %min3A_916] : memref<8x5632xf32, #tpu.memory_space<vmem>>[vector<16xi32>, vector<16xi32>], vector<16xf32>,
          tpu.vector_store_idx %arg12[%broadcast_in_dim3A_931, %and3A_903], %gather3A_932 masked %and3A_909 : memref<8x4096xf32, #tpu.memory_space<vmem>>[vector<16xi32>, vector<16xi32>], vector<16xf32>, vector<16xi1>
          %broadcast_in_dim3A_933 = arith.constant 6 : i32
          %broadcast_in_dim3A_934 = vector.broadcast %broadcast_in_dim3A_933 : i32 to vector<16xi32>
          %gather3A_935 = tpu.vector_load_idx %arg9[%broadcast_in_dim3A_934, %min3A_916] : memref<8x5632xf32, #tpu.memory_space<vmem>>[vector<16xi32>, vector<16xi32>], vector<16xf32>,
          tpu.vector_store_idx %arg12[%broadcast_in_dim3A_934, %and3A_903], %gather3A_935 masked %and3A_909 : memref<8x4096xf32, #tpu.memory_space<vmem>>[vector<16xi32>, vector<16xi32>], vector<16xf32>, vector<16xi1>
          %broadcast_in_dim3A_936 = arith.constant 7 : i32
          %broadcast_in_dim3A_937 = vector.broadcast %broadcast_in_dim3A_936 : i32 to vector<16xi32>
          %gather3A_938 = tpu.vector_load_idx %arg9[%broadcast_in_dim3A_937, %min3A_916] : memref<8x5632xf32, #tpu.memory_space<vmem>>[vector<16xi32>, vector<16xi32>], vector<16xf32>,
          tpu.vector_store_idx %arg12[%broadcast_in_dim3A_937, %and3A_903], %gather3A_938 masked %and3A_909 : memref<8x4096xf32, #tpu.memory_space<vmem>>[vector<16xi32>, vector<16xi32>], vector<16xf32>, vector<16xi1>
          %while3A_939 = arith.constant 0 : i32
          scf.yield %while3A_939 : i32
        }
        %while3A_429 = arith.constant 1 : i32
        %while3A_430 = scf.for %while3A_893 = %while3A_426 to %while3A_422 step %while3A_429 iter_args(%while3A_894 = %while3A_428) -> (i32)  : i32 {
          %mul3A_895 = arith.constant 16 : i32
          %mul3A_896 = arith.muli %while3A_893, %mul3A_895 : i32
          %get3A_897 = arith.index_cast %mul3A_896 : i32 to index
          %get3A_898 = tpu.vector_load %arg10[%get3A_897] {strides = array<i32>} : memref<4096xi32, #tpu.memory_space<vmem>>, vector<16xi32>,
          %shift_right_logical3A = arith.constant 12 : i32
          %shift_right_logical3A_899 = vector.broadcast %shift_right_logical3A : i32 to vector<16xi32>
          %shift_right_logical3A_900 = arith.shrui %get3A_898, %shift_right_logical3A_899 : vector<16xi32>
          %and3A_901 = arith.constant 4095 : i32
          %and3A_902 = vector.broadcast %and3A_901 : i32 to vector<16xi32>
          %and3A_903 = arith.andi %get3A_898, %and3A_902 : vector<16xi32>
          %ge3A = arith.constant 39424 : i32
          %ge3A_904 = vector.broadcast %ge3A : i32 to vector<16xi32>
          %ge3A_905 = arith.cmpi sge, %shift_right_logical3A_900, %ge3A_904 : vector<16xi32>
          %lt3A_906 = arith.constant 45056 : i32
          %lt3A_907 = vector.broadcast %lt3A_906 : i32 to vector<16xi32>
          %lt3A_908 = arith.cmpi slt, %shift_right_logical3A_900, %lt3A_907 : vector<16xi32>
          %and3A_909 = arith.andi %ge3A_905, %lt3A_908 : vector<16xi1>
          %sub3A_910 = arith.constant 39424 : i32
          %sub3A_911 = vector.broadcast %sub3A_910 : i32 to vector<16xi32>
          %sub3A_912 = arith.subi %shift_right_logical3A_900, %sub3A_911 : vector<16xi32>
          %jit3A_913 = arith.constant 0 : i32
          %jit3A_914 = arith.constant 5631 : i32
          %max3A = vector.broadcast %jit3A_913 : i32 to vector<16xi32>
          %max3A_915 = arith.maxsi %max3A, %sub3A_912 : vector<16xi32>
          %min3A = vector.broadcast %jit3A_914 : i32 to vector<16xi32>
          %min3A_916 = arith.minsi %min3A, %max3A_915 : vector<16xi32>
          %broadcast_in_dim3A = arith.constant 0 : i32
          %broadcast_in_dim3A_917 = vector.broadcast %broadcast_in_dim3A : i32 to vector<16xi32>
          %gather3A = tpu.vector_load_idx %arg9[%broadcast_in_dim3A_917, %min3A_916] : memref<8x5632xf32, #tpu.memory_space<vmem>>[vector<16xi32>, vector<16xi32>], vector<16xf32>,
          tpu.vector_store_idx %arg12[%broadcast_in_dim3A_917, %and3A_903], %gather3A masked %and3A_909 : memref<8x4096xf32, #tpu.memory_space<vmem>>[vector<16xi32>, vector<16xi32>], vector<16xf32>, vector<16xi1>
          %broadcast_in_dim3A_918 = arith.constant 1 : i32
          %broadcast_in_dim3A_919 = vector.broadcast %broadcast_in_dim3A_918 : i32 to vector<16xi32>
          %gather3A_920 = tpu.vector_load_idx %arg9[%broadcast_in_dim3A_919, %min3A_916] : memref<8x5632xf32, #tpu.memory_space<vmem>>[vector<16xi32>, vector<16xi32>], vector<16xf32>,
          tpu.vector_store_idx %arg12[%broadcast_in_dim3A_919, %and3A_903], %gather3A_920 masked %and3A_909 : memref<8x4096xf32, #tpu.memory_space<vmem>>[vector<16xi32>, vector<16xi32>], vector<16xf32>, vector<16xi1>
          %broadcast_in_dim3A_921 = arith.constant 2 : i32
          %broadcast_in_dim3A_922 = vector.broadcast %broadcast_in_dim3A_921 : i32 to vector<16xi32>
          %gather3A_923 = tpu.vector_load_idx %arg9[%broadcast_in_dim3A_922, %min3A_916] : memref<8x5632xf32, #tpu.memory_space<vmem>>[vector<16xi32>, vector<16xi32>], vector<16xf32>,
          tpu.vector_store_idx %arg12[%broadcast_in_dim3A_922, %and3A_903], %gather3A_923 masked %and3A_909 : memref<8x4096xf32, #tpu.memory_space<vmem>>[vector<16xi32>, vector<16xi32>], vector<16xf32>, vector<16xi1>
          %broadcast_in_dim3A_924 = arith.constant 3 : i32
          %broadcast_in_dim3A_925 = vector.broadcast %broadcast_in_dim3A_924 : i32 to vector<16xi32>
          %gather3A_926 = tpu.vector_load_idx %arg9[%broadcast_in_dim3A_925, %min3A_916] : memref<8x5632xf32, #tpu.memory_space<vmem>>[vector<16xi32>, vector<16xi32>], vector<16xf32>,
          tpu.vector_store_idx %arg12[%broadcast_in_dim3A_925, %and3A_903], %gather3A_926 masked %and3A_909 : memref<8x4096xf32, #tpu.memory_space<vmem>>[vector<16xi32>, vector<16xi32>], vector<16xf32>, vector<16xi1>
          %broadcast_in_dim3A_927 = arith.constant 4 : i32
          %broadcast_in_dim3A_928 = vector.broadcast %broadcast_in_dim3A_927 : i32 to vector<16xi32>
          %gather3A_929 = tpu.vector_load_idx %arg9[%broadcast_in_dim3A_928, %min3A_916] : memref<8x5632xf32, #tpu.memory_space<vmem>>[vector<16xi32>, vector<16xi32>], vector<16xf32>,
          tpu.vector_store_idx %arg12[%broadcast_in_dim3A_928, %and3A_903], %gather3A_929 masked %and3A_909 : memref<8x4096xf32, #tpu.memory_space<vmem>>[vector<16xi32>, vector<16xi32>], vector<16xf32>, vector<16xi1>
          %broadcast_in_dim3A_930 = arith.constant 5 : i32
          %broadcast_in_dim3A_931 = vector.broadcast %broadcast_in_dim3A_930 : i32 to vector<16xi32>
          %gather3A_932 = tpu.vector_load_idx %arg9[%broadcast_in_dim3A_931, %min3A_916] : memref<8x5632xf32, #tpu.memory_space<vmem>>[vector<16xi32>, vector<16xi32>], vector<16xf32>,
          tpu.vector_store_idx %arg12[%broadcast_in_dim3A_931, %and3A_903], %gather3A_932 masked %and3A_909 : memref<8x4096xf32, #tpu.memory_space<vmem>>[vector<16xi32>, vector<16xi32>], vector<16xf32>, vector<16xi1>
          %broadcast_in_dim3A_933 = arith.constant 6 : i32
          %broadcast_in_dim3A_934 = vector.broadcast %broadcast_in_dim3A_933 : i32 to vector<16xi32>
          %gather3A_935 = tpu.vector_load_idx %arg9[%broadcast_in_dim3A_934, %min3A_916] : memref<8x5632xf32, #tpu.memory_space<vmem>>[vector<16xi32>, vector<16xi32>], vector<16xf32>,
          tpu.vector_store_idx %arg12[%broadcast_in_dim3A_934, %and3A_903], %gather3A_935 masked %and3A_909 : memref<8x4096xf32, #tpu.memory_space<vmem>>[vector<16xi32>, vector<16xi32>], vector<16xf32>, vector<16xi1>
          %broadcast_in_dim3A_936 = arith.constant 7 : i32
          %broadcast_in_dim3A_937 = vector.broadcast %broadcast_in_dim3A_936 : i32 to vector<16xi32>
          %gather3A_938 = tpu.vector_load_idx %arg9[%broadcast_in_dim3A_937, %min3A_916] : memref<8x5632xf32, #tpu.memory_space<vmem>>[vector<16xi32>, vector<16xi32>], vector<16xf32>,
          tpu.vector_store_idx %arg12[%broadcast_in_dim3A_937, %and3A_903], %gather3A_938 masked %and3A_909 : memref<8x4096xf32, #tpu.memory_space<vmem>>[vector<16xi32>, vector<16xi32>], vector<16xf32>, vector<16xi1>
          %while3A_939 = arith.constant 0 : i32
          scf.yield %while3A_939 : i32
        }
        %dma_start3A_431 = arith.constant 0 : i32
        %dma_start3A_432 = arith.constant 0 : i32
        %dma_start3A_433 = tpu.memref_slice %arg9[%dma_start3A_431, %dma_start3A_432] : memref<8x5632xf32, #tpu.memory_space<vmem>> -> memref<8x5632xf32, #tpu.memory_space<vmem>>
        %dma_start3A_434 = arith.constant 50688 : i32
        %dma_start3A_435 = tpu.memref_slice %arg6[%select_n3A, %multiple_of3A, %dma_start3A_434] : memref<26x32x100000xf32, #tpu.memory_space<hbm>> -> memref<1x8x5632xf32, #tpu.memory_space<hbm>>
        %dma_start3A_436 = tpu.memref_squeeze %dma_start3A_435 : memref<1x8x5632xf32, #tpu.memory_space<hbm>> -> memref<8x5632xf32, #tpu.memory_space<hbm>>
        %dma_start3A_437 = arith.constant 0 : i32
        %dma_start3A_438 = arith.constant 0 : i32
        %dma_start3A_439 = tpu.memref_slice %arg9[%dma_start3A_437, %dma_start3A_438] : memref<8x5632xf32, #tpu.memory_space<vmem>> -> memref<8x5632xf32, #tpu.memory_space<vmem>>
        %dma_start3A_440 = arith.constant 50688 : i32
        %dma_start3A_441 = tpu.memref_slice %arg6[%select_n3A, %multiple_of3A, %dma_start3A_440] : memref<26x32x100000xf32, #tpu.memory_space<hbm>> -> memref<1x8x5632xf32, #tpu.memory_space<hbm>>
        %dma_start3A_442 = tpu.memref_squeeze %dma_start3A_441 : memref<1x8x5632xf32, #tpu.memory_space<hbm>> -> memref<8x5632xf32, #tpu.memory_space<hbm>>
        tpu.enqueue_dma source(%dma_start3A_442 : memref<8x5632xf32, #tpu.memory_space<hbm>>) target(%dma_start3A_439 : memref<8x5632xf32, #tpu.memory_space<vmem>>) target_semaphore(%arg14 : memref<!tpu.dma_semaphore, #tpu.memory_space<semaphore_mem>>)
        %dma_wait3A_443 = arith.constant 0 : i32
        %dma_wait3A_444 = arith.constant 0 : i32
        %dma_wait3A_445 = tpu.memref_slice %arg8[%dma_wait3A_443, %dma_wait3A_444] : memref<8x5632xf32, #tpu.memory_space<vmem>> -> memref<8x5632xf32, #tpu.memory_space<vmem>>
        %dma_wait3A_446 = arith.constant 45056 : i32
        %dma_wait3A_447 = tpu.memref_slice %arg6[%select_n3A, %multiple_of3A, %dma_wait3A_446] : memref<26x32x100000xf32, #tpu.memory_space<hbm>> -> memref<1x8x5632xf32, #tpu.memory_space<hbm>>
        %dma_wait3A_448 = tpu.memref_squeeze %dma_wait3A_447 : memref<1x8x5632xf32, #tpu.memory_space<hbm>> -> memref<8x5632xf32, #tpu.memory_space<hbm>>
        %dma_wait3A_449 = arith.constant 0 : i32
        %dma_wait3A_450 = arith.constant 0 : i32
        %dma_wait3A_451 = tpu.memref_slice %arg8[%dma_wait3A_449, %dma_wait3A_450] : memref<8x5632xf32, #tpu.memory_space<vmem>> -> memref<8x5632xf32, #tpu.memory_space<vmem>>
        %dma_wait3A_452 = arith.constant 45056 : i32
        %dma_wait3A_453 = tpu.memref_slice %arg6[%select_n3A, %multiple_of3A, %dma_wait3A_452] : memref<26x32x100000xf32, #tpu.memory_space<hbm>> -> memref<1x8x5632xf32, #tpu.memory_space<hbm>>
        %dma_wait3A_454 = tpu.memref_squeeze %dma_wait3A_453 : memref<1x8x5632xf32, #tpu.memory_space<hbm>> -> memref<8x5632xf32, #tpu.memory_space<hbm>>
        tpu.wait_dma2 semaphore(%arg13 : memref<!tpu.dma_semaphore, #tpu.memory_space<semaphore_mem>>) src(%dma_wait3A_454 : memref<8x5632xf32, #tpu.memory_space<hbm>>) dst(%dma_wait3A_451 : memref<8x5632xf32, #tpu.memory_space<vmem>>)
        %slice3A_455 = vector.extract_strided_slice %get3A_62 {offsets = [8], sizes = [1], strides = [1]} : vector<16xi32> to vector<1xi32>
        %squeeze3A_456 = vector.extract %slice3A_455[0] : i32 from vector<1xi32>
        %shift_right_arithmetic3A_457 = arith.constant 4 : i32
        %shift_right_arithmetic3A_458 = arith.shrsi %squeeze3A_456, %shift_right_arithmetic3A_457 : i32
        %slice3A_459 = vector.extract_strided_slice %get3A_62 {offsets = [9], sizes = [1], strides = [1]} : vector<16xi32> to vector<1xi32>
        %squeeze3A_460 = vector.extract %slice3A_459[0] : i32 from vector<1xi32>
        %add3A_461 = arith.constant 15 : i32
        %add3A_462 = arith.addi %squeeze3A_460, %add3A_461 : i32
        %shift_right_arithmetic3A_463 = arith.constant 4 : i32
        %shift_right_arithmetic3A_464 = arith.shrsi %add3A_462, %shift_right_arithmetic3A_463 : i32
        %while3A_465 = arith.constant 0 : i32
        %while3A_466 = arith.subi %shift_right_arithmetic3A_464, %shift_right_arithmetic3A_458 : i32
        %while3A_467 = arith.addi %shift_right_arithmetic3A_458, %while3A_466 : i32
        %while3A_468 = arith.constant 1 : i32
        %while3A_469 = arith.divsi %while3A_466, %while3A_468 : i32
        %while3A_470 = arith.muli %while3A_469, %while3A_468 : i32
        %while3A_471 = arith.addi %shift_right_arithmetic3A_458, %while3A_470 : i32
        %while3A_472 = arith.constant 1 : i32
        %while3A_473 = scf.for %while3A_893 = %shift_right_arithmetic3A_458 to %while3A_471 step %while3A_472 iter_args(%while3A_894 = %while3A_465) -> (i32)  : i32 {
          %mul3A_895 = arith.constant 16 : i32
          %mul3A_896 = arith.muli %while3A_893, %mul3A_895 : i32
          %get3A_897 = arith.index_cast %mul3A_896 : i32 to index
          %get3A_898 = tpu.vector_load %arg10[%get3A_897] {strides = array<i32>} : memref<4096xi32, #tpu.memory_space<vmem>>, vector<16xi32>,
          %shift_right_logical3A = arith.constant 12 : i32
          %shift_right_logical3A_899 = vector.broadcast %shift_right_logical3A : i32 to vector<16xi32>
          %shift_right_logical3A_900 = arith.shrui %get3A_898, %shift_right_logical3A_899 : vector<16xi32>
          %and3A_901 = arith.constant 4095 : i32
          %and3A_902 = vector.broadcast %and3A_901 : i32 to vector<16xi32>
          %and3A_903 = arith.andi %get3A_898, %and3A_902 : vector<16xi32>
          %ge3A = arith.constant 45056 : i32
          %ge3A_904 = vector.broadcast %ge3A : i32 to vector<16xi32>
          %ge3A_905 = arith.cmpi sge, %shift_right_logical3A_900, %ge3A_904 : vector<16xi32>
          %lt3A_906 = arith.constant 50688 : i32
          %lt3A_907 = vector.broadcast %lt3A_906 : i32 to vector<16xi32>
          %lt3A_908 = arith.cmpi slt, %shift_right_logical3A_900, %lt3A_907 : vector<16xi32>
          %and3A_909 = arith.andi %ge3A_905, %lt3A_908 : vector<16xi1>
          %sub3A_910 = arith.constant 45056 : i32
          %sub3A_911 = vector.broadcast %sub3A_910 : i32 to vector<16xi32>
          %sub3A_912 = arith.subi %shift_right_logical3A_900, %sub3A_911 : vector<16xi32>
          %jit3A_913 = arith.constant 0 : i32
          %jit3A_914 = arith.constant 5631 : i32
          %max3A = vector.broadcast %jit3A_913 : i32 to vector<16xi32>
          %max3A_915 = arith.maxsi %max3A, %sub3A_912 : vector<16xi32>
          %min3A = vector.broadcast %jit3A_914 : i32 to vector<16xi32>
          %min3A_916 = arith.minsi %min3A, %max3A_915 : vector<16xi32>
          %broadcast_in_dim3A = arith.constant 0 : i32
          %broadcast_in_dim3A_917 = vector.broadcast %broadcast_in_dim3A : i32 to vector<16xi32>
          %gather3A = tpu.vector_load_idx %arg8[%broadcast_in_dim3A_917, %min3A_916] : memref<8x5632xf32, #tpu.memory_space<vmem>>[vector<16xi32>, vector<16xi32>], vector<16xf32>,
          tpu.vector_store_idx %arg12[%broadcast_in_dim3A_917, %and3A_903], %gather3A masked %and3A_909 : memref<8x4096xf32, #tpu.memory_space<vmem>>[vector<16xi32>, vector<16xi32>], vector<16xf32>, vector<16xi1>
          %broadcast_in_dim3A_918 = arith.constant 1 : i32
          %broadcast_in_dim3A_919 = vector.broadcast %broadcast_in_dim3A_918 : i32 to vector<16xi32>
          %gather3A_920 = tpu.vector_load_idx %arg8[%broadcast_in_dim3A_919, %min3A_916] : memref<8x5632xf32, #tpu.memory_space<vmem>>[vector<16xi32>, vector<16xi32>], vector<16xf32>,
          tpu.vector_store_idx %arg12[%broadcast_in_dim3A_919, %and3A_903], %gather3A_920 masked %and3A_909 : memref<8x4096xf32, #tpu.memory_space<vmem>>[vector<16xi32>, vector<16xi32>], vector<16xf32>, vector<16xi1>
          %broadcast_in_dim3A_921 = arith.constant 2 : i32
          %broadcast_in_dim3A_922 = vector.broadcast %broadcast_in_dim3A_921 : i32 to vector<16xi32>
          %gather3A_923 = tpu.vector_load_idx %arg8[%broadcast_in_dim3A_922, %min3A_916] : memref<8x5632xf32, #tpu.memory_space<vmem>>[vector<16xi32>, vector<16xi32>], vector<16xf32>,
          tpu.vector_store_idx %arg12[%broadcast_in_dim3A_922, %and3A_903], %gather3A_923 masked %and3A_909 : memref<8x4096xf32, #tpu.memory_space<vmem>>[vector<16xi32>, vector<16xi32>], vector<16xf32>, vector<16xi1>
          %broadcast_in_dim3A_924 = arith.constant 3 : i32
          %broadcast_in_dim3A_925 = vector.broadcast %broadcast_in_dim3A_924 : i32 to vector<16xi32>
          %gather3A_926 = tpu.vector_load_idx %arg8[%broadcast_in_dim3A_925, %min3A_916] : memref<8x5632xf32, #tpu.memory_space<vmem>>[vector<16xi32>, vector<16xi32>], vector<16xf32>,
          tpu.vector_store_idx %arg12[%broadcast_in_dim3A_925, %and3A_903], %gather3A_926 masked %and3A_909 : memref<8x4096xf32, #tpu.memory_space<vmem>>[vector<16xi32>, vector<16xi32>], vector<16xf32>, vector<16xi1>
          %broadcast_in_dim3A_927 = arith.constant 4 : i32
          %broadcast_in_dim3A_928 = vector.broadcast %broadcast_in_dim3A_927 : i32 to vector<16xi32>
          %gather3A_929 = tpu.vector_load_idx %arg8[%broadcast_in_dim3A_928, %min3A_916] : memref<8x5632xf32, #tpu.memory_space<vmem>>[vector<16xi32>, vector<16xi32>], vector<16xf32>,
          tpu.vector_store_idx %arg12[%broadcast_in_dim3A_928, %and3A_903], %gather3A_929 masked %and3A_909 : memref<8x4096xf32, #tpu.memory_space<vmem>>[vector<16xi32>, vector<16xi32>], vector<16xf32>, vector<16xi1>
          %broadcast_in_dim3A_930 = arith.constant 5 : i32
          %broadcast_in_dim3A_931 = vector.broadcast %broadcast_in_dim3A_930 : i32 to vector<16xi32>
          %gather3A_932 = tpu.vector_load_idx %arg8[%broadcast_in_dim3A_931, %min3A_916] : memref<8x5632xf32, #tpu.memory_space<vmem>>[vector<16xi32>, vector<16xi32>], vector<16xf32>,
          tpu.vector_store_idx %arg12[%broadcast_in_dim3A_931, %and3A_903], %gather3A_932 masked %and3A_909 : memref<8x4096xf32, #tpu.memory_space<vmem>>[vector<16xi32>, vector<16xi32>], vector<16xf32>, vector<16xi1>
          %broadcast_in_dim3A_933 = arith.constant 6 : i32
          %broadcast_in_dim3A_934 = vector.broadcast %broadcast_in_dim3A_933 : i32 to vector<16xi32>
          %gather3A_935 = tpu.vector_load_idx %arg8[%broadcast_in_dim3A_934, %min3A_916] : memref<8x5632xf32, #tpu.memory_space<vmem>>[vector<16xi32>, vector<16xi32>], vector<16xf32>,
          tpu.vector_store_idx %arg12[%broadcast_in_dim3A_934, %and3A_903], %gather3A_935 masked %and3A_909 : memref<8x4096xf32, #tpu.memory_space<vmem>>[vector<16xi32>, vector<16xi32>], vector<16xf32>, vector<16xi1>
          %broadcast_in_dim3A_936 = arith.constant 7 : i32
          %broadcast_in_dim3A_937 = vector.broadcast %broadcast_in_dim3A_936 : i32 to vector<16xi32>
          %gather3A_938 = tpu.vector_load_idx %arg8[%broadcast_in_dim3A_937, %min3A_916] : memref<8x5632xf32, #tpu.memory_space<vmem>>[vector<16xi32>, vector<16xi32>], vector<16xf32>,
          tpu.vector_store_idx %arg12[%broadcast_in_dim3A_937, %and3A_903], %gather3A_938 masked %and3A_909 : memref<8x4096xf32, #tpu.memory_space<vmem>>[vector<16xi32>, vector<16xi32>], vector<16xf32>, vector<16xi1>
          %while3A_939 = arith.constant 0 : i32
          scf.yield %while3A_939 : i32
        }
        %while3A_474 = arith.constant 1 : i32
        %while3A_475 = scf.for %while3A_893 = %while3A_471 to %while3A_467 step %while3A_474 iter_args(%while3A_894 = %while3A_473) -> (i32)  : i32 {
          %mul3A_895 = arith.constant 16 : i32
          %mul3A_896 = arith.muli %while3A_893, %mul3A_895 : i32
          %get3A_897 = arith.index_cast %mul3A_896 : i32 to index
          %get3A_898 = tpu.vector_load %arg10[%get3A_897] {strides = array<i32>} : memref<4096xi32, #tpu.memory_space<vmem>>, vector<16xi32>,
          %shift_right_logical3A = arith.constant 12 : i32
          %shift_right_logical3A_899 = vector.broadcast %shift_right_logical3A : i32 to vector<16xi32>
          %shift_right_logical3A_900 = arith.shrui %get3A_898, %shift_right_logical3A_899 : vector<16xi32>
          %and3A_901 = arith.constant 4095 : i32
          %and3A_902 = vector.broadcast %and3A_901 : i32 to vector<16xi32>
          %and3A_903 = arith.andi %get3A_898, %and3A_902 : vector<16xi32>
          %ge3A = arith.constant 45056 : i32
          %ge3A_904 = vector.broadcast %ge3A : i32 to vector<16xi32>
          %ge3A_905 = arith.cmpi sge, %shift_right_logical3A_900, %ge3A_904 : vector<16xi32>
          %lt3A_906 = arith.constant 50688 : i32
          %lt3A_907 = vector.broadcast %lt3A_906 : i32 to vector<16xi32>
          %lt3A_908 = arith.cmpi slt, %shift_right_logical3A_900, %lt3A_907 : vector<16xi32>
          %and3A_909 = arith.andi %ge3A_905, %lt3A_908 : vector<16xi1>
          %sub3A_910 = arith.constant 45056 : i32
          %sub3A_911 = vector.broadcast %sub3A_910 : i32 to vector<16xi32>
          %sub3A_912 = arith.subi %shift_right_logical3A_900, %sub3A_911 : vector<16xi32>
          %jit3A_913 = arith.constant 0 : i32
          %jit3A_914 = arith.constant 5631 : i32
          %max3A = vector.broadcast %jit3A_913 : i32 to vector<16xi32>
          %max3A_915 = arith.maxsi %max3A, %sub3A_912 : vector<16xi32>
          %min3A = vector.broadcast %jit3A_914 : i32 to vector<16xi32>
          %min3A_916 = arith.minsi %min3A, %max3A_915 : vector<16xi32>
          %broadcast_in_dim3A = arith.constant 0 : i32
          %broadcast_in_dim3A_917 = vector.broadcast %broadcast_in_dim3A : i32 to vector<16xi32>
          %gather3A = tpu.vector_load_idx %arg8[%broadcast_in_dim3A_917, %min3A_916] : memref<8x5632xf32, #tpu.memory_space<vmem>>[vector<16xi32>, vector<16xi32>], vector<16xf32>,
          tpu.vector_store_idx %arg12[%broadcast_in_dim3A_917, %and3A_903], %gather3A masked %and3A_909 : memref<8x4096xf32, #tpu.memory_space<vmem>>[vector<16xi32>, vector<16xi32>], vector<16xf32>, vector<16xi1>
          %broadcast_in_dim3A_918 = arith.constant 1 : i32
          %broadcast_in_dim3A_919 = vector.broadcast %broadcast_in_dim3A_918 : i32 to vector<16xi32>
          %gather3A_920 = tpu.vector_load_idx %arg8[%broadcast_in_dim3A_919, %min3A_916] : memref<8x5632xf32, #tpu.memory_space<vmem>>[vector<16xi32>, vector<16xi32>], vector<16xf32>,
          tpu.vector_store_idx %arg12[%broadcast_in_dim3A_919, %and3A_903], %gather3A_920 masked %and3A_909 : memref<8x4096xf32, #tpu.memory_space<vmem>>[vector<16xi32>, vector<16xi32>], vector<16xf32>, vector<16xi1>
          %broadcast_in_dim3A_921 = arith.constant 2 : i32
          %broadcast_in_dim3A_922 = vector.broadcast %broadcast_in_dim3A_921 : i32 to vector<16xi32>
          %gather3A_923 = tpu.vector_load_idx %arg8[%broadcast_in_dim3A_922, %min3A_916] : memref<8x5632xf32, #tpu.memory_space<vmem>>[vector<16xi32>, vector<16xi32>], vector<16xf32>,
          tpu.vector_store_idx %arg12[%broadcast_in_dim3A_922, %and3A_903], %gather3A_923 masked %and3A_909 : memref<8x4096xf32, #tpu.memory_space<vmem>>[vector<16xi32>, vector<16xi32>], vector<16xf32>, vector<16xi1>
          %broadcast_in_dim3A_924 = arith.constant 3 : i32
          %broadcast_in_dim3A_925 = vector.broadcast %broadcast_in_dim3A_924 : i32 to vector<16xi32>
          %gather3A_926 = tpu.vector_load_idx %arg8[%broadcast_in_dim3A_925, %min3A_916] : memref<8x5632xf32, #tpu.memory_space<vmem>>[vector<16xi32>, vector<16xi32>], vector<16xf32>,
          tpu.vector_store_idx %arg12[%broadcast_in_dim3A_925, %and3A_903], %gather3A_926 masked %and3A_909 : memref<8x4096xf32, #tpu.memory_space<vmem>>[vector<16xi32>, vector<16xi32>], vector<16xf32>, vector<16xi1>
          %broadcast_in_dim3A_927 = arith.constant 4 : i32
          %broadcast_in_dim3A_928 = vector.broadcast %broadcast_in_dim3A_927 : i32 to vector<16xi32>
          %gather3A_929 = tpu.vector_load_idx %arg8[%broadcast_in_dim3A_928, %min3A_916] : memref<8x5632xf32, #tpu.memory_space<vmem>>[vector<16xi32>, vector<16xi32>], vector<16xf32>,
          tpu.vector_store_idx %arg12[%broadcast_in_dim3A_928, %and3A_903], %gather3A_929 masked %and3A_909 : memref<8x4096xf32, #tpu.memory_space<vmem>>[vector<16xi32>, vector<16xi32>], vector<16xf32>, vector<16xi1>
          %broadcast_in_dim3A_930 = arith.constant 5 : i32
          %broadcast_in_dim3A_931 = vector.broadcast %broadcast_in_dim3A_930 : i32 to vector<16xi32>
          %gather3A_932 = tpu.vector_load_idx %arg8[%broadcast_in_dim3A_931, %min3A_916] : memref<8x5632xf32, #tpu.memory_space<vmem>>[vector<16xi32>, vector<16xi32>], vector<16xf32>,
          tpu.vector_store_idx %arg12[%broadcast_in_dim3A_931, %and3A_903], %gather3A_932 masked %and3A_909 : memref<8x4096xf32, #tpu.memory_space<vmem>>[vector<16xi32>, vector<16xi32>], vector<16xf32>, vector<16xi1>
          %broadcast_in_dim3A_933 = arith.constant 6 : i32
          %broadcast_in_dim3A_934 = vector.broadcast %broadcast_in_dim3A_933 : i32 to vector<16xi32>
          %gather3A_935 = tpu.vector_load_idx %arg8[%broadcast_in_dim3A_934, %min3A_916] : memref<8x5632xf32, #tpu.memory_space<vmem>>[vector<16xi32>, vector<16xi32>], vector<16xf32>,
          tpu.vector_store_idx %arg12[%broadcast_in_dim3A_934, %and3A_903], %gather3A_935 masked %and3A_909 : memref<8x4096xf32, #tpu.memory_space<vmem>>[vector<16xi32>, vector<16xi32>], vector<16xf32>, vector<16xi1>
          %broadcast_in_dim3A_936 = arith.constant 7 : i32
          %broadcast_in_dim3A_937 = vector.broadcast %broadcast_in_dim3A_936 : i32 to vector<16xi32>
          %gather3A_938 = tpu.vector_load_idx %arg8[%broadcast_in_dim3A_937, %min3A_916] : memref<8x5632xf32, #tpu.memory_space<vmem>>[vector<16xi32>, vector<16xi32>], vector<16xf32>,
          tpu.vector_store_idx %arg12[%broadcast_in_dim3A_937, %and3A_903], %gather3A_938 masked %and3A_909 : memref<8x4096xf32, #tpu.memory_space<vmem>>[vector<16xi32>, vector<16xi32>], vector<16xf32>, vector<16xi1>
          %while3A_939 = arith.constant 0 : i32
          scf.yield %while3A_939 : i32
        }
        %dma_start3A_476 = arith.constant 0 : i32
        %dma_start3A_477 = arith.constant 0 : i32
        %dma_start3A_478 = tpu.memref_slice %arg8[%dma_start3A_476, %dma_start3A_477] : memref<8x5632xf32, #tpu.memory_space<vmem>> -> memref<8x5632xf32, #tpu.memory_space<vmem>>
        %dma_start3A_479 = arith.constant 56320 : i32
        %dma_start3A_480 = tpu.memref_slice %arg6[%select_n3A, %multiple_of3A, %dma_start3A_479] : memref<26x32x100000xf32, #tpu.memory_space<hbm>> -> memref<1x8x5632xf32, #tpu.memory_space<hbm>>
        %dma_start3A_481 = tpu.memref_squeeze %dma_start3A_480 : memref<1x8x5632xf32, #tpu.memory_space<hbm>> -> memref<8x5632xf32, #tpu.memory_space<hbm>>
        %dma_start3A_482 = arith.constant 0 : i32
        %dma_start3A_483 = arith.constant 0 : i32
        %dma_start3A_484 = tpu.memref_slice %arg8[%dma_start3A_482, %dma_start3A_483] : memref<8x5632xf32, #tpu.memory_space<vmem>> -> memref<8x5632xf32, #tpu.memory_space<vmem>>
        %dma_start3A_485 = arith.constant 56320 : i32
        %dma_start3A_486 = tpu.memref_slice %arg6[%select_n3A, %multiple_of3A, %dma_start3A_485] : memref<26x32x100000xf32, #tpu.memory_space<hbm>> -> memref<1x8x5632xf32, #tpu.memory_space<hbm>>
        %dma_start3A_487 = tpu.memref_squeeze %dma_start3A_486 : memref<1x8x5632xf32, #tpu.memory_space<hbm>> -> memref<8x5632xf32, #tpu.memory_space<hbm>>
        tpu.enqueue_dma source(%dma_start3A_487 : memref<8x5632xf32, #tpu.memory_space<hbm>>) target(%dma_start3A_484 : memref<8x5632xf32, #tpu.memory_space<vmem>>) target_semaphore(%arg13 : memref<!tpu.dma_semaphore, #tpu.memory_space<semaphore_mem>>)
        %dma_wait3A_488 = arith.constant 0 : i32
        %dma_wait3A_489 = arith.constant 0 : i32
        %dma_wait3A_490 = tpu.memref_slice %arg9[%dma_wait3A_488, %dma_wait3A_489] : memref<8x5632xf32, #tpu.memory_space<vmem>> -> memref<8x5632xf32, #tpu.memory_space<vmem>>
        %dma_wait3A_491 = arith.constant 50688 : i32
        %dma_wait3A_492 = tpu.memref_slice %arg6[%select_n3A, %multiple_of3A, %dma_wait3A_491] : memref<26x32x100000xf32, #tpu.memory_space<hbm>> -> memref<1x8x5632xf32, #tpu.memory_space<hbm>>
        %dma_wait3A_493 = tpu.memref_squeeze %dma_wait3A_492 : memref<1x8x5632xf32, #tpu.memory_space<hbm>> -> memref<8x5632xf32, #tpu.memory_space<hbm>>
        %dma_wait3A_494 = arith.constant 0 : i32
        %dma_wait3A_495 = arith.constant 0 : i32
        %dma_wait3A_496 = tpu.memref_slice %arg9[%dma_wait3A_494, %dma_wait3A_495] : memref<8x5632xf32, #tpu.memory_space<vmem>> -> memref<8x5632xf32, #tpu.memory_space<vmem>>
        %dma_wait3A_497 = arith.constant 50688 : i32
        %dma_wait3A_498 = tpu.memref_slice %arg6[%select_n3A, %multiple_of3A, %dma_wait3A_497] : memref<26x32x100000xf32, #tpu.memory_space<hbm>> -> memref<1x8x5632xf32, #tpu.memory_space<hbm>>
        %dma_wait3A_499 = tpu.memref_squeeze %dma_wait3A_498 : memref<1x8x5632xf32, #tpu.memory_space<hbm>> -> memref<8x5632xf32, #tpu.memory_space<hbm>>
        tpu.wait_dma2 semaphore(%arg14 : memref<!tpu.dma_semaphore, #tpu.memory_space<semaphore_mem>>) src(%dma_wait3A_499 : memref<8x5632xf32, #tpu.memory_space<hbm>>) dst(%dma_wait3A_496 : memref<8x5632xf32, #tpu.memory_space<vmem>>)
        %slice3A_500 = vector.extract_strided_slice %get3A_62 {offsets = [9], sizes = [1], strides = [1]} : vector<16xi32> to vector<1xi32>
        %squeeze3A_501 = vector.extract %slice3A_500[0] : i32 from vector<1xi32>
        %shift_right_arithmetic3A_502 = arith.constant 4 : i32
        %shift_right_arithmetic3A_503 = arith.shrsi %squeeze3A_501, %shift_right_arithmetic3A_502 : i32
        %slice3A_504 = vector.extract_strided_slice %get3A_62 {offsets = [10], sizes = [1], strides = [1]} : vector<16xi32> to vector<1xi32>
        %squeeze3A_505 = vector.extract %slice3A_504[0] : i32 from vector<1xi32>
        %add3A_506 = arith.constant 15 : i32
        %add3A_507 = arith.addi %squeeze3A_505, %add3A_506 : i32
        %shift_right_arithmetic3A_508 = arith.constant 4 : i32
        %shift_right_arithmetic3A_509 = arith.shrsi %add3A_507, %shift_right_arithmetic3A_508 : i32
        %while3A_510 = arith.constant 0 : i32
        %while3A_511 = arith.subi %shift_right_arithmetic3A_509, %shift_right_arithmetic3A_503 : i32
        %while3A_512 = arith.addi %shift_right_arithmetic3A_503, %while3A_511 : i32
        %while3A_513 = arith.constant 1 : i32
        %while3A_514 = arith.divsi %while3A_511, %while3A_513 : i32
        %while3A_515 = arith.muli %while3A_514, %while3A_513 : i32
        %while3A_516 = arith.addi %shift_right_arithmetic3A_503, %while3A_515 : i32
        %while3A_517 = arith.constant 1 : i32
        %while3A_518 = scf.for %while3A_893 = %shift_right_arithmetic3A_503 to %while3A_516 step %while3A_517 iter_args(%while3A_894 = %while3A_510) -> (i32)  : i32 {
          %mul3A_895 = arith.constant 16 : i32
          %mul3A_896 = arith.muli %while3A_893, %mul3A_895 : i32
          %get3A_897 = arith.index_cast %mul3A_896 : i32 to index
          %get3A_898 = tpu.vector_load %arg10[%get3A_897] {strides = array<i32>} : memref<4096xi32, #tpu.memory_space<vmem>>, vector<16xi32>,
          %shift_right_logical3A = arith.constant 12 : i32
          %shift_right_logical3A_899 = vector.broadcast %shift_right_logical3A : i32 to vector<16xi32>
          %shift_right_logical3A_900 = arith.shrui %get3A_898, %shift_right_logical3A_899 : vector<16xi32>
          %and3A_901 = arith.constant 4095 : i32
          %and3A_902 = vector.broadcast %and3A_901 : i32 to vector<16xi32>
          %and3A_903 = arith.andi %get3A_898, %and3A_902 : vector<16xi32>
          %ge3A = arith.constant 50688 : i32
          %ge3A_904 = vector.broadcast %ge3A : i32 to vector<16xi32>
          %ge3A_905 = arith.cmpi sge, %shift_right_logical3A_900, %ge3A_904 : vector<16xi32>
          %lt3A_906 = arith.constant 56320 : i32
          %lt3A_907 = vector.broadcast %lt3A_906 : i32 to vector<16xi32>
          %lt3A_908 = arith.cmpi slt, %shift_right_logical3A_900, %lt3A_907 : vector<16xi32>
          %and3A_909 = arith.andi %ge3A_905, %lt3A_908 : vector<16xi1>
          %sub3A_910 = arith.constant 50688 : i32
          %sub3A_911 = vector.broadcast %sub3A_910 : i32 to vector<16xi32>
          %sub3A_912 = arith.subi %shift_right_logical3A_900, %sub3A_911 : vector<16xi32>
          %jit3A_913 = arith.constant 0 : i32
          %jit3A_914 = arith.constant 5631 : i32
          %max3A = vector.broadcast %jit3A_913 : i32 to vector<16xi32>
          %max3A_915 = arith.maxsi %max3A, %sub3A_912 : vector<16xi32>
          %min3A = vector.broadcast %jit3A_914 : i32 to vector<16xi32>
          %min3A_916 = arith.minsi %min3A, %max3A_915 : vector<16xi32>
          %broadcast_in_dim3A = arith.constant 0 : i32
          %broadcast_in_dim3A_917 = vector.broadcast %broadcast_in_dim3A : i32 to vector<16xi32>
          %gather3A = tpu.vector_load_idx %arg9[%broadcast_in_dim3A_917, %min3A_916] : memref<8x5632xf32, #tpu.memory_space<vmem>>[vector<16xi32>, vector<16xi32>], vector<16xf32>,
          tpu.vector_store_idx %arg12[%broadcast_in_dim3A_917, %and3A_903], %gather3A masked %and3A_909 : memref<8x4096xf32, #tpu.memory_space<vmem>>[vector<16xi32>, vector<16xi32>], vector<16xf32>, vector<16xi1>
          %broadcast_in_dim3A_918 = arith.constant 1 : i32
          %broadcast_in_dim3A_919 = vector.broadcast %broadcast_in_dim3A_918 : i32 to vector<16xi32>
          %gather3A_920 = tpu.vector_load_idx %arg9[%broadcast_in_dim3A_919, %min3A_916] : memref<8x5632xf32, #tpu.memory_space<vmem>>[vector<16xi32>, vector<16xi32>], vector<16xf32>,
          tpu.vector_store_idx %arg12[%broadcast_in_dim3A_919, %and3A_903], %gather3A_920 masked %and3A_909 : memref<8x4096xf32, #tpu.memory_space<vmem>>[vector<16xi32>, vector<16xi32>], vector<16xf32>, vector<16xi1>
          %broadcast_in_dim3A_921 = arith.constant 2 : i32
          %broadcast_in_dim3A_922 = vector.broadcast %broadcast_in_dim3A_921 : i32 to vector<16xi32>
          %gather3A_923 = tpu.vector_load_idx %arg9[%broadcast_in_dim3A_922, %min3A_916] : memref<8x5632xf32, #tpu.memory_space<vmem>>[vector<16xi32>, vector<16xi32>], vector<16xf32>,
          tpu.vector_store_idx %arg12[%broadcast_in_dim3A_922, %and3A_903], %gather3A_923 masked %and3A_909 : memref<8x4096xf32, #tpu.memory_space<vmem>>[vector<16xi32>, vector<16xi32>], vector<16xf32>, vector<16xi1>
          %broadcast_in_dim3A_924 = arith.constant 3 : i32
          %broadcast_in_dim3A_925 = vector.broadcast %broadcast_in_dim3A_924 : i32 to vector<16xi32>
          %gather3A_926 = tpu.vector_load_idx %arg9[%broadcast_in_dim3A_925, %min3A_916] : memref<8x5632xf32, #tpu.memory_space<vmem>>[vector<16xi32>, vector<16xi32>], vector<16xf32>,
          tpu.vector_store_idx %arg12[%broadcast_in_dim3A_925, %and3A_903], %gather3A_926 masked %and3A_909 : memref<8x4096xf32, #tpu.memory_space<vmem>>[vector<16xi32>, vector<16xi32>], vector<16xf32>, vector<16xi1>
          %broadcast_in_dim3A_927 = arith.constant 4 : i32
          %broadcast_in_dim3A_928 = vector.broadcast %broadcast_in_dim3A_927 : i32 to vector<16xi32>
          %gather3A_929 = tpu.vector_load_idx %arg9[%broadcast_in_dim3A_928, %min3A_916] : memref<8x5632xf32, #tpu.memory_space<vmem>>[vector<16xi32>, vector<16xi32>], vector<16xf32>,
          tpu.vector_store_idx %arg12[%broadcast_in_dim3A_928, %and3A_903], %gather3A_929 masked %and3A_909 : memref<8x4096xf32, #tpu.memory_space<vmem>>[vector<16xi32>, vector<16xi32>], vector<16xf32>, vector<16xi1>
          %broadcast_in_dim3A_930 = arith.constant 5 : i32
          %broadcast_in_dim3A_931 = vector.broadcast %broadcast_in_dim3A_930 : i32 to vector<16xi32>
          %gather3A_932 = tpu.vector_load_idx %arg9[%broadcast_in_dim3A_931, %min3A_916] : memref<8x5632xf32, #tpu.memory_space<vmem>>[vector<16xi32>, vector<16xi32>], vector<16xf32>,
          tpu.vector_store_idx %arg12[%broadcast_in_dim3A_931, %and3A_903], %gather3A_932 masked %and3A_909 : memref<8x4096xf32, #tpu.memory_space<vmem>>[vector<16xi32>, vector<16xi32>], vector<16xf32>, vector<16xi1>
          %broadcast_in_dim3A_933 = arith.constant 6 : i32
          %broadcast_in_dim3A_934 = vector.broadcast %broadcast_in_dim3A_933 : i32 to vector<16xi32>
          %gather3A_935 = tpu.vector_load_idx %arg9[%broadcast_in_dim3A_934, %min3A_916] : memref<8x5632xf32, #tpu.memory_space<vmem>>[vector<16xi32>, vector<16xi32>], vector<16xf32>,
          tpu.vector_store_idx %arg12[%broadcast_in_dim3A_934, %and3A_903], %gather3A_935 masked %and3A_909 : memref<8x4096xf32, #tpu.memory_space<vmem>>[vector<16xi32>, vector<16xi32>], vector<16xf32>, vector<16xi1>
          %broadcast_in_dim3A_936 = arith.constant 7 : i32
          %broadcast_in_dim3A_937 = vector.broadcast %broadcast_in_dim3A_936 : i32 to vector<16xi32>
          %gather3A_938 = tpu.vector_load_idx %arg9[%broadcast_in_dim3A_937, %min3A_916] : memref<8x5632xf32, #tpu.memory_space<vmem>>[vector<16xi32>, vector<16xi32>], vector<16xf32>,
          tpu.vector_store_idx %arg12[%broadcast_in_dim3A_937, %and3A_903], %gather3A_938 masked %and3A_909 : memref<8x4096xf32, #tpu.memory_space<vmem>>[vector<16xi32>, vector<16xi32>], vector<16xf32>, vector<16xi1>
          %while3A_939 = arith.constant 0 : i32
          scf.yield %while3A_939 : i32
        }
        %while3A_519 = arith.constant 1 : i32
        %while3A_520 = scf.for %while3A_893 = %while3A_516 to %while3A_512 step %while3A_519 iter_args(%while3A_894 = %while3A_518) -> (i32)  : i32 {
          %mul3A_895 = arith.constant 16 : i32
          %mul3A_896 = arith.muli %while3A_893, %mul3A_895 : i32
          %get3A_897 = arith.index_cast %mul3A_896 : i32 to index
          %get3A_898 = tpu.vector_load %arg10[%get3A_897] {strides = array<i32>} : memref<4096xi32, #tpu.memory_space<vmem>>, vector<16xi32>,
          %shift_right_logical3A = arith.constant 12 : i32
          %shift_right_logical3A_899 = vector.broadcast %shift_right_logical3A : i32 to vector<16xi32>
          %shift_right_logical3A_900 = arith.shrui %get3A_898, %shift_right_logical3A_899 : vector<16xi32>
          %and3A_901 = arith.constant 4095 : i32
          %and3A_902 = vector.broadcast %and3A_901 : i32 to vector<16xi32>
          %and3A_903 = arith.andi %get3A_898, %and3A_902 : vector<16xi32>
          %ge3A = arith.constant 50688 : i32
          %ge3A_904 = vector.broadcast %ge3A : i32 to vector<16xi32>
          %ge3A_905 = arith.cmpi sge, %shift_right_logical3A_900, %ge3A_904 : vector<16xi32>
          %lt3A_906 = arith.constant 56320 : i32
          %lt3A_907 = vector.broadcast %lt3A_906 : i32 to vector<16xi32>
          %lt3A_908 = arith.cmpi slt, %shift_right_logical3A_900, %lt3A_907 : vector<16xi32>
          %and3A_909 = arith.andi %ge3A_905, %lt3A_908 : vector<16xi1>
          %sub3A_910 = arith.constant 50688 : i32
          %sub3A_911 = vector.broadcast %sub3A_910 : i32 to vector<16xi32>
          %sub3A_912 = arith.subi %shift_right_logical3A_900, %sub3A_911 : vector<16xi32>
          %jit3A_913 = arith.constant 0 : i32
          %jit3A_914 = arith.constant 5631 : i32
          %max3A = vector.broadcast %jit3A_913 : i32 to vector<16xi32>
          %max3A_915 = arith.maxsi %max3A, %sub3A_912 : vector<16xi32>
          %min3A = vector.broadcast %jit3A_914 : i32 to vector<16xi32>
          %min3A_916 = arith.minsi %min3A, %max3A_915 : vector<16xi32>
          %broadcast_in_dim3A = arith.constant 0 : i32
          %broadcast_in_dim3A_917 = vector.broadcast %broadcast_in_dim3A : i32 to vector<16xi32>
          %gather3A = tpu.vector_load_idx %arg9[%broadcast_in_dim3A_917, %min3A_916] : memref<8x5632xf32, #tpu.memory_space<vmem>>[vector<16xi32>, vector<16xi32>], vector<16xf32>,
          tpu.vector_store_idx %arg12[%broadcast_in_dim3A_917, %and3A_903], %gather3A masked %and3A_909 : memref<8x4096xf32, #tpu.memory_space<vmem>>[vector<16xi32>, vector<16xi32>], vector<16xf32>, vector<16xi1>
          %broadcast_in_dim3A_918 = arith.constant 1 : i32
          %broadcast_in_dim3A_919 = vector.broadcast %broadcast_in_dim3A_918 : i32 to vector<16xi32>
          %gather3A_920 = tpu.vector_load_idx %arg9[%broadcast_in_dim3A_919, %min3A_916] : memref<8x5632xf32, #tpu.memory_space<vmem>>[vector<16xi32>, vector<16xi32>], vector<16xf32>,
          tpu.vector_store_idx %arg12[%broadcast_in_dim3A_919, %and3A_903], %gather3A_920 masked %and3A_909 : memref<8x4096xf32, #tpu.memory_space<vmem>>[vector<16xi32>, vector<16xi32>], vector<16xf32>, vector<16xi1>
          %broadcast_in_dim3A_921 = arith.constant 2 : i32
          %broadcast_in_dim3A_922 = vector.broadcast %broadcast_in_dim3A_921 : i32 to vector<16xi32>
          %gather3A_923 = tpu.vector_load_idx %arg9[%broadcast_in_dim3A_922, %min3A_916] : memref<8x5632xf32, #tpu.memory_space<vmem>>[vector<16xi32>, vector<16xi32>], vector<16xf32>,
          tpu.vector_store_idx %arg12[%broadcast_in_dim3A_922, %and3A_903], %gather3A_923 masked %and3A_909 : memref<8x4096xf32, #tpu.memory_space<vmem>>[vector<16xi32>, vector<16xi32>], vector<16xf32>, vector<16xi1>
          %broadcast_in_dim3A_924 = arith.constant 3 : i32
          %broadcast_in_dim3A_925 = vector.broadcast %broadcast_in_dim3A_924 : i32 to vector<16xi32>
          %gather3A_926 = tpu.vector_load_idx %arg9[%broadcast_in_dim3A_925, %min3A_916] : memref<8x5632xf32, #tpu.memory_space<vmem>>[vector<16xi32>, vector<16xi32>], vector<16xf32>,
          tpu.vector_store_idx %arg12[%broadcast_in_dim3A_925, %and3A_903], %gather3A_926 masked %and3A_909 : memref<8x4096xf32, #tpu.memory_space<vmem>>[vector<16xi32>, vector<16xi32>], vector<16xf32>, vector<16xi1>
          %broadcast_in_dim3A_927 = arith.constant 4 : i32
          %broadcast_in_dim3A_928 = vector.broadcast %broadcast_in_dim3A_927 : i32 to vector<16xi32>
          %gather3A_929 = tpu.vector_load_idx %arg9[%broadcast_in_dim3A_928, %min3A_916] : memref<8x5632xf32, #tpu.memory_space<vmem>>[vector<16xi32>, vector<16xi32>], vector<16xf32>,
          tpu.vector_store_idx %arg12[%broadcast_in_dim3A_928, %and3A_903], %gather3A_929 masked %and3A_909 : memref<8x4096xf32, #tpu.memory_space<vmem>>[vector<16xi32>, vector<16xi32>], vector<16xf32>, vector<16xi1>
          %broadcast_in_dim3A_930 = arith.constant 5 : i32
          %broadcast_in_dim3A_931 = vector.broadcast %broadcast_in_dim3A_930 : i32 to vector<16xi32>
          %gather3A_932 = tpu.vector_load_idx %arg9[%broadcast_in_dim3A_931, %min3A_916] : memref<8x5632xf32, #tpu.memory_space<vmem>>[vector<16xi32>, vector<16xi32>], vector<16xf32>,
          tpu.vector_store_idx %arg12[%broadcast_in_dim3A_931, %and3A_903], %gather3A_932 masked %and3A_909 : memref<8x4096xf32, #tpu.memory_space<vmem>>[vector<16xi32>, vector<16xi32>], vector<16xf32>, vector<16xi1>
          %broadcast_in_dim3A_933 = arith.constant 6 : i32
          %broadcast_in_dim3A_934 = vector.broadcast %broadcast_in_dim3A_933 : i32 to vector<16xi32>
          %gather3A_935 = tpu.vector_load_idx %arg9[%broadcast_in_dim3A_934, %min3A_916] : memref<8x5632xf32, #tpu.memory_space<vmem>>[vector<16xi32>, vector<16xi32>], vector<16xf32>,
          tpu.vector_store_idx %arg12[%broadcast_in_dim3A_934, %and3A_903], %gather3A_935 masked %and3A_909 : memref<8x4096xf32, #tpu.memory_space<vmem>>[vector<16xi32>, vector<16xi32>], vector<16xf32>, vector<16xi1>
          %broadcast_in_dim3A_936 = arith.constant 7 : i32
          %broadcast_in_dim3A_937 = vector.broadcast %broadcast_in_dim3A_936 : i32 to vector<16xi32>
          %gather3A_938 = tpu.vector_load_idx %arg9[%broadcast_in_dim3A_937, %min3A_916] : memref<8x5632xf32, #tpu.memory_space<vmem>>[vector<16xi32>, vector<16xi32>], vector<16xf32>,
          tpu.vector_store_idx %arg12[%broadcast_in_dim3A_937, %and3A_903], %gather3A_938 masked %and3A_909 : memref<8x4096xf32, #tpu.memory_space<vmem>>[vector<16xi32>, vector<16xi32>], vector<16xf32>, vector<16xi1>
          %while3A_939 = arith.constant 0 : i32
          scf.yield %while3A_939 : i32
        }
        %dma_start3A_521 = arith.constant 0 : i32
        %dma_start3A_522 = arith.constant 0 : i32
        %dma_start3A_523 = tpu.memref_slice %arg9[%dma_start3A_521, %dma_start3A_522] : memref<8x5632xf32, #tpu.memory_space<vmem>> -> memref<8x5632xf32, #tpu.memory_space<vmem>>
        %dma_start3A_524 = arith.constant 61952 : i32
        %dma_start3A_525 = tpu.memref_slice %arg6[%select_n3A, %multiple_of3A, %dma_start3A_524] : memref<26x32x100000xf32, #tpu.memory_space<hbm>> -> memref<1x8x5632xf32, #tpu.memory_space<hbm>>
        %dma_start3A_526 = tpu.memref_squeeze %dma_start3A_525 : memref<1x8x5632xf32, #tpu.memory_space<hbm>> -> memref<8x5632xf32, #tpu.memory_space<hbm>>
        %dma_start3A_527 = arith.constant 0 : i32
        %dma_start3A_528 = arith.constant 0 : i32
        %dma_start3A_529 = tpu.memref_slice %arg9[%dma_start3A_527, %dma_start3A_528] : memref<8x5632xf32, #tpu.memory_space<vmem>> -> memref<8x5632xf32, #tpu.memory_space<vmem>>
        %dma_start3A_530 = arith.constant 61952 : i32
        %dma_start3A_531 = tpu.memref_slice %arg6[%select_n3A, %multiple_of3A, %dma_start3A_530] : memref<26x32x100000xf32, #tpu.memory_space<hbm>> -> memref<1x8x5632xf32, #tpu.memory_space<hbm>>
        %dma_start3A_532 = tpu.memref_squeeze %dma_start3A_531 : memref<1x8x5632xf32, #tpu.memory_space<hbm>> -> memref<8x5632xf32, #tpu.memory_space<hbm>>
        tpu.enqueue_dma source(%dma_start3A_532 : memref<8x5632xf32, #tpu.memory_space<hbm>>) target(%dma_start3A_529 : memref<8x5632xf32, #tpu.memory_space<vmem>>) target_semaphore(%arg14 : memref<!tpu.dma_semaphore, #tpu.memory_space<semaphore_mem>>)
        %dma_wait3A_533 = arith.constant 0 : i32
        %dma_wait3A_534 = arith.constant 0 : i32
        %dma_wait3A_535 = tpu.memref_slice %arg8[%dma_wait3A_533, %dma_wait3A_534] : memref<8x5632xf32, #tpu.memory_space<vmem>> -> memref<8x5632xf32, #tpu.memory_space<vmem>>
        %dma_wait3A_536 = arith.constant 56320 : i32
        %dma_wait3A_537 = tpu.memref_slice %arg6[%select_n3A, %multiple_of3A, %dma_wait3A_536] : memref<26x32x100000xf32, #tpu.memory_space<hbm>> -> memref<1x8x5632xf32, #tpu.memory_space<hbm>>
        %dma_wait3A_538 = tpu.memref_squeeze %dma_wait3A_537 : memref<1x8x5632xf32, #tpu.memory_space<hbm>> -> memref<8x5632xf32, #tpu.memory_space<hbm>>
        %dma_wait3A_539 = arith.constant 0 : i32
        %dma_wait3A_540 = arith.constant 0 : i32
        %dma_wait3A_541 = tpu.memref_slice %arg8[%dma_wait3A_539, %dma_wait3A_540] : memref<8x5632xf32, #tpu.memory_space<vmem>> -> memref<8x5632xf32, #tpu.memory_space<vmem>>
        %dma_wait3A_542 = arith.constant 56320 : i32
        %dma_wait3A_543 = tpu.memref_slice %arg6[%select_n3A, %multiple_of3A, %dma_wait3A_542] : memref<26x32x100000xf32, #tpu.memory_space<hbm>> -> memref<1x8x5632xf32, #tpu.memory_space<hbm>>
        %dma_wait3A_544 = tpu.memref_squeeze %dma_wait3A_543 : memref<1x8x5632xf32, #tpu.memory_space<hbm>> -> memref<8x5632xf32, #tpu.memory_space<hbm>>
        tpu.wait_dma2 semaphore(%arg13 : memref<!tpu.dma_semaphore, #tpu.memory_space<semaphore_mem>>) src(%dma_wait3A_544 : memref<8x5632xf32, #tpu.memory_space<hbm>>) dst(%dma_wait3A_541 : memref<8x5632xf32, #tpu.memory_space<vmem>>)
        %slice3A_545 = vector.extract_strided_slice %get3A_62 {offsets = [10], sizes = [1], strides = [1]} : vector<16xi32> to vector<1xi32>
        %squeeze3A_546 = vector.extract %slice3A_545[0] : i32 from vector<1xi32>
        %shift_right_arithmetic3A_547 = arith.constant 4 : i32
        %shift_right_arithmetic3A_548 = arith.shrsi %squeeze3A_546, %shift_right_arithmetic3A_547 : i32
        %slice3A_549 = vector.extract_strided_slice %get3A_62 {offsets = [11], sizes = [1], strides = [1]} : vector<16xi32> to vector<1xi32>
        %squeeze3A_550 = vector.extract %slice3A_549[0] : i32 from vector<1xi32>
        %add3A_551 = arith.constant 15 : i32
        %add3A_552 = arith.addi %squeeze3A_550, %add3A_551 : i32
        %shift_right_arithmetic3A_553 = arith.constant 4 : i32
        %shift_right_arithmetic3A_554 = arith.shrsi %add3A_552, %shift_right_arithmetic3A_553 : i32
        %while3A_555 = arith.constant 0 : i32
        %while3A_556 = arith.subi %shift_right_arithmetic3A_554, %shift_right_arithmetic3A_548 : i32
        %while3A_557 = arith.addi %shift_right_arithmetic3A_548, %while3A_556 : i32
        %while3A_558 = arith.constant 1 : i32
        %while3A_559 = arith.divsi %while3A_556, %while3A_558 : i32
        %while3A_560 = arith.muli %while3A_559, %while3A_558 : i32
        %while3A_561 = arith.addi %shift_right_arithmetic3A_548, %while3A_560 : i32
        %while3A_562 = arith.constant 1 : i32
        %while3A_563 = scf.for %while3A_893 = %shift_right_arithmetic3A_548 to %while3A_561 step %while3A_562 iter_args(%while3A_894 = %while3A_555) -> (i32)  : i32 {
          %mul3A_895 = arith.constant 16 : i32
          %mul3A_896 = arith.muli %while3A_893, %mul3A_895 : i32
          %get3A_897 = arith.index_cast %mul3A_896 : i32 to index
          %get3A_898 = tpu.vector_load %arg10[%get3A_897] {strides = array<i32>} : memref<4096xi32, #tpu.memory_space<vmem>>, vector<16xi32>,
          %shift_right_logical3A = arith.constant 12 : i32
          %shift_right_logical3A_899 = vector.broadcast %shift_right_logical3A : i32 to vector<16xi32>
          %shift_right_logical3A_900 = arith.shrui %get3A_898, %shift_right_logical3A_899 : vector<16xi32>
          %and3A_901 = arith.constant 4095 : i32
          %and3A_902 = vector.broadcast %and3A_901 : i32 to vector<16xi32>
          %and3A_903 = arith.andi %get3A_898, %and3A_902 : vector<16xi32>
          %ge3A = arith.constant 56320 : i32
          %ge3A_904 = vector.broadcast %ge3A : i32 to vector<16xi32>
          %ge3A_905 = arith.cmpi sge, %shift_right_logical3A_900, %ge3A_904 : vector<16xi32>
          %lt3A_906 = arith.constant 61952 : i32
          %lt3A_907 = vector.broadcast %lt3A_906 : i32 to vector<16xi32>
          %lt3A_908 = arith.cmpi slt, %shift_right_logical3A_900, %lt3A_907 : vector<16xi32>
          %and3A_909 = arith.andi %ge3A_905, %lt3A_908 : vector<16xi1>
          %sub3A_910 = arith.constant 56320 : i32
          %sub3A_911 = vector.broadcast %sub3A_910 : i32 to vector<16xi32>
          %sub3A_912 = arith.subi %shift_right_logical3A_900, %sub3A_911 : vector<16xi32>
          %jit3A_913 = arith.constant 0 : i32
          %jit3A_914 = arith.constant 5631 : i32
          %max3A = vector.broadcast %jit3A_913 : i32 to vector<16xi32>
          %max3A_915 = arith.maxsi %max3A, %sub3A_912 : vector<16xi32>
          %min3A = vector.broadcast %jit3A_914 : i32 to vector<16xi32>
          %min3A_916 = arith.minsi %min3A, %max3A_915 : vector<16xi32>
          %broadcast_in_dim3A = arith.constant 0 : i32
          %broadcast_in_dim3A_917 = vector.broadcast %broadcast_in_dim3A : i32 to vector<16xi32>
          %gather3A = tpu.vector_load_idx %arg8[%broadcast_in_dim3A_917, %min3A_916] : memref<8x5632xf32, #tpu.memory_space<vmem>>[vector<16xi32>, vector<16xi32>], vector<16xf32>,
          tpu.vector_store_idx %arg12[%broadcast_in_dim3A_917, %and3A_903], %gather3A masked %and3A_909 : memref<8x4096xf32, #tpu.memory_space<vmem>>[vector<16xi32>, vector<16xi32>], vector<16xf32>, vector<16xi1>
          %broadcast_in_dim3A_918 = arith.constant 1 : i32
          %broadcast_in_dim3A_919 = vector.broadcast %broadcast_in_dim3A_918 : i32 to vector<16xi32>
          %gather3A_920 = tpu.vector_load_idx %arg8[%broadcast_in_dim3A_919, %min3A_916] : memref<8x5632xf32, #tpu.memory_space<vmem>>[vector<16xi32>, vector<16xi32>], vector<16xf32>,
          tpu.vector_store_idx %arg12[%broadcast_in_dim3A_919, %and3A_903], %gather3A_920 masked %and3A_909 : memref<8x4096xf32, #tpu.memory_space<vmem>>[vector<16xi32>, vector<16xi32>], vector<16xf32>, vector<16xi1>
          %broadcast_in_dim3A_921 = arith.constant 2 : i32
          %broadcast_in_dim3A_922 = vector.broadcast %broadcast_in_dim3A_921 : i32 to vector<16xi32>
          %gather3A_923 = tpu.vector_load_idx %arg8[%broadcast_in_dim3A_922, %min3A_916] : memref<8x5632xf32, #tpu.memory_space<vmem>>[vector<16xi32>, vector<16xi32>], vector<16xf32>,
          tpu.vector_store_idx %arg12[%broadcast_in_dim3A_922, %and3A_903], %gather3A_923 masked %and3A_909 : memref<8x4096xf32, #tpu.memory_space<vmem>>[vector<16xi32>, vector<16xi32>], vector<16xf32>, vector<16xi1>
          %broadcast_in_dim3A_924 = arith.constant 3 : i32
          %broadcast_in_dim3A_925 = vector.broadcast %broadcast_in_dim3A_924 : i32 to vector<16xi32>
          %gather3A_926 = tpu.vector_load_idx %arg8[%broadcast_in_dim3A_925, %min3A_916] : memref<8x5632xf32, #tpu.memory_space<vmem>>[vector<16xi32>, vector<16xi32>], vector<16xf32>,
          tpu.vector_store_idx %arg12[%broadcast_in_dim3A_925, %and3A_903], %gather3A_926 masked %and3A_909 : memref<8x4096xf32, #tpu.memory_space<vmem>>[vector<16xi32>, vector<16xi32>], vector<16xf32>, vector<16xi1>
          %broadcast_in_dim3A_927 = arith.constant 4 : i32
          %broadcast_in_dim3A_928 = vector.broadcast %broadcast_in_dim3A_927 : i32 to vector<16xi32>
          %gather3A_929 = tpu.vector_load_idx %arg8[%broadcast_in_dim3A_928, %min3A_916] : memref<8x5632xf32, #tpu.memory_space<vmem>>[vector<16xi32>, vector<16xi32>], vector<16xf32>,
          tpu.vector_store_idx %arg12[%broadcast_in_dim3A_928, %and3A_903], %gather3A_929 masked %and3A_909 : memref<8x4096xf32, #tpu.memory_space<vmem>>[vector<16xi32>, vector<16xi32>], vector<16xf32>, vector<16xi1>
          %broadcast_in_dim3A_930 = arith.constant 5 : i32
          %broadcast_in_dim3A_931 = vector.broadcast %broadcast_in_dim3A_930 : i32 to vector<16xi32>
          %gather3A_932 = tpu.vector_load_idx %arg8[%broadcast_in_dim3A_931, %min3A_916] : memref<8x5632xf32, #tpu.memory_space<vmem>>[vector<16xi32>, vector<16xi32>], vector<16xf32>,
          tpu.vector_store_idx %arg12[%broadcast_in_dim3A_931, %and3A_903], %gather3A_932 masked %and3A_909 : memref<8x4096xf32, #tpu.memory_space<vmem>>[vector<16xi32>, vector<16xi32>], vector<16xf32>, vector<16xi1>
          %broadcast_in_dim3A_933 = arith.constant 6 : i32
          %broadcast_in_dim3A_934 = vector.broadcast %broadcast_in_dim3A_933 : i32 to vector<16xi32>
          %gather3A_935 = tpu.vector_load_idx %arg8[%broadcast_in_dim3A_934, %min3A_916] : memref<8x5632xf32, #tpu.memory_space<vmem>>[vector<16xi32>, vector<16xi32>], vector<16xf32>,
          tpu.vector_store_idx %arg12[%broadcast_in_dim3A_934, %and3A_903], %gather3A_935 masked %and3A_909 : memref<8x4096xf32, #tpu.memory_space<vmem>>[vector<16xi32>, vector<16xi32>], vector<16xf32>, vector<16xi1>
          %broadcast_in_dim3A_936 = arith.constant 7 : i32
          %broadcast_in_dim3A_937 = vector.broadcast %broadcast_in_dim3A_936 : i32 to vector<16xi32>
          %gather3A_938 = tpu.vector_load_idx %arg8[%broadcast_in_dim3A_937, %min3A_916] : memref<8x5632xf32, #tpu.memory_space<vmem>>[vector<16xi32>, vector<16xi32>], vector<16xf32>,
          tpu.vector_store_idx %arg12[%broadcast_in_dim3A_937, %and3A_903], %gather3A_938 masked %and3A_909 : memref<8x4096xf32, #tpu.memory_space<vmem>>[vector<16xi32>, vector<16xi32>], vector<16xf32>, vector<16xi1>
          %while3A_939 = arith.constant 0 : i32
          scf.yield %while3A_939 : i32
        }
        %while3A_564 = arith.constant 1 : i32
        %while3A_565 = scf.for %while3A_893 = %while3A_561 to %while3A_557 step %while3A_564 iter_args(%while3A_894 = %while3A_563) -> (i32)  : i32 {
          %mul3A_895 = arith.constant 16 : i32
          %mul3A_896 = arith.muli %while3A_893, %mul3A_895 : i32
          %get3A_897 = arith.index_cast %mul3A_896 : i32 to index
          %get3A_898 = tpu.vector_load %arg10[%get3A_897] {strides = array<i32>} : memref<4096xi32, #tpu.memory_space<vmem>>, vector<16xi32>,
          %shift_right_logical3A = arith.constant 12 : i32
          %shift_right_logical3A_899 = vector.broadcast %shift_right_logical3A : i32 to vector<16xi32>
          %shift_right_logical3A_900 = arith.shrui %get3A_898, %shift_right_logical3A_899 : vector<16xi32>
          %and3A_901 = arith.constant 4095 : i32
          %and3A_902 = vector.broadcast %and3A_901 : i32 to vector<16xi32>
          %and3A_903 = arith.andi %get3A_898, %and3A_902 : vector<16xi32>
          %ge3A = arith.constant 56320 : i32
          %ge3A_904 = vector.broadcast %ge3A : i32 to vector<16xi32>
          %ge3A_905 = arith.cmpi sge, %shift_right_logical3A_900, %ge3A_904 : vector<16xi32>
          %lt3A_906 = arith.constant 61952 : i32
          %lt3A_907 = vector.broadcast %lt3A_906 : i32 to vector<16xi32>
          %lt3A_908 = arith.cmpi slt, %shift_right_logical3A_900, %lt3A_907 : vector<16xi32>
          %and3A_909 = arith.andi %ge3A_905, %lt3A_908 : vector<16xi1>
          %sub3A_910 = arith.constant 56320 : i32
          %sub3A_911 = vector.broadcast %sub3A_910 : i32 to vector<16xi32>
          %sub3A_912 = arith.subi %shift_right_logical3A_900, %sub3A_911 : vector<16xi32>
          %jit3A_913 = arith.constant 0 : i32
          %jit3A_914 = arith.constant 5631 : i32
          %max3A = vector.broadcast %jit3A_913 : i32 to vector<16xi32>
          %max3A_915 = arith.maxsi %max3A, %sub3A_912 : vector<16xi32>
          %min3A = vector.broadcast %jit3A_914 : i32 to vector<16xi32>
          %min3A_916 = arith.minsi %min3A, %max3A_915 : vector<16xi32>
          %broadcast_in_dim3A = arith.constant 0 : i32
          %broadcast_in_dim3A_917 = vector.broadcast %broadcast_in_dim3A : i32 to vector<16xi32>
          %gather3A = tpu.vector_load_idx %arg8[%broadcast_in_dim3A_917, %min3A_916] : memref<8x5632xf32, #tpu.memory_space<vmem>>[vector<16xi32>, vector<16xi32>], vector<16xf32>,
          tpu.vector_store_idx %arg12[%broadcast_in_dim3A_917, %and3A_903], %gather3A masked %and3A_909 : memref<8x4096xf32, #tpu.memory_space<vmem>>[vector<16xi32>, vector<16xi32>], vector<16xf32>, vector<16xi1>
          %broadcast_in_dim3A_918 = arith.constant 1 : i32
          %broadcast_in_dim3A_919 = vector.broadcast %broadcast_in_dim3A_918 : i32 to vector<16xi32>
          %gather3A_920 = tpu.vector_load_idx %arg8[%broadcast_in_dim3A_919, %min3A_916] : memref<8x5632xf32, #tpu.memory_space<vmem>>[vector<16xi32>, vector<16xi32>], vector<16xf32>,
          tpu.vector_store_idx %arg12[%broadcast_in_dim3A_919, %and3A_903], %gather3A_920 masked %and3A_909 : memref<8x4096xf32, #tpu.memory_space<vmem>>[vector<16xi32>, vector<16xi32>], vector<16xf32>, vector<16xi1>
          %broadcast_in_dim3A_921 = arith.constant 2 : i32
          %broadcast_in_dim3A_922 = vector.broadcast %broadcast_in_dim3A_921 : i32 to vector<16xi32>
          %gather3A_923 = tpu.vector_load_idx %arg8[%broadcast_in_dim3A_922, %min3A_916] : memref<8x5632xf32, #tpu.memory_space<vmem>>[vector<16xi32>, vector<16xi32>], vector<16xf32>,
          tpu.vector_store_idx %arg12[%broadcast_in_dim3A_922, %and3A_903], %gather3A_923 masked %and3A_909 : memref<8x4096xf32, #tpu.memory_space<vmem>>[vector<16xi32>, vector<16xi32>], vector<16xf32>, vector<16xi1>
          %broadcast_in_dim3A_924 = arith.constant 3 : i32
          %broadcast_in_dim3A_925 = vector.broadcast %broadcast_in_dim3A_924 : i32 to vector<16xi32>
          %gather3A_926 = tpu.vector_load_idx %arg8[%broadcast_in_dim3A_925, %min3A_916] : memref<8x5632xf32, #tpu.memory_space<vmem>>[vector<16xi32>, vector<16xi32>], vector<16xf32>,
          tpu.vector_store_idx %arg12[%broadcast_in_dim3A_925, %and3A_903], %gather3A_926 masked %and3A_909 : memref<8x4096xf32, #tpu.memory_space<vmem>>[vector<16xi32>, vector<16xi32>], vector<16xf32>, vector<16xi1>
          %broadcast_in_dim3A_927 = arith.constant 4 : i32
          %broadcast_in_dim3A_928 = vector.broadcast %broadcast_in_dim3A_927 : i32 to vector<16xi32>
          %gather3A_929 = tpu.vector_load_idx %arg8[%broadcast_in_dim3A_928, %min3A_916] : memref<8x5632xf32, #tpu.memory_space<vmem>>[vector<16xi32>, vector<16xi32>], vector<16xf32>,
          tpu.vector_store_idx %arg12[%broadcast_in_dim3A_928, %and3A_903], %gather3A_929 masked %and3A_909 : memref<8x4096xf32, #tpu.memory_space<vmem>>[vector<16xi32>, vector<16xi32>], vector<16xf32>, vector<16xi1>
          %broadcast_in_dim3A_930 = arith.constant 5 : i32
          %broadcast_in_dim3A_931 = vector.broadcast %broadcast_in_dim3A_930 : i32 to vector<16xi32>
          %gather3A_932 = tpu.vector_load_idx %arg8[%broadcast_in_dim3A_931, %min3A_916] : memref<8x5632xf32, #tpu.memory_space<vmem>>[vector<16xi32>, vector<16xi32>], vector<16xf32>,
          tpu.vector_store_idx %arg12[%broadcast_in_dim3A_931, %and3A_903], %gather3A_932 masked %and3A_909 : memref<8x4096xf32, #tpu.memory_space<vmem>>[vector<16xi32>, vector<16xi32>], vector<16xf32>, vector<16xi1>
          %broadcast_in_dim3A_933 = arith.constant 6 : i32
          %broadcast_in_dim3A_934 = vector.broadcast %broadcast_in_dim3A_933 : i32 to vector<16xi32>
          %gather3A_935 = tpu.vector_load_idx %arg8[%broadcast_in_dim3A_934, %min3A_916] : memref<8x5632xf32, #tpu.memory_space<vmem>>[vector<16xi32>, vector<16xi32>], vector<16xf32>,
          tpu.vector_store_idx %arg12[%broadcast_in_dim3A_934, %and3A_903], %gather3A_935 masked %and3A_909 : memref<8x4096xf32, #tpu.memory_space<vmem>>[vector<16xi32>, vector<16xi32>], vector<16xf32>, vector<16xi1>
          %broadcast_in_dim3A_936 = arith.constant 7 : i32
          %broadcast_in_dim3A_937 = vector.broadcast %broadcast_in_dim3A_936 : i32 to vector<16xi32>
          %gather3A_938 = tpu.vector_load_idx %arg8[%broadcast_in_dim3A_937, %min3A_916] : memref<8x5632xf32, #tpu.memory_space<vmem>>[vector<16xi32>, vector<16xi32>], vector<16xf32>,
          tpu.vector_store_idx %arg12[%broadcast_in_dim3A_937, %and3A_903], %gather3A_938 masked %and3A_909 : memref<8x4096xf32, #tpu.memory_space<vmem>>[vector<16xi32>, vector<16xi32>], vector<16xf32>, vector<16xi1>
          %while3A_939 = arith.constant 0 : i32
          scf.yield %while3A_939 : i32
        }
        %dma_start3A_566 = arith.constant 0 : i32
        %dma_start3A_567 = arith.constant 0 : i32
        %dma_start3A_568 = tpu.memref_slice %arg8[%dma_start3A_566, %dma_start3A_567] : memref<8x5632xf32, #tpu.memory_space<vmem>> -> memref<8x5632xf32, #tpu.memory_space<vmem>>
        %dma_start3A_569 = arith.constant 67584 : i32
        %dma_start3A_570 = tpu.memref_slice %arg6[%select_n3A, %multiple_of3A, %dma_start3A_569] : memref<26x32x100000xf32, #tpu.memory_space<hbm>> -> memref<1x8x5632xf32, #tpu.memory_space<hbm>>
        %dma_start3A_571 = tpu.memref_squeeze %dma_start3A_570 : memref<1x8x5632xf32, #tpu.memory_space<hbm>> -> memref<8x5632xf32, #tpu.memory_space<hbm>>
        %dma_start3A_572 = arith.constant 0 : i32
        %dma_start3A_573 = arith.constant 0 : i32
        %dma_start3A_574 = tpu.memref_slice %arg8[%dma_start3A_572, %dma_start3A_573] : memref<8x5632xf32, #tpu.memory_space<vmem>> -> memref<8x5632xf32, #tpu.memory_space<vmem>>
        %dma_start3A_575 = arith.constant 67584 : i32
        %dma_start3A_576 = tpu.memref_slice %arg6[%select_n3A, %multiple_of3A, %dma_start3A_575] : memref<26x32x100000xf32, #tpu.memory_space<hbm>> -> memref<1x8x5632xf32, #tpu.memory_space<hbm>>
        %dma_start3A_577 = tpu.memref_squeeze %dma_start3A_576 : memref<1x8x5632xf32, #tpu.memory_space<hbm>> -> memref<8x5632xf32, #tpu.memory_space<hbm>>
        tpu.enqueue_dma source(%dma_start3A_577 : memref<8x5632xf32, #tpu.memory_space<hbm>>) target(%dma_start3A_574 : memref<8x5632xf32, #tpu.memory_space<vmem>>) target_semaphore(%arg13 : memref<!tpu.dma_semaphore, #tpu.memory_space<semaphore_mem>>)
        %dma_wait3A_578 = arith.constant 0 : i32
        %dma_wait3A_579 = arith.constant 0 : i32
        %dma_wait3A_580 = tpu.memref_slice %arg9[%dma_wait3A_578, %dma_wait3A_579] : memref<8x5632xf32, #tpu.memory_space<vmem>> -> memref<8x5632xf32, #tpu.memory_space<vmem>>
        %dma_wait3A_581 = arith.constant 61952 : i32
        %dma_wait3A_582 = tpu.memref_slice %arg6[%select_n3A, %multiple_of3A, %dma_wait3A_581] : memref<26x32x100000xf32, #tpu.memory_space<hbm>> -> memref<1x8x5632xf32, #tpu.memory_space<hbm>>
        %dma_wait3A_583 = tpu.memref_squeeze %dma_wait3A_582 : memref<1x8x5632xf32, #tpu.memory_space<hbm>> -> memref<8x5632xf32, #tpu.memory_space<hbm>>
        %dma_wait3A_584 = arith.constant 0 : i32
        %dma_wait3A_585 = arith.constant 0 : i32
        %dma_wait3A_586 = tpu.memref_slice %arg9[%dma_wait3A_584, %dma_wait3A_585] : memref<8x5632xf32, #tpu.memory_space<vmem>> -> memref<8x5632xf32, #tpu.memory_space<vmem>>
        %dma_wait3A_587 = arith.constant 61952 : i32
        %dma_wait3A_588 = tpu.memref_slice %arg6[%select_n3A, %multiple_of3A, %dma_wait3A_587] : memref<26x32x100000xf32, #tpu.memory_space<hbm>> -> memref<1x8x5632xf32, #tpu.memory_space<hbm>>
        %dma_wait3A_589 = tpu.memref_squeeze %dma_wait3A_588 : memref<1x8x5632xf32, #tpu.memory_space<hbm>> -> memref<8x5632xf32, #tpu.memory_space<hbm>>
        tpu.wait_dma2 semaphore(%arg14 : memref<!tpu.dma_semaphore, #tpu.memory_space<semaphore_mem>>) src(%dma_wait3A_589 : memref<8x5632xf32, #tpu.memory_space<hbm>>) dst(%dma_wait3A_586 : memref<8x5632xf32, #tpu.memory_space<vmem>>)
        %slice3A_590 = vector.extract_strided_slice %get3A_62 {offsets = [11], sizes = [1], strides = [1]} : vector<16xi32> to vector<1xi32>
        %squeeze3A_591 = vector.extract %slice3A_590[0] : i32 from vector<1xi32>
        %shift_right_arithmetic3A_592 = arith.constant 4 : i32
        %shift_right_arithmetic3A_593 = arith.shrsi %squeeze3A_591, %shift_right_arithmetic3A_592 : i32
        %slice3A_594 = vector.extract_strided_slice %get3A_62 {offsets = [12], sizes = [1], strides = [1]} : vector<16xi32> to vector<1xi32>
        %squeeze3A_595 = vector.extract %slice3A_594[0] : i32 from vector<1xi32>
        %add3A_596 = arith.constant 15 : i32
        %add3A_597 = arith.addi %squeeze3A_595, %add3A_596 : i32
        %shift_right_arithmetic3A_598 = arith.constant 4 : i32
        %shift_right_arithmetic3A_599 = arith.shrsi %add3A_597, %shift_right_arithmetic3A_598 : i32
        %while3A_600 = arith.constant 0 : i32
        %while3A_601 = arith.subi %shift_right_arithmetic3A_599, %shift_right_arithmetic3A_593 : i32
        %while3A_602 = arith.addi %shift_right_arithmetic3A_593, %while3A_601 : i32
        %while3A_603 = arith.constant 1 : i32
        %while3A_604 = arith.divsi %while3A_601, %while3A_603 : i32
        %while3A_605 = arith.muli %while3A_604, %while3A_603 : i32
        %while3A_606 = arith.addi %shift_right_arithmetic3A_593, %while3A_605 : i32
        %while3A_607 = arith.constant 1 : i32
        %while3A_608 = scf.for %while3A_893 = %shift_right_arithmetic3A_593 to %while3A_606 step %while3A_607 iter_args(%while3A_894 = %while3A_600) -> (i32)  : i32 {
          %mul3A_895 = arith.constant 16 : i32
          %mul3A_896 = arith.muli %while3A_893, %mul3A_895 : i32
          %get3A_897 = arith.index_cast %mul3A_896 : i32 to index
          %get3A_898 = tpu.vector_load %arg10[%get3A_897] {strides = array<i32>} : memref<4096xi32, #tpu.memory_space<vmem>>, vector<16xi32>,
          %shift_right_logical3A = arith.constant 12 : i32
          %shift_right_logical3A_899 = vector.broadcast %shift_right_logical3A : i32 to vector<16xi32>
          %shift_right_logical3A_900 = arith.shrui %get3A_898, %shift_right_logical3A_899 : vector<16xi32>
          %and3A_901 = arith.constant 4095 : i32
          %and3A_902 = vector.broadcast %and3A_901 : i32 to vector<16xi32>
          %and3A_903 = arith.andi %get3A_898, %and3A_902 : vector<16xi32>
          %ge3A = arith.constant 61952 : i32
          %ge3A_904 = vector.broadcast %ge3A : i32 to vector<16xi32>
          %ge3A_905 = arith.cmpi sge, %shift_right_logical3A_900, %ge3A_904 : vector<16xi32>
          %lt3A_906 = arith.constant 67584 : i32
          %lt3A_907 = vector.broadcast %lt3A_906 : i32 to vector<16xi32>
          %lt3A_908 = arith.cmpi slt, %shift_right_logical3A_900, %lt3A_907 : vector<16xi32>
          %and3A_909 = arith.andi %ge3A_905, %lt3A_908 : vector<16xi1>
          %sub3A_910 = arith.constant 61952 : i32
          %sub3A_911 = vector.broadcast %sub3A_910 : i32 to vector<16xi32>
          %sub3A_912 = arith.subi %shift_right_logical3A_900, %sub3A_911 : vector<16xi32>
          %jit3A_913 = arith.constant 0 : i32
          %jit3A_914 = arith.constant 5631 : i32
          %max3A = vector.broadcast %jit3A_913 : i32 to vector<16xi32>
          %max3A_915 = arith.maxsi %max3A, %sub3A_912 : vector<16xi32>
          %min3A = vector.broadcast %jit3A_914 : i32 to vector<16xi32>
          %min3A_916 = arith.minsi %min3A, %max3A_915 : vector<16xi32>
          %broadcast_in_dim3A = arith.constant 0 : i32
          %broadcast_in_dim3A_917 = vector.broadcast %broadcast_in_dim3A : i32 to vector<16xi32>
          %gather3A = tpu.vector_load_idx %arg9[%broadcast_in_dim3A_917, %min3A_916] : memref<8x5632xf32, #tpu.memory_space<vmem>>[vector<16xi32>, vector<16xi32>], vector<16xf32>,
          tpu.vector_store_idx %arg12[%broadcast_in_dim3A_917, %and3A_903], %gather3A masked %and3A_909 : memref<8x4096xf32, #tpu.memory_space<vmem>>[vector<16xi32>, vector<16xi32>], vector<16xf32>, vector<16xi1>
          %broadcast_in_dim3A_918 = arith.constant 1 : i32
          %broadcast_in_dim3A_919 = vector.broadcast %broadcast_in_dim3A_918 : i32 to vector<16xi32>
          %gather3A_920 = tpu.vector_load_idx %arg9[%broadcast_in_dim3A_919, %min3A_916] : memref<8x5632xf32, #tpu.memory_space<vmem>>[vector<16xi32>, vector<16xi32>], vector<16xf32>,
          tpu.vector_store_idx %arg12[%broadcast_in_dim3A_919, %and3A_903], %gather3A_920 masked %and3A_909 : memref<8x4096xf32, #tpu.memory_space<vmem>>[vector<16xi32>, vector<16xi32>], vector<16xf32>, vector<16xi1>
          %broadcast_in_dim3A_921 = arith.constant 2 : i32
          %broadcast_in_dim3A_922 = vector.broadcast %broadcast_in_dim3A_921 : i32 to vector<16xi32>
          %gather3A_923 = tpu.vector_load_idx %arg9[%broadcast_in_dim3A_922, %min3A_916] : memref<8x5632xf32, #tpu.memory_space<vmem>>[vector<16xi32>, vector<16xi32>], vector<16xf32>,
          tpu.vector_store_idx %arg12[%broadcast_in_dim3A_922, %and3A_903], %gather3A_923 masked %and3A_909 : memref<8x4096xf32, #tpu.memory_space<vmem>>[vector<16xi32>, vector<16xi32>], vector<16xf32>, vector<16xi1>
          %broadcast_in_dim3A_924 = arith.constant 3 : i32
          %broadcast_in_dim3A_925 = vector.broadcast %broadcast_in_dim3A_924 : i32 to vector<16xi32>
          %gather3A_926 = tpu.vector_load_idx %arg9[%broadcast_in_dim3A_925, %min3A_916] : memref<8x5632xf32, #tpu.memory_space<vmem>>[vector<16xi32>, vector<16xi32>], vector<16xf32>,
          tpu.vector_store_idx %arg12[%broadcast_in_dim3A_925, %and3A_903], %gather3A_926 masked %and3A_909 : memref<8x4096xf32, #tpu.memory_space<vmem>>[vector<16xi32>, vector<16xi32>], vector<16xf32>, vector<16xi1>
          %broadcast_in_dim3A_927 = arith.constant 4 : i32
          %broadcast_in_dim3A_928 = vector.broadcast %broadcast_in_dim3A_927 : i32 to vector<16xi32>
          %gather3A_929 = tpu.vector_load_idx %arg9[%broadcast_in_dim3A_928, %min3A_916] : memref<8x5632xf32, #tpu.memory_space<vmem>>[vector<16xi32>, vector<16xi32>], vector<16xf32>,
          tpu.vector_store_idx %arg12[%broadcast_in_dim3A_928, %and3A_903], %gather3A_929 masked %and3A_909 : memref<8x4096xf32, #tpu.memory_space<vmem>>[vector<16xi32>, vector<16xi32>], vector<16xf32>, vector<16xi1>
          %broadcast_in_dim3A_930 = arith.constant 5 : i32
          %broadcast_in_dim3A_931 = vector.broadcast %broadcast_in_dim3A_930 : i32 to vector<16xi32>
          %gather3A_932 = tpu.vector_load_idx %arg9[%broadcast_in_dim3A_931, %min3A_916] : memref<8x5632xf32, #tpu.memory_space<vmem>>[vector<16xi32>, vector<16xi32>], vector<16xf32>,
          tpu.vector_store_idx %arg12[%broadcast_in_dim3A_931, %and3A_903], %gather3A_932 masked %and3A_909 : memref<8x4096xf32, #tpu.memory_space<vmem>>[vector<16xi32>, vector<16xi32>], vector<16xf32>, vector<16xi1>
          %broadcast_in_dim3A_933 = arith.constant 6 : i32
          %broadcast_in_dim3A_934 = vector.broadcast %broadcast_in_dim3A_933 : i32 to vector<16xi32>
          %gather3A_935 = tpu.vector_load_idx %arg9[%broadcast_in_dim3A_934, %min3A_916] : memref<8x5632xf32, #tpu.memory_space<vmem>>[vector<16xi32>, vector<16xi32>], vector<16xf32>,
          tpu.vector_store_idx %arg12[%broadcast_in_dim3A_934, %and3A_903], %gather3A_935 masked %and3A_909 : memref<8x4096xf32, #tpu.memory_space<vmem>>[vector<16xi32>, vector<16xi32>], vector<16xf32>, vector<16xi1>
          %broadcast_in_dim3A_936 = arith.constant 7 : i32
          %broadcast_in_dim3A_937 = vector.broadcast %broadcast_in_dim3A_936 : i32 to vector<16xi32>
          %gather3A_938 = tpu.vector_load_idx %arg9[%broadcast_in_dim3A_937, %min3A_916] : memref<8x5632xf32, #tpu.memory_space<vmem>>[vector<16xi32>, vector<16xi32>], vector<16xf32>,
          tpu.vector_store_idx %arg12[%broadcast_in_dim3A_937, %and3A_903], %gather3A_938 masked %and3A_909 : memref<8x4096xf32, #tpu.memory_space<vmem>>[vector<16xi32>, vector<16xi32>], vector<16xf32>, vector<16xi1>
          %while3A_939 = arith.constant 0 : i32
          scf.yield %while3A_939 : i32
        }
        %while3A_609 = arith.constant 1 : i32
        %while3A_610 = scf.for %while3A_893 = %while3A_606 to %while3A_602 step %while3A_609 iter_args(%while3A_894 = %while3A_608) -> (i32)  : i32 {
          %mul3A_895 = arith.constant 16 : i32
          %mul3A_896 = arith.muli %while3A_893, %mul3A_895 : i32
          %get3A_897 = arith.index_cast %mul3A_896 : i32 to index
          %get3A_898 = tpu.vector_load %arg10[%get3A_897] {strides = array<i32>} : memref<4096xi32, #tpu.memory_space<vmem>>, vector<16xi32>,
          %shift_right_logical3A = arith.constant 12 : i32
          %shift_right_logical3A_899 = vector.broadcast %shift_right_logical3A : i32 to vector<16xi32>
          %shift_right_logical3A_900 = arith.shrui %get3A_898, %shift_right_logical3A_899 : vector<16xi32>
          %and3A_901 = arith.constant 4095 : i32
          %and3A_902 = vector.broadcast %and3A_901 : i32 to vector<16xi32>
          %and3A_903 = arith.andi %get3A_898, %and3A_902 : vector<16xi32>
          %ge3A = arith.constant 61952 : i32
          %ge3A_904 = vector.broadcast %ge3A : i32 to vector<16xi32>
          %ge3A_905 = arith.cmpi sge, %shift_right_logical3A_900, %ge3A_904 : vector<16xi32>
          %lt3A_906 = arith.constant 67584 : i32
          %lt3A_907 = vector.broadcast %lt3A_906 : i32 to vector<16xi32>
          %lt3A_908 = arith.cmpi slt, %shift_right_logical3A_900, %lt3A_907 : vector<16xi32>
          %and3A_909 = arith.andi %ge3A_905, %lt3A_908 : vector<16xi1>
          %sub3A_910 = arith.constant 61952 : i32
          %sub3A_911 = vector.broadcast %sub3A_910 : i32 to vector<16xi32>
          %sub3A_912 = arith.subi %shift_right_logical3A_900, %sub3A_911 : vector<16xi32>
          %jit3A_913 = arith.constant 0 : i32
          %jit3A_914 = arith.constant 5631 : i32
          %max3A = vector.broadcast %jit3A_913 : i32 to vector<16xi32>
          %max3A_915 = arith.maxsi %max3A, %sub3A_912 : vector<16xi32>
          %min3A = vector.broadcast %jit3A_914 : i32 to vector<16xi32>
          %min3A_916 = arith.minsi %min3A, %max3A_915 : vector<16xi32>
          %broadcast_in_dim3A = arith.constant 0 : i32
          %broadcast_in_dim3A_917 = vector.broadcast %broadcast_in_dim3A : i32 to vector<16xi32>
          %gather3A = tpu.vector_load_idx %arg9[%broadcast_in_dim3A_917, %min3A_916] : memref<8x5632xf32, #tpu.memory_space<vmem>>[vector<16xi32>, vector<16xi32>], vector<16xf32>,
          tpu.vector_store_idx %arg12[%broadcast_in_dim3A_917, %and3A_903], %gather3A masked %and3A_909 : memref<8x4096xf32, #tpu.memory_space<vmem>>[vector<16xi32>, vector<16xi32>], vector<16xf32>, vector<16xi1>
          %broadcast_in_dim3A_918 = arith.constant 1 : i32
          %broadcast_in_dim3A_919 = vector.broadcast %broadcast_in_dim3A_918 : i32 to vector<16xi32>
          %gather3A_920 = tpu.vector_load_idx %arg9[%broadcast_in_dim3A_919, %min3A_916] : memref<8x5632xf32, #tpu.memory_space<vmem>>[vector<16xi32>, vector<16xi32>], vector<16xf32>,
          tpu.vector_store_idx %arg12[%broadcast_in_dim3A_919, %and3A_903], %gather3A_920 masked %and3A_909 : memref<8x4096xf32, #tpu.memory_space<vmem>>[vector<16xi32>, vector<16xi32>], vector<16xf32>, vector<16xi1>
          %broadcast_in_dim3A_921 = arith.constant 2 : i32
          %broadcast_in_dim3A_922 = vector.broadcast %broadcast_in_dim3A_921 : i32 to vector<16xi32>
          %gather3A_923 = tpu.vector_load_idx %arg9[%broadcast_in_dim3A_922, %min3A_916] : memref<8x5632xf32, #tpu.memory_space<vmem>>[vector<16xi32>, vector<16xi32>], vector<16xf32>,
          tpu.vector_store_idx %arg12[%broadcast_in_dim3A_922, %and3A_903], %gather3A_923 masked %and3A_909 : memref<8x4096xf32, #tpu.memory_space<vmem>>[vector<16xi32>, vector<16xi32>], vector<16xf32>, vector<16xi1>
          %broadcast_in_dim3A_924 = arith.constant 3 : i32
          %broadcast_in_dim3A_925 = vector.broadcast %broadcast_in_dim3A_924 : i32 to vector<16xi32>
          %gather3A_926 = tpu.vector_load_idx %arg9[%broadcast_in_dim3A_925, %min3A_916] : memref<8x5632xf32, #tpu.memory_space<vmem>>[vector<16xi32>, vector<16xi32>], vector<16xf32>,
          tpu.vector_store_idx %arg12[%broadcast_in_dim3A_925, %and3A_903], %gather3A_926 masked %and3A_909 : memref<8x4096xf32, #tpu.memory_space<vmem>>[vector<16xi32>, vector<16xi32>], vector<16xf32>, vector<16xi1>
          %broadcast_in_dim3A_927 = arith.constant 4 : i32
          %broadcast_in_dim3A_928 = vector.broadcast %broadcast_in_dim3A_927 : i32 to vector<16xi32>
          %gather3A_929 = tpu.vector_load_idx %arg9[%broadcast_in_dim3A_928, %min3A_916] : memref<8x5632xf32, #tpu.memory_space<vmem>>[vector<16xi32>, vector<16xi32>], vector<16xf32>,
          tpu.vector_store_idx %arg12[%broadcast_in_dim3A_928, %and3A_903], %gather3A_929 masked %and3A_909 : memref<8x4096xf32, #tpu.memory_space<vmem>>[vector<16xi32>, vector<16xi32>], vector<16xf32>, vector<16xi1>
          %broadcast_in_dim3A_930 = arith.constant 5 : i32
          %broadcast_in_dim3A_931 = vector.broadcast %broadcast_in_dim3A_930 : i32 to vector<16xi32>
          %gather3A_932 = tpu.vector_load_idx %arg9[%broadcast_in_dim3A_931, %min3A_916] : memref<8x5632xf32, #tpu.memory_space<vmem>>[vector<16xi32>, vector<16xi32>], vector<16xf32>,
          tpu.vector_store_idx %arg12[%broadcast_in_dim3A_931, %and3A_903], %gather3A_932 masked %and3A_909 : memref<8x4096xf32, #tpu.memory_space<vmem>>[vector<16xi32>, vector<16xi32>], vector<16xf32>, vector<16xi1>
          %broadcast_in_dim3A_933 = arith.constant 6 : i32
          %broadcast_in_dim3A_934 = vector.broadcast %broadcast_in_dim3A_933 : i32 to vector<16xi32>
          %gather3A_935 = tpu.vector_load_idx %arg9[%broadcast_in_dim3A_934, %min3A_916] : memref<8x5632xf32, #tpu.memory_space<vmem>>[vector<16xi32>, vector<16xi32>], vector<16xf32>,
          tpu.vector_store_idx %arg12[%broadcast_in_dim3A_934, %and3A_903], %gather3A_935 masked %and3A_909 : memref<8x4096xf32, #tpu.memory_space<vmem>>[vector<16xi32>, vector<16xi32>], vector<16xf32>, vector<16xi1>
          %broadcast_in_dim3A_936 = arith.constant 7 : i32
          %broadcast_in_dim3A_937 = vector.broadcast %broadcast_in_dim3A_936 : i32 to vector<16xi32>
          %gather3A_938 = tpu.vector_load_idx %arg9[%broadcast_in_dim3A_937, %min3A_916] : memref<8x5632xf32, #tpu.memory_space<vmem>>[vector<16xi32>, vector<16xi32>], vector<16xf32>,
          tpu.vector_store_idx %arg12[%broadcast_in_dim3A_937, %and3A_903], %gather3A_938 masked %and3A_909 : memref<8x4096xf32, #tpu.memory_space<vmem>>[vector<16xi32>, vector<16xi32>], vector<16xf32>, vector<16xi1>
          %while3A_939 = arith.constant 0 : i32
          scf.yield %while3A_939 : i32
        }
        %dma_start3A_611 = arith.constant 0 : i32
        %dma_start3A_612 = arith.constant 0 : i32
        %dma_start3A_613 = tpu.memref_slice %arg9[%dma_start3A_611, %dma_start3A_612] : memref<8x5632xf32, #tpu.memory_space<vmem>> -> memref<8x5632xf32, #tpu.memory_space<vmem>>
        %dma_start3A_614 = arith.constant 73216 : i32
        %dma_start3A_615 = tpu.memref_slice %arg6[%select_n3A, %multiple_of3A, %dma_start3A_614] : memref<26x32x100000xf32, #tpu.memory_space<hbm>> -> memref<1x8x5632xf32, #tpu.memory_space<hbm>>
        %dma_start3A_616 = tpu.memref_squeeze %dma_start3A_615 : memref<1x8x5632xf32, #tpu.memory_space<hbm>> -> memref<8x5632xf32, #tpu.memory_space<hbm>>
        %dma_start3A_617 = arith.constant 0 : i32
        %dma_start3A_618 = arith.constant 0 : i32
        %dma_start3A_619 = tpu.memref_slice %arg9[%dma_start3A_617, %dma_start3A_618] : memref<8x5632xf32, #tpu.memory_space<vmem>> -> memref<8x5632xf32, #tpu.memory_space<vmem>>
        %dma_start3A_620 = arith.constant 73216 : i32
        %dma_start3A_621 = tpu.memref_slice %arg6[%select_n3A, %multiple_of3A, %dma_start3A_620] : memref<26x32x100000xf32, #tpu.memory_space<hbm>> -> memref<1x8x5632xf32, #tpu.memory_space<hbm>>
        %dma_start3A_622 = tpu.memref_squeeze %dma_start3A_621 : memref<1x8x5632xf32, #tpu.memory_space<hbm>> -> memref<8x5632xf32, #tpu.memory_space<hbm>>
        tpu.enqueue_dma source(%dma_start3A_622 : memref<8x5632xf32, #tpu.memory_space<hbm>>) target(%dma_start3A_619 : memref<8x5632xf32, #tpu.memory_space<vmem>>) target_semaphore(%arg14 : memref<!tpu.dma_semaphore, #tpu.memory_space<semaphore_mem>>)
        %dma_wait3A_623 = arith.constant 0 : i32
        %dma_wait3A_624 = arith.constant 0 : i32
        %dma_wait3A_625 = tpu.memref_slice %arg8[%dma_wait3A_623, %dma_wait3A_624] : memref<8x5632xf32, #tpu.memory_space<vmem>> -> memref<8x5632xf32, #tpu.memory_space<vmem>>
        %dma_wait3A_626 = arith.constant 67584 : i32
        %dma_wait3A_627 = tpu.memref_slice %arg6[%select_n3A, %multiple_of3A, %dma_wait3A_626] : memref<26x32x100000xf32, #tpu.memory_space<hbm>> -> memref<1x8x5632xf32, #tpu.memory_space<hbm>>
        %dma_wait3A_628 = tpu.memref_squeeze %dma_wait3A_627 : memref<1x8x5632xf32, #tpu.memory_space<hbm>> -> memref<8x5632xf32, #tpu.memory_space<hbm>>
        %dma_wait3A_629 = arith.constant 0 : i32
        %dma_wait3A_630 = arith.constant 0 : i32
        %dma_wait3A_631 = tpu.memref_slice %arg8[%dma_wait3A_629, %dma_wait3A_630] : memref<8x5632xf32, #tpu.memory_space<vmem>> -> memref<8x5632xf32, #tpu.memory_space<vmem>>
        %dma_wait3A_632 = arith.constant 67584 : i32
        %dma_wait3A_633 = tpu.memref_slice %arg6[%select_n3A, %multiple_of3A, %dma_wait3A_632] : memref<26x32x100000xf32, #tpu.memory_space<hbm>> -> memref<1x8x5632xf32, #tpu.memory_space<hbm>>
        %dma_wait3A_634 = tpu.memref_squeeze %dma_wait3A_633 : memref<1x8x5632xf32, #tpu.memory_space<hbm>> -> memref<8x5632xf32, #tpu.memory_space<hbm>>
        tpu.wait_dma2 semaphore(%arg13 : memref<!tpu.dma_semaphore, #tpu.memory_space<semaphore_mem>>) src(%dma_wait3A_634 : memref<8x5632xf32, #tpu.memory_space<hbm>>) dst(%dma_wait3A_631 : memref<8x5632xf32, #tpu.memory_space<vmem>>)
        %slice3A_635 = vector.extract_strided_slice %get3A_62 {offsets = [12], sizes = [1], strides = [1]} : vector<16xi32> to vector<1xi32>
        %squeeze3A_636 = vector.extract %slice3A_635[0] : i32 from vector<1xi32>
        %shift_right_arithmetic3A_637 = arith.constant 4 : i32
        %shift_right_arithmetic3A_638 = arith.shrsi %squeeze3A_636, %shift_right_arithmetic3A_637 : i32
        %slice3A_639 = vector.extract_strided_slice %get3A_62 {offsets = [13], sizes = [1], strides = [1]} : vector<16xi32> to vector<1xi32>
        %squeeze3A_640 = vector.extract %slice3A_639[0] : i32 from vector<1xi32>
        %add3A_641 = arith.constant 15 : i32
        %add3A_642 = arith.addi %squeeze3A_640, %add3A_641 : i32
        %shift_right_arithmetic3A_643 = arith.constant 4 : i32
        %shift_right_arithmetic3A_644 = arith.shrsi %add3A_642, %shift_right_arithmetic3A_643 : i32
        %while3A_645 = arith.constant 0 : i32
        %while3A_646 = arith.subi %shift_right_arithmetic3A_644, %shift_right_arithmetic3A_638 : i32
        %while3A_647 = arith.addi %shift_right_arithmetic3A_638, %while3A_646 : i32
        %while3A_648 = arith.constant 1 : i32
        %while3A_649 = arith.divsi %while3A_646, %while3A_648 : i32
        %while3A_650 = arith.muli %while3A_649, %while3A_648 : i32
        %while3A_651 = arith.addi %shift_right_arithmetic3A_638, %while3A_650 : i32
        %while3A_652 = arith.constant 1 : i32
        %while3A_653 = scf.for %while3A_893 = %shift_right_arithmetic3A_638 to %while3A_651 step %while3A_652 iter_args(%while3A_894 = %while3A_645) -> (i32)  : i32 {
          %mul3A_895 = arith.constant 16 : i32
          %mul3A_896 = arith.muli %while3A_893, %mul3A_895 : i32
          %get3A_897 = arith.index_cast %mul3A_896 : i32 to index
          %get3A_898 = tpu.vector_load %arg10[%get3A_897] {strides = array<i32>} : memref<4096xi32, #tpu.memory_space<vmem>>, vector<16xi32>,
          %shift_right_logical3A = arith.constant 12 : i32
          %shift_right_logical3A_899 = vector.broadcast %shift_right_logical3A : i32 to vector<16xi32>
          %shift_right_logical3A_900 = arith.shrui %get3A_898, %shift_right_logical3A_899 : vector<16xi32>
          %and3A_901 = arith.constant 4095 : i32
          %and3A_902 = vector.broadcast %and3A_901 : i32 to vector<16xi32>
          %and3A_903 = arith.andi %get3A_898, %and3A_902 : vector<16xi32>
          %ge3A = arith.constant 67584 : i32
          %ge3A_904 = vector.broadcast %ge3A : i32 to vector<16xi32>
          %ge3A_905 = arith.cmpi sge, %shift_right_logical3A_900, %ge3A_904 : vector<16xi32>
          %lt3A_906 = arith.constant 73216 : i32
          %lt3A_907 = vector.broadcast %lt3A_906 : i32 to vector<16xi32>
          %lt3A_908 = arith.cmpi slt, %shift_right_logical3A_900, %lt3A_907 : vector<16xi32>
          %and3A_909 = arith.andi %ge3A_905, %lt3A_908 : vector<16xi1>
          %sub3A_910 = arith.constant 67584 : i32
          %sub3A_911 = vector.broadcast %sub3A_910 : i32 to vector<16xi32>
          %sub3A_912 = arith.subi %shift_right_logical3A_900, %sub3A_911 : vector<16xi32>
          %jit3A_913 = arith.constant 0 : i32
          %jit3A_914 = arith.constant 5631 : i32
          %max3A = vector.broadcast %jit3A_913 : i32 to vector<16xi32>
          %max3A_915 = arith.maxsi %max3A, %sub3A_912 : vector<16xi32>
          %min3A = vector.broadcast %jit3A_914 : i32 to vector<16xi32>
          %min3A_916 = arith.minsi %min3A, %max3A_915 : vector<16xi32>
          %broadcast_in_dim3A = arith.constant 0 : i32
          %broadcast_in_dim3A_917 = vector.broadcast %broadcast_in_dim3A : i32 to vector<16xi32>
          %gather3A = tpu.vector_load_idx %arg8[%broadcast_in_dim3A_917, %min3A_916] : memref<8x5632xf32, #tpu.memory_space<vmem>>[vector<16xi32>, vector<16xi32>], vector<16xf32>,
          tpu.vector_store_idx %arg12[%broadcast_in_dim3A_917, %and3A_903], %gather3A masked %and3A_909 : memref<8x4096xf32, #tpu.memory_space<vmem>>[vector<16xi32>, vector<16xi32>], vector<16xf32>, vector<16xi1>
          %broadcast_in_dim3A_918 = arith.constant 1 : i32
          %broadcast_in_dim3A_919 = vector.broadcast %broadcast_in_dim3A_918 : i32 to vector<16xi32>
          %gather3A_920 = tpu.vector_load_idx %arg8[%broadcast_in_dim3A_919, %min3A_916] : memref<8x5632xf32, #tpu.memory_space<vmem>>[vector<16xi32>, vector<16xi32>], vector<16xf32>,
          tpu.vector_store_idx %arg12[%broadcast_in_dim3A_919, %and3A_903], %gather3A_920 masked %and3A_909 : memref<8x4096xf32, #tpu.memory_space<vmem>>[vector<16xi32>, vector<16xi32>], vector<16xf32>, vector<16xi1>
          %broadcast_in_dim3A_921 = arith.constant 2 : i32
          %broadcast_in_dim3A_922 = vector.broadcast %broadcast_in_dim3A_921 : i32 to vector<16xi32>
          %gather3A_923 = tpu.vector_load_idx %arg8[%broadcast_in_dim3A_922, %min3A_916] : memref<8x5632xf32, #tpu.memory_space<vmem>>[vector<16xi32>, vector<16xi32>], vector<16xf32>,
          tpu.vector_store_idx %arg12[%broadcast_in_dim3A_922, %and3A_903], %gather3A_923 masked %and3A_909 : memref<8x4096xf32, #tpu.memory_space<vmem>>[vector<16xi32>, vector<16xi32>], vector<16xf32>, vector<16xi1>
          %broadcast_in_dim3A_924 = arith.constant 3 : i32
          %broadcast_in_dim3A_925 = vector.broadcast %broadcast_in_dim3A_924 : i32 to vector<16xi32>
          %gather3A_926 = tpu.vector_load_idx %arg8[%broadcast_in_dim3A_925, %min3A_916] : memref<8x5632xf32, #tpu.memory_space<vmem>>[vector<16xi32>, vector<16xi32>], vector<16xf32>,
          tpu.vector_store_idx %arg12[%broadcast_in_dim3A_925, %and3A_903], %gather3A_926 masked %and3A_909 : memref<8x4096xf32, #tpu.memory_space<vmem>>[vector<16xi32>, vector<16xi32>], vector<16xf32>, vector<16xi1>
          %broadcast_in_dim3A_927 = arith.constant 4 : i32
          %broadcast_in_dim3A_928 = vector.broadcast %broadcast_in_dim3A_927 : i32 to vector<16xi32>
          %gather3A_929 = tpu.vector_load_idx %arg8[%broadcast_in_dim3A_928, %min3A_916] : memref<8x5632xf32, #tpu.memory_space<vmem>>[vector<16xi32>, vector<16xi32>], vector<16xf32>,
          tpu.vector_store_idx %arg12[%broadcast_in_dim3A_928, %and3A_903], %gather3A_929 masked %and3A_909 : memref<8x4096xf32, #tpu.memory_space<vmem>>[vector<16xi32>, vector<16xi32>], vector<16xf32>, vector<16xi1>
          %broadcast_in_dim3A_930 = arith.constant 5 : i32
          %broadcast_in_dim3A_931 = vector.broadcast %broadcast_in_dim3A_930 : i32 to vector<16xi32>
          %gather3A_932 = tpu.vector_load_idx %arg8[%broadcast_in_dim3A_931, %min3A_916] : memref<8x5632xf32, #tpu.memory_space<vmem>>[vector<16xi32>, vector<16xi32>], vector<16xf32>,
          tpu.vector_store_idx %arg12[%broadcast_in_dim3A_931, %and3A_903], %gather3A_932 masked %and3A_909 : memref<8x4096xf32, #tpu.memory_space<vmem>>[vector<16xi32>, vector<16xi32>], vector<16xf32>, vector<16xi1>
          %broadcast_in_dim3A_933 = arith.constant 6 : i32
          %broadcast_in_dim3A_934 = vector.broadcast %broadcast_in_dim3A_933 : i32 to vector<16xi32>
          %gather3A_935 = tpu.vector_load_idx %arg8[%broadcast_in_dim3A_934, %min3A_916] : memref<8x5632xf32, #tpu.memory_space<vmem>>[vector<16xi32>, vector<16xi32>], vector<16xf32>,
          tpu.vector_store_idx %arg12[%broadcast_in_dim3A_934, %and3A_903], %gather3A_935 masked %and3A_909 : memref<8x4096xf32, #tpu.memory_space<vmem>>[vector<16xi32>, vector<16xi32>], vector<16xf32>, vector<16xi1>
          %broadcast_in_dim3A_936 = arith.constant 7 : i32
          %broadcast_in_dim3A_937 = vector.broadcast %broadcast_in_dim3A_936 : i32 to vector<16xi32>
          %gather3A_938 = tpu.vector_load_idx %arg8[%broadcast_in_dim3A_937, %min3A_916] : memref<8x5632xf32, #tpu.memory_space<vmem>>[vector<16xi32>, vector<16xi32>], vector<16xf32>,
          tpu.vector_store_idx %arg12[%broadcast_in_dim3A_937, %and3A_903], %gather3A_938 masked %and3A_909 : memref<8x4096xf32, #tpu.memory_space<vmem>>[vector<16xi32>, vector<16xi32>], vector<16xf32>, vector<16xi1>
          %while3A_939 = arith.constant 0 : i32
          scf.yield %while3A_939 : i32
        }
        %while3A_654 = arith.constant 1 : i32
        %while3A_655 = scf.for %while3A_893 = %while3A_651 to %while3A_647 step %while3A_654 iter_args(%while3A_894 = %while3A_653) -> (i32)  : i32 {
          %mul3A_895 = arith.constant 16 : i32
          %mul3A_896 = arith.muli %while3A_893, %mul3A_895 : i32
          %get3A_897 = arith.index_cast %mul3A_896 : i32 to index
          %get3A_898 = tpu.vector_load %arg10[%get3A_897] {strides = array<i32>} : memref<4096xi32, #tpu.memory_space<vmem>>, vector<16xi32>,
          %shift_right_logical3A = arith.constant 12 : i32
          %shift_right_logical3A_899 = vector.broadcast %shift_right_logical3A : i32 to vector<16xi32>
          %shift_right_logical3A_900 = arith.shrui %get3A_898, %shift_right_logical3A_899 : vector<16xi32>
          %and3A_901 = arith.constant 4095 : i32
          %and3A_902 = vector.broadcast %and3A_901 : i32 to vector<16xi32>
          %and3A_903 = arith.andi %get3A_898, %and3A_902 : vector<16xi32>
          %ge3A = arith.constant 67584 : i32
          %ge3A_904 = vector.broadcast %ge3A : i32 to vector<16xi32>
          %ge3A_905 = arith.cmpi sge, %shift_right_logical3A_900, %ge3A_904 : vector<16xi32>
          %lt3A_906 = arith.constant 73216 : i32
          %lt3A_907 = vector.broadcast %lt3A_906 : i32 to vector<16xi32>
          %lt3A_908 = arith.cmpi slt, %shift_right_logical3A_900, %lt3A_907 : vector<16xi32>
          %and3A_909 = arith.andi %ge3A_905, %lt3A_908 : vector<16xi1>
          %sub3A_910 = arith.constant 67584 : i32
          %sub3A_911 = vector.broadcast %sub3A_910 : i32 to vector<16xi32>
          %sub3A_912 = arith.subi %shift_right_logical3A_900, %sub3A_911 : vector<16xi32>
          %jit3A_913 = arith.constant 0 : i32
          %jit3A_914 = arith.constant 5631 : i32
          %max3A = vector.broadcast %jit3A_913 : i32 to vector<16xi32>
          %max3A_915 = arith.maxsi %max3A, %sub3A_912 : vector<16xi32>
          %min3A = vector.broadcast %jit3A_914 : i32 to vector<16xi32>
          %min3A_916 = arith.minsi %min3A, %max3A_915 : vector<16xi32>
          %broadcast_in_dim3A = arith.constant 0 : i32
          %broadcast_in_dim3A_917 = vector.broadcast %broadcast_in_dim3A : i32 to vector<16xi32>
          %gather3A = tpu.vector_load_idx %arg8[%broadcast_in_dim3A_917, %min3A_916] : memref<8x5632xf32, #tpu.memory_space<vmem>>[vector<16xi32>, vector<16xi32>], vector<16xf32>,
          tpu.vector_store_idx %arg12[%broadcast_in_dim3A_917, %and3A_903], %gather3A masked %and3A_909 : memref<8x4096xf32, #tpu.memory_space<vmem>>[vector<16xi32>, vector<16xi32>], vector<16xf32>, vector<16xi1>
          %broadcast_in_dim3A_918 = arith.constant 1 : i32
          %broadcast_in_dim3A_919 = vector.broadcast %broadcast_in_dim3A_918 : i32 to vector<16xi32>
          %gather3A_920 = tpu.vector_load_idx %arg8[%broadcast_in_dim3A_919, %min3A_916] : memref<8x5632xf32, #tpu.memory_space<vmem>>[vector<16xi32>, vector<16xi32>], vector<16xf32>,
          tpu.vector_store_idx %arg12[%broadcast_in_dim3A_919, %and3A_903], %gather3A_920 masked %and3A_909 : memref<8x4096xf32, #tpu.memory_space<vmem>>[vector<16xi32>, vector<16xi32>], vector<16xf32>, vector<16xi1>
          %broadcast_in_dim3A_921 = arith.constant 2 : i32
          %broadcast_in_dim3A_922 = vector.broadcast %broadcast_in_dim3A_921 : i32 to vector<16xi32>
          %gather3A_923 = tpu.vector_load_idx %arg8[%broadcast_in_dim3A_922, %min3A_916] : memref<8x5632xf32, #tpu.memory_space<vmem>>[vector<16xi32>, vector<16xi32>], vector<16xf32>,
          tpu.vector_store_idx %arg12[%broadcast_in_dim3A_922, %and3A_903], %gather3A_923 masked %and3A_909 : memref<8x4096xf32, #tpu.memory_space<vmem>>[vector<16xi32>, vector<16xi32>], vector<16xf32>, vector<16xi1>
          %broadcast_in_dim3A_924 = arith.constant 3 : i32
          %broadcast_in_dim3A_925 = vector.broadcast %broadcast_in_dim3A_924 : i32 to vector<16xi32>
          %gather3A_926 = tpu.vector_load_idx %arg8[%broadcast_in_dim3A_925, %min3A_916] : memref<8x5632xf32, #tpu.memory_space<vmem>>[vector<16xi32>, vector<16xi32>], vector<16xf32>,
          tpu.vector_store_idx %arg12[%broadcast_in_dim3A_925, %and3A_903], %gather3A_926 masked %and3A_909 : memref<8x4096xf32, #tpu.memory_space<vmem>>[vector<16xi32>, vector<16xi32>], vector<16xf32>, vector<16xi1>
          %broadcast_in_dim3A_927 = arith.constant 4 : i32
          %broadcast_in_dim3A_928 = vector.broadcast %broadcast_in_dim3A_927 : i32 to vector<16xi32>
          %gather3A_929 = tpu.vector_load_idx %arg8[%broadcast_in_dim3A_928, %min3A_916] : memref<8x5632xf32, #tpu.memory_space<vmem>>[vector<16xi32>, vector<16xi32>], vector<16xf32>,
          tpu.vector_store_idx %arg12[%broadcast_in_dim3A_928, %and3A_903], %gather3A_929 masked %and3A_909 : memref<8x4096xf32, #tpu.memory_space<vmem>>[vector<16xi32>, vector<16xi32>], vector<16xf32>, vector<16xi1>
          %broadcast_in_dim3A_930 = arith.constant 5 : i32
          %broadcast_in_dim3A_931 = vector.broadcast %broadcast_in_dim3A_930 : i32 to vector<16xi32>
          %gather3A_932 = tpu.vector_load_idx %arg8[%broadcast_in_dim3A_931, %min3A_916] : memref<8x5632xf32, #tpu.memory_space<vmem>>[vector<16xi32>, vector<16xi32>], vector<16xf32>,
          tpu.vector_store_idx %arg12[%broadcast_in_dim3A_931, %and3A_903], %gather3A_932 masked %and3A_909 : memref<8x4096xf32, #tpu.memory_space<vmem>>[vector<16xi32>, vector<16xi32>], vector<16xf32>, vector<16xi1>
          %broadcast_in_dim3A_933 = arith.constant 6 : i32
          %broadcast_in_dim3A_934 = vector.broadcast %broadcast_in_dim3A_933 : i32 to vector<16xi32>
          %gather3A_935 = tpu.vector_load_idx %arg8[%broadcast_in_dim3A_934, %min3A_916] : memref<8x5632xf32, #tpu.memory_space<vmem>>[vector<16xi32>, vector<16xi32>], vector<16xf32>,
          tpu.vector_store_idx %arg12[%broadcast_in_dim3A_934, %and3A_903], %gather3A_935 masked %and3A_909 : memref<8x4096xf32, #tpu.memory_space<vmem>>[vector<16xi32>, vector<16xi32>], vector<16xf32>, vector<16xi1>
          %broadcast_in_dim3A_936 = arith.constant 7 : i32
          %broadcast_in_dim3A_937 = vector.broadcast %broadcast_in_dim3A_936 : i32 to vector<16xi32>
          %gather3A_938 = tpu.vector_load_idx %arg8[%broadcast_in_dim3A_937, %min3A_916] : memref<8x5632xf32, #tpu.memory_space<vmem>>[vector<16xi32>, vector<16xi32>], vector<16xf32>,
          tpu.vector_store_idx %arg12[%broadcast_in_dim3A_937, %and3A_903], %gather3A_938 masked %and3A_909 : memref<8x4096xf32, #tpu.memory_space<vmem>>[vector<16xi32>, vector<16xi32>], vector<16xf32>, vector<16xi1>
          %while3A_939 = arith.constant 0 : i32
          scf.yield %while3A_939 : i32
        }
        %dma_start3A_656 = arith.constant 0 : i32
        %dma_start3A_657 = arith.constant 0 : i32
        %dma_start3A_658 = tpu.memref_slice %arg8[%dma_start3A_656, %dma_start3A_657] : memref<8x5632xf32, #tpu.memory_space<vmem>> -> memref<8x5632xf32, #tpu.memory_space<vmem>>
        %dma_start3A_659 = arith.constant 78848 : i32
        %dma_start3A_660 = tpu.memref_slice %arg6[%select_n3A, %multiple_of3A, %dma_start3A_659] : memref<26x32x100000xf32, #tpu.memory_space<hbm>> -> memref<1x8x5632xf32, #tpu.memory_space<hbm>>
        %dma_start3A_661 = tpu.memref_squeeze %dma_start3A_660 : memref<1x8x5632xf32, #tpu.memory_space<hbm>> -> memref<8x5632xf32, #tpu.memory_space<hbm>>
        %dma_start3A_662 = arith.constant 0 : i32
        %dma_start3A_663 = arith.constant 0 : i32
        %dma_start3A_664 = tpu.memref_slice %arg8[%dma_start3A_662, %dma_start3A_663] : memref<8x5632xf32, #tpu.memory_space<vmem>> -> memref<8x5632xf32, #tpu.memory_space<vmem>>
        %dma_start3A_665 = arith.constant 78848 : i32
        %dma_start3A_666 = tpu.memref_slice %arg6[%select_n3A, %multiple_of3A, %dma_start3A_665] : memref<26x32x100000xf32, #tpu.memory_space<hbm>> -> memref<1x8x5632xf32, #tpu.memory_space<hbm>>
        %dma_start3A_667 = tpu.memref_squeeze %dma_start3A_666 : memref<1x8x5632xf32, #tpu.memory_space<hbm>> -> memref<8x5632xf32, #tpu.memory_space<hbm>>
        tpu.enqueue_dma source(%dma_start3A_667 : memref<8x5632xf32, #tpu.memory_space<hbm>>) target(%dma_start3A_664 : memref<8x5632xf32, #tpu.memory_space<vmem>>) target_semaphore(%arg13 : memref<!tpu.dma_semaphore, #tpu.memory_space<semaphore_mem>>)
        %dma_wait3A_668 = arith.constant 0 : i32
        %dma_wait3A_669 = arith.constant 0 : i32
        %dma_wait3A_670 = tpu.memref_slice %arg9[%dma_wait3A_668, %dma_wait3A_669] : memref<8x5632xf32, #tpu.memory_space<vmem>> -> memref<8x5632xf32, #tpu.memory_space<vmem>>
        %dma_wait3A_671 = arith.constant 73216 : i32
        %dma_wait3A_672 = tpu.memref_slice %arg6[%select_n3A, %multiple_of3A, %dma_wait3A_671] : memref<26x32x100000xf32, #tpu.memory_space<hbm>> -> memref<1x8x5632xf32, #tpu.memory_space<hbm>>
        %dma_wait3A_673 = tpu.memref_squeeze %dma_wait3A_672 : memref<1x8x5632xf32, #tpu.memory_space<hbm>> -> memref<8x5632xf32, #tpu.memory_space<hbm>>
        %dma_wait3A_674 = arith.constant 0 : i32
        %dma_wait3A_675 = arith.constant 0 : i32
        %dma_wait3A_676 = tpu.memref_slice %arg9[%dma_wait3A_674, %dma_wait3A_675] : memref<8x5632xf32, #tpu.memory_space<vmem>> -> memref<8x5632xf32, #tpu.memory_space<vmem>>
        %dma_wait3A_677 = arith.constant 73216 : i32
        %dma_wait3A_678 = tpu.memref_slice %arg6[%select_n3A, %multiple_of3A, %dma_wait3A_677] : memref<26x32x100000xf32, #tpu.memory_space<hbm>> -> memref<1x8x5632xf32, #tpu.memory_space<hbm>>
        %dma_wait3A_679 = tpu.memref_squeeze %dma_wait3A_678 : memref<1x8x5632xf32, #tpu.memory_space<hbm>> -> memref<8x5632xf32, #tpu.memory_space<hbm>>
        tpu.wait_dma2 semaphore(%arg14 : memref<!tpu.dma_semaphore, #tpu.memory_space<semaphore_mem>>) src(%dma_wait3A_679 : memref<8x5632xf32, #tpu.memory_space<hbm>>) dst(%dma_wait3A_676 : memref<8x5632xf32, #tpu.memory_space<vmem>>)
        %slice3A_680 = vector.extract_strided_slice %get3A_62 {offsets = [13], sizes = [1], strides = [1]} : vector<16xi32> to vector<1xi32>
        %squeeze3A_681 = vector.extract %slice3A_680[0] : i32 from vector<1xi32>
        %shift_right_arithmetic3A_682 = arith.constant 4 : i32
        %shift_right_arithmetic3A_683 = arith.shrsi %squeeze3A_681, %shift_right_arithmetic3A_682 : i32
        %slice3A_684 = vector.extract_strided_slice %get3A_62 {offsets = [14], sizes = [1], strides = [1]} : vector<16xi32> to vector<1xi32>
        %squeeze3A_685 = vector.extract %slice3A_684[0] : i32 from vector<1xi32>
        %add3A_686 = arith.constant 15 : i32
        %add3A_687 = arith.addi %squeeze3A_685, %add3A_686 : i32
        %shift_right_arithmetic3A_688 = arith.constant 4 : i32
        %shift_right_arithmetic3A_689 = arith.shrsi %add3A_687, %shift_right_arithmetic3A_688 : i32
        %while3A_690 = arith.constant 0 : i32
        %while3A_691 = arith.subi %shift_right_arithmetic3A_689, %shift_right_arithmetic3A_683 : i32
        %while3A_692 = arith.addi %shift_right_arithmetic3A_683, %while3A_691 : i32
        %while3A_693 = arith.constant 1 : i32
        %while3A_694 = arith.divsi %while3A_691, %while3A_693 : i32
        %while3A_695 = arith.muli %while3A_694, %while3A_693 : i32
        %while3A_696 = arith.addi %shift_right_arithmetic3A_683, %while3A_695 : i32
        %while3A_697 = arith.constant 1 : i32
        %while3A_698 = scf.for %while3A_893 = %shift_right_arithmetic3A_683 to %while3A_696 step %while3A_697 iter_args(%while3A_894 = %while3A_690) -> (i32)  : i32 {
          %mul3A_895 = arith.constant 16 : i32
          %mul3A_896 = arith.muli %while3A_893, %mul3A_895 : i32
          %get3A_897 = arith.index_cast %mul3A_896 : i32 to index
          %get3A_898 = tpu.vector_load %arg10[%get3A_897] {strides = array<i32>} : memref<4096xi32, #tpu.memory_space<vmem>>, vector<16xi32>,
          %shift_right_logical3A = arith.constant 12 : i32
          %shift_right_logical3A_899 = vector.broadcast %shift_right_logical3A : i32 to vector<16xi32>
          %shift_right_logical3A_900 = arith.shrui %get3A_898, %shift_right_logical3A_899 : vector<16xi32>
          %and3A_901 = arith.constant 4095 : i32
          %and3A_902 = vector.broadcast %and3A_901 : i32 to vector<16xi32>
          %and3A_903 = arith.andi %get3A_898, %and3A_902 : vector<16xi32>
          %ge3A = arith.constant 73216 : i32
          %ge3A_904 = vector.broadcast %ge3A : i32 to vector<16xi32>
          %ge3A_905 = arith.cmpi sge, %shift_right_logical3A_900, %ge3A_904 : vector<16xi32>
          %lt3A_906 = arith.constant 78848 : i32
          %lt3A_907 = vector.broadcast %lt3A_906 : i32 to vector<16xi32>
          %lt3A_908 = arith.cmpi slt, %shift_right_logical3A_900, %lt3A_907 : vector<16xi32>
          %and3A_909 = arith.andi %ge3A_905, %lt3A_908 : vector<16xi1>
          %sub3A_910 = arith.constant 73216 : i32
          %sub3A_911 = vector.broadcast %sub3A_910 : i32 to vector<16xi32>
          %sub3A_912 = arith.subi %shift_right_logical3A_900, %sub3A_911 : vector<16xi32>
          %jit3A_913 = arith.constant 0 : i32
          %jit3A_914 = arith.constant 5631 : i32
          %max3A = vector.broadcast %jit3A_913 : i32 to vector<16xi32>
          %max3A_915 = arith.maxsi %max3A, %sub3A_912 : vector<16xi32>
          %min3A = vector.broadcast %jit3A_914 : i32 to vector<16xi32>
          %min3A_916 = arith.minsi %min3A, %max3A_915 : vector<16xi32>
          %broadcast_in_dim3A = arith.constant 0 : i32
          %broadcast_in_dim3A_917 = vector.broadcast %broadcast_in_dim3A : i32 to vector<16xi32>
          %gather3A = tpu.vector_load_idx %arg9[%broadcast_in_dim3A_917, %min3A_916] : memref<8x5632xf32, #tpu.memory_space<vmem>>[vector<16xi32>, vector<16xi32>], vector<16xf32>,
          tpu.vector_store_idx %arg12[%broadcast_in_dim3A_917, %and3A_903], %gather3A masked %and3A_909 : memref<8x4096xf32, #tpu.memory_space<vmem>>[vector<16xi32>, vector<16xi32>], vector<16xf32>, vector<16xi1>
          %broadcast_in_dim3A_918 = arith.constant 1 : i32
          %broadcast_in_dim3A_919 = vector.broadcast %broadcast_in_dim3A_918 : i32 to vector<16xi32>
          %gather3A_920 = tpu.vector_load_idx %arg9[%broadcast_in_dim3A_919, %min3A_916] : memref<8x5632xf32, #tpu.memory_space<vmem>>[vector<16xi32>, vector<16xi32>], vector<16xf32>,
          tpu.vector_store_idx %arg12[%broadcast_in_dim3A_919, %and3A_903], %gather3A_920 masked %and3A_909 : memref<8x4096xf32, #tpu.memory_space<vmem>>[vector<16xi32>, vector<16xi32>], vector<16xf32>, vector<16xi1>
          %broadcast_in_dim3A_921 = arith.constant 2 : i32
          %broadcast_in_dim3A_922 = vector.broadcast %broadcast_in_dim3A_921 : i32 to vector<16xi32>
          %gather3A_923 = tpu.vector_load_idx %arg9[%broadcast_in_dim3A_922, %min3A_916] : memref<8x5632xf32, #tpu.memory_space<vmem>>[vector<16xi32>, vector<16xi32>], vector<16xf32>,
          tpu.vector_store_idx %arg12[%broadcast_in_dim3A_922, %and3A_903], %gather3A_923 masked %and3A_909 : memref<8x4096xf32, #tpu.memory_space<vmem>>[vector<16xi32>, vector<16xi32>], vector<16xf32>, vector<16xi1>
          %broadcast_in_dim3A_924 = arith.constant 3 : i32
          %broadcast_in_dim3A_925 = vector.broadcast %broadcast_in_dim3A_924 : i32 to vector<16xi32>
          %gather3A_926 = tpu.vector_load_idx %arg9[%broadcast_in_dim3A_925, %min3A_916] : memref<8x5632xf32, #tpu.memory_space<vmem>>[vector<16xi32>, vector<16xi32>], vector<16xf32>,
          tpu.vector_store_idx %arg12[%broadcast_in_dim3A_925, %and3A_903], %gather3A_926 masked %and3A_909 : memref<8x4096xf32, #tpu.memory_space<vmem>>[vector<16xi32>, vector<16xi32>], vector<16xf32>, vector<16xi1>
          %broadcast_in_dim3A_927 = arith.constant 4 : i32
          %broadcast_in_dim3A_928 = vector.broadcast %broadcast_in_dim3A_927 : i32 to vector<16xi32>
          %gather3A_929 = tpu.vector_load_idx %arg9[%broadcast_in_dim3A_928, %min3A_916] : memref<8x5632xf32, #tpu.memory_space<vmem>>[vector<16xi32>, vector<16xi32>], vector<16xf32>,
          tpu.vector_store_idx %arg12[%broadcast_in_dim3A_928, %and3A_903], %gather3A_929 masked %and3A_909 : memref<8x4096xf32, #tpu.memory_space<vmem>>[vector<16xi32>, vector<16xi32>], vector<16xf32>, vector<16xi1>
          %broadcast_in_dim3A_930 = arith.constant 5 : i32
          %broadcast_in_dim3A_931 = vector.broadcast %broadcast_in_dim3A_930 : i32 to vector<16xi32>
          %gather3A_932 = tpu.vector_load_idx %arg9[%broadcast_in_dim3A_931, %min3A_916] : memref<8x5632xf32, #tpu.memory_space<vmem>>[vector<16xi32>, vector<16xi32>], vector<16xf32>,
          tpu.vector_store_idx %arg12[%broadcast_in_dim3A_931, %and3A_903], %gather3A_932 masked %and3A_909 : memref<8x4096xf32, #tpu.memory_space<vmem>>[vector<16xi32>, vector<16xi32>], vector<16xf32>, vector<16xi1>
          %broadcast_in_dim3A_933 = arith.constant 6 : i32
          %broadcast_in_dim3A_934 = vector.broadcast %broadcast_in_dim3A_933 : i32 to vector<16xi32>
          %gather3A_935 = tpu.vector_load_idx %arg9[%broadcast_in_dim3A_934, %min3A_916] : memref<8x5632xf32, #tpu.memory_space<vmem>>[vector<16xi32>, vector<16xi32>], vector<16xf32>,
          tpu.vector_store_idx %arg12[%broadcast_in_dim3A_934, %and3A_903], %gather3A_935 masked %and3A_909 : memref<8x4096xf32, #tpu.memory_space<vmem>>[vector<16xi32>, vector<16xi32>], vector<16xf32>, vector<16xi1>
          %broadcast_in_dim3A_936 = arith.constant 7 : i32
          %broadcast_in_dim3A_937 = vector.broadcast %broadcast_in_dim3A_936 : i32 to vector<16xi32>
          %gather3A_938 = tpu.vector_load_idx %arg9[%broadcast_in_dim3A_937, %min3A_916] : memref<8x5632xf32, #tpu.memory_space<vmem>>[vector<16xi32>, vector<16xi32>], vector<16xf32>,
          tpu.vector_store_idx %arg12[%broadcast_in_dim3A_937, %and3A_903], %gather3A_938 masked %and3A_909 : memref<8x4096xf32, #tpu.memory_space<vmem>>[vector<16xi32>, vector<16xi32>], vector<16xf32>, vector<16xi1>
          %while3A_939 = arith.constant 0 : i32
          scf.yield %while3A_939 : i32
        }
        %while3A_699 = arith.constant 1 : i32
        %while3A_700 = scf.for %while3A_893 = %while3A_696 to %while3A_692 step %while3A_699 iter_args(%while3A_894 = %while3A_698) -> (i32)  : i32 {
          %mul3A_895 = arith.constant 16 : i32
          %mul3A_896 = arith.muli %while3A_893, %mul3A_895 : i32
          %get3A_897 = arith.index_cast %mul3A_896 : i32 to index
          %get3A_898 = tpu.vector_load %arg10[%get3A_897] {strides = array<i32>} : memref<4096xi32, #tpu.memory_space<vmem>>, vector<16xi32>,
          %shift_right_logical3A = arith.constant 12 : i32
          %shift_right_logical3A_899 = vector.broadcast %shift_right_logical3A : i32 to vector<16xi32>
          %shift_right_logical3A_900 = arith.shrui %get3A_898, %shift_right_logical3A_899 : vector<16xi32>
          %and3A_901 = arith.constant 4095 : i32
          %and3A_902 = vector.broadcast %and3A_901 : i32 to vector<16xi32>
          %and3A_903 = arith.andi %get3A_898, %and3A_902 : vector<16xi32>
          %ge3A = arith.constant 73216 : i32
          %ge3A_904 = vector.broadcast %ge3A : i32 to vector<16xi32>
          %ge3A_905 = arith.cmpi sge, %shift_right_logical3A_900, %ge3A_904 : vector<16xi32>
          %lt3A_906 = arith.constant 78848 : i32
          %lt3A_907 = vector.broadcast %lt3A_906 : i32 to vector<16xi32>
          %lt3A_908 = arith.cmpi slt, %shift_right_logical3A_900, %lt3A_907 : vector<16xi32>
          %and3A_909 = arith.andi %ge3A_905, %lt3A_908 : vector<16xi1>
          %sub3A_910 = arith.constant 73216 : i32
          %sub3A_911 = vector.broadcast %sub3A_910 : i32 to vector<16xi32>
          %sub3A_912 = arith.subi %shift_right_logical3A_900, %sub3A_911 : vector<16xi32>
          %jit3A_913 = arith.constant 0 : i32
          %jit3A_914 = arith.constant 5631 : i32
          %max3A = vector.broadcast %jit3A_913 : i32 to vector<16xi32>
          %max3A_915 = arith.maxsi %max3A, %sub3A_912 : vector<16xi32>
          %min3A = vector.broadcast %jit3A_914 : i32 to vector<16xi32>
          %min3A_916 = arith.minsi %min3A, %max3A_915 : vector<16xi32>
          %broadcast_in_dim3A = arith.constant 0 : i32
          %broadcast_in_dim3A_917 = vector.broadcast %broadcast_in_dim3A : i32 to vector<16xi32>
          %gather3A = tpu.vector_load_idx %arg9[%broadcast_in_dim3A_917, %min3A_916] : memref<8x5632xf32, #tpu.memory_space<vmem>>[vector<16xi32>, vector<16xi32>], vector<16xf32>,
          tpu.vector_store_idx %arg12[%broadcast_in_dim3A_917, %and3A_903], %gather3A masked %and3A_909 : memref<8x4096xf32, #tpu.memory_space<vmem>>[vector<16xi32>, vector<16xi32>], vector<16xf32>, vector<16xi1>
          %broadcast_in_dim3A_918 = arith.constant 1 : i32
          %broadcast_in_dim3A_919 = vector.broadcast %broadcast_in_dim3A_918 : i32 to vector<16xi32>
          %gather3A_920 = tpu.vector_load_idx %arg9[%broadcast_in_dim3A_919, %min3A_916] : memref<8x5632xf32, #tpu.memory_space<vmem>>[vector<16xi32>, vector<16xi32>], vector<16xf32>,
          tpu.vector_store_idx %arg12[%broadcast_in_dim3A_919, %and3A_903], %gather3A_920 masked %and3A_909 : memref<8x4096xf32, #tpu.memory_space<vmem>>[vector<16xi32>, vector<16xi32>], vector<16xf32>, vector<16xi1>
          %broadcast_in_dim3A_921 = arith.constant 2 : i32
          %broadcast_in_dim3A_922 = vector.broadcast %broadcast_in_dim3A_921 : i32 to vector<16xi32>
          %gather3A_923 = tpu.vector_load_idx %arg9[%broadcast_in_dim3A_922, %min3A_916] : memref<8x5632xf32, #tpu.memory_space<vmem>>[vector<16xi32>, vector<16xi32>], vector<16xf32>,
          tpu.vector_store_idx %arg12[%broadcast_in_dim3A_922, %and3A_903], %gather3A_923 masked %and3A_909 : memref<8x4096xf32, #tpu.memory_space<vmem>>[vector<16xi32>, vector<16xi32>], vector<16xf32>, vector<16xi1>
          %broadcast_in_dim3A_924 = arith.constant 3 : i32
          %broadcast_in_dim3A_925 = vector.broadcast %broadcast_in_dim3A_924 : i32 to vector<16xi32>
          %gather3A_926 = tpu.vector_load_idx %arg9[%broadcast_in_dim3A_925, %min3A_916] : memref<8x5632xf32, #tpu.memory_space<vmem>>[vector<16xi32>, vector<16xi32>], vector<16xf32>,
          tpu.vector_store_idx %arg12[%broadcast_in_dim3A_925, %and3A_903], %gather3A_926 masked %and3A_909 : memref<8x4096xf32, #tpu.memory_space<vmem>>[vector<16xi32>, vector<16xi32>], vector<16xf32>, vector<16xi1>
          %broadcast_in_dim3A_927 = arith.constant 4 : i32
          %broadcast_in_dim3A_928 = vector.broadcast %broadcast_in_dim3A_927 : i32 to vector<16xi32>
          %gather3A_929 = tpu.vector_load_idx %arg9[%broadcast_in_dim3A_928, %min3A_916] : memref<8x5632xf32, #tpu.memory_space<vmem>>[vector<16xi32>, vector<16xi32>], vector<16xf32>,
          tpu.vector_store_idx %arg12[%broadcast_in_dim3A_928, %and3A_903], %gather3A_929 masked %and3A_909 : memref<8x4096xf32, #tpu.memory_space<vmem>>[vector<16xi32>, vector<16xi32>], vector<16xf32>, vector<16xi1>
          %broadcast_in_dim3A_930 = arith.constant 5 : i32
          %broadcast_in_dim3A_931 = vector.broadcast %broadcast_in_dim3A_930 : i32 to vector<16xi32>
          %gather3A_932 = tpu.vector_load_idx %arg9[%broadcast_in_dim3A_931, %min3A_916] : memref<8x5632xf32, #tpu.memory_space<vmem>>[vector<16xi32>, vector<16xi32>], vector<16xf32>,
          tpu.vector_store_idx %arg12[%broadcast_in_dim3A_931, %and3A_903], %gather3A_932 masked %and3A_909 : memref<8x4096xf32, #tpu.memory_space<vmem>>[vector<16xi32>, vector<16xi32>], vector<16xf32>, vector<16xi1>
          %broadcast_in_dim3A_933 = arith.constant 6 : i32
          %broadcast_in_dim3A_934 = vector.broadcast %broadcast_in_dim3A_933 : i32 to vector<16xi32>
          %gather3A_935 = tpu.vector_load_idx %arg9[%broadcast_in_dim3A_934, %min3A_916] : memref<8x5632xf32, #tpu.memory_space<vmem>>[vector<16xi32>, vector<16xi32>], vector<16xf32>,
          tpu.vector_store_idx %arg12[%broadcast_in_dim3A_934, %and3A_903], %gather3A_935 masked %and3A_909 : memref<8x4096xf32, #tpu.memory_space<vmem>>[vector<16xi32>, vector<16xi32>], vector<16xf32>, vector<16xi1>
          %broadcast_in_dim3A_936 = arith.constant 7 : i32
          %broadcast_in_dim3A_937 = vector.broadcast %broadcast_in_dim3A_936 : i32 to vector<16xi32>
          %gather3A_938 = tpu.vector_load_idx %arg9[%broadcast_in_dim3A_937, %min3A_916] : memref<8x5632xf32, #tpu.memory_space<vmem>>[vector<16xi32>, vector<16xi32>], vector<16xf32>,
          tpu.vector_store_idx %arg12[%broadcast_in_dim3A_937, %and3A_903], %gather3A_938 masked %and3A_909 : memref<8x4096xf32, #tpu.memory_space<vmem>>[vector<16xi32>, vector<16xi32>], vector<16xf32>, vector<16xi1>
          %while3A_939 = arith.constant 0 : i32
          scf.yield %while3A_939 : i32
        }
        %dma_start3A_701 = arith.constant 0 : i32
        %dma_start3A_702 = arith.constant 0 : i32
        %dma_start3A_703 = tpu.memref_slice %arg9[%dma_start3A_701, %dma_start3A_702] : memref<8x5632xf32, #tpu.memory_space<vmem>> -> memref<8x5632xf32, #tpu.memory_space<vmem>>
        %dma_start3A_704 = arith.constant 84480 : i32
        %dma_start3A_705 = tpu.memref_slice %arg6[%select_n3A, %multiple_of3A, %dma_start3A_704] : memref<26x32x100000xf32, #tpu.memory_space<hbm>> -> memref<1x8x5632xf32, #tpu.memory_space<hbm>>
        %dma_start3A_706 = tpu.memref_squeeze %dma_start3A_705 : memref<1x8x5632xf32, #tpu.memory_space<hbm>> -> memref<8x5632xf32, #tpu.memory_space<hbm>>
        %dma_start3A_707 = arith.constant 0 : i32
        %dma_start3A_708 = arith.constant 0 : i32
        %dma_start3A_709 = tpu.memref_slice %arg9[%dma_start3A_707, %dma_start3A_708] : memref<8x5632xf32, #tpu.memory_space<vmem>> -> memref<8x5632xf32, #tpu.memory_space<vmem>>
        %dma_start3A_710 = arith.constant 84480 : i32
        %dma_start3A_711 = tpu.memref_slice %arg6[%select_n3A, %multiple_of3A, %dma_start3A_710] : memref<26x32x100000xf32, #tpu.memory_space<hbm>> -> memref<1x8x5632xf32, #tpu.memory_space<hbm>>
        %dma_start3A_712 = tpu.memref_squeeze %dma_start3A_711 : memref<1x8x5632xf32, #tpu.memory_space<hbm>> -> memref<8x5632xf32, #tpu.memory_space<hbm>>
        tpu.enqueue_dma source(%dma_start3A_712 : memref<8x5632xf32, #tpu.memory_space<hbm>>) target(%dma_start3A_709 : memref<8x5632xf32, #tpu.memory_space<vmem>>) target_semaphore(%arg14 : memref<!tpu.dma_semaphore, #tpu.memory_space<semaphore_mem>>)
        %dma_wait3A_713 = arith.constant 0 : i32
        %dma_wait3A_714 = arith.constant 0 : i32
        %dma_wait3A_715 = tpu.memref_slice %arg8[%dma_wait3A_713, %dma_wait3A_714] : memref<8x5632xf32, #tpu.memory_space<vmem>> -> memref<8x5632xf32, #tpu.memory_space<vmem>>
        %dma_wait3A_716 = arith.constant 78848 : i32
        %dma_wait3A_717 = tpu.memref_slice %arg6[%select_n3A, %multiple_of3A, %dma_wait3A_716] : memref<26x32x100000xf32, #tpu.memory_space<hbm>> -> memref<1x8x5632xf32, #tpu.memory_space<hbm>>
        %dma_wait3A_718 = tpu.memref_squeeze %dma_wait3A_717 : memref<1x8x5632xf32, #tpu.memory_space<hbm>> -> memref<8x5632xf32, #tpu.memory_space<hbm>>
        %dma_wait3A_719 = arith.constant 0 : i32
        %dma_wait3A_720 = arith.constant 0 : i32
        %dma_wait3A_721 = tpu.memref_slice %arg8[%dma_wait3A_719, %dma_wait3A_720] : memref<8x5632xf32, #tpu.memory_space<vmem>> -> memref<8x5632xf32, #tpu.memory_space<vmem>>
        %dma_wait3A_722 = arith.constant 78848 : i32
        %dma_wait3A_723 = tpu.memref_slice %arg6[%select_n3A, %multiple_of3A, %dma_wait3A_722] : memref<26x32x100000xf32, #tpu.memory_space<hbm>> -> memref<1x8x5632xf32, #tpu.memory_space<hbm>>
        %dma_wait3A_724 = tpu.memref_squeeze %dma_wait3A_723 : memref<1x8x5632xf32, #tpu.memory_space<hbm>> -> memref<8x5632xf32, #tpu.memory_space<hbm>>
        tpu.wait_dma2 semaphore(%arg13 : memref<!tpu.dma_semaphore, #tpu.memory_space<semaphore_mem>>) src(%dma_wait3A_724 : memref<8x5632xf32, #tpu.memory_space<hbm>>) dst(%dma_wait3A_721 : memref<8x5632xf32, #tpu.memory_space<vmem>>)
        %slice3A_725 = vector.extract_strided_slice %get3A_62 {offsets = [14], sizes = [1], strides = [1]} : vector<16xi32> to vector<1xi32>
        %squeeze3A_726 = vector.extract %slice3A_725[0] : i32 from vector<1xi32>
        %shift_right_arithmetic3A_727 = arith.constant 4 : i32
        %shift_right_arithmetic3A_728 = arith.shrsi %squeeze3A_726, %shift_right_arithmetic3A_727 : i32
        %slice3A_729 = vector.extract_strided_slice %get3A_62 {offsets = [15], sizes = [1], strides = [1]} : vector<16xi32> to vector<1xi32>
        %squeeze3A_730 = vector.extract %slice3A_729[0] : i32 from vector<1xi32>
        %add3A_731 = arith.constant 15 : i32
        %add3A_732 = arith.addi %squeeze3A_730, %add3A_731 : i32
        %shift_right_arithmetic3A_733 = arith.constant 4 : i32
        %shift_right_arithmetic3A_734 = arith.shrsi %add3A_732, %shift_right_arithmetic3A_733 : i32
        %while3A_735 = arith.constant 0 : i32
        %while3A_736 = arith.subi %shift_right_arithmetic3A_734, %shift_right_arithmetic3A_728 : i32
        %while3A_737 = arith.addi %shift_right_arithmetic3A_728, %while3A_736 : i32
        %while3A_738 = arith.constant 1 : i32
        %while3A_739 = arith.divsi %while3A_736, %while3A_738 : i32
        %while3A_740 = arith.muli %while3A_739, %while3A_738 : i32
        %while3A_741 = arith.addi %shift_right_arithmetic3A_728, %while3A_740 : i32
        %while3A_742 = arith.constant 1 : i32
        %while3A_743 = scf.for %while3A_893 = %shift_right_arithmetic3A_728 to %while3A_741 step %while3A_742 iter_args(%while3A_894 = %while3A_735) -> (i32)  : i32 {
          %mul3A_895 = arith.constant 16 : i32
          %mul3A_896 = arith.muli %while3A_893, %mul3A_895 : i32
          %get3A_897 = arith.index_cast %mul3A_896 : i32 to index
          %get3A_898 = tpu.vector_load %arg10[%get3A_897] {strides = array<i32>} : memref<4096xi32, #tpu.memory_space<vmem>>, vector<16xi32>,
          %shift_right_logical3A = arith.constant 12 : i32
          %shift_right_logical3A_899 = vector.broadcast %shift_right_logical3A : i32 to vector<16xi32>
          %shift_right_logical3A_900 = arith.shrui %get3A_898, %shift_right_logical3A_899 : vector<16xi32>
          %and3A_901 = arith.constant 4095 : i32
          %and3A_902 = vector.broadcast %and3A_901 : i32 to vector<16xi32>
          %and3A_903 = arith.andi %get3A_898, %and3A_902 : vector<16xi32>
          %ge3A = arith.constant 78848 : i32
          %ge3A_904 = vector.broadcast %ge3A : i32 to vector<16xi32>
          %ge3A_905 = arith.cmpi sge, %shift_right_logical3A_900, %ge3A_904 : vector<16xi32>
          %lt3A_906 = arith.constant 84480 : i32
          %lt3A_907 = vector.broadcast %lt3A_906 : i32 to vector<16xi32>
          %lt3A_908 = arith.cmpi slt, %shift_right_logical3A_900, %lt3A_907 : vector<16xi32>
          %and3A_909 = arith.andi %ge3A_905, %lt3A_908 : vector<16xi1>
          %sub3A_910 = arith.constant 78848 : i32
          %sub3A_911 = vector.broadcast %sub3A_910 : i32 to vector<16xi32>
          %sub3A_912 = arith.subi %shift_right_logical3A_900, %sub3A_911 : vector<16xi32>
          %jit3A_913 = arith.constant 0 : i32
          %jit3A_914 = arith.constant 5631 : i32
          %max3A = vector.broadcast %jit3A_913 : i32 to vector<16xi32>
          %max3A_915 = arith.maxsi %max3A, %sub3A_912 : vector<16xi32>
          %min3A = vector.broadcast %jit3A_914 : i32 to vector<16xi32>
          %min3A_916 = arith.minsi %min3A, %max3A_915 : vector<16xi32>
          %broadcast_in_dim3A = arith.constant 0 : i32
          %broadcast_in_dim3A_917 = vector.broadcast %broadcast_in_dim3A : i32 to vector<16xi32>
          %gather3A = tpu.vector_load_idx %arg8[%broadcast_in_dim3A_917, %min3A_916] : memref<8x5632xf32, #tpu.memory_space<vmem>>[vector<16xi32>, vector<16xi32>], vector<16xf32>,
          tpu.vector_store_idx %arg12[%broadcast_in_dim3A_917, %and3A_903], %gather3A masked %and3A_909 : memref<8x4096xf32, #tpu.memory_space<vmem>>[vector<16xi32>, vector<16xi32>], vector<16xf32>, vector<16xi1>
          %broadcast_in_dim3A_918 = arith.constant 1 : i32
          %broadcast_in_dim3A_919 = vector.broadcast %broadcast_in_dim3A_918 : i32 to vector<16xi32>
          %gather3A_920 = tpu.vector_load_idx %arg8[%broadcast_in_dim3A_919, %min3A_916] : memref<8x5632xf32, #tpu.memory_space<vmem>>[vector<16xi32>, vector<16xi32>], vector<16xf32>,
          tpu.vector_store_idx %arg12[%broadcast_in_dim3A_919, %and3A_903], %gather3A_920 masked %and3A_909 : memref<8x4096xf32, #tpu.memory_space<vmem>>[vector<16xi32>, vector<16xi32>], vector<16xf32>, vector<16xi1>
          %broadcast_in_dim3A_921 = arith.constant 2 : i32
          %broadcast_in_dim3A_922 = vector.broadcast %broadcast_in_dim3A_921 : i32 to vector<16xi32>
          %gather3A_923 = tpu.vector_load_idx %arg8[%broadcast_in_dim3A_922, %min3A_916] : memref<8x5632xf32, #tpu.memory_space<vmem>>[vector<16xi32>, vector<16xi32>], vector<16xf32>,
          tpu.vector_store_idx %arg12[%broadcast_in_dim3A_922, %and3A_903], %gather3A_923 masked %and3A_909 : memref<8x4096xf32, #tpu.memory_space<vmem>>[vector<16xi32>, vector<16xi32>], vector<16xf32>, vector<16xi1>
          %broadcast_in_dim3A_924 = arith.constant 3 : i32
          %broadcast_in_dim3A_925 = vector.broadcast %broadcast_in_dim3A_924 : i32 to vector<16xi32>
          %gather3A_926 = tpu.vector_load_idx %arg8[%broadcast_in_dim3A_925, %min3A_916] : memref<8x5632xf32, #tpu.memory_space<vmem>>[vector<16xi32>, vector<16xi32>], vector<16xf32>,
          tpu.vector_store_idx %arg12[%broadcast_in_dim3A_925, %and3A_903], %gather3A_926 masked %and3A_909 : memref<8x4096xf32, #tpu.memory_space<vmem>>[vector<16xi32>, vector<16xi32>], vector<16xf32>, vector<16xi1>
          %broadcast_in_dim3A_927 = arith.constant 4 : i32
          %broadcast_in_dim3A_928 = vector.broadcast %broadcast_in_dim3A_927 : i32 to vector<16xi32>
          %gather3A_929 = tpu.vector_load_idx %arg8[%broadcast_in_dim3A_928, %min3A_916] : memref<8x5632xf32, #tpu.memory_space<vmem>>[vector<16xi32>, vector<16xi32>], vector<16xf32>,
          tpu.vector_store_idx %arg12[%broadcast_in_dim3A_928, %and3A_903], %gather3A_929 masked %and3A_909 : memref<8x4096xf32, #tpu.memory_space<vmem>>[vector<16xi32>, vector<16xi32>], vector<16xf32>, vector<16xi1>
          %broadcast_in_dim3A_930 = arith.constant 5 : i32
          %broadcast_in_dim3A_931 = vector.broadcast %broadcast_in_dim3A_930 : i32 to vector<16xi32>
          %gather3A_932 = tpu.vector_load_idx %arg8[%broadcast_in_dim3A_931, %min3A_916] : memref<8x5632xf32, #tpu.memory_space<vmem>>[vector<16xi32>, vector<16xi32>], vector<16xf32>,
          tpu.vector_store_idx %arg12[%broadcast_in_dim3A_931, %and3A_903], %gather3A_932 masked %and3A_909 : memref<8x4096xf32, #tpu.memory_space<vmem>>[vector<16xi32>, vector<16xi32>], vector<16xf32>, vector<16xi1>
          %broadcast_in_dim3A_933 = arith.constant 6 : i32
          %broadcast_in_dim3A_934 = vector.broadcast %broadcast_in_dim3A_933 : i32 to vector<16xi32>
          %gather3A_935 = tpu.vector_load_idx %arg8[%broadcast_in_dim3A_934, %min3A_916] : memref<8x5632xf32, #tpu.memory_space<vmem>>[vector<16xi32>, vector<16xi32>], vector<16xf32>,
          tpu.vector_store_idx %arg12[%broadcast_in_dim3A_934, %and3A_903], %gather3A_935 masked %and3A_909 : memref<8x4096xf32, #tpu.memory_space<vmem>>[vector<16xi32>, vector<16xi32>], vector<16xf32>, vector<16xi1>
          %broadcast_in_dim3A_936 = arith.constant 7 : i32
          %broadcast_in_dim3A_937 = vector.broadcast %broadcast_in_dim3A_936 : i32 to vector<16xi32>
          %gather3A_938 = tpu.vector_load_idx %arg8[%broadcast_in_dim3A_937, %min3A_916] : memref<8x5632xf32, #tpu.memory_space<vmem>>[vector<16xi32>, vector<16xi32>], vector<16xf32>,
          tpu.vector_store_idx %arg12[%broadcast_in_dim3A_937, %and3A_903], %gather3A_938 masked %and3A_909 : memref<8x4096xf32, #tpu.memory_space<vmem>>[vector<16xi32>, vector<16xi32>], vector<16xf32>, vector<16xi1>
          %while3A_939 = arith.constant 0 : i32
          scf.yield %while3A_939 : i32
        }
        %while3A_744 = arith.constant 1 : i32
        %while3A_745 = scf.for %while3A_893 = %while3A_741 to %while3A_737 step %while3A_744 iter_args(%while3A_894 = %while3A_743) -> (i32)  : i32 {
          %mul3A_895 = arith.constant 16 : i32
          %mul3A_896 = arith.muli %while3A_893, %mul3A_895 : i32
          %get3A_897 = arith.index_cast %mul3A_896 : i32 to index
          %get3A_898 = tpu.vector_load %arg10[%get3A_897] {strides = array<i32>} : memref<4096xi32, #tpu.memory_space<vmem>>, vector<16xi32>,
          %shift_right_logical3A = arith.constant 12 : i32
          %shift_right_logical3A_899 = vector.broadcast %shift_right_logical3A : i32 to vector<16xi32>
          %shift_right_logical3A_900 = arith.shrui %get3A_898, %shift_right_logical3A_899 : vector<16xi32>
          %and3A_901 = arith.constant 4095 : i32
          %and3A_902 = vector.broadcast %and3A_901 : i32 to vector<16xi32>
          %and3A_903 = arith.andi %get3A_898, %and3A_902 : vector<16xi32>
          %ge3A = arith.constant 78848 : i32
          %ge3A_904 = vector.broadcast %ge3A : i32 to vector<16xi32>
          %ge3A_905 = arith.cmpi sge, %shift_right_logical3A_900, %ge3A_904 : vector<16xi32>
          %lt3A_906 = arith.constant 84480 : i32
          %lt3A_907 = vector.broadcast %lt3A_906 : i32 to vector<16xi32>
          %lt3A_908 = arith.cmpi slt, %shift_right_logical3A_900, %lt3A_907 : vector<16xi32>
          %and3A_909 = arith.andi %ge3A_905, %lt3A_908 : vector<16xi1>
          %sub3A_910 = arith.constant 78848 : i32
          %sub3A_911 = vector.broadcast %sub3A_910 : i32 to vector<16xi32>
          %sub3A_912 = arith.subi %shift_right_logical3A_900, %sub3A_911 : vector<16xi32>
          %jit3A_913 = arith.constant 0 : i32
          %jit3A_914 = arith.constant 5631 : i32
          %max3A = vector.broadcast %jit3A_913 : i32 to vector<16xi32>
          %max3A_915 = arith.maxsi %max3A, %sub3A_912 : vector<16xi32>
          %min3A = vector.broadcast %jit3A_914 : i32 to vector<16xi32>
          %min3A_916 = arith.minsi %min3A, %max3A_915 : vector<16xi32>
          %broadcast_in_dim3A = arith.constant 0 : i32
          %broadcast_in_dim3A_917 = vector.broadcast %broadcast_in_dim3A : i32 to vector<16xi32>
          %gather3A = tpu.vector_load_idx %arg8[%broadcast_in_dim3A_917, %min3A_916] : memref<8x5632xf32, #tpu.memory_space<vmem>>[vector<16xi32>, vector<16xi32>], vector<16xf32>,
          tpu.vector_store_idx %arg12[%broadcast_in_dim3A_917, %and3A_903], %gather3A masked %and3A_909 : memref<8x4096xf32, #tpu.memory_space<vmem>>[vector<16xi32>, vector<16xi32>], vector<16xf32>, vector<16xi1>
          %broadcast_in_dim3A_918 = arith.constant 1 : i32
          %broadcast_in_dim3A_919 = vector.broadcast %broadcast_in_dim3A_918 : i32 to vector<16xi32>
          %gather3A_920 = tpu.vector_load_idx %arg8[%broadcast_in_dim3A_919, %min3A_916] : memref<8x5632xf32, #tpu.memory_space<vmem>>[vector<16xi32>, vector<16xi32>], vector<16xf32>,
          tpu.vector_store_idx %arg12[%broadcast_in_dim3A_919, %and3A_903], %gather3A_920 masked %and3A_909 : memref<8x4096xf32, #tpu.memory_space<vmem>>[vector<16xi32>, vector<16xi32>], vector<16xf32>, vector<16xi1>
          %broadcast_in_dim3A_921 = arith.constant 2 : i32
          %broadcast_in_dim3A_922 = vector.broadcast %broadcast_in_dim3A_921 : i32 to vector<16xi32>
          %gather3A_923 = tpu.vector_load_idx %arg8[%broadcast_in_dim3A_922, %min3A_916] : memref<8x5632xf32, #tpu.memory_space<vmem>>[vector<16xi32>, vector<16xi32>], vector<16xf32>,
          tpu.vector_store_idx %arg12[%broadcast_in_dim3A_922, %and3A_903], %gather3A_923 masked %and3A_909 : memref<8x4096xf32, #tpu.memory_space<vmem>>[vector<16xi32>, vector<16xi32>], vector<16xf32>, vector<16xi1>
          %broadcast_in_dim3A_924 = arith.constant 3 : i32
          %broadcast_in_dim3A_925 = vector.broadcast %broadcast_in_dim3A_924 : i32 to vector<16xi32>
          %gather3A_926 = tpu.vector_load_idx %arg8[%broadcast_in_dim3A_925, %min3A_916] : memref<8x5632xf32, #tpu.memory_space<vmem>>[vector<16xi32>, vector<16xi32>], vector<16xf32>,
          tpu.vector_store_idx %arg12[%broadcast_in_dim3A_925, %and3A_903], %gather3A_926 masked %and3A_909 : memref<8x4096xf32, #tpu.memory_space<vmem>>[vector<16xi32>, vector<16xi32>], vector<16xf32>, vector<16xi1>
          %broadcast_in_dim3A_927 = arith.constant 4 : i32
          %broadcast_in_dim3A_928 = vector.broadcast %broadcast_in_dim3A_927 : i32 to vector<16xi32>
          %gather3A_929 = tpu.vector_load_idx %arg8[%broadcast_in_dim3A_928, %min3A_916] : memref<8x5632xf32, #tpu.memory_space<vmem>>[vector<16xi32>, vector<16xi32>], vector<16xf32>,
          tpu.vector_store_idx %arg12[%broadcast_in_dim3A_928, %and3A_903], %gather3A_929 masked %and3A_909 : memref<8x4096xf32, #tpu.memory_space<vmem>>[vector<16xi32>, vector<16xi32>], vector<16xf32>, vector<16xi1>
          %broadcast_in_dim3A_930 = arith.constant 5 : i32
          %broadcast_in_dim3A_931 = vector.broadcast %broadcast_in_dim3A_930 : i32 to vector<16xi32>
          %gather3A_932 = tpu.vector_load_idx %arg8[%broadcast_in_dim3A_931, %min3A_916] : memref<8x5632xf32, #tpu.memory_space<vmem>>[vector<16xi32>, vector<16xi32>], vector<16xf32>,
          tpu.vector_store_idx %arg12[%broadcast_in_dim3A_931, %and3A_903], %gather3A_932 masked %and3A_909 : memref<8x4096xf32, #tpu.memory_space<vmem>>[vector<16xi32>, vector<16xi32>], vector<16xf32>, vector<16xi1>
          %broadcast_in_dim3A_933 = arith.constant 6 : i32
          %broadcast_in_dim3A_934 = vector.broadcast %broadcast_in_dim3A_933 : i32 to vector<16xi32>
          %gather3A_935 = tpu.vector_load_idx %arg8[%broadcast_in_dim3A_934, %min3A_916] : memref<8x5632xf32, #tpu.memory_space<vmem>>[vector<16xi32>, vector<16xi32>], vector<16xf32>,
          tpu.vector_store_idx %arg12[%broadcast_in_dim3A_934, %and3A_903], %gather3A_935 masked %and3A_909 : memref<8x4096xf32, #tpu.memory_space<vmem>>[vector<16xi32>, vector<16xi32>], vector<16xf32>, vector<16xi1>
          %broadcast_in_dim3A_936 = arith.constant 7 : i32
          %broadcast_in_dim3A_937 = vector.broadcast %broadcast_in_dim3A_936 : i32 to vector<16xi32>
          %gather3A_938 = tpu.vector_load_idx %arg8[%broadcast_in_dim3A_937, %min3A_916] : memref<8x5632xf32, #tpu.memory_space<vmem>>[vector<16xi32>, vector<16xi32>], vector<16xf32>,
          tpu.vector_store_idx %arg12[%broadcast_in_dim3A_937, %and3A_903], %gather3A_938 masked %and3A_909 : memref<8x4096xf32, #tpu.memory_space<vmem>>[vector<16xi32>, vector<16xi32>], vector<16xf32>, vector<16xi1>
          %while3A_939 = arith.constant 0 : i32
          scf.yield %while3A_939 : i32
        }
        %dma_start3A_746 = arith.constant 0 : i32
        %dma_start3A_747 = arith.constant 0 : i32
        %dma_start3A_748 = tpu.memref_slice %arg8[%dma_start3A_746, %dma_start3A_747] : memref<8x5632xf32, #tpu.memory_space<vmem>> -> memref<8x5632xf32, #tpu.memory_space<vmem>>
        %dma_start3A_749 = arith.constant 90112 : i32
        %dma_start3A_750 = tpu.memref_slice %arg6[%select_n3A, %multiple_of3A, %dma_start3A_749] : memref<26x32x100000xf32, #tpu.memory_space<hbm>> -> memref<1x8x5632xf32, #tpu.memory_space<hbm>>
        %dma_start3A_751 = tpu.memref_squeeze %dma_start3A_750 : memref<1x8x5632xf32, #tpu.memory_space<hbm>> -> memref<8x5632xf32, #tpu.memory_space<hbm>>
        %dma_start3A_752 = arith.constant 0 : i32
        %dma_start3A_753 = arith.constant 0 : i32
        %dma_start3A_754 = tpu.memref_slice %arg8[%dma_start3A_752, %dma_start3A_753] : memref<8x5632xf32, #tpu.memory_space<vmem>> -> memref<8x5632xf32, #tpu.memory_space<vmem>>
        %dma_start3A_755 = arith.constant 90112 : i32
        %dma_start3A_756 = tpu.memref_slice %arg6[%select_n3A, %multiple_of3A, %dma_start3A_755] : memref<26x32x100000xf32, #tpu.memory_space<hbm>> -> memref<1x8x5632xf32, #tpu.memory_space<hbm>>
        %dma_start3A_757 = tpu.memref_squeeze %dma_start3A_756 : memref<1x8x5632xf32, #tpu.memory_space<hbm>> -> memref<8x5632xf32, #tpu.memory_space<hbm>>
        tpu.enqueue_dma source(%dma_start3A_757 : memref<8x5632xf32, #tpu.memory_space<hbm>>) target(%dma_start3A_754 : memref<8x5632xf32, #tpu.memory_space<vmem>>) target_semaphore(%arg13 : memref<!tpu.dma_semaphore, #tpu.memory_space<semaphore_mem>>)
        %dma_wait3A_758 = arith.constant 0 : i32
        %dma_wait3A_759 = arith.constant 0 : i32
        %dma_wait3A_760 = tpu.memref_slice %arg9[%dma_wait3A_758, %dma_wait3A_759] : memref<8x5632xf32, #tpu.memory_space<vmem>> -> memref<8x5632xf32, #tpu.memory_space<vmem>>
        %dma_wait3A_761 = arith.constant 84480 : i32
        %dma_wait3A_762 = tpu.memref_slice %arg6[%select_n3A, %multiple_of3A, %dma_wait3A_761] : memref<26x32x100000xf32, #tpu.memory_space<hbm>> -> memref<1x8x5632xf32, #tpu.memory_space<hbm>>
        %dma_wait3A_763 = tpu.memref_squeeze %dma_wait3A_762 : memref<1x8x5632xf32, #tpu.memory_space<hbm>> -> memref<8x5632xf32, #tpu.memory_space<hbm>>
        %dma_wait3A_764 = arith.constant 0 : i32
        %dma_wait3A_765 = arith.constant 0 : i32
        %dma_wait3A_766 = tpu.memref_slice %arg9[%dma_wait3A_764, %dma_wait3A_765] : memref<8x5632xf32, #tpu.memory_space<vmem>> -> memref<8x5632xf32, #tpu.memory_space<vmem>>
        %dma_wait3A_767 = arith.constant 84480 : i32
        %dma_wait3A_768 = tpu.memref_slice %arg6[%select_n3A, %multiple_of3A, %dma_wait3A_767] : memref<26x32x100000xf32, #tpu.memory_space<hbm>> -> memref<1x8x5632xf32, #tpu.memory_space<hbm>>
        %dma_wait3A_769 = tpu.memref_squeeze %dma_wait3A_768 : memref<1x8x5632xf32, #tpu.memory_space<hbm>> -> memref<8x5632xf32, #tpu.memory_space<hbm>>
        tpu.wait_dma2 semaphore(%arg14 : memref<!tpu.dma_semaphore, #tpu.memory_space<semaphore_mem>>) src(%dma_wait3A_769 : memref<8x5632xf32, #tpu.memory_space<hbm>>) dst(%dma_wait3A_766 : memref<8x5632xf32, #tpu.memory_space<vmem>>)
        %slice3A_770 = vector.extract_strided_slice %get3A_62 {offsets = [15], sizes = [1], strides = [1]} : vector<16xi32> to vector<1xi32>
        %squeeze3A_771 = vector.extract %slice3A_770[0] : i32 from vector<1xi32>
        %shift_right_arithmetic3A_772 = arith.constant 4 : i32
        %shift_right_arithmetic3A_773 = arith.shrsi %squeeze3A_771, %shift_right_arithmetic3A_772 : i32
        %slice3A_774 = vector.extract_strided_slice %get3A_64 {offsets = [0], sizes = [1], strides = [1]} : vector<16xi32> to vector<1xi32>
        %squeeze3A_775 = vector.extract %slice3A_774[0] : i32 from vector<1xi32>
        %add3A_776 = arith.constant 15 : i32
        %add3A_777 = arith.addi %squeeze3A_775, %add3A_776 : i32
        %shift_right_arithmetic3A_778 = arith.constant 4 : i32
        %shift_right_arithmetic3A_779 = arith.shrsi %add3A_777, %shift_right_arithmetic3A_778 : i32
        %while3A_780 = arith.constant 0 : i32
        %while3A_781 = arith.subi %shift_right_arithmetic3A_779, %shift_right_arithmetic3A_773 : i32
        %while3A_782 = arith.addi %shift_right_arithmetic3A_773, %while3A_781 : i32
        %while3A_783 = arith.constant 1 : i32
        %while3A_784 = arith.divsi %while3A_781, %while3A_783 : i32
        %while3A_785 = arith.muli %while3A_784, %while3A_783 : i32
        %while3A_786 = arith.addi %shift_right_arithmetic3A_773, %while3A_785 : i32
        %while3A_787 = arith.constant 1 : i32
        %while3A_788 = scf.for %while3A_893 = %shift_right_arithmetic3A_773 to %while3A_786 step %while3A_787 iter_args(%while3A_894 = %while3A_780) -> (i32)  : i32 {
          %mul3A_895 = arith.constant 16 : i32
          %mul3A_896 = arith.muli %while3A_893, %mul3A_895 : i32
          %get3A_897 = arith.index_cast %mul3A_896 : i32 to index
          %get3A_898 = tpu.vector_load %arg10[%get3A_897] {strides = array<i32>} : memref<4096xi32, #tpu.memory_space<vmem>>, vector<16xi32>,
          %shift_right_logical3A = arith.constant 12 : i32
          %shift_right_logical3A_899 = vector.broadcast %shift_right_logical3A : i32 to vector<16xi32>
          %shift_right_logical3A_900 = arith.shrui %get3A_898, %shift_right_logical3A_899 : vector<16xi32>
          %and3A_901 = arith.constant 4095 : i32
          %and3A_902 = vector.broadcast %and3A_901 : i32 to vector<16xi32>
          %and3A_903 = arith.andi %get3A_898, %and3A_902 : vector<16xi32>
          %ge3A = arith.constant 84480 : i32
          %ge3A_904 = vector.broadcast %ge3A : i32 to vector<16xi32>
          %ge3A_905 = arith.cmpi sge, %shift_right_logical3A_900, %ge3A_904 : vector<16xi32>
          %lt3A_906 = arith.constant 90112 : i32
          %lt3A_907 = vector.broadcast %lt3A_906 : i32 to vector<16xi32>
          %lt3A_908 = arith.cmpi slt, %shift_right_logical3A_900, %lt3A_907 : vector<16xi32>
          %and3A_909 = arith.andi %ge3A_905, %lt3A_908 : vector<16xi1>
          %sub3A_910 = arith.constant 84480 : i32
          %sub3A_911 = vector.broadcast %sub3A_910 : i32 to vector<16xi32>
          %sub3A_912 = arith.subi %shift_right_logical3A_900, %sub3A_911 : vector<16xi32>
          %jit3A_913 = arith.constant 0 : i32
          %jit3A_914 = arith.constant 5631 : i32
          %max3A = vector.broadcast %jit3A_913 : i32 to vector<16xi32>
          %max3A_915 = arith.maxsi %max3A, %sub3A_912 : vector<16xi32>
          %min3A = vector.broadcast %jit3A_914 : i32 to vector<16xi32>
          %min3A_916 = arith.minsi %min3A, %max3A_915 : vector<16xi32>
          %broadcast_in_dim3A = arith.constant 0 : i32
          %broadcast_in_dim3A_917 = vector.broadcast %broadcast_in_dim3A : i32 to vector<16xi32>
          %gather3A = tpu.vector_load_idx %arg9[%broadcast_in_dim3A_917, %min3A_916] : memref<8x5632xf32, #tpu.memory_space<vmem>>[vector<16xi32>, vector<16xi32>], vector<16xf32>,
          tpu.vector_store_idx %arg12[%broadcast_in_dim3A_917, %and3A_903], %gather3A masked %and3A_909 : memref<8x4096xf32, #tpu.memory_space<vmem>>[vector<16xi32>, vector<16xi32>], vector<16xf32>, vector<16xi1>
          %broadcast_in_dim3A_918 = arith.constant 1 : i32
          %broadcast_in_dim3A_919 = vector.broadcast %broadcast_in_dim3A_918 : i32 to vector<16xi32>
          %gather3A_920 = tpu.vector_load_idx %arg9[%broadcast_in_dim3A_919, %min3A_916] : memref<8x5632xf32, #tpu.memory_space<vmem>>[vector<16xi32>, vector<16xi32>], vector<16xf32>,
          tpu.vector_store_idx %arg12[%broadcast_in_dim3A_919, %and3A_903], %gather3A_920 masked %and3A_909 : memref<8x4096xf32, #tpu.memory_space<vmem>>[vector<16xi32>, vector<16xi32>], vector<16xf32>, vector<16xi1>
          %broadcast_in_dim3A_921 = arith.constant 2 : i32
          %broadcast_in_dim3A_922 = vector.broadcast %broadcast_in_dim3A_921 : i32 to vector<16xi32>
          %gather3A_923 = tpu.vector_load_idx %arg9[%broadcast_in_dim3A_922, %min3A_916] : memref<8x5632xf32, #tpu.memory_space<vmem>>[vector<16xi32>, vector<16xi32>], vector<16xf32>,
          tpu.vector_store_idx %arg12[%broadcast_in_dim3A_922, %and3A_903], %gather3A_923 masked %and3A_909 : memref<8x4096xf32, #tpu.memory_space<vmem>>[vector<16xi32>, vector<16xi32>], vector<16xf32>, vector<16xi1>
          %broadcast_in_dim3A_924 = arith.constant 3 : i32
          %broadcast_in_dim3A_925 = vector.broadcast %broadcast_in_dim3A_924 : i32 to vector<16xi32>
          %gather3A_926 = tpu.vector_load_idx %arg9[%broadcast_in_dim3A_925, %min3A_916] : memref<8x5632xf32, #tpu.memory_space<vmem>>[vector<16xi32>, vector<16xi32>], vector<16xf32>,
          tpu.vector_store_idx %arg12[%broadcast_in_dim3A_925, %and3A_903], %gather3A_926 masked %and3A_909 : memref<8x4096xf32, #tpu.memory_space<vmem>>[vector<16xi32>, vector<16xi32>], vector<16xf32>, vector<16xi1>
          %broadcast_in_dim3A_927 = arith.constant 4 : i32
          %broadcast_in_dim3A_928 = vector.broadcast %broadcast_in_dim3A_927 : i32 to vector<16xi32>
          %gather3A_929 = tpu.vector_load_idx %arg9[%broadcast_in_dim3A_928, %min3A_916] : memref<8x5632xf32, #tpu.memory_space<vmem>>[vector<16xi32>, vector<16xi32>], vector<16xf32>,
          tpu.vector_store_idx %arg12[%broadcast_in_dim3A_928, %and3A_903], %gather3A_929 masked %and3A_909 : memref<8x4096xf32, #tpu.memory_space<vmem>>[vector<16xi32>, vector<16xi32>], vector<16xf32>, vector<16xi1>
          %broadcast_in_dim3A_930 = arith.constant 5 : i32
          %broadcast_in_dim3A_931 = vector.broadcast %broadcast_in_dim3A_930 : i32 to vector<16xi32>
          %gather3A_932 = tpu.vector_load_idx %arg9[%broadcast_in_dim3A_931, %min3A_916] : memref<8x5632xf32, #tpu.memory_space<vmem>>[vector<16xi32>, vector<16xi32>], vector<16xf32>,
          tpu.vector_store_idx %arg12[%broadcast_in_dim3A_931, %and3A_903], %gather3A_932 masked %and3A_909 : memref<8x4096xf32, #tpu.memory_space<vmem>>[vector<16xi32>, vector<16xi32>], vector<16xf32>, vector<16xi1>
          %broadcast_in_dim3A_933 = arith.constant 6 : i32
          %broadcast_in_dim3A_934 = vector.broadcast %broadcast_in_dim3A_933 : i32 to vector<16xi32>
          %gather3A_935 = tpu.vector_load_idx %arg9[%broadcast_in_dim3A_934, %min3A_916] : memref<8x5632xf32, #tpu.memory_space<vmem>>[vector<16xi32>, vector<16xi32>], vector<16xf32>,
          tpu.vector_store_idx %arg12[%broadcast_in_dim3A_934, %and3A_903], %gather3A_935 masked %and3A_909 : memref<8x4096xf32, #tpu.memory_space<vmem>>[vector<16xi32>, vector<16xi32>], vector<16xf32>, vector<16xi1>
          %broadcast_in_dim3A_936 = arith.constant 7 : i32
          %broadcast_in_dim3A_937 = vector.broadcast %broadcast_in_dim3A_936 : i32 to vector<16xi32>
          %gather3A_938 = tpu.vector_load_idx %arg9[%broadcast_in_dim3A_937, %min3A_916] : memref<8x5632xf32, #tpu.memory_space<vmem>>[vector<16xi32>, vector<16xi32>], vector<16xf32>,
          tpu.vector_store_idx %arg12[%broadcast_in_dim3A_937, %and3A_903], %gather3A_938 masked %and3A_909 : memref<8x4096xf32, #tpu.memory_space<vmem>>[vector<16xi32>, vector<16xi32>], vector<16xf32>, vector<16xi1>
          %while3A_939 = arith.constant 0 : i32
          scf.yield %while3A_939 : i32
        }
        %while3A_789 = arith.constant 1 : i32
        %while3A_790 = scf.for %while3A_893 = %while3A_786 to %while3A_782 step %while3A_789 iter_args(%while3A_894 = %while3A_788) -> (i32)  : i32 {
          %mul3A_895 = arith.constant 16 : i32
          %mul3A_896 = arith.muli %while3A_893, %mul3A_895 : i32
          %get3A_897 = arith.index_cast %mul3A_896 : i32 to index
          %get3A_898 = tpu.vector_load %arg10[%get3A_897] {strides = array<i32>} : memref<4096xi32, #tpu.memory_space<vmem>>, vector<16xi32>,
          %shift_right_logical3A = arith.constant 12 : i32
          %shift_right_logical3A_899 = vector.broadcast %shift_right_logical3A : i32 to vector<16xi32>
          %shift_right_logical3A_900 = arith.shrui %get3A_898, %shift_right_logical3A_899 : vector<16xi32>
          %and3A_901 = arith.constant 4095 : i32
          %and3A_902 = vector.broadcast %and3A_901 : i32 to vector<16xi32>
          %and3A_903 = arith.andi %get3A_898, %and3A_902 : vector<16xi32>
          %ge3A = arith.constant 84480 : i32
          %ge3A_904 = vector.broadcast %ge3A : i32 to vector<16xi32>
          %ge3A_905 = arith.cmpi sge, %shift_right_logical3A_900, %ge3A_904 : vector<16xi32>
          %lt3A_906 = arith.constant 90112 : i32
          %lt3A_907 = vector.broadcast %lt3A_906 : i32 to vector<16xi32>
          %lt3A_908 = arith.cmpi slt, %shift_right_logical3A_900, %lt3A_907 : vector<16xi32>
          %and3A_909 = arith.andi %ge3A_905, %lt3A_908 : vector<16xi1>
          %sub3A_910 = arith.constant 84480 : i32
          %sub3A_911 = vector.broadcast %sub3A_910 : i32 to vector<16xi32>
          %sub3A_912 = arith.subi %shift_right_logical3A_900, %sub3A_911 : vector<16xi32>
          %jit3A_913 = arith.constant 0 : i32
          %jit3A_914 = arith.constant 5631 : i32
          %max3A = vector.broadcast %jit3A_913 : i32 to vector<16xi32>
          %max3A_915 = arith.maxsi %max3A, %sub3A_912 : vector<16xi32>
          %min3A = vector.broadcast %jit3A_914 : i32 to vector<16xi32>
          %min3A_916 = arith.minsi %min3A, %max3A_915 : vector<16xi32>
          %broadcast_in_dim3A = arith.constant 0 : i32
          %broadcast_in_dim3A_917 = vector.broadcast %broadcast_in_dim3A : i32 to vector<16xi32>
          %gather3A = tpu.vector_load_idx %arg9[%broadcast_in_dim3A_917, %min3A_916] : memref<8x5632xf32, #tpu.memory_space<vmem>>[vector<16xi32>, vector<16xi32>], vector<16xf32>,
          tpu.vector_store_idx %arg12[%broadcast_in_dim3A_917, %and3A_903], %gather3A masked %and3A_909 : memref<8x4096xf32, #tpu.memory_space<vmem>>[vector<16xi32>, vector<16xi32>], vector<16xf32>, vector<16xi1>
          %broadcast_in_dim3A_918 = arith.constant 1 : i32
          %broadcast_in_dim3A_919 = vector.broadcast %broadcast_in_dim3A_918 : i32 to vector<16xi32>
          %gather3A_920 = tpu.vector_load_idx %arg9[%broadcast_in_dim3A_919, %min3A_916] : memref<8x5632xf32, #tpu.memory_space<vmem>>[vector<16xi32>, vector<16xi32>], vector<16xf32>,
          tpu.vector_store_idx %arg12[%broadcast_in_dim3A_919, %and3A_903], %gather3A_920 masked %and3A_909 : memref<8x4096xf32, #tpu.memory_space<vmem>>[vector<16xi32>, vector<16xi32>], vector<16xf32>, vector<16xi1>
          %broadcast_in_dim3A_921 = arith.constant 2 : i32
          %broadcast_in_dim3A_922 = vector.broadcast %broadcast_in_dim3A_921 : i32 to vector<16xi32>
          %gather3A_923 = tpu.vector_load_idx %arg9[%broadcast_in_dim3A_922, %min3A_916] : memref<8x5632xf32, #tpu.memory_space<vmem>>[vector<16xi32>, vector<16xi32>], vector<16xf32>,
          tpu.vector_store_idx %arg12[%broadcast_in_dim3A_922, %and3A_903], %gather3A_923 masked %and3A_909 : memref<8x4096xf32, #tpu.memory_space<vmem>>[vector<16xi32>, vector<16xi32>], vector<16xf32>, vector<16xi1>
          %broadcast_in_dim3A_924 = arith.constant 3 : i32
          %broadcast_in_dim3A_925 = vector.broadcast %broadcast_in_dim3A_924 : i32 to vector<16xi32>
          %gather3A_926 = tpu.vector_load_idx %arg9[%broadcast_in_dim3A_925, %min3A_916] : memref<8x5632xf32, #tpu.memory_space<vmem>>[vector<16xi32>, vector<16xi32>], vector<16xf32>,
          tpu.vector_store_idx %arg12[%broadcast_in_dim3A_925, %and3A_903], %gather3A_926 masked %and3A_909 : memref<8x4096xf32, #tpu.memory_space<vmem>>[vector<16xi32>, vector<16xi32>], vector<16xf32>, vector<16xi1>
          %broadcast_in_dim3A_927 = arith.constant 4 : i32
          %broadcast_in_dim3A_928 = vector.broadcast %broadcast_in_dim3A_927 : i32 to vector<16xi32>
          %gather3A_929 = tpu.vector_load_idx %arg9[%broadcast_in_dim3A_928, %min3A_916] : memref<8x5632xf32, #tpu.memory_space<vmem>>[vector<16xi32>, vector<16xi32>], vector<16xf32>,
          tpu.vector_store_idx %arg12[%broadcast_in_dim3A_928, %and3A_903], %gather3A_929 masked %and3A_909 : memref<8x4096xf32, #tpu.memory_space<vmem>>[vector<16xi32>, vector<16xi32>], vector<16xf32>, vector<16xi1>
          %broadcast_in_dim3A_930 = arith.constant 5 : i32
          %broadcast_in_dim3A_931 = vector.broadcast %broadcast_in_dim3A_930 : i32 to vector<16xi32>
          %gather3A_932 = tpu.vector_load_idx %arg9[%broadcast_in_dim3A_931, %min3A_916] : memref<8x5632xf32, #tpu.memory_space<vmem>>[vector<16xi32>, vector<16xi32>], vector<16xf32>,
          tpu.vector_store_idx %arg12[%broadcast_in_dim3A_931, %and3A_903], %gather3A_932 masked %and3A_909 : memref<8x4096xf32, #tpu.memory_space<vmem>>[vector<16xi32>, vector<16xi32>], vector<16xf32>, vector<16xi1>
          %broadcast_in_dim3A_933 = arith.constant 6 : i32
          %broadcast_in_dim3A_934 = vector.broadcast %broadcast_in_dim3A_933 : i32 to vector<16xi32>
          %gather3A_935 = tpu.vector_load_idx %arg9[%broadcast_in_dim3A_934, %min3A_916] : memref<8x5632xf32, #tpu.memory_space<vmem>>[vector<16xi32>, vector<16xi32>], vector<16xf32>,
          tpu.vector_store_idx %arg12[%broadcast_in_dim3A_934, %and3A_903], %gather3A_935 masked %and3A_909 : memref<8x4096xf32, #tpu.memory_space<vmem>>[vector<16xi32>, vector<16xi32>], vector<16xf32>, vector<16xi1>
          %broadcast_in_dim3A_936 = arith.constant 7 : i32
          %broadcast_in_dim3A_937 = vector.broadcast %broadcast_in_dim3A_936 : i32 to vector<16xi32>
          %gather3A_938 = tpu.vector_load_idx %arg9[%broadcast_in_dim3A_937, %min3A_916] : memref<8x5632xf32, #tpu.memory_space<vmem>>[vector<16xi32>, vector<16xi32>], vector<16xf32>,
          tpu.vector_store_idx %arg12[%broadcast_in_dim3A_937, %and3A_903], %gather3A_938 masked %and3A_909 : memref<8x4096xf32, #tpu.memory_space<vmem>>[vector<16xi32>, vector<16xi32>], vector<16xf32>, vector<16xi1>
          %while3A_939 = arith.constant 0 : i32
          scf.yield %while3A_939 : i32
        }
        %dma_start3A_791 = arith.constant 0 : i32
        %dma_start3A_792 = arith.constant 0 : i32
        %dma_start3A_793 = tpu.memref_slice %arg9[%dma_start3A_791, %dma_start3A_792] : memref<8x5632xf32, #tpu.memory_space<vmem>> -> memref<8x4224xf32, #tpu.memory_space<vmem>>
        %dma_start3A_794 = arith.constant 95744 : i32
        %dma_start3A_795 = tpu.memref_slice %arg6[%select_n3A, %multiple_of3A, %dma_start3A_794] : memref<26x32x100000xf32, #tpu.memory_space<hbm>> -> memref<1x8x4224xf32, #tpu.memory_space<hbm>>
        %dma_start3A_796 = tpu.memref_squeeze %dma_start3A_795 : memref<1x8x4224xf32, #tpu.memory_space<hbm>> -> memref<8x4224xf32, #tpu.memory_space<hbm>>
        %dma_start3A_797 = arith.constant 0 : i32
        %dma_start3A_798 = arith.constant 0 : i32
        %dma_start3A_799 = tpu.memref_slice %arg9[%dma_start3A_797, %dma_start3A_798] : memref<8x5632xf32, #tpu.memory_space<vmem>> -> memref<8x4224xf32, #tpu.memory_space<vmem>>
        %dma_start3A_800 = arith.constant 95744 : i32
        %dma_start3A_801 = tpu.memref_slice %arg6[%select_n3A, %multiple_of3A, %dma_start3A_800] : memref<26x32x100000xf32, #tpu.memory_space<hbm>> -> memref<1x8x4224xf32, #tpu.memory_space<hbm>>
        %dma_start3A_802 = tpu.memref_squeeze %dma_start3A_801 : memref<1x8x4224xf32, #tpu.memory_space<hbm>> -> memref<8x4224xf32, #tpu.memory_space<hbm>>
        tpu.enqueue_dma source(%dma_start3A_802 : memref<8x4224xf32, #tpu.memory_space<hbm>>) target(%dma_start3A_799 : memref<8x4224xf32, #tpu.memory_space<vmem>>) target_semaphore(%arg14 : memref<!tpu.dma_semaphore, #tpu.memory_space<semaphore_mem>>)
        %dma_wait3A_803 = arith.constant 0 : i32
        %dma_wait3A_804 = arith.constant 0 : i32
        %dma_wait3A_805 = tpu.memref_slice %arg8[%dma_wait3A_803, %dma_wait3A_804] : memref<8x5632xf32, #tpu.memory_space<vmem>> -> memref<8x5632xf32, #tpu.memory_space<vmem>>
        %dma_wait3A_806 = arith.constant 90112 : i32
        %dma_wait3A_807 = tpu.memref_slice %arg6[%select_n3A, %multiple_of3A, %dma_wait3A_806] : memref<26x32x100000xf32, #tpu.memory_space<hbm>> -> memref<1x8x5632xf32, #tpu.memory_space<hbm>>
        %dma_wait3A_808 = tpu.memref_squeeze %dma_wait3A_807 : memref<1x8x5632xf32, #tpu.memory_space<hbm>> -> memref<8x5632xf32, #tpu.memory_space<hbm>>
        %dma_wait3A_809 = arith.constant 0 : i32
        %dma_wait3A_810 = arith.constant 0 : i32
        %dma_wait3A_811 = tpu.memref_slice %arg8[%dma_wait3A_809, %dma_wait3A_810] : memref<8x5632xf32, #tpu.memory_space<vmem>> -> memref<8x5632xf32, #tpu.memory_space<vmem>>
        %dma_wait3A_812 = arith.constant 90112 : i32
        %dma_wait3A_813 = tpu.memref_slice %arg6[%select_n3A, %multiple_of3A, %dma_wait3A_812] : memref<26x32x100000xf32, #tpu.memory_space<hbm>> -> memref<1x8x5632xf32, #tpu.memory_space<hbm>>
        %dma_wait3A_814 = tpu.memref_squeeze %dma_wait3A_813 : memref<1x8x5632xf32, #tpu.memory_space<hbm>> -> memref<8x5632xf32, #tpu.memory_space<hbm>>
        tpu.wait_dma2 semaphore(%arg13 : memref<!tpu.dma_semaphore, #tpu.memory_space<semaphore_mem>>) src(%dma_wait3A_814 : memref<8x5632xf32, #tpu.memory_space<hbm>>) dst(%dma_wait3A_811 : memref<8x5632xf32, #tpu.memory_space<vmem>>)
        %slice3A_815 = vector.extract_strided_slice %get3A_64 {offsets = [0], sizes = [1], strides = [1]} : vector<16xi32> to vector<1xi32>
        %squeeze3A_816 = vector.extract %slice3A_815[0] : i32 from vector<1xi32>
        %shift_right_arithmetic3A_817 = arith.constant 4 : i32
        %shift_right_arithmetic3A_818 = arith.shrsi %squeeze3A_816, %shift_right_arithmetic3A_817 : i32
        %slice3A_819 = vector.extract_strided_slice %get3A_64 {offsets = [1], sizes = [1], strides = [1]} : vector<16xi32> to vector<1xi32>
        %squeeze3A_820 = vector.extract %slice3A_819[0] : i32 from vector<1xi32>
        %add3A_821 = arith.constant 15 : i32
        %add3A_822 = arith.addi %squeeze3A_820, %add3A_821 : i32
        %shift_right_arithmetic3A_823 = arith.constant 4 : i32
        %shift_right_arithmetic3A_824 = arith.shrsi %add3A_822, %shift_right_arithmetic3A_823 : i32
        %while3A_825 = arith.constant 0 : i32
        %while3A_826 = arith.subi %shift_right_arithmetic3A_824, %shift_right_arithmetic3A_818 : i32
        %while3A_827 = arith.addi %shift_right_arithmetic3A_818, %while3A_826 : i32
        %while3A_828 = arith.constant 1 : i32
        %while3A_829 = arith.divsi %while3A_826, %while3A_828 : i32
        %while3A_830 = arith.muli %while3A_829, %while3A_828 : i32
        %while3A_831 = arith.addi %shift_right_arithmetic3A_818, %while3A_830 : i32
        %while3A_832 = arith.constant 1 : i32
        %while3A_833 = scf.for %while3A_893 = %shift_right_arithmetic3A_818 to %while3A_831 step %while3A_832 iter_args(%while3A_894 = %while3A_825) -> (i32)  : i32 {
          %mul3A_895 = arith.constant 16 : i32
          %mul3A_896 = arith.muli %while3A_893, %mul3A_895 : i32
          %get3A_897 = arith.index_cast %mul3A_896 : i32 to index
          %get3A_898 = tpu.vector_load %arg10[%get3A_897] {strides = array<i32>} : memref<4096xi32, #tpu.memory_space<vmem>>, vector<16xi32>,
          %shift_right_logical3A = arith.constant 12 : i32
          %shift_right_logical3A_899 = vector.broadcast %shift_right_logical3A : i32 to vector<16xi32>
          %shift_right_logical3A_900 = arith.shrui %get3A_898, %shift_right_logical3A_899 : vector<16xi32>
          %and3A_901 = arith.constant 4095 : i32
          %and3A_902 = vector.broadcast %and3A_901 : i32 to vector<16xi32>
          %and3A_903 = arith.andi %get3A_898, %and3A_902 : vector<16xi32>
          %ge3A = arith.constant 90112 : i32
          %ge3A_904 = vector.broadcast %ge3A : i32 to vector<16xi32>
          %ge3A_905 = arith.cmpi sge, %shift_right_logical3A_900, %ge3A_904 : vector<16xi32>
          %lt3A_906 = arith.constant 95744 : i32
          %lt3A_907 = vector.broadcast %lt3A_906 : i32 to vector<16xi32>
          %lt3A_908 = arith.cmpi slt, %shift_right_logical3A_900, %lt3A_907 : vector<16xi32>
          %and3A_909 = arith.andi %ge3A_905, %lt3A_908 : vector<16xi1>
          %sub3A_910 = arith.constant 90112 : i32
          %sub3A_911 = vector.broadcast %sub3A_910 : i32 to vector<16xi32>
          %sub3A_912 = arith.subi %shift_right_logical3A_900, %sub3A_911 : vector<16xi32>
          %jit3A_913 = arith.constant 0 : i32
          %jit3A_914 = arith.constant 5631 : i32
          %max3A = vector.broadcast %jit3A_913 : i32 to vector<16xi32>
          %max3A_915 = arith.maxsi %max3A, %sub3A_912 : vector<16xi32>
          %min3A = vector.broadcast %jit3A_914 : i32 to vector<16xi32>
          %min3A_916 = arith.minsi %min3A, %max3A_915 : vector<16xi32>
          %broadcast_in_dim3A = arith.constant 0 : i32
          %broadcast_in_dim3A_917 = vector.broadcast %broadcast_in_dim3A : i32 to vector<16xi32>
          %gather3A = tpu.vector_load_idx %arg8[%broadcast_in_dim3A_917, %min3A_916] : memref<8x5632xf32, #tpu.memory_space<vmem>>[vector<16xi32>, vector<16xi32>], vector<16xf32>,
          tpu.vector_store_idx %arg12[%broadcast_in_dim3A_917, %and3A_903], %gather3A masked %and3A_909 : memref<8x4096xf32, #tpu.memory_space<vmem>>[vector<16xi32>, vector<16xi32>], vector<16xf32>, vector<16xi1>
          %broadcast_in_dim3A_918 = arith.constant 1 : i32
          %broadcast_in_dim3A_919 = vector.broadcast %broadcast_in_dim3A_918 : i32 to vector<16xi32>
          %gather3A_920 = tpu.vector_load_idx %arg8[%broadcast_in_dim3A_919, %min3A_916] : memref<8x5632xf32, #tpu.memory_space<vmem>>[vector<16xi32>, vector<16xi32>], vector<16xf32>,
          tpu.vector_store_idx %arg12[%broadcast_in_dim3A_919, %and3A_903], %gather3A_920 masked %and3A_909 : memref<8x4096xf32, #tpu.memory_space<vmem>>[vector<16xi32>, vector<16xi32>], vector<16xf32>, vector<16xi1>
          %broadcast_in_dim3A_921 = arith.constant 2 : i32
          %broadcast_in_dim3A_922 = vector.broadcast %broadcast_in_dim3A_921 : i32 to vector<16xi32>
          %gather3A_923 = tpu.vector_load_idx %arg8[%broadcast_in_dim3A_922, %min3A_916] : memref<8x5632xf32, #tpu.memory_space<vmem>>[vector<16xi32>, vector<16xi32>], vector<16xf32>,
          tpu.vector_store_idx %arg12[%broadcast_in_dim3A_922, %and3A_903], %gather3A_923 masked %and3A_909 : memref<8x4096xf32, #tpu.memory_space<vmem>>[vector<16xi32>, vector<16xi32>], vector<16xf32>, vector<16xi1>
          %broadcast_in_dim3A_924 = arith.constant 3 : i32
          %broadcast_in_dim3A_925 = vector.broadcast %broadcast_in_dim3A_924 : i32 to vector<16xi32>
          %gather3A_926 = tpu.vector_load_idx %arg8[%broadcast_in_dim3A_925, %min3A_916] : memref<8x5632xf32, #tpu.memory_space<vmem>>[vector<16xi32>, vector<16xi32>], vector<16xf32>,
          tpu.vector_store_idx %arg12[%broadcast_in_dim3A_925, %and3A_903], %gather3A_926 masked %and3A_909 : memref<8x4096xf32, #tpu.memory_space<vmem>>[vector<16xi32>, vector<16xi32>], vector<16xf32>, vector<16xi1>
          %broadcast_in_dim3A_927 = arith.constant 4 : i32
          %broadcast_in_dim3A_928 = vector.broadcast %broadcast_in_dim3A_927 : i32 to vector<16xi32>
          %gather3A_929 = tpu.vector_load_idx %arg8[%broadcast_in_dim3A_928, %min3A_916] : memref<8x5632xf32, #tpu.memory_space<vmem>>[vector<16xi32>, vector<16xi32>], vector<16xf32>,
          tpu.vector_store_idx %arg12[%broadcast_in_dim3A_928, %and3A_903], %gather3A_929 masked %and3A_909 : memref<8x4096xf32, #tpu.memory_space<vmem>>[vector<16xi32>, vector<16xi32>], vector<16xf32>, vector<16xi1>
          %broadcast_in_dim3A_930 = arith.constant 5 : i32
          %broadcast_in_dim3A_931 = vector.broadcast %broadcast_in_dim3A_930 : i32 to vector<16xi32>
          %gather3A_932 = tpu.vector_load_idx %arg8[%broadcast_in_dim3A_931, %min3A_916] : memref<8x5632xf32, #tpu.memory_space<vmem>>[vector<16xi32>, vector<16xi32>], vector<16xf32>,
          tpu.vector_store_idx %arg12[%broadcast_in_dim3A_931, %and3A_903], %gather3A_932 masked %and3A_909 : memref<8x4096xf32, #tpu.memory_space<vmem>>[vector<16xi32>, vector<16xi32>], vector<16xf32>, vector<16xi1>
          %broadcast_in_dim3A_933 = arith.constant 6 : i32
          %broadcast_in_dim3A_934 = vector.broadcast %broadcast_in_dim3A_933 : i32 to vector<16xi32>
          %gather3A_935 = tpu.vector_load_idx %arg8[%broadcast_in_dim3A_934, %min3A_916] : memref<8x5632xf32, #tpu.memory_space<vmem>>[vector<16xi32>, vector<16xi32>], vector<16xf32>,
          tpu.vector_store_idx %arg12[%broadcast_in_dim3A_934, %and3A_903], %gather3A_935 masked %and3A_909 : memref<8x4096xf32, #tpu.memory_space<vmem>>[vector<16xi32>, vector<16xi32>], vector<16xf32>, vector<16xi1>
          %broadcast_in_dim3A_936 = arith.constant 7 : i32
          %broadcast_in_dim3A_937 = vector.broadcast %broadcast_in_dim3A_936 : i32 to vector<16xi32>
          %gather3A_938 = tpu.vector_load_idx %arg8[%broadcast_in_dim3A_937, %min3A_916] : memref<8x5632xf32, #tpu.memory_space<vmem>>[vector<16xi32>, vector<16xi32>], vector<16xf32>,
          tpu.vector_store_idx %arg12[%broadcast_in_dim3A_937, %and3A_903], %gather3A_938 masked %and3A_909 : memref<8x4096xf32, #tpu.memory_space<vmem>>[vector<16xi32>, vector<16xi32>], vector<16xf32>, vector<16xi1>
          %while3A_939 = arith.constant 0 : i32
          scf.yield %while3A_939 : i32
        }
        %while3A_834 = arith.constant 1 : i32
        %while3A_835 = scf.for %while3A_893 = %while3A_831 to %while3A_827 step %while3A_834 iter_args(%while3A_894 = %while3A_833) -> (i32)  : i32 {
          %mul3A_895 = arith.constant 16 : i32
          %mul3A_896 = arith.muli %while3A_893, %mul3A_895 : i32
          %get3A_897 = arith.index_cast %mul3A_896 : i32 to index
          %get3A_898 = tpu.vector_load %arg10[%get3A_897] {strides = array<i32>} : memref<4096xi32, #tpu.memory_space<vmem>>, vector<16xi32>,
          %shift_right_logical3A = arith.constant 12 : i32
          %shift_right_logical3A_899 = vector.broadcast %shift_right_logical3A : i32 to vector<16xi32>
          %shift_right_logical3A_900 = arith.shrui %get3A_898, %shift_right_logical3A_899 : vector<16xi32>
          %and3A_901 = arith.constant 4095 : i32
          %and3A_902 = vector.broadcast %and3A_901 : i32 to vector<16xi32>
          %and3A_903 = arith.andi %get3A_898, %and3A_902 : vector<16xi32>
          %ge3A = arith.constant 90112 : i32
          %ge3A_904 = vector.broadcast %ge3A : i32 to vector<16xi32>
          %ge3A_905 = arith.cmpi sge, %shift_right_logical3A_900, %ge3A_904 : vector<16xi32>
          %lt3A_906 = arith.constant 95744 : i32
          %lt3A_907 = vector.broadcast %lt3A_906 : i32 to vector<16xi32>
          %lt3A_908 = arith.cmpi slt, %shift_right_logical3A_900, %lt3A_907 : vector<16xi32>
          %and3A_909 = arith.andi %ge3A_905, %lt3A_908 : vector<16xi1>
          %sub3A_910 = arith.constant 90112 : i32
          %sub3A_911 = vector.broadcast %sub3A_910 : i32 to vector<16xi32>
          %sub3A_912 = arith.subi %shift_right_logical3A_900, %sub3A_911 : vector<16xi32>
          %jit3A_913 = arith.constant 0 : i32
          %jit3A_914 = arith.constant 5631 : i32
          %max3A = vector.broadcast %jit3A_913 : i32 to vector<16xi32>
          %max3A_915 = arith.maxsi %max3A, %sub3A_912 : vector<16xi32>
          %min3A = vector.broadcast %jit3A_914 : i32 to vector<16xi32>
          %min3A_916 = arith.minsi %min3A, %max3A_915 : vector<16xi32>
          %broadcast_in_dim3A = arith.constant 0 : i32
          %broadcast_in_dim3A_917 = vector.broadcast %broadcast_in_dim3A : i32 to vector<16xi32>
          %gather3A = tpu.vector_load_idx %arg8[%broadcast_in_dim3A_917, %min3A_916] : memref<8x5632xf32, #tpu.memory_space<vmem>>[vector<16xi32>, vector<16xi32>], vector<16xf32>,
          tpu.vector_store_idx %arg12[%broadcast_in_dim3A_917, %and3A_903], %gather3A masked %and3A_909 : memref<8x4096xf32, #tpu.memory_space<vmem>>[vector<16xi32>, vector<16xi32>], vector<16xf32>, vector<16xi1>
          %broadcast_in_dim3A_918 = arith.constant 1 : i32
          %broadcast_in_dim3A_919 = vector.broadcast %broadcast_in_dim3A_918 : i32 to vector<16xi32>
          %gather3A_920 = tpu.vector_load_idx %arg8[%broadcast_in_dim3A_919, %min3A_916] : memref<8x5632xf32, #tpu.memory_space<vmem>>[vector<16xi32>, vector<16xi32>], vector<16xf32>,
          tpu.vector_store_idx %arg12[%broadcast_in_dim3A_919, %and3A_903], %gather3A_920 masked %and3A_909 : memref<8x4096xf32, #tpu.memory_space<vmem>>[vector<16xi32>, vector<16xi32>], vector<16xf32>, vector<16xi1>
          %broadcast_in_dim3A_921 = arith.constant 2 : i32
          %broadcast_in_dim3A_922 = vector.broadcast %broadcast_in_dim3A_921 : i32 to vector<16xi32>
          %gather3A_923 = tpu.vector_load_idx %arg8[%broadcast_in_dim3A_922, %min3A_916] : memref<8x5632xf32, #tpu.memory_space<vmem>>[vector<16xi32>, vector<16xi32>], vector<16xf32>,
          tpu.vector_store_idx %arg12[%broadcast_in_dim3A_922, %and3A_903], %gather3A_923 masked %and3A_909 : memref<8x4096xf32, #tpu.memory_space<vmem>>[vector<16xi32>, vector<16xi32>], vector<16xf32>, vector<16xi1>
          %broadcast_in_dim3A_924 = arith.constant 3 : i32
          %broadcast_in_dim3A_925 = vector.broadcast %broadcast_in_dim3A_924 : i32 to vector<16xi32>
          %gather3A_926 = tpu.vector_load_idx %arg8[%broadcast_in_dim3A_925, %min3A_916] : memref<8x5632xf32, #tpu.memory_space<vmem>>[vector<16xi32>, vector<16xi32>], vector<16xf32>,
          tpu.vector_store_idx %arg12[%broadcast_in_dim3A_925, %and3A_903], %gather3A_926 masked %and3A_909 : memref<8x4096xf32, #tpu.memory_space<vmem>>[vector<16xi32>, vector<16xi32>], vector<16xf32>, vector<16xi1>
          %broadcast_in_dim3A_927 = arith.constant 4 : i32
          %broadcast_in_dim3A_928 = vector.broadcast %broadcast_in_dim3A_927 : i32 to vector<16xi32>
          %gather3A_929 = tpu.vector_load_idx %arg8[%broadcast_in_dim3A_928, %min3A_916] : memref<8x5632xf32, #tpu.memory_space<vmem>>[vector<16xi32>, vector<16xi32>], vector<16xf32>,
          tpu.vector_store_idx %arg12[%broadcast_in_dim3A_928, %and3A_903], %gather3A_929 masked %and3A_909 : memref<8x4096xf32, #tpu.memory_space<vmem>>[vector<16xi32>, vector<16xi32>], vector<16xf32>, vector<16xi1>
          %broadcast_in_dim3A_930 = arith.constant 5 : i32
          %broadcast_in_dim3A_931 = vector.broadcast %broadcast_in_dim3A_930 : i32 to vector<16xi32>
          %gather3A_932 = tpu.vector_load_idx %arg8[%broadcast_in_dim3A_931, %min3A_916] : memref<8x5632xf32, #tpu.memory_space<vmem>>[vector<16xi32>, vector<16xi32>], vector<16xf32>,
          tpu.vector_store_idx %arg12[%broadcast_in_dim3A_931, %and3A_903], %gather3A_932 masked %and3A_909 : memref<8x4096xf32, #tpu.memory_space<vmem>>[vector<16xi32>, vector<16xi32>], vector<16xf32>, vector<16xi1>
          %broadcast_in_dim3A_933 = arith.constant 6 : i32
          %broadcast_in_dim3A_934 = vector.broadcast %broadcast_in_dim3A_933 : i32 to vector<16xi32>
          %gather3A_935 = tpu.vector_load_idx %arg8[%broadcast_in_dim3A_934, %min3A_916] : memref<8x5632xf32, #tpu.memory_space<vmem>>[vector<16xi32>, vector<16xi32>], vector<16xf32>,
          tpu.vector_store_idx %arg12[%broadcast_in_dim3A_934, %and3A_903], %gather3A_935 masked %and3A_909 : memref<8x4096xf32, #tpu.memory_space<vmem>>[vector<16xi32>, vector<16xi32>], vector<16xf32>, vector<16xi1>
          %broadcast_in_dim3A_936 = arith.constant 7 : i32
          %broadcast_in_dim3A_937 = vector.broadcast %broadcast_in_dim3A_936 : i32 to vector<16xi32>
          %gather3A_938 = tpu.vector_load_idx %arg8[%broadcast_in_dim3A_937, %min3A_916] : memref<8x5632xf32, #tpu.memory_space<vmem>>[vector<16xi32>, vector<16xi32>], vector<16xf32>,
          tpu.vector_store_idx %arg12[%broadcast_in_dim3A_937, %and3A_903], %gather3A_938 masked %and3A_909 : memref<8x4096xf32, #tpu.memory_space<vmem>>[vector<16xi32>, vector<16xi32>], vector<16xf32>, vector<16xi1>
          %while3A_939 = arith.constant 0 : i32
          scf.yield %while3A_939 : i32
        }
        %dma_wait3A_836 = arith.constant 0 : i32
        %dma_wait3A_837 = arith.constant 0 : i32
        %dma_wait3A_838 = tpu.memref_slice %arg9[%dma_wait3A_836, %dma_wait3A_837] : memref<8x5632xf32, #tpu.memory_space<vmem>> -> memref<8x4224xf32, #tpu.memory_space<vmem>>
        %dma_wait3A_839 = arith.constant 95744 : i32
        %dma_wait3A_840 = tpu.memref_slice %arg6[%select_n3A, %multiple_of3A, %dma_wait3A_839] : memref<26x32x100000xf32, #tpu.memory_space<hbm>> -> memref<1x8x4224xf32, #tpu.memory_space<hbm>>
        %dma_wait3A_841 = tpu.memref_squeeze %dma_wait3A_840 : memref<1x8x4224xf32, #tpu.memory_space<hbm>> -> memref<8x4224xf32, #tpu.memory_space<hbm>>
        %dma_wait3A_842 = arith.constant 0 : i32
        %dma_wait3A_843 = arith.constant 0 : i32
        %dma_wait3A_844 = tpu.memref_slice %arg9[%dma_wait3A_842, %dma_wait3A_843] : memref<8x5632xf32, #tpu.memory_space<vmem>> -> memref<8x4224xf32, #tpu.memory_space<vmem>>
        %dma_wait3A_845 = arith.constant 95744 : i32
        %dma_wait3A_846 = tpu.memref_slice %arg6[%select_n3A, %multiple_of3A, %dma_wait3A_845] : memref<26x32x100000xf32, #tpu.memory_space<hbm>> -> memref<1x8x4224xf32, #tpu.memory_space<hbm>>
        %dma_wait3A_847 = tpu.memref_squeeze %dma_wait3A_846 : memref<1x8x4224xf32, #tpu.memory_space<hbm>> -> memref<8x4224xf32, #tpu.memory_space<hbm>>
        tpu.wait_dma2 semaphore(%arg14 : memref<!tpu.dma_semaphore, #tpu.memory_space<semaphore_mem>>) src(%dma_wait3A_847 : memref<8x4224xf32, #tpu.memory_space<hbm>>) dst(%dma_wait3A_844 : memref<8x4224xf32, #tpu.memory_space<vmem>>)
        %slice3A_848 = vector.extract_strided_slice %get3A_64 {offsets = [1], sizes = [1], strides = [1]} : vector<16xi32> to vector<1xi32>
        %squeeze3A_849 = vector.extract %slice3A_848[0] : i32 from vector<1xi32>
        %shift_right_arithmetic3A_850 = arith.constant 4 : i32
        %shift_right_arithmetic3A_851 = arith.shrsi %squeeze3A_849, %shift_right_arithmetic3A_850 : i32
        %slice3A_852 = vector.extract_strided_slice %get3A_64 {offsets = [2], sizes = [1], strides = [1]} : vector<16xi32> to vector<1xi32>
        %squeeze3A_853 = vector.extract %slice3A_852[0] : i32 from vector<1xi32>
        %add3A_854 = arith.constant 15 : i32
        %add3A_855 = arith.addi %squeeze3A_853, %add3A_854 : i32
        %shift_right_arithmetic3A_856 = arith.constant 4 : i32
        %shift_right_arithmetic3A_857 = arith.shrsi %add3A_855, %shift_right_arithmetic3A_856 : i32
        %while3A_858 = arith.constant 0 : i32
        %while3A_859 = arith.subi %shift_right_arithmetic3A_857, %shift_right_arithmetic3A_851 : i32
        %while3A_860 = arith.addi %shift_right_arithmetic3A_851, %while3A_859 : i32
        %while3A_861 = arith.constant 1 : i32
        %while3A_862 = arith.divsi %while3A_859, %while3A_861 : i32
        %while3A_863 = arith.muli %while3A_862, %while3A_861 : i32
        %while3A_864 = arith.addi %shift_right_arithmetic3A_851, %while3A_863 : i32
        %while3A_865 = arith.constant 1 : i32
        %while3A_866 = scf.for %while3A_893 = %shift_right_arithmetic3A_851 to %while3A_864 step %while3A_865 iter_args(%while3A_894 = %while3A_858) -> (i32)  : i32 {
          %mul3A_895 = arith.constant 16 : i32
          %mul3A_896 = arith.muli %while3A_893, %mul3A_895 : i32
          %get3A_897 = arith.index_cast %mul3A_896 : i32 to index
          %get3A_898 = tpu.vector_load %arg10[%get3A_897] {strides = array<i32>} : memref<4096xi32, #tpu.memory_space<vmem>>, vector<16xi32>,
          %shift_right_logical3A = arith.constant 12 : i32
          %shift_right_logical3A_899 = vector.broadcast %shift_right_logical3A : i32 to vector<16xi32>
          %shift_right_logical3A_900 = arith.shrui %get3A_898, %shift_right_logical3A_899 : vector<16xi32>
          %and3A_901 = arith.constant 4095 : i32
          %and3A_902 = vector.broadcast %and3A_901 : i32 to vector<16xi32>
          %and3A_903 = arith.andi %get3A_898, %and3A_902 : vector<16xi32>
          %ge3A = arith.constant 95744 : i32
          %ge3A_904 = vector.broadcast %ge3A : i32 to vector<16xi32>
          %ge3A_905 = arith.cmpi sge, %shift_right_logical3A_900, %ge3A_904 : vector<16xi32>
          %lt3A_906 = arith.constant 99968 : i32
          %lt3A_907 = vector.broadcast %lt3A_906 : i32 to vector<16xi32>
          %lt3A_908 = arith.cmpi slt, %shift_right_logical3A_900, %lt3A_907 : vector<16xi32>
          %and3A_909 = arith.andi %ge3A_905, %lt3A_908 : vector<16xi1>
          %sub3A_910 = arith.constant 95744 : i32
          %sub3A_911 = vector.broadcast %sub3A_910 : i32 to vector<16xi32>
          %sub3A_912 = arith.subi %shift_right_logical3A_900, %sub3A_911 : vector<16xi32>
          %jit3A_913 = arith.constant 0 : i32
          %jit3A_914 = arith.constant 4223 : i32
          %max3A = vector.broadcast %jit3A_913 : i32 to vector<16xi32>
          %max3A_915 = arith.maxsi %max3A, %sub3A_912 : vector<16xi32>
          %min3A = vector.broadcast %jit3A_914 : i32 to vector<16xi32>
          %min3A_916 = arith.minsi %min3A, %max3A_915 : vector<16xi32>
          %broadcast_in_dim3A = arith.constant 0 : i32
          %broadcast_in_dim3A_917 = vector.broadcast %broadcast_in_dim3A : i32 to vector<16xi32>
          %gather3A = tpu.vector_load_idx %arg9[%broadcast_in_dim3A_917, %min3A_916] : memref<8x5632xf32, #tpu.memory_space<vmem>>[vector<16xi32>, vector<16xi32>], vector<16xf32>,
          tpu.vector_store_idx %arg12[%broadcast_in_dim3A_917, %and3A_903], %gather3A masked %and3A_909 : memref<8x4096xf32, #tpu.memory_space<vmem>>[vector<16xi32>, vector<16xi32>], vector<16xf32>, vector<16xi1>
          %broadcast_in_dim3A_918 = arith.constant 1 : i32
          %broadcast_in_dim3A_919 = vector.broadcast %broadcast_in_dim3A_918 : i32 to vector<16xi32>
          %gather3A_920 = tpu.vector_load_idx %arg9[%broadcast_in_dim3A_919, %min3A_916] : memref<8x5632xf32, #tpu.memory_space<vmem>>[vector<16xi32>, vector<16xi32>], vector<16xf32>,
          tpu.vector_store_idx %arg12[%broadcast_in_dim3A_919, %and3A_903], %gather3A_920 masked %and3A_909 : memref<8x4096xf32, #tpu.memory_space<vmem>>[vector<16xi32>, vector<16xi32>], vector<16xf32>, vector<16xi1>
          %broadcast_in_dim3A_921 = arith.constant 2 : i32
          %broadcast_in_dim3A_922 = vector.broadcast %broadcast_in_dim3A_921 : i32 to vector<16xi32>
          %gather3A_923 = tpu.vector_load_idx %arg9[%broadcast_in_dim3A_922, %min3A_916] : memref<8x5632xf32, #tpu.memory_space<vmem>>[vector<16xi32>, vector<16xi32>], vector<16xf32>,
          tpu.vector_store_idx %arg12[%broadcast_in_dim3A_922, %and3A_903], %gather3A_923 masked %and3A_909 : memref<8x4096xf32, #tpu.memory_space<vmem>>[vector<16xi32>, vector<16xi32>], vector<16xf32>, vector<16xi1>
          %broadcast_in_dim3A_924 = arith.constant 3 : i32
          %broadcast_in_dim3A_925 = vector.broadcast %broadcast_in_dim3A_924 : i32 to vector<16xi32>
          %gather3A_926 = tpu.vector_load_idx %arg9[%broadcast_in_dim3A_925, %min3A_916] : memref<8x5632xf32, #tpu.memory_space<vmem>>[vector<16xi32>, vector<16xi32>], vector<16xf32>,
          tpu.vector_store_idx %arg12[%broadcast_in_dim3A_925, %and3A_903], %gather3A_926 masked %and3A_909 : memref<8x4096xf32, #tpu.memory_space<vmem>>[vector<16xi32>, vector<16xi32>], vector<16xf32>, vector<16xi1>
          %broadcast_in_dim3A_927 = arith.constant 4 : i32
          %broadcast_in_dim3A_928 = vector.broadcast %broadcast_in_dim3A_927 : i32 to vector<16xi32>
          %gather3A_929 = tpu.vector_load_idx %arg9[%broadcast_in_dim3A_928, %min3A_916] : memref<8x5632xf32, #tpu.memory_space<vmem>>[vector<16xi32>, vector<16xi32>], vector<16xf32>,
          tpu.vector_store_idx %arg12[%broadcast_in_dim3A_928, %and3A_903], %gather3A_929 masked %and3A_909 : memref<8x4096xf32, #tpu.memory_space<vmem>>[vector<16xi32>, vector<16xi32>], vector<16xf32>, vector<16xi1>
          %broadcast_in_dim3A_930 = arith.constant 5 : i32
          %broadcast_in_dim3A_931 = vector.broadcast %broadcast_in_dim3A_930 : i32 to vector<16xi32>
          %gather3A_932 = tpu.vector_load_idx %arg9[%broadcast_in_dim3A_931, %min3A_916] : memref<8x5632xf32, #tpu.memory_space<vmem>>[vector<16xi32>, vector<16xi32>], vector<16xf32>,
          tpu.vector_store_idx %arg12[%broadcast_in_dim3A_931, %and3A_903], %gather3A_932 masked %and3A_909 : memref<8x4096xf32, #tpu.memory_space<vmem>>[vector<16xi32>, vector<16xi32>], vector<16xf32>, vector<16xi1>
          %broadcast_in_dim3A_933 = arith.constant 6 : i32
          %broadcast_in_dim3A_934 = vector.broadcast %broadcast_in_dim3A_933 : i32 to vector<16xi32>
          %gather3A_935 = tpu.vector_load_idx %arg9[%broadcast_in_dim3A_934, %min3A_916] : memref<8x5632xf32, #tpu.memory_space<vmem>>[vector<16xi32>, vector<16xi32>], vector<16xf32>,
          tpu.vector_store_idx %arg12[%broadcast_in_dim3A_934, %and3A_903], %gather3A_935 masked %and3A_909 : memref<8x4096xf32, #tpu.memory_space<vmem>>[vector<16xi32>, vector<16xi32>], vector<16xf32>, vector<16xi1>
          %broadcast_in_dim3A_936 = arith.constant 7 : i32
          %broadcast_in_dim3A_937 = vector.broadcast %broadcast_in_dim3A_936 : i32 to vector<16xi32>
          %gather3A_938 = tpu.vector_load_idx %arg9[%broadcast_in_dim3A_937, %min3A_916] : memref<8x5632xf32, #tpu.memory_space<vmem>>[vector<16xi32>, vector<16xi32>], vector<16xf32>,
          tpu.vector_store_idx %arg12[%broadcast_in_dim3A_937, %and3A_903], %gather3A_938 masked %and3A_909 : memref<8x4096xf32, #tpu.memory_space<vmem>>[vector<16xi32>, vector<16xi32>], vector<16xf32>, vector<16xi1>
          %while3A_939 = arith.constant 0 : i32
          scf.yield %while3A_939 : i32
        }
        %while3A_867 = arith.constant 1 : i32
        %while3A_868 = scf.for %while3A_893 = %while3A_864 to %while3A_860 step %while3A_867 iter_args(%while3A_894 = %while3A_866) -> (i32)  : i32 {
          %mul3A_895 = arith.constant 16 : i32
          %mul3A_896 = arith.muli %while3A_893, %mul3A_895 : i32
          %get3A_897 = arith.index_cast %mul3A_896 : i32 to index
          %get3A_898 = tpu.vector_load %arg10[%get3A_897] {strides = array<i32>} : memref<4096xi32, #tpu.memory_space<vmem>>, vector<16xi32>,
          %shift_right_logical3A = arith.constant 12 : i32
          %shift_right_logical3A_899 = vector.broadcast %shift_right_logical3A : i32 to vector<16xi32>
          %shift_right_logical3A_900 = arith.shrui %get3A_898, %shift_right_logical3A_899 : vector<16xi32>
          %and3A_901 = arith.constant 4095 : i32
          %and3A_902 = vector.broadcast %and3A_901 : i32 to vector<16xi32>
          %and3A_903 = arith.andi %get3A_898, %and3A_902 : vector<16xi32>
          %ge3A = arith.constant 95744 : i32
          %ge3A_904 = vector.broadcast %ge3A : i32 to vector<16xi32>
          %ge3A_905 = arith.cmpi sge, %shift_right_logical3A_900, %ge3A_904 : vector<16xi32>
          %lt3A_906 = arith.constant 99968 : i32
          %lt3A_907 = vector.broadcast %lt3A_906 : i32 to vector<16xi32>
          %lt3A_908 = arith.cmpi slt, %shift_right_logical3A_900, %lt3A_907 : vector<16xi32>
          %and3A_909 = arith.andi %ge3A_905, %lt3A_908 : vector<16xi1>
          %sub3A_910 = arith.constant 95744 : i32
          %sub3A_911 = vector.broadcast %sub3A_910 : i32 to vector<16xi32>
          %sub3A_912 = arith.subi %shift_right_logical3A_900, %sub3A_911 : vector<16xi32>
          %jit3A_913 = arith.constant 0 : i32
          %jit3A_914 = arith.constant 4223 : i32
          %max3A = vector.broadcast %jit3A_913 : i32 to vector<16xi32>
          %max3A_915 = arith.maxsi %max3A, %sub3A_912 : vector<16xi32>
          %min3A = vector.broadcast %jit3A_914 : i32 to vector<16xi32>
          %min3A_916 = arith.minsi %min3A, %max3A_915 : vector<16xi32>
          %broadcast_in_dim3A = arith.constant 0 : i32
          %broadcast_in_dim3A_917 = vector.broadcast %broadcast_in_dim3A : i32 to vector<16xi32>
          %gather3A = tpu.vector_load_idx %arg9[%broadcast_in_dim3A_917, %min3A_916] : memref<8x5632xf32, #tpu.memory_space<vmem>>[vector<16xi32>, vector<16xi32>], vector<16xf32>,
          tpu.vector_store_idx %arg12[%broadcast_in_dim3A_917, %and3A_903], %gather3A masked %and3A_909 : memref<8x4096xf32, #tpu.memory_space<vmem>>[vector<16xi32>, vector<16xi32>], vector<16xf32>, vector<16xi1>
          %broadcast_in_dim3A_918 = arith.constant 1 : i32
          %broadcast_in_dim3A_919 = vector.broadcast %broadcast_in_dim3A_918 : i32 to vector<16xi32>
          %gather3A_920 = tpu.vector_load_idx %arg9[%broadcast_in_dim3A_919, %min3A_916] : memref<8x5632xf32, #tpu.memory_space<vmem>>[vector<16xi32>, vector<16xi32>], vector<16xf32>,
          tpu.vector_store_idx %arg12[%broadcast_in_dim3A_919, %and3A_903], %gather3A_920 masked %and3A_909 : memref<8x4096xf32, #tpu.memory_space<vmem>>[vector<16xi32>, vector<16xi32>], vector<16xf32>, vector<16xi1>
          %broadcast_in_dim3A_921 = arith.constant 2 : i32
          %broadcast_in_dim3A_922 = vector.broadcast %broadcast_in_dim3A_921 : i32 to vector<16xi32>
          %gather3A_923 = tpu.vector_load_idx %arg9[%broadcast_in_dim3A_922, %min3A_916] : memref<8x5632xf32, #tpu.memory_space<vmem>>[vector<16xi32>, vector<16xi32>], vector<16xf32>,
          tpu.vector_store_idx %arg12[%broadcast_in_dim3A_922, %and3A_903], %gather3A_923 masked %and3A_909 : memref<8x4096xf32, #tpu.memory_space<vmem>>[vector<16xi32>, vector<16xi32>], vector<16xf32>, vector<16xi1>
          %broadcast_in_dim3A_924 = arith.constant 3 : i32
          %broadcast_in_dim3A_925 = vector.broadcast %broadcast_in_dim3A_924 : i32 to vector<16xi32>
          %gather3A_926 = tpu.vector_load_idx %arg9[%broadcast_in_dim3A_925, %min3A_916] : memref<8x5632xf32, #tpu.memory_space<vmem>>[vector<16xi32>, vector<16xi32>], vector<16xf32>,
          tpu.vector_store_idx %arg12[%broadcast_in_dim3A_925, %and3A_903], %gather3A_926 masked %and3A_909 : memref<8x4096xf32, #tpu.memory_space<vmem>>[vector<16xi32>, vector<16xi32>], vector<16xf32>, vector<16xi1>
          %broadcast_in_dim3A_927 = arith.constant 4 : i32
          %broadcast_in_dim3A_928 = vector.broadcast %broadcast_in_dim3A_927 : i32 to vector<16xi32>
          %gather3A_929 = tpu.vector_load_idx %arg9[%broadcast_in_dim3A_928, %min3A_916] : memref<8x5632xf32, #tpu.memory_space<vmem>>[vector<16xi32>, vector<16xi32>], vector<16xf32>,
          tpu.vector_store_idx %arg12[%broadcast_in_dim3A_928, %and3A_903], %gather3A_929 masked %and3A_909 : memref<8x4096xf32, #tpu.memory_space<vmem>>[vector<16xi32>, vector<16xi32>], vector<16xf32>, vector<16xi1>
          %broadcast_in_dim3A_930 = arith.constant 5 : i32
          %broadcast_in_dim3A_931 = vector.broadcast %broadcast_in_dim3A_930 : i32 to vector<16xi32>
          %gather3A_932 = tpu.vector_load_idx %arg9[%broadcast_in_dim3A_931, %min3A_916] : memref<8x5632xf32, #tpu.memory_space<vmem>>[vector<16xi32>, vector<16xi32>], vector<16xf32>,
          tpu.vector_store_idx %arg12[%broadcast_in_dim3A_931, %and3A_903], %gather3A_932 masked %and3A_909 : memref<8x4096xf32, #tpu.memory_space<vmem>>[vector<16xi32>, vector<16xi32>], vector<16xf32>, vector<16xi1>
          %broadcast_in_dim3A_933 = arith.constant 6 : i32
          %broadcast_in_dim3A_934 = vector.broadcast %broadcast_in_dim3A_933 : i32 to vector<16xi32>
          %gather3A_935 = tpu.vector_load_idx %arg9[%broadcast_in_dim3A_934, %min3A_916] : memref<8x5632xf32, #tpu.memory_space<vmem>>[vector<16xi32>, vector<16xi32>], vector<16xf32>,
          tpu.vector_store_idx %arg12[%broadcast_in_dim3A_934, %and3A_903], %gather3A_935 masked %and3A_909 : memref<8x4096xf32, #tpu.memory_space<vmem>>[vector<16xi32>, vector<16xi32>], vector<16xf32>, vector<16xi1>
          %broadcast_in_dim3A_936 = arith.constant 7 : i32
          %broadcast_in_dim3A_937 = vector.broadcast %broadcast_in_dim3A_936 : i32 to vector<16xi32>
          %gather3A_938 = tpu.vector_load_idx %arg9[%broadcast_in_dim3A_937, %min3A_916] : memref<8x5632xf32, #tpu.memory_space<vmem>>[vector<16xi32>, vector<16xi32>], vector<16xf32>,
          tpu.vector_store_idx %arg12[%broadcast_in_dim3A_937, %and3A_903], %gather3A_938 masked %and3A_909 : memref<8x4096xf32, #tpu.memory_space<vmem>>[vector<16xi32>, vector<16xi32>], vector<16xf32>, vector<16xi1>
          %while3A_939 = arith.constant 0 : i32
          scf.yield %while3A_939 : i32
        }
        "tpu.region"() ({
          %run_scoped3A = tpu.sem_alloc : memref<!tpu.dma_semaphore, #tpu.memory_space<semaphore_mem>>
          %dma_start3A_893 = arith.constant 0 : i32
          %dma_start3A_894 = arith.constant 0 : i32
          %dma_start3A_895 = tpu.memref_slice %arg8[%dma_start3A_893, %dma_start3A_894] : memref<8x5632xf32, #tpu.memory_space<vmem>> -> memref<8x128xf32, #tpu.memory_space<vmem>>
          %dma_start3A_896 = arith.constant 0 : i32
          %dma_start3A_897 = tpu.memref_slice %arg5[%select_n3A, %multiple_of3A, %dma_start3A_896] : memref<26x32x128xf32, #tpu.memory_space<hbm>> -> memref<1x8x128xf32, #tpu.memory_space<hbm>>
          %dma_start3A_898 = tpu.memref_squeeze %dma_start3A_897 : memref<1x8x128xf32, #tpu.memory_space<hbm>> -> memref<8x128xf32, #tpu.memory_space<hbm>>
          %dma_start3A_899 = arith.constant 0 : i32
          %dma_start3A_900 = arith.constant 0 : i32
          %dma_start3A_901 = tpu.memref_slice %arg8[%dma_start3A_899, %dma_start3A_900] : memref<8x5632xf32, #tpu.memory_space<vmem>> -> memref<8x128xf32, #tpu.memory_space<vmem>>
          %dma_start3A_902 = arith.constant 0 : i32
          %dma_start3A_903 = tpu.memref_slice %arg5[%select_n3A, %multiple_of3A, %dma_start3A_902] : memref<26x32x128xf32, #tpu.memory_space<hbm>> -> memref<1x8x128xf32, #tpu.memory_space<hbm>>
          %dma_start3A_904 = tpu.memref_squeeze %dma_start3A_903 : memref<1x8x128xf32, #tpu.memory_space<hbm>> -> memref<8x128xf32, #tpu.memory_space<hbm>>
          tpu.enqueue_dma source(%dma_start3A_904 : memref<8x128xf32, #tpu.memory_space<hbm>>) target(%dma_start3A_901 : memref<8x128xf32, #tpu.memory_space<vmem>>) target_semaphore(%run_scoped3A : memref<!tpu.dma_semaphore, #tpu.memory_space<semaphore_mem>>)
          %dma_wait3A_905 = arith.constant 0 : i32
          %dma_wait3A_906 = arith.constant 0 : i32
          %dma_wait3A_907 = tpu.memref_slice %arg8[%dma_wait3A_905, %dma_wait3A_906] : memref<8x5632xf32, #tpu.memory_space<vmem>> -> memref<8x128xf32, #tpu.memory_space<vmem>>
          %dma_wait3A_908 = arith.constant 0 : i32
          %dma_wait3A_909 = tpu.memref_slice %arg5[%select_n3A, %multiple_of3A, %dma_wait3A_908] : memref<26x32x128xf32, #tpu.memory_space<hbm>> -> memref<1x8x128xf32, #tpu.memory_space<hbm>>
          %dma_wait3A_910 = tpu.memref_squeeze %dma_wait3A_909 : memref<1x8x128xf32, #tpu.memory_space<hbm>> -> memref<8x128xf32, #tpu.memory_space<hbm>>
          %dma_wait3A_911 = arith.constant 0 : i32
          %dma_wait3A_912 = arith.constant 0 : i32
          %dma_wait3A_913 = tpu.memref_slice %arg8[%dma_wait3A_911, %dma_wait3A_912] : memref<8x5632xf32, #tpu.memory_space<vmem>> -> memref<8x128xf32, #tpu.memory_space<vmem>>
          %dma_wait3A_914 = arith.constant 0 : i32
          %dma_wait3A_915 = tpu.memref_slice %arg5[%select_n3A, %multiple_of3A, %dma_wait3A_914] : memref<26x32x128xf32, #tpu.memory_space<hbm>> -> memref<1x8x128xf32, #tpu.memory_space<hbm>>
          %dma_wait3A_916 = tpu.memref_squeeze %dma_wait3A_915 : memref<1x8x128xf32, #tpu.memory_space<hbm>> -> memref<8x128xf32, #tpu.memory_space<hbm>>
          tpu.wait_dma2 semaphore(%run_scoped3A : memref<!tpu.dma_semaphore, #tpu.memory_space<semaphore_mem>>) src(%dma_wait3A_916 : memref<8x128xf32, #tpu.memory_space<hbm>>) dst(%dma_wait3A_913 : memref<8x128xf32, #tpu.memory_space<vmem>>)
          tpu.yield
        }) : () -> ()
        %slice3A_869 = vector.extract_strided_slice %get3A_64 {offsets = [2], sizes = [1], strides = [1]} : vector<16xi32> to vector<1xi32>
        %squeeze3A_870 = vector.extract %slice3A_869[0] : i32 from vector<1xi32>
        %shift_right_arithmetic3A_871 = arith.constant 4 : i32
        %shift_right_arithmetic3A_872 = arith.shrsi %squeeze3A_870, %shift_right_arithmetic3A_871 : i32
        %slice3A_873 = vector.extract_strided_slice %get3A_64 {offsets = [3], sizes = [1], strides = [1]} : vector<16xi32> to vector<1xi32>
        %squeeze3A_874 = vector.extract %slice3A_873[0] : i32 from vector<1xi32>
        %add3A_875 = arith.constant 15 : i32
        %add3A_876 = arith.addi %squeeze3A_874, %add3A_875 : i32
        %shift_right_arithmetic3A_877 = arith.constant 4 : i32
        %shift_right_arithmetic3A_878 = arith.shrsi %add3A_876, %shift_right_arithmetic3A_877 : i32
        %while3A_879 = arith.constant 0 : i32
        %while3A_880 = arith.subi %shift_right_arithmetic3A_878, %shift_right_arithmetic3A_872 : i32
        %while3A_881 = arith.addi %shift_right_arithmetic3A_872, %while3A_880 : i32
        %while3A_882 = arith.constant 1 : i32
        %while3A_883 = arith.divsi %while3A_880, %while3A_882 : i32
        %while3A_884 = arith.muli %while3A_883, %while3A_882 : i32
        %while3A_885 = arith.addi %shift_right_arithmetic3A_872, %while3A_884 : i32
        %while3A_886 = arith.constant 1 : i32
        %while3A_887 = scf.for %while3A_893 = %shift_right_arithmetic3A_872 to %while3A_885 step %while3A_886 iter_args(%while3A_894 = %while3A_879) -> (i32)  : i32 {
          %mul3A_895 = arith.constant 16 : i32
          %mul3A_896 = arith.muli %while3A_893, %mul3A_895 : i32
          %get3A_897 = arith.index_cast %mul3A_896 : i32 to index
          %get3A_898 = tpu.vector_load %arg10[%get3A_897] {strides = array<i32>} : memref<4096xi32, #tpu.memory_space<vmem>>, vector<16xi32>,
          %shift_right_logical3A = arith.constant 12 : i32
          %shift_right_logical3A_899 = vector.broadcast %shift_right_logical3A : i32 to vector<16xi32>
          %shift_right_logical3A_900 = arith.shrui %get3A_898, %shift_right_logical3A_899 : vector<16xi32>
          %and3A_901 = arith.constant 4095 : i32
          %and3A_902 = vector.broadcast %and3A_901 : i32 to vector<16xi32>
          %and3A_903 = arith.andi %get3A_898, %and3A_902 : vector<16xi32>
          %ge3A = arith.constant 99968 : i32
          %ge3A_904 = vector.broadcast %ge3A : i32 to vector<16xi32>
          %ge3A_905 = arith.cmpi sge, %shift_right_logical3A_900, %ge3A_904 : vector<16xi32>
          %lt3A_906 = arith.constant 100000 : i32
          %lt3A_907 = vector.broadcast %lt3A_906 : i32 to vector<16xi32>
          %lt3A_908 = arith.cmpi slt, %shift_right_logical3A_900, %lt3A_907 : vector<16xi32>
          %and3A_909 = arith.andi %ge3A_905, %lt3A_908 : vector<16xi1>
          %sub3A_910 = arith.constant 99968 : i32
          %sub3A_911 = vector.broadcast %sub3A_910 : i32 to vector<16xi32>
          %sub3A_912 = arith.subi %shift_right_logical3A_900, %sub3A_911 : vector<16xi32>
          %jit3A_913 = arith.constant 0 : i32
          %jit3A_914 = arith.constant 127 : i32
          %max3A = vector.broadcast %jit3A_913 : i32 to vector<16xi32>
          %max3A_915 = arith.maxsi %max3A, %sub3A_912 : vector<16xi32>
          %min3A = vector.broadcast %jit3A_914 : i32 to vector<16xi32>
          %min3A_916 = arith.minsi %min3A, %max3A_915 : vector<16xi32>
          %broadcast_in_dim3A = arith.constant 0 : i32
          %broadcast_in_dim3A_917 = vector.broadcast %broadcast_in_dim3A : i32 to vector<16xi32>
          %gather3A = tpu.vector_load_idx %arg8[%broadcast_in_dim3A_917, %min3A_916] : memref<8x5632xf32, #tpu.memory_space<vmem>>[vector<16xi32>, vector<16xi32>], vector<16xf32>,
          tpu.vector_store_idx %arg12[%broadcast_in_dim3A_917, %and3A_903], %gather3A masked %and3A_909 : memref<8x4096xf32, #tpu.memory_space<vmem>>[vector<16xi32>, vector<16xi32>], vector<16xf32>, vector<16xi1>
          %broadcast_in_dim3A_918 = arith.constant 1 : i32
          %broadcast_in_dim3A_919 = vector.broadcast %broadcast_in_dim3A_918 : i32 to vector<16xi32>
          %gather3A_920 = tpu.vector_load_idx %arg8[%broadcast_in_dim3A_919, %min3A_916] : memref<8x5632xf32, #tpu.memory_space<vmem>>[vector<16xi32>, vector<16xi32>], vector<16xf32>,
          tpu.vector_store_idx %arg12[%broadcast_in_dim3A_919, %and3A_903], %gather3A_920 masked %and3A_909 : memref<8x4096xf32, #tpu.memory_space<vmem>>[vector<16xi32>, vector<16xi32>], vector<16xf32>, vector<16xi1>
          %broadcast_in_dim3A_921 = arith.constant 2 : i32
          %broadcast_in_dim3A_922 = vector.broadcast %broadcast_in_dim3A_921 : i32 to vector<16xi32>
          %gather3A_923 = tpu.vector_load_idx %arg8[%broadcast_in_dim3A_922, %min3A_916] : memref<8x5632xf32, #tpu.memory_space<vmem>>[vector<16xi32>, vector<16xi32>], vector<16xf32>,
          tpu.vector_store_idx %arg12[%broadcast_in_dim3A_922, %and3A_903], %gather3A_923 masked %and3A_909 : memref<8x4096xf32, #tpu.memory_space<vmem>>[vector<16xi32>, vector<16xi32>], vector<16xf32>, vector<16xi1>
          %broadcast_in_dim3A_924 = arith.constant 3 : i32
          %broadcast_in_dim3A_925 = vector.broadcast %broadcast_in_dim3A_924 : i32 to vector<16xi32>
          %gather3A_926 = tpu.vector_load_idx %arg8[%broadcast_in_dim3A_925, %min3A_916] : memref<8x5632xf32, #tpu.memory_space<vmem>>[vector<16xi32>, vector<16xi32>], vector<16xf32>,
          tpu.vector_store_idx %arg12[%broadcast_in_dim3A_925, %and3A_903], %gather3A_926 masked %and3A_909 : memref<8x4096xf32, #tpu.memory_space<vmem>>[vector<16xi32>, vector<16xi32>], vector<16xf32>, vector<16xi1>
          %broadcast_in_dim3A_927 = arith.constant 4 : i32
          %broadcast_in_dim3A_928 = vector.broadcast %broadcast_in_dim3A_927 : i32 to vector<16xi32>
          %gather3A_929 = tpu.vector_load_idx %arg8[%broadcast_in_dim3A_928, %min3A_916] : memref<8x5632xf32, #tpu.memory_space<vmem>>[vector<16xi32>, vector<16xi32>], vector<16xf32>,
          tpu.vector_store_idx %arg12[%broadcast_in_dim3A_928, %and3A_903], %gather3A_929 masked %and3A_909 : memref<8x4096xf32, #tpu.memory_space<vmem>>[vector<16xi32>, vector<16xi32>], vector<16xf32>, vector<16xi1>
          %broadcast_in_dim3A_930 = arith.constant 5 : i32
          %broadcast_in_dim3A_931 = vector.broadcast %broadcast_in_dim3A_930 : i32 to vector<16xi32>
          %gather3A_932 = tpu.vector_load_idx %arg8[%broadcast_in_dim3A_931, %min3A_916] : memref<8x5632xf32, #tpu.memory_space<vmem>>[vector<16xi32>, vector<16xi32>], vector<16xf32>,
          tpu.vector_store_idx %arg12[%broadcast_in_dim3A_931, %and3A_903], %gather3A_932 masked %and3A_909 : memref<8x4096xf32, #tpu.memory_space<vmem>>[vector<16xi32>, vector<16xi32>], vector<16xf32>, vector<16xi1>
          %broadcast_in_dim3A_933 = arith.constant 6 : i32
          %broadcast_in_dim3A_934 = vector.broadcast %broadcast_in_dim3A_933 : i32 to vector<16xi32>
          %gather3A_935 = tpu.vector_load_idx %arg8[%broadcast_in_dim3A_934, %min3A_916] : memref<8x5632xf32, #tpu.memory_space<vmem>>[vector<16xi32>, vector<16xi32>], vector<16xf32>,
          tpu.vector_store_idx %arg12[%broadcast_in_dim3A_934, %and3A_903], %gather3A_935 masked %and3A_909 : memref<8x4096xf32, #tpu.memory_space<vmem>>[vector<16xi32>, vector<16xi32>], vector<16xf32>, vector<16xi1>
          %broadcast_in_dim3A_936 = arith.constant 7 : i32
          %broadcast_in_dim3A_937 = vector.broadcast %broadcast_in_dim3A_936 : i32 to vector<16xi32>
          %gather3A_938 = tpu.vector_load_idx %arg8[%broadcast_in_dim3A_937, %min3A_916] : memref<8x5632xf32, #tpu.memory_space<vmem>>[vector<16xi32>, vector<16xi32>], vector<16xf32>,
          tpu.vector_store_idx %arg12[%broadcast_in_dim3A_937, %and3A_903], %gather3A_938 masked %and3A_909 : memref<8x4096xf32, #tpu.memory_space<vmem>>[vector<16xi32>, vector<16xi32>], vector<16xf32>, vector<16xi1>
          %while3A_939 = arith.constant 0 : i32
          scf.yield %while3A_939 : i32
        }
        %while3A_888 = arith.constant 1 : i32
        %while3A_889 = scf.for %while3A_893 = %while3A_885 to %while3A_881 step %while3A_888 iter_args(%while3A_894 = %while3A_887) -> (i32)  : i32 {
          %mul3A_895 = arith.constant 16 : i32
          %mul3A_896 = arith.muli %while3A_893, %mul3A_895 : i32
          %get3A_897 = arith.index_cast %mul3A_896 : i32 to index
          %get3A_898 = tpu.vector_load %arg10[%get3A_897] {strides = array<i32>} : memref<4096xi32, #tpu.memory_space<vmem>>, vector<16xi32>,
          %shift_right_logical3A = arith.constant 12 : i32
          %shift_right_logical3A_899 = vector.broadcast %shift_right_logical3A : i32 to vector<16xi32>
          %shift_right_logical3A_900 = arith.shrui %get3A_898, %shift_right_logical3A_899 : vector<16xi32>
          %and3A_901 = arith.constant 4095 : i32
          %and3A_902 = vector.broadcast %and3A_901 : i32 to vector<16xi32>
          %and3A_903 = arith.andi %get3A_898, %and3A_902 : vector<16xi32>
          %ge3A = arith.constant 99968 : i32
          %ge3A_904 = vector.broadcast %ge3A : i32 to vector<16xi32>
          %ge3A_905 = arith.cmpi sge, %shift_right_logical3A_900, %ge3A_904 : vector<16xi32>
          %lt3A_906 = arith.constant 100000 : i32
          %lt3A_907 = vector.broadcast %lt3A_906 : i32 to vector<16xi32>
          %lt3A_908 = arith.cmpi slt, %shift_right_logical3A_900, %lt3A_907 : vector<16xi32>
          %and3A_909 = arith.andi %ge3A_905, %lt3A_908 : vector<16xi1>
          %sub3A_910 = arith.constant 99968 : i32
          %sub3A_911 = vector.broadcast %sub3A_910 : i32 to vector<16xi32>
          %sub3A_912 = arith.subi %shift_right_logical3A_900, %sub3A_911 : vector<16xi32>
          %jit3A_913 = arith.constant 0 : i32
          %jit3A_914 = arith.constant 127 : i32
          %max3A = vector.broadcast %jit3A_913 : i32 to vector<16xi32>
          %max3A_915 = arith.maxsi %max3A, %sub3A_912 : vector<16xi32>
          %min3A = vector.broadcast %jit3A_914 : i32 to vector<16xi32>
          %min3A_916 = arith.minsi %min3A, %max3A_915 : vector<16xi32>
          %broadcast_in_dim3A = arith.constant 0 : i32
          %broadcast_in_dim3A_917 = vector.broadcast %broadcast_in_dim3A : i32 to vector<16xi32>
          %gather3A = tpu.vector_load_idx %arg8[%broadcast_in_dim3A_917, %min3A_916] : memref<8x5632xf32, #tpu.memory_space<vmem>>[vector<16xi32>, vector<16xi32>], vector<16xf32>,
          tpu.vector_store_idx %arg12[%broadcast_in_dim3A_917, %and3A_903], %gather3A masked %and3A_909 : memref<8x4096xf32, #tpu.memory_space<vmem>>[vector<16xi32>, vector<16xi32>], vector<16xf32>, vector<16xi1>
          %broadcast_in_dim3A_918 = arith.constant 1 : i32
          %broadcast_in_dim3A_919 = vector.broadcast %broadcast_in_dim3A_918 : i32 to vector<16xi32>
          %gather3A_920 = tpu.vector_load_idx %arg8[%broadcast_in_dim3A_919, %min3A_916] : memref<8x5632xf32, #tpu.memory_space<vmem>>[vector<16xi32>, vector<16xi32>], vector<16xf32>,
          tpu.vector_store_idx %arg12[%broadcast_in_dim3A_919, %and3A_903], %gather3A_920 masked %and3A_909 : memref<8x4096xf32, #tpu.memory_space<vmem>>[vector<16xi32>, vector<16xi32>], vector<16xf32>, vector<16xi1>
          %broadcast_in_dim3A_921 = arith.constant 2 : i32
          %broadcast_in_dim3A_922 = vector.broadcast %broadcast_in_dim3A_921 : i32 to vector<16xi32>
          %gather3A_923 = tpu.vector_load_idx %arg8[%broadcast_in_dim3A_922, %min3A_916] : memref<8x5632xf32, #tpu.memory_space<vmem>>[vector<16xi32>, vector<16xi32>], vector<16xf32>,
          tpu.vector_store_idx %arg12[%broadcast_in_dim3A_922, %and3A_903], %gather3A_923 masked %and3A_909 : memref<8x4096xf32, #tpu.memory_space<vmem>>[vector<16xi32>, vector<16xi32>], vector<16xf32>, vector<16xi1>
          %broadcast_in_dim3A_924 = arith.constant 3 : i32
          %broadcast_in_dim3A_925 = vector.broadcast %broadcast_in_dim3A_924 : i32 to vector<16xi32>
          %gather3A_926 = tpu.vector_load_idx %arg8[%broadcast_in_dim3A_925, %min3A_916] : memref<8x5632xf32, #tpu.memory_space<vmem>>[vector<16xi32>, vector<16xi32>], vector<16xf32>,
          tpu.vector_store_idx %arg12[%broadcast_in_dim3A_925, %and3A_903], %gather3A_926 masked %and3A_909 : memref<8x4096xf32, #tpu.memory_space<vmem>>[vector<16xi32>, vector<16xi32>], vector<16xf32>, vector<16xi1>
          %broadcast_in_dim3A_927 = arith.constant 4 : i32
          %broadcast_in_dim3A_928 = vector.broadcast %broadcast_in_dim3A_927 : i32 to vector<16xi32>
          %gather3A_929 = tpu.vector_load_idx %arg8[%broadcast_in_dim3A_928, %min3A_916] : memref<8x5632xf32, #tpu.memory_space<vmem>>[vector<16xi32>, vector<16xi32>], vector<16xf32>,
          tpu.vector_store_idx %arg12[%broadcast_in_dim3A_928, %and3A_903], %gather3A_929 masked %and3A_909 : memref<8x4096xf32, #tpu.memory_space<vmem>>[vector<16xi32>, vector<16xi32>], vector<16xf32>, vector<16xi1>
          %broadcast_in_dim3A_930 = arith.constant 5 : i32
          %broadcast_in_dim3A_931 = vector.broadcast %broadcast_in_dim3A_930 : i32 to vector<16xi32>
          %gather3A_932 = tpu.vector_load_idx %arg8[%broadcast_in_dim3A_931, %min3A_916] : memref<8x5632xf32, #tpu.memory_space<vmem>>[vector<16xi32>, vector<16xi32>], vector<16xf32>,
          tpu.vector_store_idx %arg12[%broadcast_in_dim3A_931, %and3A_903], %gather3A_932 masked %and3A_909 : memref<8x4096xf32, #tpu.memory_space<vmem>>[vector<16xi32>, vector<16xi32>], vector<16xf32>, vector<16xi1>
          %broadcast_in_dim3A_933 = arith.constant 6 : i32
          %broadcast_in_dim3A_934 = vector.broadcast %broadcast_in_dim3A_933 : i32 to vector<16xi32>
          %gather3A_935 = tpu.vector_load_idx %arg8[%broadcast_in_dim3A_934, %min3A_916] : memref<8x5632xf32, #tpu.memory_space<vmem>>[vector<16xi32>, vector<16xi32>], vector<16xf32>,
          tpu.vector_store_idx %arg12[%broadcast_in_dim3A_934, %and3A_903], %gather3A_935 masked %and3A_909 : memref<8x4096xf32, #tpu.memory_space<vmem>>[vector<16xi32>, vector<16xi32>], vector<16xf32>, vector<16xi1>
          %broadcast_in_dim3A_936 = arith.constant 7 : i32
          %broadcast_in_dim3A_937 = vector.broadcast %broadcast_in_dim3A_936 : i32 to vector<16xi32>
          %gather3A_938 = tpu.vector_load_idx %arg8[%broadcast_in_dim3A_937, %min3A_916] : memref<8x5632xf32, #tpu.memory_space<vmem>>[vector<16xi32>, vector<16xi32>], vector<16xf32>,
          tpu.vector_store_idx %arg12[%broadcast_in_dim3A_937, %and3A_903], %gather3A_938 masked %and3A_909 : memref<8x4096xf32, #tpu.memory_space<vmem>>[vector<16xi32>, vector<16xi32>], vector<16xf32>, vector<16xi1>
          %while3A_939 = arith.constant 0 : i32
          scf.yield %while3A_939 : i32
        }
        %mul3A_890 = arith.constant 8 : i32
        %mul3A_891 = arith.muli %add3A_18, %mul3A_890 : i32
        %multiple_of3A_892 = tpu.assume_multiple %mul3A_891, 8 : i32
        "tpu.region"() ({
          %run_scoped3A = tpu.sem_alloc : memref<!tpu.dma_semaphore, #tpu.memory_space<semaphore_mem>>
          %dma_start3A_893 = arith.constant 0 : i32
          %dma_start3A_894 = tpu.memref_slice %arg7[%multiple_of3A_892, %dma_start3A_893] : memref<848x4096xf32, #tpu.memory_space<hbm>> -> memref<8x4096xf32, #tpu.memory_space<hbm>>
          %dma_start3A_895 = arith.constant 0 : i32
          %dma_start3A_896 = tpu.memref_slice %arg7[%multiple_of3A_892, %dma_start3A_895] : memref<848x4096xf32, #tpu.memory_space<hbm>> -> memref<8x4096xf32, #tpu.memory_space<hbm>>
          tpu.enqueue_dma source(%arg12 : memref<8x4096xf32, #tpu.memory_space<vmem>>) target(%dma_start3A_896 : memref<8x4096xf32, #tpu.memory_space<hbm>>) target_semaphore(%run_scoped3A : memref<!tpu.dma_semaphore, #tpu.memory_space<semaphore_mem>>)
          %dma_wait3A_897 = arith.constant 0 : i32
          %dma_wait3A_898 = tpu.memref_slice %arg7[%multiple_of3A_892, %dma_wait3A_897] : memref<848x4096xf32, #tpu.memory_space<hbm>> -> memref<8x4096xf32, #tpu.memory_space<hbm>>
          %dma_wait3A_899 = arith.constant 0 : i32
          %dma_wait3A_900 = tpu.memref_slice %arg7[%multiple_of3A_892, %dma_wait3A_899] : memref<848x4096xf32, #tpu.memory_space<hbm>> -> memref<8x4096xf32, #tpu.memory_space<hbm>>
          tpu.wait_dma2 semaphore(%run_scoped3A : memref<!tpu.dma_semaphore, #tpu.memory_space<semaphore_mem>>) src(%arg12 : memref<8x4096xf32, #tpu.memory_space<vmem>>) dst(%dma_wait3A_900 : memref<8x4096xf32, #tpu.memory_space<hbm>>)
          tpu.yield
        }) : () -> ()
      } else {
      }
      %scan3A_23 = arith.constant 0 : i32
      scf.yield %scan3A_23 : i32
    }
    %scan3A_6 = arith.constant 4 : i32
    %eq3A = arith.constant 8 : i32
    %eq3A_7 = arith.cmpi eq, %add3A, %eq3A : i32
    %convert_element_type3A = arith.extui %eq3A_7 : i1 to i32
    %cond3A = arith.constant 0 : i32
    %cond3A_8 = arith.cmpi ne, %convert_element_type3A, %cond3A : i32
    scf.if %cond3A_8 {
      "tpu.region"() ({
        %run_scoped3A = tpu.sem_alloc : memref<!tpu.dma_semaphore, #tpu.memory_space<semaphore_mem>>
        %dma_start3A = arith.constant 0 : i32
        %dma_start3A_14 = arith.constant 0 : i32
        %dma_start3A_15 = tpu.memref_slice %arg8[%dma_start3A, %dma_start3A_14] : memref<8x5632xf32, #tpu.memory_space<vmem>> -> memref<8x4096xf32, #tpu.memory_space<vmem>>
        %dma_start3A_16 = arith.constant 0 : i32
        %dma_start3A_17 = arith.constant 0 : i32
        %dma_start3A_18 = tpu.memref_slice %arg4[%dma_start3A_16, %dma_start3A_17] : memref<16x4096xf32, #tpu.memory_space<hbm>> -> memref<8x4096xf32, #tpu.memory_space<hbm>>
        %dma_start3A_19 = arith.constant 0 : i32
        %dma_start3A_20 = arith.constant 0 : i32
        %dma_start3A_21 = tpu.memref_slice %arg8[%dma_start3A_19, %dma_start3A_20] : memref<8x5632xf32, #tpu.memory_space<vmem>> -> memref<8x4096xf32, #tpu.memory_space<vmem>>
        %dma_start3A_22 = arith.constant 0 : i32
        %dma_start3A_23 = arith.constant 0 : i32
        %dma_start3A_24 = tpu.memref_slice %arg4[%dma_start3A_22, %dma_start3A_23] : memref<16x4096xf32, #tpu.memory_space<hbm>> -> memref<8x4096xf32, #tpu.memory_space<hbm>>
        tpu.enqueue_dma source(%dma_start3A_24 : memref<8x4096xf32, #tpu.memory_space<hbm>>) target(%dma_start3A_21 : memref<8x4096xf32, #tpu.memory_space<vmem>>) target_semaphore(%run_scoped3A : memref<!tpu.dma_semaphore, #tpu.memory_space<semaphore_mem>>)
        %dma_wait3A = arith.constant 0 : i32
        %dma_wait3A_25 = arith.constant 0 : i32
        %dma_wait3A_26 = tpu.memref_slice %arg8[%dma_wait3A, %dma_wait3A_25] : memref<8x5632xf32, #tpu.memory_space<vmem>> -> memref<8x4096xf32, #tpu.memory_space<vmem>>
        %dma_wait3A_27 = arith.constant 0 : i32
        %dma_wait3A_28 = arith.constant 0 : i32
        %dma_wait3A_29 = tpu.memref_slice %arg4[%dma_wait3A_27, %dma_wait3A_28] : memref<16x4096xf32, #tpu.memory_space<hbm>> -> memref<8x4096xf32, #tpu.memory_space<hbm>>
        %dma_wait3A_30 = arith.constant 0 : i32
        %dma_wait3A_31 = arith.constant 0 : i32
        %dma_wait3A_32 = tpu.memref_slice %arg8[%dma_wait3A_30, %dma_wait3A_31] : memref<8x5632xf32, #tpu.memory_space<vmem>> -> memref<8x4096xf32, #tpu.memory_space<vmem>>
        %dma_wait3A_33 = arith.constant 0 : i32
        %dma_wait3A_34 = arith.constant 0 : i32
        %dma_wait3A_35 = tpu.memref_slice %arg4[%dma_wait3A_33, %dma_wait3A_34] : memref<16x4096xf32, #tpu.memory_space<hbm>> -> memref<8x4096xf32, #tpu.memory_space<hbm>>
        tpu.wait_dma2 semaphore(%run_scoped3A : memref<!tpu.dma_semaphore, #tpu.memory_space<semaphore_mem>>) src(%dma_wait3A_35 : memref<8x4096xf32, #tpu.memory_space<hbm>>) dst(%dma_wait3A_32 : memref<8x4096xf32, #tpu.memory_space<vmem>>)
        tpu.yield
      }) : () -> ()
      "tpu.region"() ({
        %run_scoped3A = tpu.sem_alloc : memref<!tpu.dma_semaphore, #tpu.memory_space<semaphore_mem>>
        %dma_start3A = arith.constant 0 : i32
        %dma_start3A_14 = arith.constant 0 : i32
        %dma_start3A_15 = tpu.memref_slice %arg8[%dma_start3A, %dma_start3A_14] : memref<8x5632xf32, #tpu.memory_space<vmem>> -> memref<8x4096xf32, #tpu.memory_space<vmem>>
        %dma_start3A_16 = arith.constant 832 : i32
        %dma_start3A_17 = arith.constant 0 : i32
        %dma_start3A_18 = tpu.memref_slice %arg7[%dma_start3A_16, %dma_start3A_17] : memref<848x4096xf32, #tpu.memory_space<hbm>> -> memref<8x4096xf32, #tpu.memory_space<hbm>>
        %dma_start3A_19 = arith.constant 832 : i32
        %dma_start3A_20 = arith.constant 0 : i32
        %dma_start3A_21 = tpu.memref_slice %arg7[%dma_start3A_19, %dma_start3A_20] : memref<848x4096xf32, #tpu.memory_space<hbm>> -> memref<8x4096xf32, #tpu.memory_space<hbm>>
        %dma_start3A_22 = arith.constant 0 : i32
        %dma_start3A_23 = arith.constant 0 : i32
        %dma_start3A_24 = tpu.memref_slice %arg8[%dma_start3A_22, %dma_start3A_23] : memref<8x5632xf32, #tpu.memory_space<vmem>> -> memref<8x4096xf32, #tpu.memory_space<vmem>>
        tpu.enqueue_dma source(%dma_start3A_24 : memref<8x4096xf32, #tpu.memory_space<vmem>>) target(%dma_start3A_21 : memref<8x4096xf32, #tpu.memory_space<hbm>>) target_semaphore(%run_scoped3A : memref<!tpu.dma_semaphore, #tpu.memory_space<semaphore_mem>>)
        %dma_wait3A = arith.constant 0 : i32
        %dma_wait3A_25 = arith.constant 0 : i32
        %dma_wait3A_26 = tpu.memref_slice %arg8[%dma_wait3A, %dma_wait3A_25] : memref<8x5632xf32, #tpu.memory_space<vmem>> -> memref<8x4096xf32, #tpu.memory_space<vmem>>
        %dma_wait3A_27 = arith.constant 832 : i32
        %dma_wait3A_28 = arith.constant 0 : i32
        %dma_wait3A_29 = tpu.memref_slice %arg7[%dma_wait3A_27, %dma_wait3A_28] : memref<848x4096xf32, #tpu.memory_space<hbm>> -> memref<8x4096xf32, #tpu.memory_space<hbm>>
        %dma_wait3A_30 = arith.constant 832 : i32
        %dma_wait3A_31 = arith.constant 0 : i32
        %dma_wait3A_32 = tpu.memref_slice %arg7[%dma_wait3A_30, %dma_wait3A_31] : memref<848x4096xf32, #tpu.memory_space<hbm>> -> memref<8x4096xf32, #tpu.memory_space<hbm>>
        %dma_wait3A_33 = arith.constant 0 : i32
        %dma_wait3A_34 = arith.constant 0 : i32
        %dma_wait3A_35 = tpu.memref_slice %arg8[%dma_wait3A_33, %dma_wait3A_34] : memref<8x5632xf32, #tpu.memory_space<vmem>> -> memref<8x4096xf32, #tpu.memory_space<vmem>>
        tpu.wait_dma2 semaphore(%run_scoped3A : memref<!tpu.dma_semaphore, #tpu.memory_space<semaphore_mem>>) src(%dma_wait3A_35 : memref<8x4096xf32, #tpu.memory_space<vmem>>) dst(%dma_wait3A_32 : memref<8x4096xf32, #tpu.memory_space<hbm>>)
        tpu.yield
      }) : () -> ()
    } else {
    }
    %eq3A_9 = arith.constant 9 : i32
    %eq3A_10 = arith.cmpi eq, %add3A, %eq3A_9 : i32
    %convert_element_type3A_11 = arith.extui %eq3A_10 : i1 to i32
    %cond3A_12 = arith.constant 0 : i32
    %cond3A_13 = arith.cmpi ne, %convert_element_type3A_11, %cond3A_12 : i32
    scf.if %cond3A_13 {
      "tpu.region"() ({
        %run_scoped3A = tpu.sem_alloc : memref<!tpu.dma_semaphore, #tpu.memory_space<semaphore_mem>>
        %dma_start3A = arith.constant 0 : i32
        %dma_start3A_14 = arith.constant 0 : i32
        %dma_start3A_15 = tpu.memref_slice %arg8[%dma_start3A, %dma_start3A_14] : memref<8x5632xf32, #tpu.memory_space<vmem>> -> memref<8x4096xf32, #tpu.memory_space<vmem>>
        %dma_start3A_16 = arith.constant 8 : i32
        %dma_start3A_17 = arith.constant 0 : i32
        %dma_start3A_18 = tpu.memref_slice %arg4[%dma_start3A_16, %dma_start3A_17] : memref<16x4096xf32, #tpu.memory_space<hbm>> -> memref<8x4096xf32, #tpu.memory_space<hbm>>
        %dma_start3A_19 = arith.constant 0 : i32
        %dma_start3A_20 = arith.constant 0 : i32
        %dma_start3A_21 = tpu.memref_slice %arg8[%dma_start3A_19, %dma_start3A_20] : memref<8x5632xf32, #tpu.memory_space<vmem>> -> memref<8x4096xf32, #tpu.memory_space<vmem>>
        %dma_start3A_22 = arith.constant 8 : i32
        %dma_start3A_23 = arith.constant 0 : i32
        %dma_start3A_24 = tpu.memref_slice %arg4[%dma_start3A_22, %dma_start3A_23] : memref<16x4096xf32, #tpu.memory_space<hbm>> -> memref<8x4096xf32, #tpu.memory_space<hbm>>
        tpu.enqueue_dma source(%dma_start3A_24 : memref<8x4096xf32, #tpu.memory_space<hbm>>) target(%dma_start3A_21 : memref<8x4096xf32, #tpu.memory_space<vmem>>) target_semaphore(%run_scoped3A : memref<!tpu.dma_semaphore, #tpu.memory_space<semaphore_mem>>)
        %dma_wait3A = arith.constant 0 : i32
        %dma_wait3A_25 = arith.constant 0 : i32
        %dma_wait3A_26 = tpu.memref_slice %arg8[%dma_wait3A, %dma_wait3A_25] : memref<8x5632xf32, #tpu.memory_space<vmem>> -> memref<8x4096xf32, #tpu.memory_space<vmem>>
        %dma_wait3A_27 = arith.constant 8 : i32
        %dma_wait3A_28 = arith.constant 0 : i32
        %dma_wait3A_29 = tpu.memref_slice %arg4[%dma_wait3A_27, %dma_wait3A_28] : memref<16x4096xf32, #tpu.memory_space<hbm>> -> memref<8x4096xf32, #tpu.memory_space<hbm>>
        %dma_wait3A_30 = arith.constant 0 : i32
        %dma_wait3A_31 = arith.constant 0 : i32
        %dma_wait3A_32 = tpu.memref_slice %arg8[%dma_wait3A_30, %dma_wait3A_31] : memref<8x5632xf32, #tpu.memory_space<vmem>> -> memref<8x4096xf32, #tpu.memory_space<vmem>>
        %dma_wait3A_33 = arith.constant 8 : i32
        %dma_wait3A_34 = arith.constant 0 : i32
        %dma_wait3A_35 = tpu.memref_slice %arg4[%dma_wait3A_33, %dma_wait3A_34] : memref<16x4096xf32, #tpu.memory_space<hbm>> -> memref<8x4096xf32, #tpu.memory_space<hbm>>
        tpu.wait_dma2 semaphore(%run_scoped3A : memref<!tpu.dma_semaphore, #tpu.memory_space<semaphore_mem>>) src(%dma_wait3A_35 : memref<8x4096xf32, #tpu.memory_space<hbm>>) dst(%dma_wait3A_32 : memref<8x4096xf32, #tpu.memory_space<vmem>>)
        tpu.yield
      }) : () -> ()
      "tpu.region"() ({
        %run_scoped3A = tpu.sem_alloc : memref<!tpu.dma_semaphore, #tpu.memory_space<semaphore_mem>>
        %dma_start3A = arith.constant 0 : i32
        %dma_start3A_14 = arith.constant 0 : i32
        %dma_start3A_15 = tpu.memref_slice %arg8[%dma_start3A, %dma_start3A_14] : memref<8x5632xf32, #tpu.memory_space<vmem>> -> memref<8x4096xf32, #tpu.memory_space<vmem>>
        %dma_start3A_16 = arith.constant 840 : i32
        %dma_start3A_17 = arith.constant 0 : i32
        %dma_start3A_18 = tpu.memref_slice %arg7[%dma_start3A_16, %dma_start3A_17] : memref<848x4096xf32, #tpu.memory_space<hbm>> -> memref<8x4096xf32, #tpu.memory_space<hbm>>
        %dma_start3A_19 = arith.constant 840 : i32
        %dma_start3A_20 = arith.constant 0 : i32
        %dma_start3A_21 = tpu.memref_slice %arg7[%dma_start3A_19, %dma_start3A_20] : memref<848x4096xf32, #tpu.memory_space<hbm>> -> memref<8x4096xf32, #tpu.memory_space<hbm>>
        %dma_start3A_22 = arith.constant 0 : i32
        %dma_start3A_23 = arith.constant 0 : i32
        %dma_start3A_24 = tpu.memref_slice %arg8[%dma_start3A_22, %dma_start3A_23] : memref<8x5632xf32, #tpu.memory_space<vmem>> -> memref<8x4096xf32, #tpu.memory_space<vmem>>
        tpu.enqueue_dma source(%dma_start3A_24 : memref<8x4096xf32, #tpu.memory_space<vmem>>) target(%dma_start3A_21 : memref<8x4096xf32, #tpu.memory_space<hbm>>) target_semaphore(%run_scoped3A : memref<!tpu.dma_semaphore, #tpu.memory_space<semaphore_mem>>)
        %dma_wait3A = arith.constant 0 : i32
        %dma_wait3A_25 = arith.constant 0 : i32
        %dma_wait3A_26 = tpu.memref_slice %arg8[%dma_wait3A, %dma_wait3A_25] : memref<8x5632xf32, #tpu.memory_space<vmem>> -> memref<8x4096xf32, #tpu.memory_space<vmem>>
        %dma_wait3A_27 = arith.constant 840 : i32
        %dma_wait3A_28 = arith.constant 0 : i32
        %dma_wait3A_29 = tpu.memref_slice %arg7[%dma_wait3A_27, %dma_wait3A_28] : memref<848x4096xf32, #tpu.memory_space<hbm>> -> memref<8x4096xf32, #tpu.memory_space<hbm>>
        %dma_wait3A_30 = arith.constant 840 : i32
        %dma_wait3A_31 = arith.constant 0 : i32
        %dma_wait3A_32 = tpu.memref_slice %arg7[%dma_wait3A_30, %dma_wait3A_31] : memref<848x4096xf32, #tpu.memory_space<hbm>> -> memref<8x4096xf32, #tpu.memory_space<hbm>>
        %dma_wait3A_33 = arith.constant 0 : i32
        %dma_wait3A_34 = arith.constant 0 : i32
        %dma_wait3A_35 = tpu.memref_slice %arg8[%dma_wait3A_33, %dma_wait3A_34] : memref<8x5632xf32, #tpu.memory_space<vmem>> -> memref<8x4096xf32, #tpu.memory_space<vmem>>
        tpu.wait_dma2 semaphore(%run_scoped3A : memref<!tpu.dma_semaphore, #tpu.memory_space<semaphore_mem>>) src(%dma_wait3A_35 : memref<8x4096xf32, #tpu.memory_space<vmem>>) dst(%dma_wait3A_32 : memref<8x4096xf32, #tpu.memory_space<hbm>>)
        tpu.yield
      }) : () -> ()
    } else {
    }
    return
  }
}

</mosaic_0001>

<sc_bundles>
// kernel: kernel.3.cloned.1.call-start
scs
__scs_entry_jumppad:
0x0: {  	(pc) =	sbr.rel $0x88, $3  }
0x1: {  	(tag) =	ssettag $0x0;
	lr =	simm.s32 $0x1  }
0x2: {  	[smem:$0x3F9E] =	sst lr;
	_ =	strace $0xD0000000  }
0x3: {  	_ = 	snop  }
0x4: {  	_ = 	snop  }
0x5: {  	_ = 	snop  }
0x6: {  	_ = 	snop  }
0x7: {  	_ = 	snop  }
__scs_overlays_trampoline_lowered:
0x8: {  	[smem:$0x3FAD] =	sst s0  }
0x9: {  	[smem:$0x3FAE] =	sst s1  }
0xa: {  	[smem:$0x3FAF] =	sst s2  }
0xb: {  	[smem:$0x3FB0] =	sst s3  }
0xc: {  	[smem:$0x3FB1] =	sst s4  }
0xd: {  	[smem:$0x3FB2] =	sst s5  }
0xe: {  	[smem:$0x3FB3] =	sst s6  }
0xf: {  	[smem:$0x3FB4] =	sst s7  }
0x10: {  	[smem:$0x3FB5] =	sst s8  }
0x11: {  	[smem:$0x3FB6] =	sst s9;
	s0 =	simm.s32 @!p0 $0x0  }
0x12: {  	s1 =	sld [smem:$0x3F9C];
	s0 =	simm.s32 @p0 $0x1  }
0x13: {  	[smem:$0x3FB7] =	sst s0;
	s0 =	simm.s32 @!p1 $0x0  }
0x14: {  	s2 =	sld [smem:$0x3F9B];
	s0 =	simm.s32 @p1 $0x1  }
0x15: {  	[smem:$0x3FB8] =	sst s0;
	s0 =	simm.s32 @!p2 $0x0  }
0x16: {  	s3 =	sld [smem:$0x3FDB];
	s0 =	simm.s32 @p2 $0x1  }
0x17: {  	s4 =	simm.s32 $0x1BF5;
	[smem:$0x3FBA] =	sst s0  }
0x18: {  	s0 =	sld [smem:$0x3F9D];
	_ =	swait.ge [sflag:s4], $0x0  }
0x19: {  	s7 =	sld [smem:$0x3F9E]  }
0x1a: {  	s8 =	sadd.s32 $0xFFFFE003, lr  }
0x1b: {  	s9 =	sadd.s32 $0xFFFFFEF7, lr;
	s5 =	simm.s32 $0xFFFFFFFF;
	p2 =	slt.u32 s8, $0xFFFFF086  }
0x1c: {  	p1 =	slt.u32 s9, $0xF7A;
	s5 =	simm.s32 @!p2 $0x0  }
0x1d: {  	s5 =	simm.s32 @p1 $0x1;
	p0 =	seq.s32 s7, s2  }
0x1e: {  	s7 =	smul.u32 @!p0 $0xF7A, s2;
	p2 =	seq.s32 @!p0 s5, $0x0  }
0x1f: {  	s9 =	smul.u32 $0xF7A, s1;
	s8 =	simm.s32 @!p0 $0x1BF5;
	p2 =	por !p2, p0  }
0x20: {  	[sflag:s8] =	ssyncset.s32 @!p0 $0xFFFFF086;
	s6 =	sadd.s32 @!p0 s3, s7;
	s7 =	simm.s32 @!p0 $0x108  }
0x21: {  	s3 =	sadd.s32 s3, s9;
	s6 =	sadd.s32 @!p0 $0x88, s6;
	s7 =	simm.s32 @p2 $0x1082  }
0x22: {  	[simem:s7], [sflag:s8] =	dma.local @!p0 [hbm:s6], $0xF7A  }
0x23: {  	s9 =	sor.u32 $0xD0000000, s2;
	s6 =	simm.s32 $0x108;
	_ =	swait.ge @!p0 [sflag:s8], $0x0  }
0x24: {  	s3 =	sadd.s32 $0x88, s3;
	s6 =	simm.s32 @!p1 $0x1082;
	[sflag:s4] =	ssyncset.s32 $0xFFFFF086  }
0x25: {  	[simem:s6], [sflag:s4] =	dma.local [hbm:s3], $0xF7A  }
0x26: {  	[smem:$0x3F9E] =	sst s1;
	(tag) =	ssettag s2;
	_ =	strace s9  }
0x27: {  	s1 =	sld [smem:$0x3FAE]  }
0x28: {  	s2 =	sld [smem:$0x3FAF]  }
0x29: {  	s4 =	sld [smem:$0x3FB1]  }
0x2a: {  	p0 =	seq.s32 s5, $0x0;
	s5 =	sld [smem:$0x3FB2]  }
0x2b: {  	s6 =	sld [smem:$0x3FB3]  }
0x2c: {  	s7 =	sld [smem:$0x3FB4]  }
0x2d: {  	s3 =	simm.s32 $0x108;
	s8 =	sld [smem:$0x3FB5]  }
0x2e: {  	s3 =	simm.s32 @!p0 $0x1082;
	s9 =	sld [smem:$0x3FB6]  }
0x2f: {  	lr =	sadd.s32 s0, s3;
	s0 =	sld [smem:$0x3FAD]  }
0x30: {  	s3 =	sld [smem:$0x3FB0]  }
0x31: {  	[smem:$0x3FB9] =	sst s10  }
0x32: {  	s10 =	sld [smem:$0x3FB7];
	_ =	sdelay $0x3  }
0x33: {  	p0 =	seq.s32 s10, $0x1;
	s10 =	sld [smem:$0x3FB9];
	_ =	sdelay $0x3  }
0x34: {  	[smem:$0x3FB9] =	sst s10  }
0x35: {  	s10 =	sld [smem:$0x3FB8];
	_ =	sdelay $0x3  }
0x36: {  	p1 =	seq.s32 s10, $0x1;
	s10 =	sld [smem:$0x3FB9];
	_ =	sdelay $0x3  }
0x37: {  	[smem:$0x3FB9] =	sst s10  }
0x38: {  	s10 =	sld [smem:$0x3FBA]  }
0x39: {  	_ = 	snop;
	(pc) =	sbr.ind lr, $3  }
0x3a: {  	_ = 	snop  }
0x3b: {  	_ = 	snop  }
0x3c: {  	p2 =	seq.s32 s10, $0x1;
	s10 =	sld [smem:$0x3FB9]  }
0x3d: {  	_ =	shalt  }
0x3e: {  	_ =	shalt  }
0x3f: {  	_ =	shalt  }
0x40: {  	_ =	shalt  }
0x41: {  	_ =	shalt  }
0x42: {  	_ =	shalt  }
0x43: {  	_ =	shalt  }
0x44: {  	_ =	shalt  }
0x45: {  	_ =	shalt  }
0x46: {  	_ =	shalt  }
0x47: {  	_ =	shalt  }
0x48: {  	_ =	shalt  }
0x49: {  	_ =	shalt  }
0x4a: {  	_ =	shalt  }
0x4b: {  	_ =	shalt  }
0x4c: {  	_ =	shalt  }
0x4d: {  	_ =	shalt  }
0x4e: {  	_ =	shalt  }
0x4f: {  	_ =	shalt  }
0x50: {  	_ =	shalt  }
0x51: {  	_ =	shalt  }
0x52: {  	_ =	shalt  }
0x53: {  	_ =	shalt  }
0x54: {  	_ =	shalt  }
0x55: {  	_ =	shalt  }
0x56: {  	_ =	shalt  }
0x57: {  	_ =	shalt  }
0x58: {  	_ =	shalt  }
0x59: {  	_ =	shalt  }
0x5a: {  	_ =	shalt  }
0x5b: {  	_ =	shalt  }
0x5c: {  	_ =	shalt  }
0x5d: {  	_ =	shalt  }
0x5e: {  	_ =	shalt  }
0x5f: {  	_ =	shalt  }
0x60: {  	_ =	shalt  }
0x61: {  	_ =	shalt  }
0x62: {  	_ =	shalt  }
0x63: {  	_ =	shalt  }
0x64: {  	_ =	shalt  }
0x65: {  	_ =	shalt  }
0x66: {  	_ =	shalt  }
0x67: {  	_ =	shalt  }
0x68: {  	_ =	shalt  }
0x69: {  	_ =	shalt  }
0x6a: {  	_ =	shalt  }
0x6b: {  	_ =	shalt  }
0x6c: {  	_ =	shalt  }
0x6d: {  	_ =	shalt  }
0x6e: {  	_ =	shalt  }
0x6f: {  	_ =	shalt  }
0x70: {  	_ =	shalt  }
0x71: {  	_ =	shalt  }
0x72: {  	_ =	shalt  }
0x73: {  	_ =	shalt  }
0x74: {  	_ =	shalt  }
0x75: {  	_ =	shalt  }
0x76: {  	_ =	shalt  }
0x77: {  	_ =	shalt  }
0x78: {  	_ =	shalt  }
0x79: {  	_ =	shalt  }
0x7a: {  	_ =	shalt  }
0x7b: {  	_ =	shalt  }
0x7c: {  	_ =	shalt  }
0x7d: {  	_ =	shalt  }
0x7e: {  	_ =	shalt  }
0x7f: {  	_ =	shalt  }
0x80: {  	_ =	shalt  }
0x81: {  	_ =	shalt  }
0x82: {  	_ =	shalt  }
0x83: {  	_ =	shalt  }
0x84: {  	_ =	shalt  }
0x85: {  	_ =	shalt  }
0x86: {  	_ =	shalt  }
0x87: {  	_ =	shalt  }
.Lfunc_end0:
.L_simem_size_0:
called_computation_lowered:
.L_overlay_start_0:
0x88: {  	s2 =	sld [smem:$0x3FD9]  }
0x89: {  	s3 =	sld [smem:$0x3FFE];
	_ =	sdelay $0x1  }
0x8a: {  	s1 =	srdreg.scid  }
0x8b: {  	s0 =	sand.u32 $0x1, s1  }
0x8c: {  	s17 =	sshll.u32 s0, $0xA;
	s2 =	sadd.s32 s3, s2  }
0x8d: {  	s2 =	sadd.s32 s2, s17  }
0x8e: {  	[smem:$0x3FC5] =	sst s2  }
0x8f: {  	_ = 	snop  }
0x90: {  	s2 =	sld [smem:$0x3FC7]  }
0x91: {  	s18 =	sld [smem:$0x3FD0];
	(tm) =	ssettm $0x1  }
0x92: {  	s4 =	sld [smem:$0x3FFB];
	_ =	sdelay $0x3  }
0x93: {  	_ =	strace s4  }
0x94: {  	s4 =	sld [smem:$0x3FFC];
	_ =	sdelay $0x3  }
0x95: {  	_ =	strace s4  }
0x96: {  	s4 =	sld [smem:$0x3FFD];
	_ =	sdelay $0x3  }
0x97: {  	_ =	strace s4  }
0x98: {  	_ =	strace $0x8FFFFFFF  }
0x99: {  	s19 =	sld [smem:$0x3FDB];
	_ =	sdelay $0x1  }
0x9a: {  	s5 =	simm.s32 $_scs_section_size  }
0x9b: {  	s6 =	simm.s32 $_size__tile_overlayer_lowered;
	s7 =	simm.s32 $_tile_overlayer_lowered  }
0x9c: {  	s22 =	simm.s32 $0x1BFF;
	s21 =	sshll.u32 s7, $0x1;
	s4 =	sadd.s32 s5, s19  }
0x9d: {  	s8 =	simm.s32 $0x0;
	s20 =	sshll.u32 s6, $0x1;
	s6 =	sadd.s32 s21, s4  }
0x9e: {  	[timem:s8], [sflag:s22] =	dma.local [hbm:s6], s20  }
0x9f: {  	_ =	swait.ge [sflag:s22], s20  }
0xa0: {  	s5 =	ssub.s32 $0x0, s20;
	[sflag:s22] =	ssyncset.done $0x0  }
0xa1: {  	[sflag:s22] =	ssyncadd.s32 s5;
	_ =	sdelay $0x1  }
0xa2: {  	s23 =	simm.s32 $0x1B8B  }
0xa3: {  	_ =	swait.ge [sflag:s23], $0x1  }
0xa4: {  	[sflag:s23] =	ssyncset.done $0x0  }
0xa5: {  	s25 =	simm.s32 $0x1B8E;
	s24 =	sld [smem:$0x3FFE];
	[sflag:s23] =	ssyncadd.s32 $0xFFFFFFFF  }
0xa6: {  	s26 =	simm.s32 $execute0_lowered;
	[smem:$0x3FD2] =	sst s25  }
0xa7: {  	s6 =	sshll.u32 s26, $0x1;
	_ =	strace $0x80000046;
	[dreg:$0x1] =	wrdreg $0xFFFFFFFF  }
0xa8: {  	s28 =	simm.s32 $_size_execute0_lowered;
	s4 =	sadd.s32 s4, s6;
	[dreg:$0x0] =	wrdreg $0x0  }
0xa9: {  	s6 =	sshll.u32 s28, $0x1;
	[dreg:$0x2] =	wrdreg s4  }
0xaa: {  	[dreg:$0x3] =	wrdreg s6  }
0xab: {  	[dreg:$0x4] =	wrdreg $0xC0  }
0xac: {  	_ =	task [dreg:s8], $0x5FFFF  }
0xad: {  	[dreg:$0x1] =	wrdreg $0xFFFFFFFF  }
0xae: {  	[dreg:$0x0] =	wrdreg $0x60  }
0xaf: {  	[dreg:$0x2] =	wrdreg s24  }
0xb0: {  	[dreg:$0x3] =	wrdreg s2  }
0xb1: {  	[dreg:$0x4] =	wrdreg s18  }
0xb2: {  	[dreg:$0x5] =	wrdreg $0x9  }
0xb3: {  	_ =	task.clear_ibuf [dreg:s8], $0x6FFFF;
	_ =	strace $0x90000046  }
0xb4: {  	s29 =	simm.s32 $0x9;
	_ =	strace $0x80000048  }
0xb5: {  	_ =	swait.ge [sflag:s29], $0x1  }
0xb6: {  	[sflag:s29] =	ssyncadd.s32 $0xFFFFFFFF  }
0xb7: {  	_ =	strace $0x90000048  }
0xb8: {  	_ =	sfence  }
0xb9: {  	s30 =	sld [smem:$0x0];
	_ =	sdelay $0x2  }
0xba: {  	s31 =	sshll.u32 s1, $0xD;
	s1 =	sshrl.u32 s1, $0x2  }
0xbb: {  	s3 =	sand.u32 $0x4000, s31;
	s1 =	sadd.s32 s1, s30  }
0xbc: {  	s0 =	sor.u32 s3, s0;
	s1 =	sshll.u32 s1, $0x11  }
0xbd: {  	s0 =	sor.u32 s1, s0  }
0xbe: {  	s0 =	sadd.s32 $0x8F2B, s0  }
0xbf: {  	[sflag:s0] =	ssyncadd.remote.s32 $0x1  }
0xc0: {  	_ =	sfence.sel $0xFFFF  }
0xc1: {  	[dreg:$0x0] =	wrdreg $0xFFFFFFFF;
	(pc) =	sbr.abs _section_cstart, $3  }
0xc2: {  	[dreg:$0x1] =	wrdreg $0xFFFFFFFF  }
0xc3: {  	_ =	task.clear_ibuf [dreg:s8], $0x2FFFF;
	_ =	strace $0x9FFFFFFF  }
0xc4: {  	(tm) =	ssettm $0x7FFFFFFF  }
0xc5: {  	_ =	shalt  }
tec
execute0_lowered:
.L_overlay_start_1:
0x0: {  	(tag) =	ssettag $0x1  }
0x1: {  	s0 =	rddreg [dreg:$0x0]  }
0x2: {  	s1 =	rddreg [dreg:$0x1]  }
0x3: {  	s2 =	rddreg [dreg:$0x2];
	s3 =	simm.s32 $0x0;
	s4 =	srdreg.scid  }
0x4: {  	s7 =	stileid.u32;
	s17 =	simm.s32 $0x16000;
	s18 =	simm.s32 $0x4  }
0x5: {  	s19 =	simm.s32 $0x17000;
	s20 =	simm.s32 $0xB000;
	s21 =	simm.s32 $0x17080  }
0x6: {  	s22 =	simm.s32 $0x2;
	s23 =	simm.s32 $0x3;
	s24 =	simm.s32 $0x0  }
0x7: {  	[smem:$0x7FF] =	sst s3;
	s5 =	sadd.s32 $0x5600, s0;
	s4 =	sand.u32 $0x1, s4  }
0x8: {  	s6 =	sadd.s32 $0x8A00, s0;
	s8 =	sshll.u32 s7, $0x1;
	s7 =	sadd.s32 $0x200, s0  }
0x9: {  	s9 =	sadd.s32 $0x2200, s0;
	s12 =	sadd.s32 $0x1200, s0;
	s13 =	sadd.s32 $0x69000, s2  }
.Ltmp0:
0xa: {  	s14 =	sadd.s32 $0x68000, s2;
	s10 =	ssub.s32 $0x2, s4;
	(pc) =	sbr.rel .LBB2_1-.Ltmp0, $4  }
0xb: {  	_ =	strace $0x80000047;
	s8 =	sor.u32 s4, s8;
	s11 =	sshrl.u32 s10, $0x1  }
0xc: {  	s16 =	sand.u32 $0x3, s8;
	p1 =	seq.s32 s8, $0x8;
	p2 =	sne.s32 s8, $0x9  }
0xd: {  	s31 =	ssub.s32 s10, s11;
	s10 =	smul.u32 $0xC3800, s16;
	s11 =	sshll.u32 s16, $0xA  }
0xe: {  	p0 =	sne.s32 s16, $0x0;
	s16 =	simm.s32 $0x1;
	s15 =	smax.u32 s31, $0x1  }
.LBB2_84:
0xf: {  	[tilespmem:s3], [sflag:$0x3] =	stream.linear.gather [hbm4b:s4+s3], $0x8000, $0x38;
	[tilespmem:$0x1F080] =	vst v63  }
0x10: {  	_ =	swait.ge [sflag:s23], $0x8000  }
0x11: {  	[sflag:s23] =	ssyncset.done $0x0  }
0x12: {  	[sflag:s23] =	ssyncadd.s32 $0xFFFF8000  }
0x13: {  	[hbm4b:s0+s3] =	stream.linear.scatter [tilespmem:s3], [sflag:$0x3], $0x8000, $0x38;
	[tilespmem:$0x1F080] =	vst v63  }
0x14: {  	_ =	swait.ge [sflag:s23], $0x8000  }
0x15: {  	[sflag:s23] =	ssyncset.done $0x0  }
0x16: {  	[sflag:s23] =	ssyncadd.s32 $0xFFFF8000  }
.LBB2_85:
0x17: {  	s24 =	sadd.s32 $0x1, s24  }
0x18: {  	p3 =	sne.s32 s24, s15  }
.Ltmp1:
0x19: {  	_ = 	snop;
	(pc) =	sbr.rel @!p3 .LBB2_86-.Ltmp1, $1  }
0x1a: {  	_ =	sdelay $0x3  }
.LBB2_1:
.Ltmp2:
0x1b: {  	(pc) =	sbr.rel .LBB2_2-.Ltmp2, $2  }
0x1c: {  	_ =	sdelay $0x2  }
0x1d: {  	s25 =	simm.s32 $0x0  }
.LBB2_78:
0x1e: {  	_ =	sdelay $0x4  }
0x1f: {  	[tilespmem:v1+s21+$0x0] =	vst.idx.msk vm0, v0  }
.LBB2_79:
0x20: {  	s0 =	sshll.u32 s26, $0xC  }
0x21: {  	s0 =	sadd.s32 s2, s0  }
0x22: {  	[hbm4b:s0+s3] =	stream.linear.scatter [tilespmem:s21], [sflag:$0x3], $0x8000, $0x38;
	[tilespmem:$0x1F080] =	vst v63  }
0x23: {  	_ =	swait.ge [sflag:s23], $0x8000  }
0x24: {  	[sflag:s23] =	ssyncset.done $0x0  }
0x25: {  	[sflag:s23] =	ssyncadd.s32 $0xFFFF8000  }
.LBB2_80:
0x26: {  	s25 =	sadd.s32 $0x1, s25  }
0x27: {  	p3 =	sne.s32 s25, $0x4  }
.Ltmp3:
0x28: {  	_ = 	snop;
	(pc) =	sbr.rel @!p3 .LBB2_81-.Ltmp3, $1  }
0x29: {  	_ =	sdelay $0x3  }
.LBB2_2:
0x2a: {  	s0 =	sshll.u32 s25, $0x5  }
0x2b: {  	s26 =	sor.u32 s8, s0  }
0x2c: {  	p3 =	sgt.u32 s26, $0x67  }
.Ltmp4:
0x2d: {  	_ = 	snop;
	(pc) =	sbr.rel @p3 .LBB2_80-.Ltmp4, $1  }
0x2e: {  	_ =	sdelay $0x3  }
0x2f: {  	p3 =	seq.s32 s26, $0x0  }
0x30: {  	p3 =	por !p0, !p3  }
0x31: {  	s0 =	simm.s32 $0x1;
	p3 =	por !p3, !p3  }
0x32: {  	s4 =	sshrl.u32 s26, $0x2;
	s0 =	simm.s32 @!p3 $0x0  }
0x33: {  	s0 =	ssub.s32 s4, s0  }
0x34: {  	s28 =	sshll.u32 s0, $0xC  }
0x35: {  	s30 =	sshrl.u32 s28, $0x3  }
0x36: {  	s4 =	sadd.s32 s5, s30  }
0x37: {  	[tilespmem:s17], [sflag:$0x4] =	stream.linear.gather [hbm4b:s4+s3], $0x1000, $0x38;
	[tilespmem:$0x1F080] =	vst v63  }
0x38: {  	s30 =	sshll.u32 s0, $0x4;
	_ =	swait.ge [sflag:s18], $0x1000  }
0x39: {  	s4 =	sand.u32 $0x1FFFFFF0, s30;
	[sflag:s18] =	ssyncset.done $0x0  }
0x3a: {  	s0 =	smul.u32 $0x30E000, s0;
	s4 =	sadd.s32 s6, s4;
	[sflag:s18] =	ssyncadd.s32 $0xFFFFF000  }
0x3b: {  	[tilespmem:s19], [sflag:$0x4] =	stream.linear.gather [hbm4b:s4+s3], $0x80, $0x38;
	[tilespmem:$0x1F080] =	vst v63  }
0x3c: {  	_ =	swait.ge [sflag:s18], $0x80  }
0x3d: {  	s29 =	sadd.s32 s10, s0;
	[sflag:s18] =	ssyncset.done $0x0  }
0x3e: {  	s0 =	sshrl.u32 s29, $0x3;
	[sflag:s18] =	ssyncadd.s32 $0xFFFFFF80  }
0x3f: {  	s30 =	sadd.s32 $0xB000, s29;
	s0 =	sadd.s32 s1, s0;
	v1 =	vld [tilespmem:$0x17000]  }
0x40: {  	v0 =	vld [tilespmem:$0x17010];
	[tilespmem:s3], [sflag:$0x1] =	stream.linear.gather [hbm4b:s0+s3], $0xB000, $0x38  }
0x41: {  	s0 =	sshrl.u32 s30, $0x3  }
0x42: {  	s0 =	sadd.s32 s1, s0  }
0x43: {  	[tilespmem:s20], [sflag:$0x2] =	stream.linear.gather [hbm4b:s0+s3], $0xB000, $0x38;
	[tilespmem:$0x1F080] =	vst v63  }
0x44: {  	_ =	swait.ge [sflag:s16], $0xB000  }
0x45: {  	(v2sf) =	vpush v1, $0x0  }
0x46: {  	(v2sf) =	vpush v1, $0x1;
	_ =	sdelay $0xd  }
0x47: {  	s4 =	spop (v2sf)  }
0x48: {  	s31 =	spop (v2sf)  }
0x49: {  	s30 =	sadd.s32 $0xF, s31  }
0x4a: {  	s0 =	sshra.s32 s4, $0x4;
	s4 =	sshra.s32 s30, $0x4  }
0x4b: {  	p3 =	sle.s32 s4, s0  }
.Ltmp5:
0x4c: {  	_ = 	snop;
	(pc) =	sbr.rel @p3 .LBB2_7-.Ltmp5, $3  }
0x4d: {  	_ =	sdelay $0x1  }
0x4e: {  	[sflag:s16] =	ssyncset.done $0x0  }
0x4f: {  	[sflag:s16] =	ssyncadd.s32 $0xFFFF5000  }
0x50: {  	s30 =	sshll.u32 s0, $0x6  }
0x51: {  	s30 =	sshra.s32 s30, $0x2  }
0x52: {  	s30 =	sadd.s32 $0x16000, s30  }
0x53: {  	v2 =	vld [tilespmem:s30+$0x0];
	_ =	sdelay $0x4  }
0x54: {  	v3 =	vshrl.u32 v2, $0xC  }
0x55: {  	v3 =	vmin.u32 v3, $0x15FF  }
0x56: {  	v4 =	vshll.u32 v3, $0x3  }
0x57: {  	v3 =	vand.u32 $0x7F, v3;
	v4 =	vand.u32 $0xFC00, v4  }
0x58: {  	v3 =	vor.u32 v3, v4;
	_ =	sdelay $0x2  }
0x59: {  	v4 =	vshll.u32 v2, $0x3  }
0x5a: {  	vm0 =	vlt.u32 v2, $0x1600000;
	v2 =	vand.u32 $0x7F, v2;
	v4 =	vand.u32 $0x7C00, v4  }
0x5b: {  	v4 =	vor.u32 v2, v4;
	v5 =	vld.idx.msk [tilespmem:v3+s3+$0x0], $0xffff  }
0x5c: {  	v2 =	vor.u32 $0x80, v3;
	_ =	sdelay $0x3  }
0x5d: {  	[tilespmem:v4+s21+$0x0] =	vst.idx.msk vm0, v5  }
0x5e: {  	v5 =	vor.u32 $0x80, v4;
	v2 =	vld.idx.msk [tilespmem:v2+s3+$0x0], $0xffff  }
0x5f: {  	v6 =	vor.u32 $0x100, v3;
	_ =	sdelay $0x3  }
0x60: {  	[tilespmem:v5+s21+$0x0] =	vst.idx.msk vm0, v2  }
0x61: {  	v5 =	vor.u32 $0x100, v4;
	v2 =	vld.idx.msk [tilespmem:v6+s3+$0x0], $0xffff  }
0x62: {  	v60 =	vor.u32 $0x180, v3;
	_ =	sdelay $0x3  }
0x63: {  	[tilespmem:v5+s21+$0x0] =	vst.idx.msk vm0, v2  }
0x64: {  	v5 =	vor.u32 $0x180, v4;
	v2 =	vld.idx.msk [tilespmem:v60+s3+$0x0], $0xffff  }
0x65: {  	v61 =	vor.u32 $0x200, v3;
	_ =	sdelay $0x3  }
0x66: {  	[tilespmem:v5+s21+$0x0] =	vst.idx.msk vm0, v2  }
0x67: {  	v5 =	vor.u32 $0x200, v4;
	v2 =	vld.idx.msk [tilespmem:v61+s3+$0x0], $0xffff  }
0x68: {  	v62 =	vor.u32 $0x280, v3;
	_ =	sdelay $0x3  }
0x69: {  	[tilespmem:v5+s21+$0x0] =	vst.idx.msk vm0, v2  }
0x6a: {  	v5 =	vor.u32 $0x280, v4;
	v2 =	vld.idx.msk [tilespmem:v62+s3+$0x0], $0xffff  }
0x6b: {  	v63 =	vor.u32 $0x300, v3;
	_ =	sdelay $0x3  }
0x6c: {  	[tilespmem:v5+s21+$0x0] =	vst.idx.msk vm0, v2  }
0x6d: {  	s4 =	ssub.s32 s4, s0;
	v5 =	vor.u32 $0x300, v4;
	v2 =	vld.idx.msk [tilespmem:v63+s3+$0x0], $0xffff  }
0x6e: {  	p3 =	sne.s32 s4, $0x1;
	v3 =	vor.u32 $0x380, v3  }
.Ltmp6:
0x6f: {  	_ = 	snop;
	(pc) =	sbr.rel @!p3 .LBB2_6-.Ltmp6, $3  }
0x70: {  	_ =	sdelay $0x1  }
0x71: {  	[tilespmem:v5+s21+$0x0] =	vst.idx.msk vm0, v2  }
0x72: {  	s0 =	sadd.s32 $0xFFFFFFFF, s4;
	v2 =	vld.idx.msk [tilespmem:v3+s3+$0x0], $0xffff;
	v3 =	vor.u32 $0x380, v4  }
.LBB2_5:
0x73: {  	_ =	sdelay $0x3  }
0x74: {  	p3 =	sne.s32 s0, $0x1;
	s0 =	sadd.s32 $0xFFFFFFFF, s0;
	s30 =	sadd.s32 $0x10, s30;
	[tilespmem:v3+s21+$0x0] =	vst.idx.msk vm0, v2  }
0x75: {  	v2 =	vld [tilespmem:s30+$0x0];
	_ =	sdelay $0x4  }
0x76: {  	v3 =	vshrl.u32 v2, $0xC;
	v4 =	vshll.u32 v2, $0x3  }
0x77: {  	v3 =	vmin.u32 v3, $0x15FF;
	v4 =	vand.u32 $0x7C00, v4  }
0x78: {  	v5 =	vshll.u32 v3, $0x3  }
0x79: {  	v3 =	vand.u32 $0x7F, v3;
	v5 =	vand.u32 $0xFC00, v5  }
0x7a: {  	v3 =	vor.u32 v3, v5;
	_ =	sdelay $0x4  }
0x7b: {  	vm0 =	vlt.u32 v2, $0x1600000;
	v2 =	vand.u32 $0x7F, v2;
	v5 =	vld.idx.msk [tilespmem:v3+s3+$0x0], $0xffff  }
0x7c: {  	v4 =	vor.u32 v2, v4  }
0x7d: {  	v2 =	vor.u32 $0x80, v3;
	_ =	sdelay $0x3  }
0x7e: {  	[tilespmem:v4+s21+$0x0] =	vst.idx.msk vm0, v5  }
0x7f: {  	v2 =	vld.idx.msk [tilespmem:v2+s3+$0x0], $0xffff  }
0x80: {  	v5 =	vor.u32 $0x80, v4  }
0x81: {  	v6 =	vor.u32 $0x100, v3;
	_ =	sdelay $0x3  }
0x82: {  	[tilespmem:v5+s21+$0x0] =	vst.idx.msk vm0, v2  }
0x83: {  	v2 =	vld.idx.msk [tilespmem:v6+s3+$0x0], $0xffff  }
0x84: {  	v5 =	vor.u32 $0x100, v4  }
0x85: {  	v6 =	vor.u32 $0x180, v3;
	_ =	sdelay $0x3  }
0x86: {  	[tilespmem:v5+s21+$0x0] =	vst.idx.msk vm0, v2  }
0x87: {  	v2 =	vld.idx.msk [tilespmem:v6+s3+$0x0], $0xffff  }
0x88: {  	v5 =	vor.u32 $0x180, v4  }
0x89: {  	v6 =	vor.u32 $0x200, v3;
	_ =	sdelay $0x3  }
0x8a: {  	[tilespmem:v5+s21+$0x0] =	vst.idx.msk vm0, v2  }
0x8b: {  	v2 =	vld.idx.msk [tilespmem:v6+s3+$0x0], $0xffff  }
0x8c: {  	v5 =	vor.u32 $0x200, v4  }
0x8d: {  	v6 =	vor.u32 $0x280, v3;
	_ =	sdelay $0x3  }
0x8e: {  	[tilespmem:v5+s21+$0x0] =	vst.idx.msk vm0, v2  }
0x8f: {  	v2 =	vld.idx.msk [tilespmem:v6+s3+$0x0], $0xffff  }
0x90: {  	v5 =	vor.u32 $0x280, v4  }
0x91: {  	v6 =	vor.u32 $0x300, v3;
	_ =	sdelay $0x3  }
0x92: {  	[tilespmem:v5+s21+$0x0] =	vst.idx.msk vm0, v2  }
0x93: {  	v2 =	vld.idx.msk [tilespmem:v6+s3+$0x0], $0xffff  }
0x94: {  	v5 =	vor.u32 $0x300, v4  }
0x95: {  	v3 =	vor.u32 $0x380, v3;
	_ =	sdelay $0x1  }
.Ltmp7:
0x96: {  	(pc) =	sbr.rel @p3 .LBB2_5-.Ltmp7, $4  }
0x97: {  	_ = 	snop  }
0x98: {  	[tilespmem:v5+s21+$0x0] =	vst.idx.msk vm0, v2  }
0x99: {  	v2 =	vld.idx.msk [tilespmem:v3+s3+$0x0], $0xffff  }
0x9a: {  	v3 =	vor.u32 $0x380, v4  }
.LBB2_6:
0x9b: {  	_ =	sdelay $0x4  }
0x9c: {  	[tilespmem:v3+s21+$0x0] =	vst.idx.msk vm0, v2  }
.LBB2_7:
0x9d: {  	s0 =	sadd.s32 $0x16000, s29  }
0x9e: {  	s0 =	sshrl.u32 s0, $0x3  }
0x9f: {  	s0 =	sadd.s32 s1, s0  }
0xa0: {  	[tilespmem:s3], [sflag:$0x1] =	stream.linear.gather [hbm4b:s0+s3], $0xB000, $0x38;
	[tilespmem:$0x1F080] =	vst v63  }
0xa1: {  	_ =	swait.ge [sflag:s22], $0xB000  }
0xa2: {  	(v2sf) =	vpush v1, $0x2;
	_ =	sdelay $0xe  }
0xa3: {  	s30 =	spop (v2sf)  }
0xa4: {  	s4 =	sadd.s32 $0xF, s30  }
0xa5: {  	s0 =	sshra.s32 s31, $0x4;
	s4 =	sshra.s32 s4, $0x4  }
0xa6: {  	p3 =	sle.s32 s4, s0  }
.Ltmp8:
0xa7: {  	_ = 	snop;
	(pc) =	sbr.rel @p3 .LBB2_11-.Ltmp8, $3  }
0xa8: {  	_ =	sdelay $0x1  }
0xa9: {  	[sflag:s22] =	ssyncset.done $0x0  }
0xaa: {  	[sflag:s22] =	ssyncadd.s32 $0xFFFF5000  }
0xab: {  	s31 =	sshll.u32 s0, $0x6  }
0xac: {  	s31 =	sshra.s32 s31, $0x2  }
0xad: {  	s31 =	sadd.s32 $0x16000, s31  }
0xae: {  	v2 =	vld [tilespmem:s31+$0x0];
	_ =	sdelay $0x4  }
0xaf: {  	v3 =	vshrl.u32 v2, $0xC  }
0xb0: {  	v3 =	vmax.u32 v3, $0x1600  }
0xb1: {  	v3 =	vmin.u32 v3, $0x2BFF  }
0xb2: {  	v4 =	vshll.u32 v3, $0x3  }
0xb3: {  	v3 =	vand.u32 $0x7F, v3;
	v4 =	vand.u32 $0x1FC00, v4  }
0xb4: {  	v3 =	vor.u32 v3, v4  }
0xb5: {  	v4 =	vadd.s32 $0xFFFF5000, v3;
	_ =	sdelay $0x2  }
0xb6: {  	v5 =	vadd.s32 $0xFEA00000, v2;
	v6 =	vshll.u32 v2, $0x3  }
0xb7: {  	v2 =	vand.u32 $0x7F, v2;
	v6 =	vand.u32 $0x7C00, v6;
	vm0 =	vlt.u32 v5, $0x1600000  }
0xb8: {  	v5 =	vor.u32 v2, v6;
	v4 =	vld.idx.msk [tilespmem:v4+s20+$0x0], $0xffff  }
0xb9: {  	v2 =	vadd.s32 $0xFFFF5080, v3;
	_ =	sdelay $0x3  }
0xba: {  	[tilespmem:v5+s21+$0x0] =	vst.idx.msk vm0, v4  }
0xbb: {  	v4 =	vor.u32 $0x80, v5;
	v2 =	vld.idx.msk [tilespmem:v2+s20+$0x0], $0xffff  }
0xbc: {  	v59 =	vadd.s32 $0xFFFF5100, v3;
	_ =	sdelay $0x3  }
0xbd: {  	[tilespmem:v4+s21+$0x0] =	vst.idx.msk vm0, v2  }
0xbe: {  	v4 =	vor.u32 $0x100, v5;
	v2 =	vld.idx.msk [tilespmem:v59+s20+$0x0], $0xffff  }
0xbf: {  	v60 =	vadd.s32 $0xFFFF5180, v3;
	_ =	sdelay $0x3  }
0xc0: {  	[tilespmem:v4+s21+$0x0] =	vst.idx.msk vm0, v2  }
0xc1: {  	v4 =	vor.u32 $0x180, v5;
	v2 =	vld.idx.msk [tilespmem:v60+s20+$0x0], $0xffff  }
0xc2: {  	v61 =	vadd.s32 $0xFFFF5200, v3;
	_ =	sdelay $0x3  }
0xc3: {  	[tilespmem:v4+s21+$0x0] =	vst.idx.msk vm0, v2  }
0xc4: {  	v4 =	vor.u32 $0x200, v5;
	v2 =	vld.idx.msk [tilespmem:v61+s20+$0x0], $0xffff  }
0xc5: {  	v62 =	vadd.s32 $0xFFFF5280, v3;
	_ =	sdelay $0x3  }
0xc6: {  	[tilespmem:v4+s21+$0x0] =	vst.idx.msk vm0, v2  }
0xc7: {  	v4 =	vor.u32 $0x280, v5;
	v2 =	vld.idx.msk [tilespmem:v62+s20+$0x0], $0xffff  }
0xc8: {  	v63 =	vadd.s32 $0xFFFF5300, v3;
	_ =	sdelay $0x3  }
0xc9: {  	[tilespmem:v4+s21+$0x0] =	vst.idx.msk vm0, v2  }
0xca: {  	s4 =	ssub.s32 s4, s0;
	v4 =	vor.u32 $0x300, v5;
	v2 =	vld.idx.msk [tilespmem:v63+s20+$0x0], $0xffff  }
0xcb: {  	p3 =	sne.s32 s4, $0x1;
	v3 =	vadd.s32 $0xFFFF5380, v3  }
.Ltmp9:
0xcc: {  	_ = 	snop;
	(pc) =	sbr.rel @!p3 .LBB2_10-.Ltmp9, $3  }
0xcd: {  	_ =	sdelay $0x1  }
0xce: {  	[tilespmem:v4+s21+$0x0] =	vst.idx.msk vm0, v2  }
0xcf: {  	s0 =	sadd.s32 $0xFFFFFFFF, s4;
	v2 =	vld.idx.msk [tilespmem:v3+s20+$0x0], $0xffff;
	v3 =	vor.u32 $0x380, v5  }
.LBB2_9:
0xd0: {  	_ =	sdelay $0x3  }
0xd1: {  	p3 =	sne.s32 s0, $0x1;
	s0 =	sadd.s32 $0xFFFFFFFF, s0;
	s31 =	sadd.s32 $0x10, s31;
	[tilespmem:v3+s21+$0x0] =	vst.idx.msk vm0, v2  }
0xd2: {  	v2 =	vld [tilespmem:s31+$0x0];
	_ =	sdelay $0x4  }
0xd3: {  	v3 =	vshrl.u32 v2, $0xC;
	v4 =	vadd.s32 $0xFEA00000, v2;
	v5 =	vshll.u32 v2, $0x3  }
0xd4: {  	v3 =	vmax.u32 v3, $0x1600;
	v5 =	vand.u32 $0x7C00, v5  }
0xd5: {  	v3 =	vmin.u32 v3, $0x2BFF  }
0xd6: {  	v6 =	vshll.u32 v3, $0x3  }
0xd7: {  	v3 =	vand.u32 $0x7F, v3;
	v6 =	vand.u32 $0x1FC00, v6  }
0xd8: {  	v3 =	vor.u32 v3, v6  }
0xd9: {  	v6 =	vadd.s32 $0xFFFF5000, v3;
	_ =	sdelay $0x4  }
0xda: {  	v2 =	vand.u32 $0x7F, v2;
	vm0 =	vlt.u32 v4, $0x1600000;
	v4 =	vld.idx.msk [tilespmem:v6+s20+$0x0], $0xffff  }
0xdb: {  	v5 =	vor.u32 v2, v5  }
0xdc: {  	v2 =	vadd.s32 $0xFFFF5080, v3;
	_ =	sdelay $0x3  }
0xdd: {  	[tilespmem:v5+s21+$0x0] =	vst.idx.msk vm0, v4  }
0xde: {  	v2 =	vld.idx.msk [tilespmem:v2+s20+$0x0], $0xffff  }
0xdf: {  	v4 =	vor.u32 $0x80, v5  }
0xe0: {  	v6 =	vadd.s32 $0xFFFF5100, v3;
	_ =	sdelay $0x3  }
0xe1: {  	[tilespmem:v4+s21+$0x0] =	vst.idx.msk vm0, v2  }
0xe2: {  	v2 =	vld.idx.msk [tilespmem:v6+s20+$0x0], $0xffff  }
0xe3: {  	v4 =	vor.u32 $0x100, v5  }
0xe4: {  	v6 =	vadd.s32 $0xFFFF5180, v3;
	_ =	sdelay $0x3  }
0xe5: {  	[tilespmem:v4+s21+$0x0] =	vst.idx.msk vm0, v2  }
0xe6: {  	v2 =	vld.idx.msk [tilespmem:v6+s20+$0x0], $0xffff  }
0xe7: {  	v4 =	vor.u32 $0x180, v5  }
0xe8: {  	v6 =	vadd.s32 $0xFFFF5200, v3;
	_ =	sdelay $0x3  }
0xe9: {  	[tilespmem:v4+s21+$0x0] =	vst.idx.msk vm0, v2  }
0xea: {  	v2 =	vld.idx.msk [tilespmem:v6+s20+$0x0], $0xffff  }
0xeb: {  	v4 =	vor.u32 $0x200, v5  }
0xec: {  	v6 =	vadd.s32 $0xFFFF5280, v3;
	_ =	sdelay $0x3  }
0xed: {  	[tilespmem:v4+s21+$0x0] =	vst.idx.msk vm0, v2  }
0xee: {  	v2 =	vld.idx.msk [tilespmem:v6+s20+$0x0], $0xffff  }
0xef: {  	v4 =	vor.u32 $0x280, v5  }
0xf0: {  	v6 =	vadd.s32 $0xFFFF5300, v3;
	_ =	sdelay $0x3  }
0xf1: {  	[tilespmem:v4+s21+$0x0] =	vst.idx.msk vm0, v2  }
0xf2: {  	v2 =	vld.idx.msk [tilespmem:v6+s20+$0x0], $0xffff  }
0xf3: {  	v4 =	vor.u32 $0x300, v5  }
0xf4: {  	v3 =	vadd.s32 $0xFFFF5380, v3;
	_ =	sdelay $0x1  }
.Ltmp10:
0xf5: {  	(pc) =	sbr.rel @p3 .LBB2_9-.Ltmp10, $4  }
0xf6: {  	_ = 	snop  }
0xf7: {  	[tilespmem:v4+s21+$0x0] =	vst.idx.msk vm0, v2  }
0xf8: {  	v2 =	vld.idx.msk [tilespmem:v3+s20+$0x0], $0xffff  }
0xf9: {  	v3 =	vor.u32 $0x380, v5  }
.LBB2_10:
0xfa: {  	_ =	sdelay $0x4  }
0xfb: {  	[tilespmem:v3+s21+$0x0] =	vst.idx.msk vm0, v2  }
.LBB2_11:
0xfc: {  	s0 =	sadd.s32 $0x21000, s29  }
0xfd: {  	s0 =	sshrl.u32 s0, $0x3  }
0xfe: {  	s0 =	sadd.s32 s1, s0  }
0xff: {  	[tilespmem:s20], [sflag:$0x2] =	stream.linear.gather [hbm4b:s0+s3], $0xB000, $0x38;
	[tilespmem:$0x1F080] =	vst v63  }
0x100: {  	_ =	swait.ge [sflag:s16], $0xB000  }
0x101: {  	(v2sf) =	vpush v1, $0x3;
	_ =	sdelay $0xe  }
0x102: {  	s31 =	spop (v2sf)  }
0x103: {  	s4 =	sadd.s32 $0xF, s31  }
0x104: {  	s0 =	sshra.s32 s30, $0x4;
	s4 =	sshra.s32 s4, $0x4  }
0x105: {  	p3 =	sle.s32 s4, s0  }
.Ltmp11:
0x106: {  	_ = 	snop;
	(pc) =	sbr.rel @p3 .LBB2_15-.Ltmp11, $3  }
0x107: {  	_ =	sdelay $0x1  }
0x108: {  	[sflag:s16] =	ssyncset.done $0x0  }
0x109: {  	[sflag:s16] =	ssyncadd.s32 $0xFFFF5000  }
0x10a: {  	s30 =	sshll.u32 s0, $0x6  }
0x10b: {  	s30 =	sshra.s32 s30, $0x2  }
0x10c: {  	s30 =	sadd.s32 $0x16000, s30  }
0x10d: {  	v2 =	vld [tilespmem:s30+$0x0];
	_ =	sdelay $0x4  }
0x10e: {  	v3 =	vshrl.u32 v2, $0xC  }
0x10f: {  	v3 =	vmax.u32 v3, $0x2C00  }
0x110: {  	v3 =	vmin.u32 v3, $0x41FF  }
0x111: {  	v4 =	vshll.u32 v3, $0x3  }
0x112: {  	v3 =	vand.u32 $0x7F, v3;
	v4 =	vand.u32 $0x3FC00, v4  }
0x113: {  	v3 =	vor.u32 v3, v4  }
0x114: {  	v4 =	vadd.s32 $0xFFFEA000, v3;
	_ =	sdelay $0x2  }
0x115: {  	v5 =	vadd.s32 $0xFD400000, v2;
	v6 =	vshll.u32 v2, $0x3  }
0x116: {  	v2 =	vand.u32 $0x7F, v2;
	v6 =	vand.u32 $0x7C00, v6;
	vm0 =	vlt.u32 v5, $0x1600000  }
0x117: {  	v5 =	vor.u32 v2, v6;
	v4 =	vld.idx.msk [tilespmem:v4+s3+$0x0], $0xffff  }
0x118: {  	v2 =	vadd.s32 $0xFFFEA080, v3;
	_ =	sdelay $0x3  }
0x119: {  	[tilespmem:v5+s21+$0x0] =	vst.idx.msk vm0, v4  }
0x11a: {  	v4 =	vor.u32 $0x80, v5;
	v2 =	vld.idx.msk [tilespmem:v2+s3+$0x0], $0xffff  }
0x11b: {  	v59 =	vadd.s32 $0xFFFEA100, v3;
	_ =	sdelay $0x3  }
0x11c: {  	[tilespmem:v4+s21+$0x0] =	vst.idx.msk vm0, v2  }
0x11d: {  	v4 =	vor.u32 $0x100, v5;
	v2 =	vld.idx.msk [tilespmem:v59+s3+$0x0], $0xffff  }
0x11e: {  	v60 =	vadd.s32 $0xFFFEA180, v3;
	_ =	sdelay $0x3  }
0x11f: {  	[tilespmem:v4+s21+$0x0] =	vst.idx.msk vm0, v2  }
0x120: {  	v4 =	vor.u32 $0x180, v5;
	v2 =	vld.idx.msk [tilespmem:v60+s3+$0x0], $0xffff  }
0x121: {  	v61 =	vadd.s32 $0xFFFEA200, v3;
	_ =	sdelay $0x3  }
0x122: {  	[tilespmem:v4+s21+$0x0] =	vst.idx.msk vm0, v2  }
0x123: {  	v4 =	vor.u32 $0x200, v5;
	v2 =	vld.idx.msk [tilespmem:v61+s3+$0x0], $0xffff  }
0x124: {  	v62 =	vadd.s32 $0xFFFEA280, v3;
	_ =	sdelay $0x3  }
0x125: {  	[tilespmem:v4+s21+$0x0] =	vst.idx.msk vm0, v2  }
0x126: {  	v4 =	vor.u32 $0x280, v5;
	v2 =	vld.idx.msk [tilespmem:v62+s3+$0x0], $0xffff  }
0x127: {  	v63 =	vadd.s32 $0xFFFEA300, v3;
	_ =	sdelay $0x3  }
0x128: {  	[tilespmem:v4+s21+$0x0] =	vst.idx.msk vm0, v2  }
0x129: {  	s4 =	ssub.s32 s4, s0;
	v4 =	vor.u32 $0x300, v5;
	v2 =	vld.idx.msk [tilespmem:v63+s3+$0x0], $0xffff  }
0x12a: {  	p3 =	sne.s32 s4, $0x1;
	v3 =	vadd.s32 $0xFFFEA380, v3  }
.Ltmp12:
0x12b: {  	_ = 	snop;
	(pc) =	sbr.rel @!p3 .LBB2_14-.Ltmp12, $3  }
0x12c: {  	_ =	sdelay $0x1  }
0x12d: {  	[tilespmem:v4+s21+$0x0] =	vst.idx.msk vm0, v2  }
0x12e: {  	s0 =	sadd.s32 $0xFFFFFFFF, s4;
	v2 =	vld.idx.msk [tilespmem:v3+s3+$0x0], $0xffff;
	v3 =	vor.u32 $0x380, v5  }
.LBB2_13:
0x12f: {  	_ =	sdelay $0x3  }
0x130: {  	p3 =	sne.s32 s0, $0x1;
	s0 =	sadd.s32 $0xFFFFFFFF, s0;
	s30 =	sadd.s32 $0x10, s30;
	[tilespmem:v3+s21+$0x0] =	vst.idx.msk vm0, v2  }
0x131: {  	v2 =	vld [tilespmem:s30+$0x0];
	_ =	sdelay $0x4  }
0x132: {  	v3 =	vshrl.u32 v2, $0xC;
	v4 =	vadd.s32 $0xFD400000, v2;
	v5 =	vshll.u32 v2, $0x3  }
0x133: {  	v3 =	vmax.u32 v3, $0x2C00;
	v5 =	vand.u32 $0x7C00, v5  }
0x134: {  	v3 =	vmin.u32 v3, $0x41FF  }
0x135: {  	v6 =	vshll.u32 v3, $0x3  }
0x136: {  	v3 =	vand.u32 $0x7F, v3;
	v6 =	vand.u32 $0x3FC00, v6  }
0x137: {  	v3 =	vor.u32 v3, v6  }
0x138: {  	v6 =	vadd.s32 $0xFFFEA000, v3;
	_ =	sdelay $0x4  }
0x139: {  	v2 =	vand.u32 $0x7F, v2;
	vm0 =	vlt.u32 v4, $0x1600000;
	v4 =	vld.idx.msk [tilespmem:v6+s3+$0x0], $0xffff  }
0x13a: {  	v5 =	vor.u32 v2, v5  }
0x13b: {  	v2 =	vadd.s32 $0xFFFEA080, v3;
	_ =	sdelay $0x3  }
0x13c: {  	[tilespmem:v5+s21+$0x0] =	vst.idx.msk vm0, v4  }
0x13d: {  	v2 =	vld.idx.msk [tilespmem:v2+s3+$0x0], $0xffff  }
0x13e: {  	v4 =	vor.u32 $0x80, v5  }
0x13f: {  	v6 =	vadd.s32 $0xFFFEA100, v3;
	_ =	sdelay $0x3  }
0x140: {  	[tilespmem:v4+s21+$0x0] =	vst.idx.msk vm0, v2  }
0x141: {  	v2 =	vld.idx.msk [tilespmem:v6+s3+$0x0], $0xffff  }
0x142: {  	v4 =	vor.u32 $0x100, v5  }
0x143: {  	v6 =	vadd.s32 $0xFFFEA180, v3;
	_ =	sdelay $0x3  }
0x144: {  	[tilespmem:v4+s21+$0x0] =	vst.idx.msk vm0, v2  }
0x145: {  	v2 =	vld.idx.msk [tilespmem:v6+s3+$0x0], $0xffff  }
0x146: {  	v4 =	vor.u32 $0x180, v5  }
0x147: {  	v6 =	vadd.s32 $0xFFFEA200, v3;
	_ =	sdelay $0x3  }
0x148: {  	[tilespmem:v4+s21+$0x0] =	vst.idx.msk vm0, v2  }
0x149: {  	v2 =	vld.idx.msk [tilespmem:v6+s3+$0x0], $0xffff  }
0x14a: {  	v4 =	vor.u32 $0x200, v5  }
0x14b: {  	v6 =	vadd.s32 $0xFFFEA280, v3;
	_ =	sdelay $0x3  }
0x14c: {  	[tilespmem:v4+s21+$0x0] =	vst.idx.msk vm0, v2  }
0x14d: {  	v2 =	vld.idx.msk [tilespmem:v6+s3+$0x0], $0xffff  }
0x14e: {  	v4 =	vor.u32 $0x280, v5  }
0x14f: {  	v6 =	vadd.s32 $0xFFFEA300, v3;
	_ =	sdelay $0x3  }
0x150: {  	[tilespmem:v4+s21+$0x0] =	vst.idx.msk vm0, v2  }
0x151: {  	v2 =	vld.idx.msk [tilespmem:v6+s3+$0x0], $0xffff  }
0x152: {  	v4 =	vor.u32 $0x300, v5  }
0x153: {  	v3 =	vadd.s32 $0xFFFEA380, v3;
	_ =	sdelay $0x1  }
.Ltmp13:
0x154: {  	(pc) =	sbr.rel @p3 .LBB2_13-.Ltmp13, $4  }
0x155: {  	_ = 	snop  }
0x156: {  	[tilespmem:v4+s21+$0x0] =	vst.idx.msk vm0, v2  }
0x157: {  	v2 =	vld.idx.msk [tilespmem:v3+s3+$0x0], $0xffff  }
0x158: {  	v3 =	vor.u32 $0x380, v5  }
.LBB2_14:
0x159: {  	_ =	sdelay $0x4  }
0x15a: {  	[tilespmem:v3+s21+$0x0] =	vst.idx.msk vm0, v2  }
.LBB2_15:
0x15b: {  	s0 =	sadd.s32 $0x2C000, s29  }
0x15c: {  	s0 =	sshrl.u32 s0, $0x3  }
0x15d: {  	s0 =	sadd.s32 s1, s0  }
0x15e: {  	[tilespmem:s3], [sflag:$0x1] =	stream.linear.gather [hbm4b:s0+s3], $0xB000, $0x38;
	[tilespmem:$0x1F080] =	vst v63  }
0x15f: {  	_ =	swait.ge [sflag:s22], $0xB000  }
0x160: {  	(v2sf) =	vpush v1, $0x4;
	_ =	sdelay $0xe  }
0x161: {  	s30 =	spop (v2sf)  }
0x162: {  	s4 =	sadd.s32 $0xF, s30  }
0x163: {  	s0 =	sshra.s32 s31, $0x4;
	s4 =	sshra.s32 s4, $0x4  }
0x164: {  	p3 =	sle.s32 s4, s0  }
.Ltmp14:
0x165: {  	_ = 	snop;
	(pc) =	sbr.rel @p3 .LBB2_19-.Ltmp14, $3  }
0x166: {  	_ =	sdelay $0x1  }
0x167: {  	[sflag:s22] =	ssyncset.done $0x0  }
0x168: {  	[sflag:s22] =	ssyncadd.s32 $0xFFFF5000  }
0x169: {  	s31 =	sshll.u32 s0, $0x6  }
0x16a: {  	s31 =	sshra.s32 s31, $0x2  }
0x16b: {  	s31 =	sadd.s32 $0x16000, s31  }
0x16c: {  	v2 =	vld [tilespmem:s31+$0x0];
	_ =	sdelay $0x4  }
0x16d: {  	v3 =	vshrl.u32 v2, $0xC  }
0x16e: {  	v3 =	vmax.u32 v3, $0x4200  }
0x16f: {  	v3 =	vmin.u32 v3, $0x57FF  }
0x170: {  	v4 =	vshll.u32 v3, $0x3  }
0x171: {  	v3 =	vand.u32 $0x7F, v3;
	v4 =	vand.u32 $0x2FC00, v4  }
0x172: {  	v3 =	vor.u32 v3, v4  }
0x173: {  	v4 =	vadd.s32 $0xFFFDF000, v3;
	_ =	sdelay $0x2  }
0x174: {  	v5 =	vadd.s32 $0xFBE00000, v2;
	v6 =	vshll.u32 v2, $0x3  }
0x175: {  	v2 =	vand.u32 $0x7F, v2;
	v6 =	vand.u32 $0x7C00, v6;
	vm0 =	vlt.u32 v5, $0x1600000  }
0x176: {  	v5 =	vor.u32 v2, v6;
	v4 =	vld.idx.msk [tilespmem:v4+s20+$0x0], $0xffff  }
0x177: {  	v2 =	vadd.s32 $0xFFFDF080, v3;
	_ =	sdelay $0x3  }
0x178: {  	[tilespmem:v5+s21+$0x0] =	vst.idx.msk vm0, v4  }
0x179: {  	v4 =	vor.u32 $0x80, v5;
	v2 =	vld.idx.msk [tilespmem:v2+s20+$0x0], $0xffff  }
0x17a: {  	v59 =	vadd.s32 $0xFFFDF100, v3;
	_ =	sdelay $0x3  }
0x17b: {  	[tilespmem:v4+s21+$0x0] =	vst.idx.msk vm0, v2  }
0x17c: {  	v4 =	vor.u32 $0x100, v5;
	v2 =	vld.idx.msk [tilespmem:v59+s20+$0x0], $0xffff  }
0x17d: {  	v60 =	vadd.s32 $0xFFFDF180, v3;
	_ =	sdelay $0x3  }
0x17e: {  	[tilespmem:v4+s21+$0x0] =	vst.idx.msk vm0, v2  }
0x17f: {  	v4 =	vor.u32 $0x180, v5;
	v2 =	vld.idx.msk [tilespmem:v60+s20+$0x0], $0xffff  }
0x180: {  	v61 =	vadd.s32 $0xFFFDF200, v3;
	_ =	sdelay $0x3  }
0x181: {  	[tilespmem:v4+s21+$0x0] =	vst.idx.msk vm0, v2  }
0x182: {  	v4 =	vor.u32 $0x200, v5;
	v2 =	vld.idx.msk [tilespmem:v61+s20+$0x0], $0xffff  }
0x183: {  	v62 =	vadd.s32 $0xFFFDF280, v3;
	_ =	sdelay $0x3  }
0x184: {  	[tilespmem:v4+s21+$0x0] =	vst.idx.msk vm0, v2  }
0x185: {  	v4 =	vor.u32 $0x280, v5;
	v2 =	vld.idx.msk [tilespmem:v62+s20+$0x0], $0xffff  }
0x186: {  	v63 =	vadd.s32 $0xFFFDF300, v3;
	_ =	sdelay $0x3  }
0x187: {  	[tilespmem:v4+s21+$0x0] =	vst.idx.msk vm0, v2  }
0x188: {  	s4 =	ssub.s32 s4, s0;
	v4 =	vor.u32 $0x300, v5;
	v2 =	vld.idx.msk [tilespmem:v63+s20+$0x0], $0xffff  }
0x189: {  	p3 =	sne.s32 s4, $0x1;
	v3 =	vadd.s32 $0xFFFDF380, v3  }
.Ltmp15:
0x18a: {  	_ = 	snop;
	(pc) =	sbr.rel @!p3 .LBB2_18-.Ltmp15, $3  }
0x18b: {  	_ =	sdelay $0x1  }
0x18c: {  	[tilespmem:v4+s21+$0x0] =	vst.idx.msk vm0, v2  }
0x18d: {  	s0 =	sadd.s32 $0xFFFFFFFF, s4;
	v2 =	vld.idx.msk [tilespmem:v3+s20+$0x0], $0xffff;
	v3 =	vor.u32 $0x380, v5  }
.LBB2_17:
0x18e: {  	_ =	sdelay $0x3  }
0x18f: {  	p3 =	sne.s32 s0, $0x1;
	s0 =	sadd.s32 $0xFFFFFFFF, s0;
	s31 =	sadd.s32 $0x10, s31;
	[tilespmem:v3+s21+$0x0] =	vst.idx.msk vm0, v2  }
0x190: {  	v2 =	vld [tilespmem:s31+$0x0];
	_ =	sdelay $0x4  }
0x191: {  	v3 =	vshrl.u32 v2, $0xC;
	v4 =	vadd.s32 $0xFBE00000, v2;
	v5 =	vshll.u32 v2, $0x3  }
0x192: {  	v3 =	vmax.u32 v3, $0x4200;
	v5 =	vand.u32 $0x7C00, v5  }
0x193: {  	v3 =	vmin.u32 v3, $0x57FF  }
0x194: {  	v6 =	vshll.u32 v3, $0x3  }
0x195: {  	v3 =	vand.u32 $0x7F, v3;
	v6 =	vand.u32 $0x2FC00, v6  }
0x196: {  	v3 =	vor.u32 v3, v6  }
0x197: {  	v6 =	vadd.s32 $0xFFFDF000, v3;
	_ =	sdelay $0x4  }
0x198: {  	v2 =	vand.u32 $0x7F, v2;
	vm0 =	vlt.u32 v4, $0x1600000;
	v4 =	vld.idx.msk [tilespmem:v6+s20+$0x0], $0xffff  }
0x199: {  	v5 =	vor.u32 v2, v5  }
0x19a: {  	v2 =	vadd.s32 $0xFFFDF080, v3;
	_ =	sdelay $0x3  }
0x19b: {  	[tilespmem:v5+s21+$0x0] =	vst.idx.msk vm0, v4  }
0x19c: {  	v2 =	vld.idx.msk [tilespmem:v2+s20+$0x0], $0xffff  }
0x19d: {  	v4 =	vor.u32 $0x80, v5  }
0x19e: {  	v6 =	vadd.s32 $0xFFFDF100, v3;
	_ =	sdelay $0x3  }
0x19f: {  	[tilespmem:v4+s21+$0x0] =	vst.idx.msk vm0, v2  }
0x1a0: {  	v2 =	vld.idx.msk [tilespmem:v6+s20+$0x0], $0xffff  }
0x1a1: {  	v4 =	vor.u32 $0x100, v5  }
0x1a2: {  	v6 =	vadd.s32 $0xFFFDF180, v3;
	_ =	sdelay $0x3  }
0x1a3: {  	[tilespmem:v4+s21+$0x0] =	vst.idx.msk vm0, v2  }
0x1a4: {  	v2 =	vld.idx.msk [tilespmem:v6+s20+$0x0], $0xffff  }
0x1a5: {  	v4 =	vor.u32 $0x180, v5  }
0x1a6: {  	v6 =	vadd.s32 $0xFFFDF200, v3;
	_ =	sdelay $0x3  }
0x1a7: {  	[tilespmem:v4+s21+$0x0] =	vst.idx.msk vm0, v2  }
0x1a8: {  	v2 =	vld.idx.msk [tilespmem:v6+s20+$0x0], $0xffff  }
0x1a9: {  	v4 =	vor.u32 $0x200, v5  }
0x1aa: {  	v6 =	vadd.s32 $0xFFFDF280, v3;
	_ =	sdelay $0x3  }
0x1ab: {  	[tilespmem:v4+s21+$0x0] =	vst.idx.msk vm0, v2  }
0x1ac: {  	v2 =	vld.idx.msk [tilespmem:v6+s20+$0x0], $0xffff  }
0x1ad: {  	v4 =	vor.u32 $0x280, v5  }
0x1ae: {  	v6 =	vadd.s32 $0xFFFDF300, v3;
	_ =	sdelay $0x3  }
0x1af: {  	[tilespmem:v4+s21+$0x0] =	vst.idx.msk vm0, v2  }
0x1b0: {  	v2 =	vld.idx.msk [tilespmem:v6+s20+$0x0], $0xffff  }
0x1b1: {  	v4 =	vor.u32 $0x300, v5  }
0x1b2: {  	v3 =	vadd.s32 $0xFFFDF380, v3;
	_ =	sdelay $0x1  }
.Ltmp16:
0x1b3: {  	(pc) =	sbr.rel @p3 .LBB2_17-.Ltmp16, $4  }
0x1b4: {  	_ = 	snop  }
0x1b5: {  	[tilespmem:v4+s21+$0x0] =	vst.idx.msk vm0, v2  }
0x1b6: {  	v2 =	vld.idx.msk [tilespmem:v3+s20+$0x0], $0xffff  }
0x1b7: {  	v3 =	vor.u32 $0x380, v5  }
.LBB2_18:
0x1b8: {  	_ =	sdelay $0x4  }
0x1b9: {  	[tilespmem:v3+s21+$0x0] =	vst.idx.msk vm0, v2  }
.LBB2_19:
0x1ba: {  	s0 =	sadd.s32 $0x37000, s29  }
0x1bb: {  	s0 =	sshrl.u32 s0, $0x3  }
0x1bc: {  	s0 =	sadd.s32 s1, s0  }
0x1bd: {  	[tilespmem:s20], [sflag:$0x2] =	stream.linear.gather [hbm4b:s0+s3], $0xB000, $0x38;
	[tilespmem:$0x1F080] =	vst v63  }
0x1be: {  	_ =	swait.ge [sflag:s16], $0xB000  }
0x1bf: {  	(v2sf) =	vpush v1, $0x5;
	_ =	sdelay $0xe  }
0x1c0: {  	s31 =	spop (v2sf)  }
0x1c1: {  	s4 =	sadd.s32 $0xF, s31  }
0x1c2: {  	s0 =	sshra.s32 s30, $0x4;
	s4 =	sshra.s32 s4, $0x4  }
0x1c3: {  	p3 =	sle.s32 s4, s0  }
.Ltmp17:
0x1c4: {  	_ = 	snop;
	(pc) =	sbr.rel @p3 .LBB2_23-.Ltmp17, $3  }
0x1c5: {  	_ =	sdelay $0x1  }
0x1c6: {  	[sflag:s16] =	ssyncset.done $0x0  }
0x1c7: {  	[sflag:s16] =	ssyncadd.s32 $0xFFFF5000  }
0x1c8: {  	s30 =	sshll.u32 s0, $0x6  }
0x1c9: {  	s30 =	sshra.s32 s30, $0x2  }
0x1ca: {  	s30 =	sadd.s32 $0x16000, s30  }
0x1cb: {  	v2 =	vld [tilespmem:s30+$0x0];
	_ =	sdelay $0x4  }
0x1cc: {  	v3 =	vshrl.u32 v2, $0xC  }
0x1cd: {  	v3 =	vmax.u32 v3, $0x5800  }
0x1ce: {  	v3 =	vmin.u32 v3, $0x6DFF  }
0x1cf: {  	v4 =	vshll.u32 v3, $0x3  }
0x1d0: {  	v3 =	vand.u32 $0x7F, v3;
	v4 =	vand.u32 $0x3FC00, v4  }
0x1d1: {  	v3 =	vor.u32 v3, v4  }
0x1d2: {  	v4 =	vadd.s32 $0xFFFD4000, v3;
	_ =	sdelay $0x2  }
0x1d3: {  	v5 =	vadd.s32 $0xFA800000, v2;
	v6 =	vshll.u32 v2, $0x3  }
0x1d4: {  	v2 =	vand.u32 $0x7F, v2;
	v6 =	vand.u32 $0x7C00, v6;
	vm0 =	vlt.u32 v5, $0x1600000  }
0x1d5: {  	v5 =	vor.u32 v2, v6;
	v4 =	vld.idx.msk [tilespmem:v4+s3+$0x0], $0xffff  }
0x1d6: {  	v2 =	vadd.s32 $0xFFFD4080, v3;
	_ =	sdelay $0x3  }
0x1d7: {  	[tilespmem:v5+s21+$0x0] =	vst.idx.msk vm0, v4  }
0x1d8: {  	v4 =	vor.u32 $0x80, v5;
	v2 =	vld.idx.msk [tilespmem:v2+s3+$0x0], $0xffff  }
0x1d9: {  	v59 =	vadd.s32 $0xFFFD4100, v3;
	_ =	sdelay $0x3  }
0x1da: {  	[tilespmem:v4+s21+$0x0] =	vst.idx.msk vm0, v2  }
0x1db: {  	v4 =	vor.u32 $0x100, v5;
	v2 =	vld.idx.msk [tilespmem:v59+s3+$0x0], $0xffff  }
0x1dc: {  	v60 =	vadd.s32 $0xFFFD4180, v3;
	_ =	sdelay $0x3  }
0x1dd: {  	[tilespmem:v4+s21+$0x0] =	vst.idx.msk vm0, v2  }
0x1de: {  	v4 =	vor.u32 $0x180, v5;
	v2 =	vld.idx.msk [tilespmem:v60+s3+$0x0], $0xffff  }
0x1df: {  	v61 =	vadd.s32 $0xFFFD4200, v3;
	_ =	sdelay $0x3  }
0x1e0: {  	[tilespmem:v4+s21+$0x0] =	vst.idx.msk vm0, v2  }
0x1e1: {  	v4 =	vor.u32 $0x200, v5;
	v2 =	vld.idx.msk [tilespmem:v61+s3+$0x0], $0xffff  }
0x1e2: {  	v62 =	vadd.s32 $0xFFFD4280, v3;
	_ =	sdelay $0x3  }
0x1e3: {  	[tilespmem:v4+s21+$0x0] =	vst.idx.msk vm0, v2  }
0x1e4: {  	v4 =	vor.u32 $0x280, v5;
	v2 =	vld.idx.msk [tilespmem:v62+s3+$0x0], $0xffff  }
0x1e5: {  	v63 =	vadd.s32 $0xFFFD4300, v3;
	_ =	sdelay $0x3  }
0x1e6: {  	[tilespmem:v4+s21+$0x0] =	vst.idx.msk vm0, v2  }
0x1e7: {  	s4 =	ssub.s32 s4, s0;
	v4 =	vor.u32 $0x300, v5;
	v2 =	vld.idx.msk [tilespmem:v63+s3+$0x0], $0xffff  }
0x1e8: {  	p3 =	sne.s32 s4, $0x1;
	v3 =	vadd.s32 $0xFFFD4380, v3  }
.Ltmp18:
0x1e9: {  	_ = 	snop;
	(pc) =	sbr.rel @!p3 .LBB2_22-.Ltmp18, $3  }
0x1ea: {  	_ =	sdelay $0x1  }
0x1eb: {  	[tilespmem:v4+s21+$0x0] =	vst.idx.msk vm0, v2  }
0x1ec: {  	s0 =	sadd.s32 $0xFFFFFFFF, s4;
	v2 =	vld.idx.msk [tilespmem:v3+s3+$0x0], $0xffff;
	v3 =	vor.u32 $0x380, v5  }
.LBB2_21:
0x1ed: {  	_ =	sdelay $0x3  }
0x1ee: {  	p3 =	sne.s32 s0, $0x1;
	s0 =	sadd.s32 $0xFFFFFFFF, s0;
	s30 =	sadd.s32 $0x10, s30;
	[tilespmem:v3+s21+$0x0] =	vst.idx.msk vm0, v2  }
0x1ef: {  	v2 =	vld [tilespmem:s30+$0x0];
	_ =	sdelay $0x4  }
0x1f0: {  	v3 =	vshrl.u32 v2, $0xC;
	v4 =	vadd.s32 $0xFA800000, v2;
	v5 =	vshll.u32 v2, $0x3  }
0x1f1: {  	v3 =	vmax.u32 v3, $0x5800;
	v5 =	vand.u32 $0x7C00, v5  }
0x1f2: {  	v3 =	vmin.u32 v3, $0x6DFF  }
0x1f3: {  	v6 =	vshll.u32 v3, $0x3  }
0x1f4: {  	v3 =	vand.u32 $0x7F, v3;
	v6 =	vand.u32 $0x3FC00, v6  }
0x1f5: {  	v3 =	vor.u32 v3, v6  }
0x1f6: {  	v6 =	vadd.s32 $0xFFFD4000, v3;
	_ =	sdelay $0x4  }
0x1f7: {  	v2 =	vand.u32 $0x7F, v2;
	vm0 =	vlt.u32 v4, $0x1600000;
	v4 =	vld.idx.msk [tilespmem:v6+s3+$0x0], $0xffff  }
0x1f8: {  	v5 =	vor.u32 v2, v5  }
0x1f9: {  	v2 =	vadd.s32 $0xFFFD4080, v3;
	_ =	sdelay $0x3  }
0x1fa: {  	[tilespmem:v5+s21+$0x0] =	vst.idx.msk vm0, v4  }
0x1fb: {  	v2 =	vld.idx.msk [tilespmem:v2+s3+$0x0], $0xffff  }
0x1fc: {  	v4 =	vor.u32 $0x80, v5  }
0x1fd: {  	v6 =	vadd.s32 $0xFFFD4100, v3;
	_ =	sdelay $0x3  }
0x1fe: {  	[tilespmem:v4+s21+$0x0] =	vst.idx.msk vm0, v2  }
0x1ff: {  	v2 =	vld.idx.msk [tilespmem:v6+s3+$0x0], $0xffff  }
0x200: {  	v4 =	vor.u32 $0x100, v5  }
0x201: {  	v6 =	vadd.s32 $0xFFFD4180, v3;
	_ =	sdelay $0x3  }
0x202: {  	[tilespmem:v4+s21+$0x0] =	vst.idx.msk vm0, v2  }
0x203: {  	v2 =	vld.idx.msk [tilespmem:v6+s3+$0x0], $0xffff  }
0x204: {  	v4 =	vor.u32 $0x180, v5  }
0x205: {  	v6 =	vadd.s32 $0xFFFD4200, v3;
	_ =	sdelay $0x3  }
0x206: {  	[tilespmem:v4+s21+$0x0] =	vst.idx.msk vm0, v2  }
0x207: {  	v2 =	vld.idx.msk [tilespmem:v6+s3+$0x0], $0xffff  }
0x208: {  	v4 =	vor.u32 $0x200, v5  }
0x209: {  	v6 =	vadd.s32 $0xFFFD4280, v3;
	_ =	sdelay $0x3  }
0x20a: {  	[tilespmem:v4+s21+$0x0] =	vst.idx.msk vm0, v2  }
0x20b: {  	v2 =	vld.idx.msk [tilespmem:v6+s3+$0x0], $0xffff  }
0x20c: {  	v4 =	vor.u32 $0x280, v5  }
0x20d: {  	v6 =	vadd.s32 $0xFFFD4300, v3;
	_ =	sdelay $0x3  }
0x20e: {  	[tilespmem:v4+s21+$0x0] =	vst.idx.msk vm0, v2  }
0x20f: {  	v2 =	vld.idx.msk [tilespmem:v6+s3+$0x0], $0xffff  }
0x210: {  	v4 =	vor.u32 $0x300, v5  }
0x211: {  	v3 =	vadd.s32 $0xFFFD4380, v3;
	_ =	sdelay $0x1  }
.Ltmp19:
0x212: {  	(pc) =	sbr.rel @p3 .LBB2_21-.Ltmp19, $4  }
0x213: {  	_ = 	snop  }
0x214: {  	[tilespmem:v4+s21+$0x0] =	vst.idx.msk vm0, v2  }
0x215: {  	v2 =	vld.idx.msk [tilespmem:v3+s3+$0x0], $0xffff  }
0x216: {  	v3 =	vor.u32 $0x380, v5  }
.LBB2_22:
0x217: {  	_ =	sdelay $0x4  }
0x218: {  	[tilespmem:v3+s21+$0x0] =	vst.idx.msk vm0, v2  }
.LBB2_23:
0x219: {  	s0 =	sadd.s32 $0x42000, s29  }
0x21a: {  	s0 =	sshrl.u32 s0, $0x3  }
0x21b: {  	s0 =	sadd.s32 s1, s0  }
0x21c: {  	[tilespmem:s3], [sflag:$0x1] =	stream.linear.gather [hbm4b:s0+s3], $0xB000, $0x38;
	[tilespmem:$0x1F080] =	vst v63  }
0x21d: {  	_ =	swait.ge [sflag:s22], $0xB000  }
0x21e: {  	(v2sf) =	vpush v1, $0x6;
	_ =	sdelay $0xe  }
0x21f: {  	s30 =	spop (v2sf)  }
0x220: {  	s4 =	sadd.s32 $0xF, s30  }
0x221: {  	s0 =	sshra.s32 s31, $0x4;
	s4 =	sshra.s32 s4, $0x4  }
0x222: {  	p3 =	sle.s32 s4, s0  }
.Ltmp20:
0x223: {  	_ = 	snop;
	(pc) =	sbr.rel @p3 .LBB2_27-.Ltmp20, $3  }
0x224: {  	_ =	sdelay $0x1  }
0x225: {  	[sflag:s22] =	ssyncset.done $0x0  }
0x226: {  	[sflag:s22] =	ssyncadd.s32 $0xFFFF5000  }
0x227: {  	s31 =	sshll.u32 s0, $0x6  }
0x228: {  	s31 =	sshra.s32 s31, $0x2  }
0x229: {  	s31 =	sadd.s32 $0x16000, s31  }
0x22a: {  	v2 =	vld [tilespmem:s31+$0x0];
	_ =	sdelay $0x4  }
0x22b: {  	v3 =	vshrl.u32 v2, $0xC  }
0x22c: {  	v3 =	vmax.u32 v3, $0x6E00  }
0x22d: {  	v3 =	vmin.u32 v3, $0x83FF  }
0x22e: {  	v4 =	vshll.u32 v3, $0x3  }
0x22f: {  	v3 =	vand.u32 $0x7F, v3;
	v4 =	vand.u32 $0x7FC00, v4  }
0x230: {  	v3 =	vor.u32 v3, v4  }
0x231: {  	v4 =	vadd.s32 $0xFFFC9000, v3;
	_ =	sdelay $0x2  }
0x232: {  	v5 =	vadd.s32 $0xF9200000, v2;
	v6 =	vshll.u32 v2, $0x3  }
0x233: {  	v2 =	vand.u32 $0x7F, v2;
	v6 =	vand.u32 $0x7C00, v6;
	vm0 =	vlt.u32 v5, $0x1600000  }
0x234: {  	v5 =	vor.u32 v2, v6;
	v4 =	vld.idx.msk [tilespmem:v4+s20+$0x0], $0xffff  }
0x235: {  	v2 =	vadd.s32 $0xFFFC9080, v3;
	_ =	sdelay $0x3  }
0x236: {  	[tilespmem:v5+s21+$0x0] =	vst.idx.msk vm0, v4  }
0x237: {  	v4 =	vor.u32 $0x80, v5;
	v2 =	vld.idx.msk [tilespmem:v2+s20+$0x0], $0xffff  }
0x238: {  	v59 =	vadd.s32 $0xFFFC9100, v3;
	_ =	sdelay $0x3  }
0x239: {  	[tilespmem:v4+s21+$0x0] =	vst.idx.msk vm0, v2  }
0x23a: {  	v4 =	vor.u32 $0x100, v5;
	v2 =	vld.idx.msk [tilespmem:v59+s20+$0x0], $0xffff  }
0x23b: {  	v60 =	vadd.s32 $0xFFFC9180, v3;
	_ =	sdelay $0x3  }
0x23c: {  	[tilespmem:v4+s21+$0x0] =	vst.idx.msk vm0, v2  }
0x23d: {  	v4 =	vor.u32 $0x180, v5;
	v2 =	vld.idx.msk [tilespmem:v60+s20+$0x0], $0xffff  }
0x23e: {  	v61 =	vadd.s32 $0xFFFC9200, v3;
	_ =	sdelay $0x3  }
0x23f: {  	[tilespmem:v4+s21+$0x0] =	vst.idx.msk vm0, v2  }
0x240: {  	v4 =	vor.u32 $0x200, v5;
	v2 =	vld.idx.msk [tilespmem:v61+s20+$0x0], $0xffff  }
0x241: {  	v62 =	vadd.s32 $0xFFFC9280, v3;
	_ =	sdelay $0x3  }
0x242: {  	[tilespmem:v4+s21+$0x0] =	vst.idx.msk vm0, v2  }
0x243: {  	v4 =	vor.u32 $0x280, v5;
	v2 =	vld.idx.msk [tilespmem:v62+s20+$0x0], $0xffff  }
0x244: {  	v63 =	vadd.s32 $0xFFFC9300, v3;
	_ =	sdelay $0x3  }
0x245: {  	[tilespmem:v4+s21+$0x0] =	vst.idx.msk vm0, v2  }
0x246: {  	s4 =	ssub.s32 s4, s0;
	v4 =	vor.u32 $0x300, v5;
	v2 =	vld.idx.msk [tilespmem:v63+s20+$0x0], $0xffff  }
0x247: {  	p3 =	sne.s32 s4, $0x1;
	v3 =	vadd.s32 $0xFFFC9380, v3  }
.Ltmp21:
0x248: {  	_ = 	snop;
	(pc) =	sbr.rel @!p3 .LBB2_26-.Ltmp21, $3  }
0x249: {  	_ =	sdelay $0x1  }
0x24a: {  	[tilespmem:v4+s21+$0x0] =	vst.idx.msk vm0, v2  }
0x24b: {  	s0 =	sadd.s32 $0xFFFFFFFF, s4;
	v2 =	vld.idx.msk [tilespmem:v3+s20+$0x0], $0xffff;
	v3 =	vor.u32 $0x380, v5  }
.LBB2_25:
0x24c: {  	_ =	sdelay $0x3  }
0x24d: {  	p3 =	sne.s32 s0, $0x1;
	s0 =	sadd.s32 $0xFFFFFFFF, s0;
	s31 =	sadd.s32 $0x10, s31;
	[tilespmem:v3+s21+$0x0] =	vst.idx.msk vm0, v2  }
0x24e: {  	v2 =	vld [tilespmem:s31+$0x0];
	_ =	sdelay $0x4  }
0x24f: {  	v3 =	vshrl.u32 v2, $0xC;
	v4 =	vadd.s32 $0xF9200000, v2;
	v5 =	vshll.u32 v2, $0x3  }
0x250: {  	v3 =	vmax.u32 v3, $0x6E00;
	v5 =	vand.u32 $0x7C00, v5  }
0x251: {  	v3 =	vmin.u32 v3, $0x83FF  }
0x252: {  	v6 =	vshll.u32 v3, $0x3  }
0x253: {  	v3 =	vand.u32 $0x7F, v3;
	v6 =	vand.u32 $0x7FC00, v6  }
0x254: {  	v3 =	vor.u32 v3, v6  }
0x255: {  	v6 =	vadd.s32 $0xFFFC9000, v3;
	_ =	sdelay $0x4  }
0x256: {  	v2 =	vand.u32 $0x7F, v2;
	vm0 =	vlt.u32 v4, $0x1600000;
	v4 =	vld.idx.msk [tilespmem:v6+s20+$0x0], $0xffff  }
0x257: {  	v5 =	vor.u32 v2, v5  }
0x258: {  	v2 =	vadd.s32 $0xFFFC9080, v3;
	_ =	sdelay $0x3  }
0x259: {  	[tilespmem:v5+s21+$0x0] =	vst.idx.msk vm0, v4  }
0x25a: {  	v2 =	vld.idx.msk [tilespmem:v2+s20+$0x0], $0xffff  }
0x25b: {  	v4 =	vor.u32 $0x80, v5  }
0x25c: {  	v6 =	vadd.s32 $0xFFFC9100, v3;
	_ =	sdelay $0x3  }
0x25d: {  	[tilespmem:v4+s21+$0x0] =	vst.idx.msk vm0, v2  }
0x25e: {  	v2 =	vld.idx.msk [tilespmem:v6+s20+$0x0], $0xffff  }
0x25f: {  	v4 =	vor.u32 $0x100, v5  }
0x260: {  	v6 =	vadd.s32 $0xFFFC9180, v3;
	_ =	sdelay $0x3  }
0x261: {  	[tilespmem:v4+s21+$0x0] =	vst.idx.msk vm0, v2  }
0x262: {  	v2 =	vld.idx.msk [tilespmem:v6+s20+$0x0], $0xffff  }
0x263: {  	v4 =	vor.u32 $0x180, v5  }
0x264: {  	v6 =	vadd.s32 $0xFFFC9200, v3;
	_ =	sdelay $0x3  }
0x265: {  	[tilespmem:v4+s21+$0x0] =	vst.idx.msk vm0, v2  }
0x266: {  	v2 =	vld.idx.msk [tilespmem:v6+s20+$0x0], $0xffff  }
0x267: {  	v4 =	vor.u32 $0x200, v5  }
0x268: {  	v6 =	vadd.s32 $0xFFFC9280, v3;
	_ =	sdelay $0x3  }
0x269: {  	[tilespmem:v4+s21+$0x0] =	vst.idx.msk vm0, v2  }
0x26a: {  	v2 =	vld.idx.msk [tilespmem:v6+s20+$0x0], $0xffff  }
0x26b: {  	v4 =	vor.u32 $0x280, v5  }
0x26c: {  	v6 =	vadd.s32 $0xFFFC9300, v3;
	_ =	sdelay $0x3  }
0x26d: {  	[tilespmem:v4+s21+$0x0] =	vst.idx.msk vm0, v2  }
0x26e: {  	v2 =	vld.idx.msk [tilespmem:v6+s20+$0x0], $0xffff  }
0x26f: {  	v4 =	vor.u32 $0x300, v5  }
0x270: {  	v3 =	vadd.s32 $0xFFFC9380, v3;
	_ =	sdelay $0x1  }
.Ltmp22:
0x271: {  	(pc) =	sbr.rel @p3 .LBB2_25-.Ltmp22, $4  }
0x272: {  	_ = 	snop  }
0x273: {  	[tilespmem:v4+s21+$0x0] =	vst.idx.msk vm0, v2  }
0x274: {  	v2 =	vld.idx.msk [tilespmem:v3+s20+$0x0], $0xffff  }
0x275: {  	v3 =	vor.u32 $0x380, v5  }
.LBB2_26:
0x276: {  	_ =	sdelay $0x4  }
0x277: {  	[tilespmem:v3+s21+$0x0] =	vst.idx.msk vm0, v2  }
.LBB2_27:
0x278: {  	s0 =	sadd.s32 $0x4D000, s29  }
0x279: {  	s0 =	sshrl.u32 s0, $0x3  }
0x27a: {  	s0 =	sadd.s32 s1, s0  }
0x27b: {  	[tilespmem:s20], [sflag:$0x2] =	stream.linear.gather [hbm4b:s0+s3], $0xB000, $0x38;
	[tilespmem:$0x1F080] =	vst v63  }
0x27c: {  	_ =	swait.ge [sflag:s16], $0xB000  }
0x27d: {  	(v2sf) =	vpush v1, $0x7;
	_ =	sdelay $0xe  }
0x27e: {  	s31 =	spop (v2sf)  }
0x27f: {  	s4 =	sadd.s32 $0xF, s31  }
0x280: {  	s0 =	sshra.s32 s30, $0x4;
	s4 =	sshra.s32 s4, $0x4  }
0x281: {  	p3 =	sle.s32 s4, s0  }
.Ltmp23:
0x282: {  	_ = 	snop;
	(pc) =	sbr.rel @p3 .LBB2_31-.Ltmp23, $3  }
0x283: {  	_ =	sdelay $0x1  }
0x284: {  	[sflag:s16] =	ssyncset.done $0x0  }
0x285: {  	[sflag:s16] =	ssyncadd.s32 $0xFFFF5000  }
0x286: {  	s30 =	sshll.u32 s0, $0x6  }
0x287: {  	s30 =	sshra.s32 s30, $0x2  }
0x288: {  	s30 =	sadd.s32 $0x16000, s30  }
0x289: {  	v2 =	vld [tilespmem:s30+$0x0];
	_ =	sdelay $0x4  }
0x28a: {  	v3 =	vshrl.u32 v2, $0xC  }
0x28b: {  	v3 =	vmax.u32 v3, $0x8400  }
0x28c: {  	v3 =	vmin.u32 v3, $0x99FF  }
0x28d: {  	v4 =	vshll.u32 v3, $0x3  }
0x28e: {  	v3 =	vand.u32 $0x7F, v3;
	v4 =	vand.u32 $0x4FC00, v4  }
0x28f: {  	v3 =	vor.u32 v3, v4  }
0x290: {  	v4 =	vadd.s32 $0xFFFBE000, v3;
	_ =	sdelay $0x2  }
0x291: {  	v5 =	vadd.s32 $0xF7C00000, v2;
	v6 =	vshll.u32 v2, $0x3  }
0x292: {  	v2 =	vand.u32 $0x7F, v2;
	v6 =	vand.u32 $0x7C00, v6;
	vm0 =	vlt.u32 v5, $0x1600000  }
0x293: {  	v5 =	vor.u32 v2, v6;
	v4 =	vld.idx.msk [tilespmem:v4+s3+$0x0], $0xffff  }
0x294: {  	v2 =	vadd.s32 $0xFFFBE080, v3;
	_ =	sdelay $0x3  }
0x295: {  	[tilespmem:v5+s21+$0x0] =	vst.idx.msk vm0, v4  }
0x296: {  	v4 =	vor.u32 $0x80, v5;
	v2 =	vld.idx.msk [tilespmem:v2+s3+$0x0], $0xffff  }
0x297: {  	v59 =	vadd.s32 $0xFFFBE100, v3;
	_ =	sdelay $0x3  }
0x298: {  	[tilespmem:v4+s21+$0x0] =	vst.idx.msk vm0, v2  }
0x299: {  	v4 =	vor.u32 $0x100, v5;
	v2 =	vld.idx.msk [tilespmem:v59+s3+$0x0], $0xffff  }
0x29a: {  	v60 =	vadd.s32 $0xFFFBE180, v3;
	_ =	sdelay $0x3  }
0x29b: {  	[tilespmem:v4+s21+$0x0] =	vst.idx.msk vm0, v2  }
0x29c: {  	v4 =	vor.u32 $0x180, v5;
	v2 =	vld.idx.msk [tilespmem:v60+s3+$0x0], $0xffff  }
0x29d: {  	v61 =	vadd.s32 $0xFFFBE200, v3;
	_ =	sdelay $0x3  }
0x29e: {  	[tilespmem:v4+s21+$0x0] =	vst.idx.msk vm0, v2  }
0x29f: {  	v4 =	vor.u32 $0x200, v5;
	v2 =	vld.idx.msk [tilespmem:v61+s3+$0x0], $0xffff  }
0x2a0: {  	v62 =	vadd.s32 $0xFFFBE280, v3;
	_ =	sdelay $0x3  }
0x2a1: {  	[tilespmem:v4+s21+$0x0] =	vst.idx.msk vm0, v2  }
0x2a2: {  	v4 =	vor.u32 $0x280, v5;
	v2 =	vld.idx.msk [tilespmem:v62+s3+$0x0], $0xffff  }
0x2a3: {  	v63 =	vadd.s32 $0xFFFBE300, v3;
	_ =	sdelay $0x3  }
0x2a4: {  	[tilespmem:v4+s21+$0x0] =	vst.idx.msk vm0, v2  }
0x2a5: {  	s4 =	ssub.s32 s4, s0;
	v4 =	vor.u32 $0x300, v5;
	v2 =	vld.idx.msk [tilespmem:v63+s3+$0x0], $0xffff  }
0x2a6: {  	p3 =	sne.s32 s4, $0x1;
	v3 =	vadd.s32 $0xFFFBE380, v3  }
.Ltmp24:
0x2a7: {  	_ = 	snop;
	(pc) =	sbr.rel @!p3 .LBB2_30-.Ltmp24, $3  }
0x2a8: {  	_ =	sdelay $0x1  }
0x2a9: {  	[tilespmem:v4+s21+$0x0] =	vst.idx.msk vm0, v2  }
0x2aa: {  	s0 =	sadd.s32 $0xFFFFFFFF, s4;
	v2 =	vld.idx.msk [tilespmem:v3+s3+$0x0], $0xffff;
	v3 =	vor.u32 $0x380, v5  }
.LBB2_29:
0x2ab: {  	_ =	sdelay $0x3  }
0x2ac: {  	p3 =	sne.s32 s0, $0x1;
	s0 =	sadd.s32 $0xFFFFFFFF, s0;
	s30 =	sadd.s32 $0x10, s30;
	[tilespmem:v3+s21+$0x0] =	vst.idx.msk vm0, v2  }
0x2ad: {  	v2 =	vld [tilespmem:s30+$0x0];
	_ =	sdelay $0x4  }
0x2ae: {  	v3 =	vshrl.u32 v2, $0xC;
	v4 =	vadd.s32 $0xF7C00000, v2;
	v5 =	vshll.u32 v2, $0x3  }
0x2af: {  	v3 =	vmax.u32 v3, $0x8400;
	v5 =	vand.u32 $0x7C00, v5  }
0x2b0: {  	v3 =	vmin.u32 v3, $0x99FF  }
0x2b1: {  	v6 =	vshll.u32 v3, $0x3  }
0x2b2: {  	v3 =	vand.u32 $0x7F, v3;
	v6 =	vand.u32 $0x4FC00, v6  }
0x2b3: {  	v3 =	vor.u32 v3, v6  }
0x2b4: {  	v6 =	vadd.s32 $0xFFFBE000, v3;
	_ =	sdelay $0x4  }
0x2b5: {  	v2 =	vand.u32 $0x7F, v2;
	vm0 =	vlt.u32 v4, $0x1600000;
	v4 =	vld.idx.msk [tilespmem:v6+s3+$0x0], $0xffff  }
0x2b6: {  	v5 =	vor.u32 v2, v5  }
0x2b7: {  	v2 =	vadd.s32 $0xFFFBE080, v3;
	_ =	sdelay $0x3  }
0x2b8: {  	[tilespmem:v5+s21+$0x0] =	vst.idx.msk vm0, v4  }
0x2b9: {  	v2 =	vld.idx.msk [tilespmem:v2+s3+$0x0], $0xffff  }
0x2ba: {  	v4 =	vor.u32 $0x80, v5  }
0x2bb: {  	v6 =	vadd.s32 $0xFFFBE100, v3;
	_ =	sdelay $0x3  }
0x2bc: {  	[tilespmem:v4+s21+$0x0] =	vst.idx.msk vm0, v2  }
0x2bd: {  	v2 =	vld.idx.msk [tilespmem:v6+s3+$0x0], $0xffff  }
0x2be: {  	v4 =	vor.u32 $0x100, v5  }
0x2bf: {  	v6 =	vadd.s32 $0xFFFBE180, v3;
	_ =	sdelay $0x3  }
0x2c0: {  	[tilespmem:v4+s21+$0x0] =	vst.idx.msk vm0, v2  }
0x2c1: {  	v2 =	vld.idx.msk [tilespmem:v6+s3+$0x0], $0xffff  }
0x2c2: {  	v4 =	vor.u32 $0x180, v5  }
0x2c3: {  	v6 =	vadd.s32 $0xFFFBE200, v3;
	_ =	sdelay $0x3  }
0x2c4: {  	[tilespmem:v4+s21+$0x0] =	vst.idx.msk vm0, v2  }
0x2c5: {  	v2 =	vld.idx.msk [tilespmem:v6+s3+$0x0], $0xffff  }
0x2c6: {  	v4 =	vor.u32 $0x200, v5  }
0x2c7: {  	v6 =	vadd.s32 $0xFFFBE280, v3;
	_ =	sdelay $0x3  }
0x2c8: {  	[tilespmem:v4+s21+$0x0] =	vst.idx.msk vm0, v2  }
0x2c9: {  	v2 =	vld.idx.msk [tilespmem:v6+s3+$0x0], $0xffff  }
0x2ca: {  	v4 =	vor.u32 $0x280, v5  }
0x2cb: {  	v6 =	vadd.s32 $0xFFFBE300, v3;
	_ =	sdelay $0x3  }
0x2cc: {  	[tilespmem:v4+s21+$0x0] =	vst.idx.msk vm0, v2  }
0x2cd: {  	v2 =	vld.idx.msk [tilespmem:v6+s3+$0x0], $0xffff  }
0x2ce: {  	v4 =	vor.u32 $0x300, v5  }
0x2cf: {  	v3 =	vadd.s32 $0xFFFBE380, v3;
	_ =	sdelay $0x1  }
.Ltmp25:
0x2d0: {  	(pc) =	sbr.rel @p3 .LBB2_29-.Ltmp25, $4  }
0x2d1: {  	_ = 	snop  }
0x2d2: {  	[tilespmem:v4+s21+$0x0] =	vst.idx.msk vm0, v2  }
0x2d3: {  	v2 =	vld.idx.msk [tilespmem:v3+s3+$0x0], $0xffff  }
0x2d4: {  	v3 =	vor.u32 $0x380, v5  }
.LBB2_30:
0x2d5: {  	_ =	sdelay $0x4  }
0x2d6: {  	[tilespmem:v3+s21+$0x0] =	vst.idx.msk vm0, v2  }
.LBB2_31:
0x2d7: {  	s0 =	sadd.s32 $0x58000, s29  }
0x2d8: {  	s0 =	sshrl.u32 s0, $0x3  }
0x2d9: {  	s0 =	sadd.s32 s1, s0  }
0x2da: {  	[tilespmem:s3], [sflag:$0x1] =	stream.linear.gather [hbm4b:s0+s3], $0xB000, $0x38;
	[tilespmem:$0x1F080] =	vst v63  }
0x2db: {  	_ =	swait.ge [sflag:s22], $0xB000  }
0x2dc: {  	(v2sf) =	vpush v1, $0x8;
	_ =	sdelay $0xe  }
0x2dd: {  	s30 =	spop (v2sf)  }
0x2de: {  	s4 =	sadd.s32 $0xF, s30  }
0x2df: {  	s0 =	sshra.s32 s31, $0x4;
	s4 =	sshra.s32 s4, $0x4  }
0x2e0: {  	p3 =	sle.s32 s4, s0  }
.Ltmp26:
0x2e1: {  	_ = 	snop;
	(pc) =	sbr.rel @p3 .LBB2_35-.Ltmp26, $3  }
0x2e2: {  	_ =	sdelay $0x1  }
0x2e3: {  	[sflag:s22] =	ssyncset.done $0x0  }
0x2e4: {  	[sflag:s22] =	ssyncadd.s32 $0xFFFF5000  }
0x2e5: {  	s31 =	sshll.u32 s0, $0x6  }
0x2e6: {  	s31 =	sshra.s32 s31, $0x2  }
0x2e7: {  	s31 =	sadd.s32 $0x16000, s31  }
0x2e8: {  	v2 =	vld [tilespmem:s31+$0x0];
	_ =	sdelay $0x4  }
0x2e9: {  	v3 =	vshrl.u32 v2, $0xC  }
0x2ea: {  	v3 =	vmax.u32 v3, $0x9A00  }
0x2eb: {  	v3 =	vmin.u32 v3, $0xAFFF  }
0x2ec: {  	v4 =	vshll.u32 v3, $0x3  }
0x2ed: {  	v3 =	vand.u32 $0x7F, v3;
	v4 =	vand.u32 $0x5FC00, v4  }
0x2ee: {  	v3 =	vor.u32 v3, v4  }
0x2ef: {  	v4 =	vadd.s32 $0xFFFB3000, v3;
	_ =	sdelay $0x2  }
0x2f0: {  	v5 =	vadd.s32 $0xF6600000, v2;
	v6 =	vshll.u32 v2, $0x3  }
0x2f1: {  	v2 =	vand.u32 $0x7F, v2;
	v6 =	vand.u32 $0x7C00, v6;
	vm0 =	vlt.u32 v5, $0x1600000  }
0x2f2: {  	v5 =	vor.u32 v2, v6;
	v4 =	vld.idx.msk [tilespmem:v4+s20+$0x0], $0xffff  }
0x2f3: {  	v2 =	vadd.s32 $0xFFFB3080, v3;
	_ =	sdelay $0x3  }
0x2f4: {  	[tilespmem:v5+s21+$0x0] =	vst.idx.msk vm0, v4  }
0x2f5: {  	v4 =	vor.u32 $0x80, v5;
	v2 =	vld.idx.msk [tilespmem:v2+s20+$0x0], $0xffff  }
0x2f6: {  	v59 =	vadd.s32 $0xFFFB3100, v3;
	_ =	sdelay $0x3  }
0x2f7: {  	[tilespmem:v4+s21+$0x0] =	vst.idx.msk vm0, v2  }
0x2f8: {  	v4 =	vor.u32 $0x100, v5;
	v2 =	vld.idx.msk [tilespmem:v59+s20+$0x0], $0xffff  }
0x2f9: {  	v60 =	vadd.s32 $0xFFFB3180, v3;
	_ =	sdelay $0x3  }
0x2fa: {  	[tilespmem:v4+s21+$0x0] =	vst.idx.msk vm0, v2  }
0x2fb: {  	v4 =	vor.u32 $0x180, v5;
	v2 =	vld.idx.msk [tilespmem:v60+s20+$0x0], $0xffff  }
0x2fc: {  	v61 =	vadd.s32 $0xFFFB3200, v3;
	_ =	sdelay $0x3  }
0x2fd: {  	[tilespmem:v4+s21+$0x0] =	vst.idx.msk vm0, v2  }
0x2fe: {  	v4 =	vor.u32 $0x200, v5;
	v2 =	vld.idx.msk [tilespmem:v61+s20+$0x0], $0xffff  }
0x2ff: {  	v62 =	vadd.s32 $0xFFFB3280, v3;
	_ =	sdelay $0x3  }
0x300: {  	[tilespmem:v4+s21+$0x0] =	vst.idx.msk vm0, v2  }
0x301: {  	v4 =	vor.u32 $0x280, v5;
	v2 =	vld.idx.msk [tilespmem:v62+s20+$0x0], $0xffff  }
0x302: {  	v63 =	vadd.s32 $0xFFFB3300, v3;
	_ =	sdelay $0x3  }
0x303: {  	[tilespmem:v4+s21+$0x0] =	vst.idx.msk vm0, v2  }
0x304: {  	s4 =	ssub.s32 s4, s0;
	v4 =	vor.u32 $0x300, v5;
	v2 =	vld.idx.msk [tilespmem:v63+s20+$0x0], $0xffff  }
0x305: {  	p3 =	sne.s32 s4, $0x1;
	v3 =	vadd.s32 $0xFFFB3380, v3  }
.Ltmp27:
0x306: {  	_ = 	snop;
	(pc) =	sbr.rel @!p3 .LBB2_34-.Ltmp27, $3  }
0x307: {  	_ =	sdelay $0x1  }
0x308: {  	[tilespmem:v4+s21+$0x0] =	vst.idx.msk vm0, v2  }
0x309: {  	s0 =	sadd.s32 $0xFFFFFFFF, s4;
	v2 =	vld.idx.msk [tilespmem:v3+s20+$0x0], $0xffff;
	v3 =	vor.u32 $0x380, v5  }
.LBB2_33:
0x30a: {  	_ =	sdelay $0x3  }
0x30b: {  	p3 =	sne.s32 s0, $0x1;
	s0 =	sadd.s32 $0xFFFFFFFF, s0;
	s31 =	sadd.s32 $0x10, s31;
	[tilespmem:v3+s21+$0x0] =	vst.idx.msk vm0, v2  }
0x30c: {  	v2 =	vld [tilespmem:s31+$0x0];
	_ =	sdelay $0x4  }
0x30d: {  	v3 =	vshrl.u32 v2, $0xC;
	v4 =	vadd.s32 $0xF6600000, v2;
	v5 =	vshll.u32 v2, $0x3  }
0x30e: {  	v3 =	vmax.u32 v3, $0x9A00;
	v5 =	vand.u32 $0x7C00, v5  }
0x30f: {  	v3 =	vmin.u32 v3, $0xAFFF  }
0x310: {  	v6 =	vshll.u32 v3, $0x3  }
0x311: {  	v3 =	vand.u32 $0x7F, v3;
	v6 =	vand.u32 $0x5FC00, v6  }
0x312: {  	v3 =	vor.u32 v3, v6  }
0x313: {  	v6 =	vadd.s32 $0xFFFB3000, v3;
	_ =	sdelay $0x4  }
0x314: {  	v2 =	vand.u32 $0x7F, v2;
	vm0 =	vlt.u32 v4, $0x1600000;
	v4 =	vld.idx.msk [tilespmem:v6+s20+$0x0], $0xffff  }
0x315: {  	v5 =	vor.u32 v2, v5  }
0x316: {  	v2 =	vadd.s32 $0xFFFB3080, v3;
	_ =	sdelay $0x3  }
0x317: {  	[tilespmem:v5+s21+$0x0] =	vst.idx.msk vm0, v4  }
0x318: {  	v2 =	vld.idx.msk [tilespmem:v2+s20+$0x0], $0xffff  }
0x319: {  	v4 =	vor.u32 $0x80, v5  }
0x31a: {  	v6 =	vadd.s32 $0xFFFB3100, v3;
	_ =	sdelay $0x3  }
0x31b: {  	[tilespmem:v4+s21+$0x0] =	vst.idx.msk vm0, v2  }
0x31c: {  	v2 =	vld.idx.msk [tilespmem:v6+s20+$0x0], $0xffff  }
0x31d: {  	v4 =	vor.u32 $0x100, v5  }
0x31e: {  	v6 =	vadd.s32 $0xFFFB3180, v3;
	_ =	sdelay $0x3  }
0x31f: {  	[tilespmem:v4+s21+$0x0] =	vst.idx.msk vm0, v2  }
0x320: {  	v2 =	vld.idx.msk [tilespmem:v6+s20+$0x0], $0xffff  }
0x321: {  	v4 =	vor.u32 $0x180, v5  }
0x322: {  	v6 =	vadd.s32 $0xFFFB3200, v3;
	_ =	sdelay $0x3  }
0x323: {  	[tilespmem:v4+s21+$0x0] =	vst.idx.msk vm0, v2  }
0x324: {  	v2 =	vld.idx.msk [tilespmem:v6+s20+$0x0], $0xffff  }
0x325: {  	v4 =	vor.u32 $0x200, v5  }
0x326: {  	v6 =	vadd.s32 $0xFFFB3280, v3;
	_ =	sdelay $0x3  }
0x327: {  	[tilespmem:v4+s21+$0x0] =	vst.idx.msk vm0, v2  }
0x328: {  	v2 =	vld.idx.msk [tilespmem:v6+s20+$0x0], $0xffff  }
0x329: {  	v4 =	vor.u32 $0x280, v5  }
0x32a: {  	v6 =	vadd.s32 $0xFFFB3300, v3;
	_ =	sdelay $0x3  }
0x32b: {  	[tilespmem:v4+s21+$0x0] =	vst.idx.msk vm0, v2  }
0x32c: {  	v2 =	vld.idx.msk [tilespmem:v6+s20+$0x0], $0xffff  }
0x32d: {  	v4 =	vor.u32 $0x300, v5  }
0x32e: {  	v3 =	vadd.s32 $0xFFFB3380, v3;
	_ =	sdelay $0x1  }
.Ltmp28:
0x32f: {  	(pc) =	sbr.rel @p3 .LBB2_33-.Ltmp28, $4  }
0x330: {  	_ = 	snop  }
0x331: {  	[tilespmem:v4+s21+$0x0] =	vst.idx.msk vm0, v2  }
0x332: {  	v2 =	vld.idx.msk [tilespmem:v3+s20+$0x0], $0xffff  }
0x333: {  	v3 =	vor.u32 $0x380, v5  }
.LBB2_34:
0x334: {  	_ =	sdelay $0x4  }
0x335: {  	[tilespmem:v3+s21+$0x0] =	vst.idx.msk vm0, v2  }
.LBB2_35:
0x336: {  	s0 =	sadd.s32 $0x63000, s29  }
0x337: {  	s0 =	sshrl.u32 s0, $0x3  }
0x338: {  	s0 =	sadd.s32 s1, s0  }
0x339: {  	[tilespmem:s20], [sflag:$0x2] =	stream.linear.gather [hbm4b:s0+s3], $0xB000, $0x38;
	[tilespmem:$0x1F080] =	vst v63  }
0x33a: {  	_ =	swait.ge [sflag:s16], $0xB000  }
0x33b: {  	(v2sf) =	vpush v1, $0x9;
	_ =	sdelay $0xe  }
0x33c: {  	s31 =	spop (v2sf)  }
0x33d: {  	s4 =	sadd.s32 $0xF, s31  }
0x33e: {  	s0 =	sshra.s32 s30, $0x4;
	s4 =	sshra.s32 s4, $0x4  }
0x33f: {  	p3 =	sle.s32 s4, s0  }
.Ltmp29:
0x340: {  	_ = 	snop;
	(pc) =	sbr.rel @p3 .LBB2_39-.Ltmp29, $3  }
0x341: {  	_ =	sdelay $0x1  }
0x342: {  	[sflag:s16] =	ssyncset.done $0x0  }
0x343: {  	[sflag:s16] =	ssyncadd.s32 $0xFFFF5000  }
0x344: {  	s30 =	sshll.u32 s0, $0x6  }
0x345: {  	s30 =	sshra.s32 s30, $0x2  }
0x346: {  	s30 =	sadd.s32 $0x16000, s30  }
0x347: {  	v2 =	vld [tilespmem:s30+$0x0];
	_ =	sdelay $0x4  }
0x348: {  	v3 =	vshrl.u32 v2, $0xC  }
0x349: {  	v3 =	vmax.u32 v3, $0xB000  }
0x34a: {  	v3 =	vmin.u32 v3, $0xC5FF  }
0x34b: {  	v4 =	vshll.u32 v3, $0x3  }
0x34c: {  	v3 =	vand.u32 $0x7F, v3;
	v4 =	vand.u32 $0x7FC00, v4  }
0x34d: {  	v3 =	vor.u32 v3, v4  }
0x34e: {  	v4 =	vadd.s32 $0xFFFA8000, v3;
	_ =	sdelay $0x2  }
0x34f: {  	v5 =	vadd.s32 $0xF5000000, v2;
	v6 =	vshll.u32 v2, $0x3  }
0x350: {  	v2 =	vand.u32 $0x7F, v2;
	v6 =	vand.u32 $0x7C00, v6;
	vm0 =	vlt.u32 v5, $0x1600000  }
0x351: {  	v5 =	vor.u32 v2, v6;
	v4 =	vld.idx.msk [tilespmem:v4+s3+$0x0], $0xffff  }
0x352: {  	v2 =	vadd.s32 $0xFFFA8080, v3;
	_ =	sdelay $0x3  }
0x353: {  	[tilespmem:v5+s21+$0x0] =	vst.idx.msk vm0, v4  }
0x354: {  	v4 =	vor.u32 $0x80, v5;
	v2 =	vld.idx.msk [tilespmem:v2+s3+$0x0], $0xffff  }
0x355: {  	v59 =	vadd.s32 $0xFFFA8100, v3;
	_ =	sdelay $0x3  }
0x356: {  	[tilespmem:v4+s21+$0x0] =	vst.idx.msk vm0, v2  }
0x357: {  	v4 =	vor.u32 $0x100, v5;
	v2 =	vld.idx.msk [tilespmem:v59+s3+$0x0], $0xffff  }
0x358: {  	v60 =	vadd.s32 $0xFFFA8180, v3;
	_ =	sdelay $0x3  }
0x359: {  	[tilespmem:v4+s21+$0x0] =	vst.idx.msk vm0, v2  }
0x35a: {  	v4 =	vor.u32 $0x180, v5;
	v2 =	vld.idx.msk [tilespmem:v60+s3+$0x0], $0xffff  }
0x35b: {  	v61 =	vadd.s32 $0xFFFA8200, v3;
	_ =	sdelay $0x3  }
0x35c: {  	[tilespmem:v4+s21+$0x0] =	vst.idx.msk vm0, v2  }
0x35d: {  	v4 =	vor.u32 $0x200, v5;
	v2 =	vld.idx.msk [tilespmem:v61+s3+$0x0], $0xffff  }
0x35e: {  	v62 =	vadd.s32 $0xFFFA8280, v3;
	_ =	sdelay $0x3  }
0x35f: {  	[tilespmem:v4+s21+$0x0] =	vst.idx.msk vm0, v2  }
0x360: {  	v4 =	vor.u32 $0x280, v5;
	v2 =	vld.idx.msk [tilespmem:v62+s3+$0x0], $0xffff  }
0x361: {  	v63 =	vadd.s32 $0xFFFA8300, v3;
	_ =	sdelay $0x3  }
0x362: {  	[tilespmem:v4+s21+$0x0] =	vst.idx.msk vm0, v2  }
0x363: {  	s4 =	ssub.s32 s4, s0;
	v4 =	vor.u32 $0x300, v5;
	v2 =	vld.idx.msk [tilespmem:v63+s3+$0x0], $0xffff  }
0x364: {  	p3 =	sne.s32 s4, $0x1;
	v3 =	vadd.s32 $0xFFFA8380, v3  }
.Ltmp30:
0x365: {  	_ = 	snop;
	(pc) =	sbr.rel @!p3 .LBB2_38-.Ltmp30, $3  }
0x366: {  	_ =	sdelay $0x1  }
0x367: {  	[tilespmem:v4+s21+$0x0] =	vst.idx.msk vm0, v2  }
0x368: {  	s0 =	sadd.s32 $0xFFFFFFFF, s4;
	v2 =	vld.idx.msk [tilespmem:v3+s3+$0x0], $0xffff;
	v3 =	vor.u32 $0x380, v5  }
.LBB2_37:
0x369: {  	_ =	sdelay $0x3  }
0x36a: {  	p3 =	sne.s32 s0, $0x1;
	s0 =	sadd.s32 $0xFFFFFFFF, s0;
	s30 =	sadd.s32 $0x10, s30;
	[tilespmem:v3+s21+$0x0] =	vst.idx.msk vm0, v2  }
0x36b: {  	v2 =	vld [tilespmem:s30+$0x0];
	_ =	sdelay $0x4  }
0x36c: {  	v3 =	vshrl.u32 v2, $0xC;
	v4 =	vadd.s32 $0xF5000000, v2;
	v5 =	vshll.u32 v2, $0x3  }
0x36d: {  	v3 =	vmax.u32 v3, $0xB000;
	v5 =	vand.u32 $0x7C00, v5  }
0x36e: {  	v3 =	vmin.u32 v3, $0xC5FF  }
0x36f: {  	v6 =	vshll.u32 v3, $0x3  }
0x370: {  	v3 =	vand.u32 $0x7F, v3;
	v6 =	vand.u32 $0x7FC00, v6  }
0x371: {  	v3 =	vor.u32 v3, v6  }
0x372: {  	v6 =	vadd.s32 $0xFFFA8000, v3;
	_ =	sdelay $0x4  }
0x373: {  	v2 =	vand.u32 $0x7F, v2;
	vm0 =	vlt.u32 v4, $0x1600000;
	v4 =	vld.idx.msk [tilespmem:v6+s3+$0x0], $0xffff  }
0x374: {  	v5 =	vor.u32 v2, v5  }
0x375: {  	v2 =	vadd.s32 $0xFFFA8080, v3;
	_ =	sdelay $0x3  }
0x376: {  	[tilespmem:v5+s21+$0x0] =	vst.idx.msk vm0, v4  }
0x377: {  	v2 =	vld.idx.msk [tilespmem:v2+s3+$0x0], $0xffff  }
0x378: {  	v4 =	vor.u32 $0x80, v5  }
0x379: {  	v6 =	vadd.s32 $0xFFFA8100, v3;
	_ =	sdelay $0x3  }
0x37a: {  	[tilespmem:v4+s21+$0x0] =	vst.idx.msk vm0, v2  }
0x37b: {  	v2 =	vld.idx.msk [tilespmem:v6+s3+$0x0], $0xffff  }
0x37c: {  	v4 =	vor.u32 $0x100, v5  }
0x37d: {  	v6 =	vadd.s32 $0xFFFA8180, v3;
	_ =	sdelay $0x3  }
0x37e: {  	[tilespmem:v4+s21+$0x0] =	vst.idx.msk vm0, v2  }
0x37f: {  	v2 =	vld.idx.msk [tilespmem:v6+s3+$0x0], $0xffff  }
0x380: {  	v4 =	vor.u32 $0x180, v5  }
0x381: {  	v6 =	vadd.s32 $0xFFFA8200, v3;
	_ =	sdelay $0x3  }
0x382: {  	[tilespmem:v4+s21+$0x0] =	vst.idx.msk vm0, v2  }
0x383: {  	v2 =	vld.idx.msk [tilespmem:v6+s3+$0x0], $0xffff  }
0x384: {  	v4 =	vor.u32 $0x200, v5  }
0x385: {  	v6 =	vadd.s32 $0xFFFA8280, v3;
	_ =	sdelay $0x3  }
0x386: {  	[tilespmem:v4+s21+$0x0] =	vst.idx.msk vm0, v2  }
0x387: {  	v2 =	vld.idx.msk [tilespmem:v6+s3+$0x0], $0xffff  }
0x388: {  	v4 =	vor.u32 $0x280, v5  }
0x389: {  	v6 =	vadd.s32 $0xFFFA8300, v3;
	_ =	sdelay $0x3  }
0x38a: {  	[tilespmem:v4+s21+$0x0] =	vst.idx.msk vm0, v2  }
0x38b: {  	v2 =	vld.idx.msk [tilespmem:v6+s3+$0x0], $0xffff  }
0x38c: {  	v4 =	vor.u32 $0x300, v5  }
0x38d: {  	v3 =	vadd.s32 $0xFFFA8380, v3;
	_ =	sdelay $0x1  }
.Ltmp31:
0x38e: {  	(pc) =	sbr.rel @p3 .LBB2_37-.Ltmp31, $4  }
0x38f: {  	_ = 	snop  }
0x390: {  	[tilespmem:v4+s21+$0x0] =	vst.idx.msk vm0, v2  }
0x391: {  	v2 =	vld.idx.msk [tilespmem:v3+s3+$0x0], $0xffff  }
0x392: {  	v3 =	vor.u32 $0x380, v5  }
.LBB2_38:
0x393: {  	_ =	sdelay $0x4  }
0x394: {  	[tilespmem:v3+s21+$0x0] =	vst.idx.msk vm0, v2  }
.LBB2_39:
0x395: {  	s0 =	sadd.s32 $0x6E000, s29  }
0x396: {  	s0 =	sshrl.u32 s0, $0x3  }
0x397: {  	s0 =	sadd.s32 s1, s0  }
0x398: {  	[tilespmem:s3], [sflag:$0x1] =	stream.linear.gather [hbm4b:s0+s3], $0xB000, $0x38;
	[tilespmem:$0x1F080] =	vst v63  }
0x399: {  	_ =	swait.ge [sflag:s22], $0xB000  }
0x39a: {  	(v2sf) =	vpush v1, $0xA;
	_ =	sdelay $0xe  }
0x39b: {  	s30 =	spop (v2sf)  }
0x39c: {  	s4 =	sadd.s32 $0xF, s30  }
0x39d: {  	s0 =	sshra.s32 s31, $0x4;
	s4 =	sshra.s32 s4, $0x4  }
0x39e: {  	p3 =	sle.s32 s4, s0  }
.Ltmp32:
0x39f: {  	_ = 	snop;
	(pc) =	sbr.rel @p3 .LBB2_43-.Ltmp32, $3  }
0x3a0: {  	_ =	sdelay $0x1  }
0x3a1: {  	[sflag:s22] =	ssyncset.done $0x0  }
0x3a2: {  	[sflag:s22] =	ssyncadd.s32 $0xFFFF5000  }
0x3a3: {  	s31 =	sshll.u32 s0, $0x6  }
0x3a4: {  	s31 =	sshra.s32 s31, $0x2  }
0x3a5: {  	s31 =	sadd.s32 $0x16000, s31  }
0x3a6: {  	v2 =	vld [tilespmem:s31+$0x0];
	_ =	sdelay $0x4  }
0x3a7: {  	v3 =	vshrl.u32 v2, $0xC  }
0x3a8: {  	v3 =	vmax.u32 v3, $0xC600  }
0x3a9: {  	v3 =	vmin.u32 v3, $0xDBFF  }
0x3aa: {  	v4 =	vshll.u32 v3, $0x3  }
0x3ab: {  	v3 =	vand.u32 $0x7F, v3;
	v4 =	vand.u32 $0x6FC00, v4  }
0x3ac: {  	v3 =	vor.u32 v3, v4  }
0x3ad: {  	v4 =	vadd.s32 $0xFFF9D000, v3;
	_ =	sdelay $0x2  }
0x3ae: {  	v5 =	vadd.s32 $0xF3A00000, v2;
	v6 =	vshll.u32 v2, $0x3  }
0x3af: {  	v2 =	vand.u32 $0x7F, v2;
	v6 =	vand.u32 $0x7C00, v6;
	vm0 =	vlt.u32 v5, $0x1600000  }
0x3b0: {  	v5 =	vor.u32 v2, v6;
	v4 =	vld.idx.msk [tilespmem:v4+s20+$0x0], $0xffff  }
0x3b1: {  	v2 =	vadd.s32 $0xFFF9D080, v3;
	_ =	sdelay $0x3  }
0x3b2: {  	[tilespmem:v5+s21+$0x0] =	vst.idx.msk vm0, v4  }
0x3b3: {  	v4 =	vor.u32 $0x80, v5;
	v2 =	vld.idx.msk [tilespmem:v2+s20+$0x0], $0xffff  }
0x3b4: {  	v59 =	vadd.s32 $0xFFF9D100, v3;
	_ =	sdelay $0x3  }
0x3b5: {  	[tilespmem:v4+s21+$0x0] =	vst.idx.msk vm0, v2  }
0x3b6: {  	v4 =	vor.u32 $0x100, v5;
	v2 =	vld.idx.msk [tilespmem:v59+s20+$0x0], $0xffff  }
0x3b7: {  	v60 =	vadd.s32 $0xFFF9D180, v3;
	_ =	sdelay $0x3  }
0x3b8: {  	[tilespmem:v4+s21+$0x0] =	vst.idx.msk vm0, v2  }
0x3b9: {  	v4 =	vor.u32 $0x180, v5;
	v2 =	vld.idx.msk [tilespmem:v60+s20+$0x0], $0xffff  }
0x3ba: {  	v61 =	vadd.s32 $0xFFF9D200, v3;
	_ =	sdelay $0x3  }
0x3bb: {  	[tilespmem:v4+s21+$0x0] =	vst.idx.msk vm0, v2  }
0x3bc: {  	v4 =	vor.u32 $0x200, v5;
	v2 =	vld.idx.msk [tilespmem:v61+s20+$0x0], $0xffff  }
0x3bd: {  	v62 =	vadd.s32 $0xFFF9D280, v3;
	_ =	sdelay $0x3  }
0x3be: {  	[tilespmem:v4+s21+$0x0] =	vst.idx.msk vm0, v2  }
0x3bf: {  	v4 =	vor.u32 $0x280, v5;
	v2 =	vld.idx.msk [tilespmem:v62+s20+$0x0], $0xffff  }
0x3c0: {  	v63 =	vadd.s32 $0xFFF9D300, v3;
	_ =	sdelay $0x3  }
0x3c1: {  	[tilespmem:v4+s21+$0x0] =	vst.idx.msk vm0, v2  }
0x3c2: {  	s4 =	ssub.s32 s4, s0;
	v4 =	vor.u32 $0x300, v5;
	v2 =	vld.idx.msk [tilespmem:v63+s20+$0x0], $0xffff  }
0x3c3: {  	p3 =	sne.s32 s4, $0x1;
	v3 =	vadd.s32 $0xFFF9D380, v3  }
.Ltmp33:
0x3c4: {  	_ = 	snop;
	(pc) =	sbr.rel @!p3 .LBB2_42-.Ltmp33, $3  }
0x3c5: {  	_ =	sdelay $0x1  }
0x3c6: {  	[tilespmem:v4+s21+$0x0] =	vst.idx.msk vm0, v2  }
0x3c7: {  	s0 =	sadd.s32 $0xFFFFFFFF, s4;
	v2 =	vld.idx.msk [tilespmem:v3+s20+$0x0], $0xffff;
	v3 =	vor.u32 $0x380, v5  }
.LBB2_41:
0x3c8: {  	_ =	sdelay $0x3  }
0x3c9: {  	p3 =	sne.s32 s0, $0x1;
	s0 =	sadd.s32 $0xFFFFFFFF, s0;
	s31 =	sadd.s32 $0x10, s31;
	[tilespmem:v3+s21+$0x0] =	vst.idx.msk vm0, v2  }
0x3ca: {  	v2 =	vld [tilespmem:s31+$0x0];
	_ =	sdelay $0x4  }
0x3cb: {  	v3 =	vshrl.u32 v2, $0xC;
	v4 =	vadd.s32 $0xF3A00000, v2;
	v5 =	vshll.u32 v2, $0x3  }
0x3cc: {  	v3 =	vmax.u32 v3, $0xC600;
	v5 =	vand.u32 $0x7C00, v5  }
0x3cd: {  	v3 =	vmin.u32 v3, $0xDBFF  }
0x3ce: {  	v6 =	vshll.u32 v3, $0x3  }
0x3cf: {  	v3 =	vand.u32 $0x7F, v3;
	v6 =	vand.u32 $0x6FC00, v6  }
0x3d0: {  	v3 =	vor.u32 v3, v6  }
0x3d1: {  	v6 =	vadd.s32 $0xFFF9D000, v3;
	_ =	sdelay $0x4  }
0x3d2: {  	v2 =	vand.u32 $0x7F, v2;
	vm0 =	vlt.u32 v4, $0x1600000;
	v4 =	vld.idx.msk [tilespmem:v6+s20+$0x0], $0xffff  }
0x3d3: {  	v5 =	vor.u32 v2, v5  }
0x3d4: {  	v2 =	vadd.s32 $0xFFF9D080, v3;
	_ =	sdelay $0x3  }
0x3d5: {  	[tilespmem:v5+s21+$0x0] =	vst.idx.msk vm0, v4  }
0x3d6: {  	v2 =	vld.idx.msk [tilespmem:v2+s20+$0x0], $0xffff  }
0x3d7: {  	v4 =	vor.u32 $0x80, v5  }
0x3d8: {  	v6 =	vadd.s32 $0xFFF9D100, v3;
	_ =	sdelay $0x3  }
0x3d9: {  	[tilespmem:v4+s21+$0x0] =	vst.idx.msk vm0, v2  }
0x3da: {  	v2 =	vld.idx.msk [tilespmem:v6+s20+$0x0], $0xffff  }
0x3db: {  	v4 =	vor.u32 $0x100, v5  }
0x3dc: {  	v6 =	vadd.s32 $0xFFF9D180, v3;
	_ =	sdelay $0x3  }
0x3dd: {  	[tilespmem:v4+s21+$0x0] =	vst.idx.msk vm0, v2  }
0x3de: {  	v2 =	vld.idx.msk [tilespmem:v6+s20+$0x0], $0xffff  }
0x3df: {  	v4 =	vor.u32 $0x180, v5  }
0x3e0: {  	v6 =	vadd.s32 $0xFFF9D200, v3;
	_ =	sdelay $0x3  }
0x3e1: {  	[tilespmem:v4+s21+$0x0] =	vst.idx.msk vm0, v2  }
0x3e2: {  	v2 =	vld.idx.msk [tilespmem:v6+s20+$0x0], $0xffff  }
0x3e3: {  	v4 =	vor.u32 $0x200, v5  }
0x3e4: {  	v6 =	vadd.s32 $0xFFF9D280, v3;
	_ =	sdelay $0x3  }
0x3e5: {  	[tilespmem:v4+s21+$0x0] =	vst.idx.msk vm0, v2  }
0x3e6: {  	v2 =	vld.idx.msk [tilespmem:v6+s20+$0x0], $0xffff  }
0x3e7: {  	v4 =	vor.u32 $0x280, v5  }
0x3e8: {  	v6 =	vadd.s32 $0xFFF9D300, v3;
	_ =	sdelay $0x3  }
0x3e9: {  	[tilespmem:v4+s21+$0x0] =	vst.idx.msk vm0, v2  }
0x3ea: {  	v2 =	vld.idx.msk [tilespmem:v6+s20+$0x0], $0xffff  }
0x3eb: {  	v4 =	vor.u32 $0x300, v5  }
0x3ec: {  	v3 =	vadd.s32 $0xFFF9D380, v3;
	_ =	sdelay $0x1  }
.Ltmp34:
0x3ed: {  	(pc) =	sbr.rel @p3 .LBB2_41-.Ltmp34, $4  }
0x3ee: {  	_ = 	snop  }
0x3ef: {  	[tilespmem:v4+s21+$0x0] =	vst.idx.msk vm0, v2  }
0x3f0: {  	v2 =	vld.idx.msk [tilespmem:v3+s20+$0x0], $0xffff  }
0x3f1: {  	v3 =	vor.u32 $0x380, v5  }
.LBB2_42:
0x3f2: {  	_ =	sdelay $0x4  }
0x3f3: {  	[tilespmem:v3+s21+$0x0] =	vst.idx.msk vm0, v2  }
.LBB2_43:
0x3f4: {  	s0 =	sadd.s32 $0x79000, s29  }
0x3f5: {  	s0 =	sshrl.u32 s0, $0x3  }
0x3f6: {  	s0 =	sadd.s32 s1, s0  }
0x3f7: {  	[tilespmem:s20], [sflag:$0x2] =	stream.linear.gather [hbm4b:s0+s3], $0xB000, $0x38;
	[tilespmem:$0x1F080] =	vst v63  }
0x3f8: {  	_ =	swait.ge [sflag:s16], $0xB000  }
0x3f9: {  	(v2sf) =	vpush v1, $0xB;
	_ =	sdelay $0xe  }
0x3fa: {  	s31 =	spop (v2sf)  }
0x3fb: {  	s4 =	sadd.s32 $0xF, s31  }
0x3fc: {  	s0 =	sshra.s32 s30, $0x4;
	s4 =	sshra.s32 s4, $0x4  }
0x3fd: {  	p3 =	sle.s32 s4, s0  }
.Ltmp35:
0x3fe: {  	_ = 	snop;
	(pc) =	sbr.rel @p3 .LBB2_47-.Ltmp35, $3  }
0x3ff: {  	_ =	sdelay $0x1  }
0x400: {  	[sflag:s16] =	ssyncset.done $0x0  }
0x401: {  	[sflag:s16] =	ssyncadd.s32 $0xFFFF5000  }
0x402: {  	s30 =	sshll.u32 s0, $0x6  }
0x403: {  	s30 =	sshra.s32 s30, $0x2  }
0x404: {  	s30 =	sadd.s32 $0x16000, s30  }
0x405: {  	v2 =	vld [tilespmem:s30+$0x0];
	_ =	sdelay $0x4  }
0x406: {  	v3 =	vshrl.u32 v2, $0xC  }
0x407: {  	v3 =	vmax.u32 v3, $0xDC00  }
0x408: {  	v3 =	vmin.u32 v3, $0xF1FF  }
0x409: {  	v4 =	vshll.u32 v3, $0x3  }
0x40a: {  	v3 =	vand.u32 $0x7F, v3;
	v4 =	vand.u32 $0x7FC00, v4  }
0x40b: {  	v3 =	vor.u32 v3, v4  }
0x40c: {  	v4 =	vadd.s32 $0xFFF92000, v3;
	_ =	sdelay $0x2  }
0x40d: {  	v5 =	vadd.s32 $0xF2400000, v2;
	v6 =	vshll.u32 v2, $0x3  }
0x40e: {  	v2 =	vand.u32 $0x7F, v2;
	v6 =	vand.u32 $0x7C00, v6;
	vm0 =	vlt.u32 v5, $0x1600000  }
0x40f: {  	v5 =	vor.u32 v2, v6;
	v4 =	vld.idx.msk [tilespmem:v4+s3+$0x0], $0xffff  }
0x410: {  	v2 =	vadd.s32 $0xFFF92080, v3;
	_ =	sdelay $0x3  }
0x411: {  	[tilespmem:v5+s21+$0x0] =	vst.idx.msk vm0, v4  }
0x412: {  	v4 =	vor.u32 $0x80, v5;
	v2 =	vld.idx.msk [tilespmem:v2+s3+$0x0], $0xffff  }
0x413: {  	v59 =	vadd.s32 $0xFFF92100, v3;
	_ =	sdelay $0x3  }
0x414: {  	[tilespmem:v4+s21+$0x0] =	vst.idx.msk vm0, v2  }
0x415: {  	v4 =	vor.u32 $0x100, v5;
	v2 =	vld.idx.msk [tilespmem:v59+s3+$0x0], $0xffff  }
0x416: {  	v60 =	vadd.s32 $0xFFF92180, v3;
	_ =	sdelay $0x3  }
0x417: {  	[tilespmem:v4+s21+$0x0] =	vst.idx.msk vm0, v2  }
0x418: {  	v4 =	vor.u32 $0x180, v5;
	v2 =	vld.idx.msk [tilespmem:v60+s3+$0x0], $0xffff  }
0x419: {  	v61 =	vadd.s32 $0xFFF92200, v3;
	_ =	sdelay $0x3  }
0x41a: {  	[tilespmem:v4+s21+$0x0] =	vst.idx.msk vm0, v2  }
0x41b: {  	v4 =	vor.u32 $0x200, v5;
	v2 =	vld.idx.msk [tilespmem:v61+s3+$0x0], $0xffff  }
0x41c: {  	v62 =	vadd.s32 $0xFFF92280, v3;
	_ =	sdelay $0x3  }
0x41d: {  	[tilespmem:v4+s21+$0x0] =	vst.idx.msk vm0, v2  }
0x41e: {  	v4 =	vor.u32 $0x280, v5;
	v2 =	vld.idx.msk [tilespmem:v62+s3+$0x0], $0xffff  }
0x41f: {  	v63 =	vadd.s32 $0xFFF92300, v3;
	_ =	sdelay $0x3  }
0x420: {  	[tilespmem:v4+s21+$0x0] =	vst.idx.msk vm0, v2  }
0x421: {  	s4 =	ssub.s32 s4, s0;
	v4 =	vor.u32 $0x300, v5;
	v2 =	vld.idx.msk [tilespmem:v63+s3+$0x0], $0xffff  }
0x422: {  	p3 =	sne.s32 s4, $0x1;
	v3 =	vadd.s32 $0xFFF92380, v3  }
.Ltmp36:
0x423: {  	_ = 	snop;
	(pc) =	sbr.rel @!p3 .LBB2_46-.Ltmp36, $3  }
0x424: {  	_ =	sdelay $0x1  }
0x425: {  	[tilespmem:v4+s21+$0x0] =	vst.idx.msk vm0, v2  }
0x426: {  	s0 =	sadd.s32 $0xFFFFFFFF, s4;
	v2 =	vld.idx.msk [tilespmem:v3+s3+$0x0], $0xffff;
	v3 =	vor.u32 $0x380, v5  }
.LBB2_45:
0x427: {  	_ =	sdelay $0x3  }
0x428: {  	p3 =	sne.s32 s0, $0x1;
	s0 =	sadd.s32 $0xFFFFFFFF, s0;
	s30 =	sadd.s32 $0x10, s30;
	[tilespmem:v3+s21+$0x0] =	vst.idx.msk vm0, v2  }
0x429: {  	v2 =	vld [tilespmem:s30+$0x0];
	_ =	sdelay $0x4  }
0x42a: {  	v3 =	vshrl.u32 v2, $0xC;
	v4 =	vadd.s32 $0xF2400000, v2;
	v5 =	vshll.u32 v2, $0x3  }
0x42b: {  	v3 =	vmax.u32 v3, $0xDC00;
	v5 =	vand.u32 $0x7C00, v5  }
0x42c: {  	v3 =	vmin.u32 v3, $0xF1FF  }
0x42d: {  	v6 =	vshll.u32 v3, $0x3  }
0x42e: {  	v3 =	vand.u32 $0x7F, v3;
	v6 =	vand.u32 $0x7FC00, v6  }
0x42f: {  	v3 =	vor.u32 v3, v6  }
0x430: {  	v6 =	vadd.s32 $0xFFF92000, v3;
	_ =	sdelay $0x4  }
0x431: {  	v2 =	vand.u32 $0x7F, v2;
	vm0 =	vlt.u32 v4, $0x1600000;
	v4 =	vld.idx.msk [tilespmem:v6+s3+$0x0], $0xffff  }
0x432: {  	v5 =	vor.u32 v2, v5  }
0x433: {  	v2 =	vadd.s32 $0xFFF92080, v3;
	_ =	sdelay $0x3  }
0x434: {  	[tilespmem:v5+s21+$0x0] =	vst.idx.msk vm0, v4  }
0x435: {  	v2 =	vld.idx.msk [tilespmem:v2+s3+$0x0], $0xffff  }
0x436: {  	v4 =	vor.u32 $0x80, v5  }
0x437: {  	v6 =	vadd.s32 $0xFFF92100, v3;
	_ =	sdelay $0x3  }
0x438: {  	[tilespmem:v4+s21+$0x0] =	vst.idx.msk vm0, v2  }
0x439: {  	v2 =	vld.idx.msk [tilespmem:v6+s3+$0x0], $0xffff  }
0x43a: {  	v4 =	vor.u32 $0x100, v5  }
0x43b: {  	v6 =	vadd.s32 $0xFFF92180, v3;
	_ =	sdelay $0x3  }
0x43c: {  	[tilespmem:v4+s21+$0x0] =	vst.idx.msk vm0, v2  }
0x43d: {  	v2 =	vld.idx.msk [tilespmem:v6+s3+$0x0], $0xffff  }
0x43e: {  	v4 =	vor.u32 $0x180, v5  }
0x43f: {  	v6 =	vadd.s32 $0xFFF92200, v3;
	_ =	sdelay $0x3  }
0x440: {  	[tilespmem:v4+s21+$0x0] =	vst.idx.msk vm0, v2  }
0x441: {  	v2 =	vld.idx.msk [tilespmem:v6+s3+$0x0], $0xffff  }
0x442: {  	v4 =	vor.u32 $0x200, v5  }
0x443: {  	v6 =	vadd.s32 $0xFFF92280, v3;
	_ =	sdelay $0x3  }
0x444: {  	[tilespmem:v4+s21+$0x0] =	vst.idx.msk vm0, v2  }
0x445: {  	v2 =	vld.idx.msk [tilespmem:v6+s3+$0x0], $0xffff  }
0x446: {  	v4 =	vor.u32 $0x280, v5  }
0x447: {  	v6 =	vadd.s32 $0xFFF92300, v3;
	_ =	sdelay $0x3  }
0x448: {  	[tilespmem:v4+s21+$0x0] =	vst.idx.msk vm0, v2  }
0x449: {  	v2 =	vld.idx.msk [tilespmem:v6+s3+$0x0], $0xffff  }
0x44a: {  	v4 =	vor.u32 $0x300, v5  }
0x44b: {  	v3 =	vadd.s32 $0xFFF92380, v3;
	_ =	sdelay $0x1  }
.Ltmp37:
0x44c: {  	(pc) =	sbr.rel @p3 .LBB2_45-.Ltmp37, $4  }
0x44d: {  	_ = 	snop  }
0x44e: {  	[tilespmem:v4+s21+$0x0] =	vst.idx.msk vm0, v2  }
0x44f: {  	v2 =	vld.idx.msk [tilespmem:v3+s3+$0x0], $0xffff  }
0x450: {  	v3 =	vor.u32 $0x380, v5  }
.LBB2_46:
0x451: {  	_ =	sdelay $0x4  }
0x452: {  	[tilespmem:v3+s21+$0x0] =	vst.idx.msk vm0, v2  }
.LBB2_47:
0x453: {  	s0 =	sadd.s32 $0x84000, s29  }
0x454: {  	s0 =	sshrl.u32 s0, $0x3  }
0x455: {  	s0 =	sadd.s32 s1, s0  }
0x456: {  	[tilespmem:s3], [sflag:$0x1] =	stream.linear.gather [hbm4b:s0+s3], $0xB000, $0x38;
	[tilespmem:$0x1F080] =	vst v63  }
0x457: {  	_ =	swait.ge [sflag:s22], $0xB000  }
0x458: {  	(v2sf) =	vpush v1, $0xC;
	_ =	sdelay $0xe  }
0x459: {  	s30 =	spop (v2sf)  }
0x45a: {  	s4 =	sadd.s32 $0xF, s30  }
0x45b: {  	s0 =	sshra.s32 s31, $0x4;
	s4 =	sshra.s32 s4, $0x4  }
0x45c: {  	p3 =	sle.s32 s4, s0  }
.Ltmp38:
0x45d: {  	_ = 	snop;
	(pc) =	sbr.rel @p3 .LBB2_51-.Ltmp38, $3  }
0x45e: {  	_ =	sdelay $0x1  }
0x45f: {  	[sflag:s22] =	ssyncset.done $0x0  }
0x460: {  	[sflag:s22] =	ssyncadd.s32 $0xFFFF5000  }
0x461: {  	s31 =	sshll.u32 s0, $0x6  }
0x462: {  	s31 =	sshra.s32 s31, $0x2  }
0x463: {  	s31 =	sadd.s32 $0x16000, s31  }
0x464: {  	v2 =	vld [tilespmem:s31+$0x0];
	_ =	sdelay $0x4  }
0x465: {  	v3 =	vshrl.u32 v2, $0xC  }
0x466: {  	v3 =	vmax.u32 v3, $0xF200  }
0x467: {  	v3 =	vmin.u32 v3, $0x107FF  }
0x468: {  	v4 =	vshll.u32 v3, $0x3  }
0x469: {  	v3 =	vand.u32 $0x7F, v3;
	v4 =	vand.u32 $0xFFC00, v4  }
0x46a: {  	v3 =	vor.u32 v3, v4  }
0x46b: {  	v4 =	vadd.s32 $0xFFF87000, v3;
	_ =	sdelay $0x2  }
0x46c: {  	v5 =	vadd.s32 $0xF0E00000, v2;
	v6 =	vshll.u32 v2, $0x3  }
0x46d: {  	v2 =	vand.u32 $0x7F, v2;
	v6 =	vand.u32 $0x7C00, v6;
	vm0 =	vlt.u32 v5, $0x1600000  }
0x46e: {  	v5 =	vor.u32 v2, v6;
	v4 =	vld.idx.msk [tilespmem:v4+s20+$0x0], $0xffff  }
0x46f: {  	v2 =	vadd.s32 $0xFFF87080, v3;
	_ =	sdelay $0x3  }
0x470: {  	[tilespmem:v5+s21+$0x0] =	vst.idx.msk vm0, v4  }
0x471: {  	v4 =	vor.u32 $0x80, v5;
	v2 =	vld.idx.msk [tilespmem:v2+s20+$0x0], $0xffff  }
0x472: {  	v59 =	vadd.s32 $0xFFF87100, v3;
	_ =	sdelay $0x3  }
0x473: {  	[tilespmem:v4+s21+$0x0] =	vst.idx.msk vm0, v2  }
0x474: {  	v4 =	vor.u32 $0x100, v5;
	v2 =	vld.idx.msk [tilespmem:v59+s20+$0x0], $0xffff  }
0x475: {  	v60 =	vadd.s32 $0xFFF87180, v3;
	_ =	sdelay $0x3  }
0x476: {  	[tilespmem:v4+s21+$0x0] =	vst.idx.msk vm0, v2  }
0x477: {  	v4 =	vor.u32 $0x180, v5;
	v2 =	vld.idx.msk [tilespmem:v60+s20+$0x0], $0xffff  }
0x478: {  	v61 =	vadd.s32 $0xFFF87200, v3;
	_ =	sdelay $0x3  }
0x479: {  	[tilespmem:v4+s21+$0x0] =	vst.idx.msk vm0, v2  }
0x47a: {  	v4 =	vor.u32 $0x200, v5;
	v2 =	vld.idx.msk [tilespmem:v61+s20+$0x0], $0xffff  }
0x47b: {  	v62 =	vadd.s32 $0xFFF87280, v3;
	_ =	sdelay $0x3  }
0x47c: {  	[tilespmem:v4+s21+$0x0] =	vst.idx.msk vm0, v2  }
0x47d: {  	v4 =	vor.u32 $0x280, v5;
	v2 =	vld.idx.msk [tilespmem:v62+s20+$0x0], $0xffff  }
0x47e: {  	v63 =	vadd.s32 $0xFFF87300, v3;
	_ =	sdelay $0x3  }
0x47f: {  	[tilespmem:v4+s21+$0x0] =	vst.idx.msk vm0, v2  }
0x480: {  	s4 =	ssub.s32 s4, s0;
	v4 =	vor.u32 $0x300, v5;
	v2 =	vld.idx.msk [tilespmem:v63+s20+$0x0], $0xffff  }
0x481: {  	p3 =	sne.s32 s4, $0x1;
	v3 =	vadd.s32 $0xFFF87380, v3  }
.Ltmp39:
0x482: {  	_ = 	snop;
	(pc) =	sbr.rel @!p3 .LBB2_50-.Ltmp39, $3  }
0x483: {  	_ =	sdelay $0x1  }
0x484: {  	[tilespmem:v4+s21+$0x0] =	vst.idx.msk vm0, v2  }
0x485: {  	s0 =	sadd.s32 $0xFFFFFFFF, s4;
	v2 =	vld.idx.msk [tilespmem:v3+s20+$0x0], $0xffff;
	v3 =	vor.u32 $0x380, v5  }
.LBB2_49:
0x486: {  	_ =	sdelay $0x3  }
0x487: {  	p3 =	sne.s32 s0, $0x1;
	s0 =	sadd.s32 $0xFFFFFFFF, s0;
	s31 =	sadd.s32 $0x10, s31;
	[tilespmem:v3+s21+$0x0] =	vst.idx.msk vm0, v2  }
0x488: {  	v2 =	vld [tilespmem:s31+$0x0];
	_ =	sdelay $0x4  }
0x489: {  	v3 =	vshrl.u32 v2, $0xC;
	v4 =	vadd.s32 $0xF0E00000, v2;
	v5 =	vshll.u32 v2, $0x3  }
0x48a: {  	v3 =	vmax.u32 v3, $0xF200;
	v5 =	vand.u32 $0x7C00, v5  }
0x48b: {  	v3 =	vmin.u32 v3, $0x107FF  }
0x48c: {  	v6 =	vshll.u32 v3, $0x3  }
0x48d: {  	v3 =	vand.u32 $0x7F, v3;
	v6 =	vand.u32 $0xFFC00, v6  }
0x48e: {  	v3 =	vor.u32 v3, v6  }
0x48f: {  	v6 =	vadd.s32 $0xFFF87000, v3;
	_ =	sdelay $0x4  }
0x490: {  	v2 =	vand.u32 $0x7F, v2;
	vm0 =	vlt.u32 v4, $0x1600000;
	v4 =	vld.idx.msk [tilespmem:v6+s20+$0x0], $0xffff  }
0x491: {  	v5 =	vor.u32 v2, v5  }
0x492: {  	v2 =	vadd.s32 $0xFFF87080, v3;
	_ =	sdelay $0x3  }
0x493: {  	[tilespmem:v5+s21+$0x0] =	vst.idx.msk vm0, v4  }
0x494: {  	v2 =	vld.idx.msk [tilespmem:v2+s20+$0x0], $0xffff  }
0x495: {  	v4 =	vor.u32 $0x80, v5  }
0x496: {  	v6 =	vadd.s32 $0xFFF87100, v3;
	_ =	sdelay $0x3  }
0x497: {  	[tilespmem:v4+s21+$0x0] =	vst.idx.msk vm0, v2  }
0x498: {  	v2 =	vld.idx.msk [tilespmem:v6+s20+$0x0], $0xffff  }
0x499: {  	v4 =	vor.u32 $0x100, v5  }
0x49a: {  	v6 =	vadd.s32 $0xFFF87180, v3;
	_ =	sdelay $0x3  }
0x49b: {  	[tilespmem:v4+s21+$0x0] =	vst.idx.msk vm0, v2  }
0x49c: {  	v2 =	vld.idx.msk [tilespmem:v6+s20+$0x0], $0xffff  }
0x49d: {  	v4 =	vor.u32 $0x180, v5  }
0x49e: {  	v6 =	vadd.s32 $0xFFF87200, v3;
	_ =	sdelay $0x3  }
0x49f: {  	[tilespmem:v4+s21+$0x0] =	vst.idx.msk vm0, v2  }
0x4a0: {  	v2 =	vld.idx.msk [tilespmem:v6+s20+$0x0], $0xffff  }
0x4a1: {  	v4 =	vor.u32 $0x200, v5  }
0x4a2: {  	v6 =	vadd.s32 $0xFFF87280, v3;
	_ =	sdelay $0x3  }
0x4a3: {  	[tilespmem:v4+s21+$0x0] =	vst.idx.msk vm0, v2  }
0x4a4: {  	v2 =	vld.idx.msk [tilespmem:v6+s20+$0x0], $0xffff  }
0x4a5: {  	v4 =	vor.u32 $0x280, v5  }
0x4a6: {  	v6 =	vadd.s32 $0xFFF87300, v3;
	_ =	sdelay $0x3  }
0x4a7: {  	[tilespmem:v4+s21+$0x0] =	vst.idx.msk vm0, v2  }
0x4a8: {  	v2 =	vld.idx.msk [tilespmem:v6+s20+$0x0], $0xffff  }
0x4a9: {  	v4 =	vor.u32 $0x300, v5  }
0x4aa: {  	v3 =	vadd.s32 $0xFFF87380, v3;
	_ =	sdelay $0x1  }
.Ltmp40:
0x4ab: {  	(pc) =	sbr.rel @p3 .LBB2_49-.Ltmp40, $4  }
0x4ac: {  	_ = 	snop  }
0x4ad: {  	[tilespmem:v4+s21+$0x0] =	vst.idx.msk vm0, v2  }
0x4ae: {  	v2 =	vld.idx.msk [tilespmem:v3+s20+$0x0], $0xffff  }
0x4af: {  	v3 =	vor.u32 $0x380, v5  }
.LBB2_50:
0x4b0: {  	_ =	sdelay $0x4  }
0x4b1: {  	[tilespmem:v3+s21+$0x0] =	vst.idx.msk vm0, v2  }
.LBB2_51:
0x4b2: {  	s0 =	sadd.s32 $0x8F000, s29  }
0x4b3: {  	s0 =	sshrl.u32 s0, $0x3  }
0x4b4: {  	s0 =	sadd.s32 s1, s0  }
0x4b5: {  	[tilespmem:s20], [sflag:$0x2] =	stream.linear.gather [hbm4b:s0+s3], $0xB000, $0x38;
	[tilespmem:$0x1F080] =	vst v63  }
0x4b6: {  	_ =	swait.ge [sflag:s16], $0xB000  }
0x4b7: {  	(v2sf) =	vpush v1, $0xD;
	_ =	sdelay $0xe  }
0x4b8: {  	s31 =	spop (v2sf)  }
0x4b9: {  	s4 =	sadd.s32 $0xF, s31  }
0x4ba: {  	s0 =	sshra.s32 s30, $0x4;
	s4 =	sshra.s32 s4, $0x4  }
0x4bb: {  	p3 =	sle.s32 s4, s0  }
.Ltmp41:
0x4bc: {  	_ = 	snop;
	(pc) =	sbr.rel @p3 .LBB2_55-.Ltmp41, $3  }
0x4bd: {  	_ =	sdelay $0x1  }
0x4be: {  	[sflag:s16] =	ssyncset.done $0x0  }
0x4bf: {  	[sflag:s16] =	ssyncadd.s32 $0xFFFF5000  }
0x4c0: {  	s30 =	sshll.u32 s0, $0x6  }
0x4c1: {  	s30 =	sshra.s32 s30, $0x2  }
0x4c2: {  	s30 =	sadd.s32 $0x16000, s30  }
0x4c3: {  	v2 =	vld [tilespmem:s30+$0x0];
	_ =	sdelay $0x4  }
0x4c4: {  	v3 =	vshrl.u32 v2, $0xC  }
0x4c5: {  	v3 =	vmax.u32 v3, $0x10800  }
0x4c6: {  	v3 =	vmin.u32 v3, $0x11DFF  }
0x4c7: {  	v4 =	vshll.u32 v3, $0x3  }
0x4c8: {  	v3 =	vand.u32 $0x7F, v3;
	v4 =	vand.u32 $0x8FC00, v4  }
0x4c9: {  	v3 =	vor.u32 v3, v4  }
0x4ca: {  	v4 =	vadd.s32 $0xFFF7C000, v3;
	_ =	sdelay $0x2  }
0x4cb: {  	v5 =	vadd.s32 $0xEF800000, v2;
	v6 =	vshll.u32 v2, $0x3  }
0x4cc: {  	v2 =	vand.u32 $0x7F, v2;
	v6 =	vand.u32 $0x7C00, v6;
	vm0 =	vlt.u32 v5, $0x1600000  }
0x4cd: {  	v5 =	vor.u32 v2, v6;
	v4 =	vld.idx.msk [tilespmem:v4+s3+$0x0], $0xffff  }
0x4ce: {  	v2 =	vadd.s32 $0xFFF7C080, v3;
	_ =	sdelay $0x3  }
0x4cf: {  	[tilespmem:v5+s21+$0x0] =	vst.idx.msk vm0, v4  }
0x4d0: {  	v4 =	vor.u32 $0x80, v5;
	v2 =	vld.idx.msk [tilespmem:v2+s3+$0x0], $0xffff  }
0x4d1: {  	v59 =	vadd.s32 $0xFFF7C100, v3;
	_ =	sdelay $0x3  }
0x4d2: {  	[tilespmem:v4+s21+$0x0] =	vst.idx.msk vm0, v2  }
0x4d3: {  	v4 =	vor.u32 $0x100, v5;
	v2 =	vld.idx.msk [tilespmem:v59+s3+$0x0], $0xffff  }
0x4d4: {  	v60 =	vadd.s32 $0xFFF7C180, v3;
	_ =	sdelay $0x3  }
0x4d5: {  	[tilespmem:v4+s21+$0x0] =	vst.idx.msk vm0, v2  }
0x4d6: {  	v4 =	vor.u32 $0x180, v5;
	v2 =	vld.idx.msk [tilespmem:v60+s3+$0x0], $0xffff  }
0x4d7: {  	v61 =	vadd.s32 $0xFFF7C200, v3;
	_ =	sdelay $0x3  }
0x4d8: {  	[tilespmem:v4+s21+$0x0] =	vst.idx.msk vm0, v2  }
0x4d9: {  	v4 =	vor.u32 $0x200, v5;
	v2 =	vld.idx.msk [tilespmem:v61+s3+$0x0], $0xffff  }
0x4da: {  	v62 =	vadd.s32 $0xFFF7C280, v3;
	_ =	sdelay $0x3  }
0x4db: {  	[tilespmem:v4+s21+$0x0] =	vst.idx.msk vm0, v2  }
0x4dc: {  	v4 =	vor.u32 $0x280, v5;
	v2 =	vld.idx.msk [tilespmem:v62+s3+$0x0], $0xffff  }
0x4dd: {  	v63 =	vadd.s32 $0xFFF7C300, v3;
	_ =	sdelay $0x3  }
0x4de: {  	[tilespmem:v4+s21+$0x0] =	vst.idx.msk vm0, v2  }
0x4df: {  	s4 =	ssub.s32 s4, s0;
	v4 =	vor.u32 $0x300, v5;
	v2 =	vld.idx.msk [tilespmem:v63+s3+$0x0], $0xffff  }
0x4e0: {  	p3 =	sne.s32 s4, $0x1;
	v3 =	vadd.s32 $0xFFF7C380, v3  }
.Ltmp42:
0x4e1: {  	_ = 	snop;
	(pc) =	sbr.rel @!p3 .LBB2_54-.Ltmp42, $3  }
0x4e2: {  	_ =	sdelay $0x1  }
0x4e3: {  	[tilespmem:v4+s21+$0x0] =	vst.idx.msk vm0, v2  }
0x4e4: {  	s0 =	sadd.s32 $0xFFFFFFFF, s4;
	v2 =	vld.idx.msk [tilespmem:v3+s3+$0x0], $0xffff;
	v3 =	vor.u32 $0x380, v5  }
.LBB2_53:
0x4e5: {  	_ =	sdelay $0x3  }
0x4e6: {  	p3 =	sne.s32 s0, $0x1;
	s0 =	sadd.s32 $0xFFFFFFFF, s0;
	s30 =	sadd.s32 $0x10, s30;
	[tilespmem:v3+s21+$0x0] =	vst.idx.msk vm0, v2  }
0x4e7: {  	v2 =	vld [tilespmem:s30+$0x0];
	_ =	sdelay $0x4  }
0x4e8: {  	v3 =	vshrl.u32 v2, $0xC;
	v4 =	vadd.s32 $0xEF800000, v2;
	v5 =	vshll.u32 v2, $0x3  }
0x4e9: {  	v3 =	vmax.u32 v3, $0x10800;
	v5 =	vand.u32 $0x7C00, v5  }
0x4ea: {  	v3 =	vmin.u32 v3, $0x11DFF  }
0x4eb: {  	v6 =	vshll.u32 v3, $0x3  }
0x4ec: {  	v3 =	vand.u32 $0x7F, v3;
	v6 =	vand.u32 $0x8FC00, v6  }
0x4ed: {  	v3 =	vor.u32 v3, v6  }
0x4ee: {  	v6 =	vadd.s32 $0xFFF7C000, v3;
	_ =	sdelay $0x4  }
0x4ef: {  	v2 =	vand.u32 $0x7F, v2;
	vm0 =	vlt.u32 v4, $0x1600000;
	v4 =	vld.idx.msk [tilespmem:v6+s3+$0x0], $0xffff  }
0x4f0: {  	v5 =	vor.u32 v2, v5  }
0x4f1: {  	v2 =	vadd.s32 $0xFFF7C080, v3;
	_ =	sdelay $0x3  }
0x4f2: {  	[tilespmem:v5+s21+$0x0] =	vst.idx.msk vm0, v4  }
0x4f3: {  	v2 =	vld.idx.msk [tilespmem:v2+s3+$0x0], $0xffff  }
0x4f4: {  	v4 =	vor.u32 $0x80, v5  }
0x4f5: {  	v6 =	vadd.s32 $0xFFF7C100, v3;
	_ =	sdelay $0x3  }
0x4f6: {  	[tilespmem:v4+s21+$0x0] =	vst.idx.msk vm0, v2  }
0x4f7: {  	v2 =	vld.idx.msk [tilespmem:v6+s3+$0x0], $0xffff  }
0x4f8: {  	v4 =	vor.u32 $0x100, v5  }
0x4f9: {  	v6 =	vadd.s32 $0xFFF7C180, v3;
	_ =	sdelay $0x3  }
0x4fa: {  	[tilespmem:v4+s21+$0x0] =	vst.idx.msk vm0, v2  }
0x4fb: {  	v2 =	vld.idx.msk [tilespmem:v6+s3+$0x0], $0xffff  }
0x4fc: {  	v4 =	vor.u32 $0x180, v5  }
0x4fd: {  	v6 =	vadd.s32 $0xFFF7C200, v3;
	_ =	sdelay $0x3  }
0x4fe: {  	[tilespmem:v4+s21+$0x0] =	vst.idx.msk vm0, v2  }
0x4ff: {  	v2 =	vld.idx.msk [tilespmem:v6+s3+$0x0], $0xffff  }
0x500: {  	v4 =	vor.u32 $0x200, v5  }
0x501: {  	v6 =	vadd.s32 $0xFFF7C280, v3;
	_ =	sdelay $0x3  }
0x502: {  	[tilespmem:v4+s21+$0x0] =	vst.idx.msk vm0, v2  }
0x503: {  	v2 =	vld.idx.msk [tilespmem:v6+s3+$0x0], $0xffff  }
0x504: {  	v4 =	vor.u32 $0x280, v5  }
0x505: {  	v6 =	vadd.s32 $0xFFF7C300, v3;
	_ =	sdelay $0x3  }
0x506: {  	[tilespmem:v4+s21+$0x0] =	vst.idx.msk vm0, v2  }
0x507: {  	v2 =	vld.idx.msk [tilespmem:v6+s3+$0x0], $0xffff  }
0x508: {  	v4 =	vor.u32 $0x300, v5  }
0x509: {  	v3 =	vadd.s32 $0xFFF7C380, v3;
	_ =	sdelay $0x1  }
.Ltmp43:
0x50a: {  	(pc) =	sbr.rel @p3 .LBB2_53-.Ltmp43, $4  }
0x50b: {  	_ = 	snop  }
0x50c: {  	[tilespmem:v4+s21+$0x0] =	vst.idx.msk vm0, v2  }
0x50d: {  	v2 =	vld.idx.msk [tilespmem:v3+s3+$0x0], $0xffff  }
0x50e: {  	v3 =	vor.u32 $0x380, v5  }
.LBB2_54:
0x50f: {  	_ =	sdelay $0x4  }
0x510: {  	[tilespmem:v3+s21+$0x0] =	vst.idx.msk vm0, v2  }
.LBB2_55:
0x511: {  	s0 =	sadd.s32 $0x9A000, s29  }
0x512: {  	s0 =	sshrl.u32 s0, $0x3  }
0x513: {  	s0 =	sadd.s32 s1, s0  }
0x514: {  	[tilespmem:s3], [sflag:$0x1] =	stream.linear.gather [hbm4b:s0+s3], $0xB000, $0x38;
	[tilespmem:$0x1F080] =	vst v63  }
0x515: {  	_ =	swait.ge [sflag:s22], $0xB000  }
0x516: {  	(v2sf) =	vpush v1, $0xE;
	_ =	sdelay $0xe  }
0x517: {  	s30 =	spop (v2sf)  }
0x518: {  	s4 =	sadd.s32 $0xF, s30  }
0x519: {  	s0 =	sshra.s32 s31, $0x4;
	s4 =	sshra.s32 s4, $0x4  }
0x51a: {  	p3 =	sle.s32 s4, s0  }
.Ltmp44:
0x51b: {  	_ = 	snop;
	(pc) =	sbr.rel @p3 .LBB2_59-.Ltmp44, $3  }
0x51c: {  	_ =	sdelay $0x1  }
0x51d: {  	[sflag:s22] =	ssyncset.done $0x0  }
0x51e: {  	[sflag:s22] =	ssyncadd.s32 $0xFFFF5000  }
0x51f: {  	s31 =	sshll.u32 s0, $0x6  }
0x520: {  	s31 =	sshra.s32 s31, $0x2  }
0x521: {  	s31 =	sadd.s32 $0x16000, s31  }
0x522: {  	v2 =	vld [tilespmem:s31+$0x0];
	_ =	sdelay $0x4  }
0x523: {  	v3 =	vshrl.u32 v2, $0xC  }
0x524: {  	v3 =	vmax.u32 v3, $0x11E00  }
0x525: {  	v3 =	vmin.u32 v3, $0x133FF  }
0x526: {  	v4 =	vshll.u32 v3, $0x3  }
0x527: {  	v3 =	vand.u32 $0x7F, v3;
	v4 =	vand.u32 $0x9FC00, v4  }
0x528: {  	v3 =	vor.u32 v3, v4  }
0x529: {  	v4 =	vadd.s32 $0xFFF71000, v3;
	_ =	sdelay $0x2  }
0x52a: {  	v5 =	vadd.s32 $0xEE200000, v2;
	v6 =	vshll.u32 v2, $0x3  }
0x52b: {  	v2 =	vand.u32 $0x7F, v2;
	v6 =	vand.u32 $0x7C00, v6;
	vm0 =	vlt.u32 v5, $0x1600000  }
0x52c: {  	v5 =	vor.u32 v2, v6;
	v4 =	vld.idx.msk [tilespmem:v4+s20+$0x0], $0xffff  }
0x52d: {  	v2 =	vadd.s32 $0xFFF71080, v3;
	_ =	sdelay $0x3  }
0x52e: {  	[tilespmem:v5+s21+$0x0] =	vst.idx.msk vm0, v4  }
0x52f: {  	v4 =	vor.u32 $0x80, v5;
	v2 =	vld.idx.msk [tilespmem:v2+s20+$0x0], $0xffff  }
0x530: {  	v59 =	vadd.s32 $0xFFF71100, v3;
	_ =	sdelay $0x3  }
0x531: {  	[tilespmem:v4+s21+$0x0] =	vst.idx.msk vm0, v2  }
0x532: {  	v4 =	vor.u32 $0x100, v5;
	v2 =	vld.idx.msk [tilespmem:v59+s20+$0x0], $0xffff  }
0x533: {  	v60 =	vadd.s32 $0xFFF71180, v3;
	_ =	sdelay $0x3  }
0x534: {  	[tilespmem:v4+s21+$0x0] =	vst.idx.msk vm0, v2  }
0x535: {  	v4 =	vor.u32 $0x180, v5;
	v2 =	vld.idx.msk [tilespmem:v60+s20+$0x0], $0xffff  }
0x536: {  	v61 =	vadd.s32 $0xFFF71200, v3;
	_ =	sdelay $0x3  }
0x537: {  	[tilespmem:v4+s21+$0x0] =	vst.idx.msk vm0, v2  }
0x538: {  	v4 =	vor.u32 $0x200, v5;
	v2 =	vld.idx.msk [tilespmem:v61+s20+$0x0], $0xffff  }
0x539: {  	v62 =	vadd.s32 $0xFFF71280, v3;
	_ =	sdelay $0x3  }
0x53a: {  	[tilespmem:v4+s21+$0x0] =	vst.idx.msk vm0, v2  }
0x53b: {  	v4 =	vor.u32 $0x280, v5;
	v2 =	vld.idx.msk [tilespmem:v62+s20+$0x0], $0xffff  }
0x53c: {  	v63 =	vadd.s32 $0xFFF71300, v3;
	_ =	sdelay $0x3  }
0x53d: {  	[tilespmem:v4+s21+$0x0] =	vst.idx.msk vm0, v2  }
0x53e: {  	s4 =	ssub.s32 s4, s0;
	v4 =	vor.u32 $0x300, v5;
	v2 =	vld.idx.msk [tilespmem:v63+s20+$0x0], $0xffff  }
0x53f: {  	p3 =	sne.s32 s4, $0x1;
	v3 =	vadd.s32 $0xFFF71380, v3  }
.Ltmp45:
0x540: {  	_ = 	snop;
	(pc) =	sbr.rel @!p3 .LBB2_58-.Ltmp45, $3  }
0x541: {  	_ =	sdelay $0x1  }
0x542: {  	[tilespmem:v4+s21+$0x0] =	vst.idx.msk vm0, v2  }
0x543: {  	s0 =	sadd.s32 $0xFFFFFFFF, s4;
	v2 =	vld.idx.msk [tilespmem:v3+s20+$0x0], $0xffff;
	v3 =	vor.u32 $0x380, v5  }
.LBB2_57:
0x544: {  	_ =	sdelay $0x3  }
0x545: {  	p3 =	sne.s32 s0, $0x1;
	s0 =	sadd.s32 $0xFFFFFFFF, s0;
	s31 =	sadd.s32 $0x10, s31;
	[tilespmem:v3+s21+$0x0] =	vst.idx.msk vm0, v2  }
0x546: {  	v2 =	vld [tilespmem:s31+$0x0];
	_ =	sdelay $0x4  }
0x547: {  	v3 =	vshrl.u32 v2, $0xC;
	v4 =	vadd.s32 $0xEE200000, v2;
	v5 =	vshll.u32 v2, $0x3  }
0x548: {  	v3 =	vmax.u32 v3, $0x11E00;
	v5 =	vand.u32 $0x7C00, v5  }
0x549: {  	v3 =	vmin.u32 v3, $0x133FF  }
0x54a: {  	v6 =	vshll.u32 v3, $0x3  }
0x54b: {  	v3 =	vand.u32 $0x7F, v3;
	v6 =	vand.u32 $0x9FC00, v6  }
0x54c: {  	v3 =	vor.u32 v3, v6  }
0x54d: {  	v6 =	vadd.s32 $0xFFF71000, v3;
	_ =	sdelay $0x4  }
0x54e: {  	v2 =	vand.u32 $0x7F, v2;
	vm0 =	vlt.u32 v4, $0x1600000;
	v4 =	vld.idx.msk [tilespmem:v6+s20+$0x0], $0xffff  }
0x54f: {  	v5 =	vor.u32 v2, v5  }
0x550: {  	v2 =	vadd.s32 $0xFFF71080, v3;
	_ =	sdelay $0x3  }
0x551: {  	[tilespmem:v5+s21+$0x0] =	vst.idx.msk vm0, v4  }
0x552: {  	v2 =	vld.idx.msk [tilespmem:v2+s20+$0x0], $0xffff  }
0x553: {  	v4 =	vor.u32 $0x80, v5  }
0x554: {  	v6 =	vadd.s32 $0xFFF71100, v3;
	_ =	sdelay $0x3  }
0x555: {  	[tilespmem:v4+s21+$0x0] =	vst.idx.msk vm0, v2  }
0x556: {  	v2 =	vld.idx.msk [tilespmem:v6+s20+$0x0], $0xffff  }
0x557: {  	v4 =	vor.u32 $0x100, v5  }
0x558: {  	v6 =	vadd.s32 $0xFFF71180, v3;
	_ =	sdelay $0x3  }
0x559: {  	[tilespmem:v4+s21+$0x0] =	vst.idx.msk vm0, v2  }
0x55a: {  	v2 =	vld.idx.msk [tilespmem:v6+s20+$0x0], $0xffff  }
0x55b: {  	v4 =	vor.u32 $0x180, v5  }
0x55c: {  	v6 =	vadd.s32 $0xFFF71200, v3;
	_ =	sdelay $0x3  }
0x55d: {  	[tilespmem:v4+s21+$0x0] =	vst.idx.msk vm0, v2  }
0x55e: {  	v2 =	vld.idx.msk [tilespmem:v6+s20+$0x0], $0xffff  }
0x55f: {  	v4 =	vor.u32 $0x200, v5  }
0x560: {  	v6 =	vadd.s32 $0xFFF71280, v3;
	_ =	sdelay $0x3  }
0x561: {  	[tilespmem:v4+s21+$0x0] =	vst.idx.msk vm0, v2  }
0x562: {  	v2 =	vld.idx.msk [tilespmem:v6+s20+$0x0], $0xffff  }
0x563: {  	v4 =	vor.u32 $0x280, v5  }
0x564: {  	v6 =	vadd.s32 $0xFFF71300, v3;
	_ =	sdelay $0x3  }
0x565: {  	[tilespmem:v4+s21+$0x0] =	vst.idx.msk vm0, v2  }
0x566: {  	v2 =	vld.idx.msk [tilespmem:v6+s20+$0x0], $0xffff  }
0x567: {  	v4 =	vor.u32 $0x300, v5  }
0x568: {  	v3 =	vadd.s32 $0xFFF71380, v3;
	_ =	sdelay $0x1  }
.Ltmp46:
0x569: {  	(pc) =	sbr.rel @p3 .LBB2_57-.Ltmp46, $4  }
0x56a: {  	_ = 	snop  }
0x56b: {  	[tilespmem:v4+s21+$0x0] =	vst.idx.msk vm0, v2  }
0x56c: {  	v2 =	vld.idx.msk [tilespmem:v3+s20+$0x0], $0xffff  }
0x56d: {  	v3 =	vor.u32 $0x380, v5  }
.LBB2_58:
0x56e: {  	_ =	sdelay $0x4  }
0x56f: {  	[tilespmem:v3+s21+$0x0] =	vst.idx.msk vm0, v2  }
.LBB2_59:
0x570: {  	s0 =	sadd.s32 $0xA5000, s29  }
0x571: {  	s0 =	sshrl.u32 s0, $0x3  }
0x572: {  	s0 =	sadd.s32 s1, s0  }
0x573: {  	[tilespmem:s20], [sflag:$0x2] =	stream.linear.gather [hbm4b:s0+s3], $0xB000, $0x38;
	[tilespmem:$0x1F080] =	vst v63  }
0x574: {  	_ =	swait.ge [sflag:s16], $0xB000  }
0x575: {  	(v2sf) =	vpush v1, $0xF;
	_ =	sdelay $0xe  }
0x576: {  	s31 =	spop (v2sf)  }
0x577: {  	s4 =	sadd.s32 $0xF, s31  }
0x578: {  	s0 =	sshra.s32 s30, $0x4;
	s4 =	sshra.s32 s4, $0x4  }
0x579: {  	p3 =	sle.s32 s4, s0  }
.Ltmp47:
0x57a: {  	_ = 	snop;
	(pc) =	sbr.rel @p3 .LBB2_63-.Ltmp47, $3  }
0x57b: {  	_ =	sdelay $0x1  }
0x57c: {  	[sflag:s16] =	ssyncset.done $0x0  }
0x57d: {  	[sflag:s16] =	ssyncadd.s32 $0xFFFF5000  }
0x57e: {  	s30 =	sshll.u32 s0, $0x6  }
0x57f: {  	s30 =	sshra.s32 s30, $0x2  }
0x580: {  	s30 =	sadd.s32 $0x16000, s30  }
0x581: {  	v1 =	vld [tilespmem:s30+$0x0];
	_ =	sdelay $0x4  }
0x582: {  	v2 =	vshrl.u32 v1, $0xC  }
0x583: {  	v2 =	vmax.u32 v2, $0x13400  }
0x584: {  	v2 =	vmin.u32 v2, $0x149FF  }
0x585: {  	v3 =	vshll.u32 v2, $0x3  }
0x586: {  	v2 =	vand.u32 $0x7F, v2;
	v3 =	vand.u32 $0xBFC00, v3  }
0x587: {  	v2 =	vor.u32 v2, v3  }
0x588: {  	v3 =	vadd.s32 $0xFFF66000, v2;
	_ =	sdelay $0x2  }
0x589: {  	v4 =	vadd.s32 $0xECC00000, v1;
	v5 =	vshll.u32 v1, $0x3  }
0x58a: {  	v1 =	vand.u32 $0x7F, v1;
	v5 =	vand.u32 $0x7C00, v5;
	vm0 =	vlt.u32 v4, $0x1600000  }
0x58b: {  	v58 =	vor.u32 v1, v5;
	v3 =	vld.idx.msk [tilespmem:v3+s3+$0x0], $0xffff  }
0x58c: {  	v1 =	vadd.s32 $0xFFF66080, v2;
	_ =	sdelay $0x3  }
0x58d: {  	[tilespmem:v58+s21+$0x0] =	vst.idx.msk vm0, v3  }
0x58e: {  	v3 =	vor.u32 $0x80, v58;
	v1 =	vld.idx.msk [tilespmem:v1+s3+$0x0], $0xffff  }
0x58f: {  	v59 =	vadd.s32 $0xFFF66100, v2;
	_ =	sdelay $0x3  }
0x590: {  	[tilespmem:v3+s21+$0x0] =	vst.idx.msk vm0, v1  }
0x591: {  	v3 =	vor.u32 $0x100, v58;
	v1 =	vld.idx.msk [tilespmem:v59+s3+$0x0], $0xffff  }
0x592: {  	v60 =	vadd.s32 $0xFFF66180, v2;
	_ =	sdelay $0x3  }
0x593: {  	[tilespmem:v3+s21+$0x0] =	vst.idx.msk vm0, v1  }
0x594: {  	v3 =	vor.u32 $0x180, v58;
	v1 =	vld.idx.msk [tilespmem:v60+s3+$0x0], $0xffff  }
0x595: {  	v61 =	vadd.s32 $0xFFF66200, v2;
	_ =	sdelay $0x3  }
0x596: {  	[tilespmem:v3+s21+$0x0] =	vst.idx.msk vm0, v1  }
0x597: {  	v3 =	vor.u32 $0x200, v58;
	v1 =	vld.idx.msk [tilespmem:v61+s3+$0x0], $0xffff  }
0x598: {  	v62 =	vadd.s32 $0xFFF66280, v2;
	_ =	sdelay $0x3  }
0x599: {  	[tilespmem:v3+s21+$0x0] =	vst.idx.msk vm0, v1  }
0x59a: {  	v3 =	vor.u32 $0x280, v58;
	v1 =	vld.idx.msk [tilespmem:v62+s3+$0x0], $0xffff  }
0x59b: {  	v63 =	vadd.s32 $0xFFF66300, v2;
	_ =	sdelay $0x3  }
0x59c: {  	[tilespmem:v3+s21+$0x0] =	vst.idx.msk vm0, v1  }
0x59d: {  	s4 =	ssub.s32 s4, s0;
	v3 =	vor.u32 $0x300, v58;
	v1 =	vld.idx.msk [tilespmem:v63+s3+$0x0], $0xffff  }
0x59e: {  	p3 =	sne.s32 s4, $0x1;
	v2 =	vadd.s32 $0xFFF66380, v2  }
.Ltmp48:
0x59f: {  	_ = 	snop;
	(pc) =	sbr.rel @!p3 .LBB2_62-.Ltmp48, $3  }
0x5a0: {  	_ =	sdelay $0x1  }
0x5a1: {  	[tilespmem:v3+s21+$0x0] =	vst.idx.msk vm0, v1  }
0x5a2: {  	s0 =	sadd.s32 $0xFFFFFFFF, s4;
	v1 =	vld.idx.msk [tilespmem:v2+s3+$0x0], $0xffff;
	v2 =	vor.u32 $0x380, v58  }
.LBB2_61:
0x5a3: {  	_ =	sdelay $0x3  }
0x5a4: {  	p3 =	sne.s32 s0, $0x1;
	s0 =	sadd.s32 $0xFFFFFFFF, s0;
	s30 =	sadd.s32 $0x10, s30;
	[tilespmem:v2+s21+$0x0] =	vst.idx.msk vm0, v1  }
0x5a5: {  	v1 =	vld [tilespmem:s30+$0x0];
	_ =	sdelay $0x4  }
0x5a6: {  	v2 =	vshrl.u32 v1, $0xC;
	v3 =	vadd.s32 $0xECC00000, v1;
	v4 =	vshll.u32 v1, $0x3  }
0x5a7: {  	v2 =	vmax.u32 v2, $0x13400;
	v4 =	vand.u32 $0x7C00, v4  }
0x5a8: {  	v2 =	vmin.u32 v2, $0x149FF  }
0x5a9: {  	v5 =	vshll.u32 v2, $0x3  }
0x5aa: {  	v2 =	vand.u32 $0x7F, v2;
	v5 =	vand.u32 $0xBFC00, v5  }
0x5ab: {  	v2 =	vor.u32 v2, v5  }
0x5ac: {  	v5 =	vadd.s32 $0xFFF66000, v2;
	_ =	sdelay $0x4  }
0x5ad: {  	v1 =	vand.u32 $0x7F, v1;
	vm0 =	vlt.u32 v3, $0x1600000;
	v3 =	vld.idx.msk [tilespmem:v5+s3+$0x0], $0xffff  }
0x5ae: {  	v4 =	vor.u32 v1, v4  }
0x5af: {  	v1 =	vadd.s32 $0xFFF66080, v2;
	_ =	sdelay $0x3  }
0x5b0: {  	[tilespmem:v4+s21+$0x0] =	vst.idx.msk vm0, v3  }
0x5b1: {  	v1 =	vld.idx.msk [tilespmem:v1+s3+$0x0], $0xffff  }
0x5b2: {  	v3 =	vor.u32 $0x80, v4  }
0x5b3: {  	v5 =	vadd.s32 $0xFFF66100, v2;
	_ =	sdelay $0x3  }
0x5b4: {  	[tilespmem:v3+s21+$0x0] =	vst.idx.msk vm0, v1  }
0x5b5: {  	v1 =	vld.idx.msk [tilespmem:v5+s3+$0x0], $0xffff  }
0x5b6: {  	v3 =	vor.u32 $0x100, v4  }
0x5b7: {  	v5 =	vadd.s32 $0xFFF66180, v2;
	_ =	sdelay $0x3  }
0x5b8: {  	[tilespmem:v3+s21+$0x0] =	vst.idx.msk vm0, v1  }
0x5b9: {  	v1 =	vld.idx.msk [tilespmem:v5+s3+$0x0], $0xffff  }
0x5ba: {  	v3 =	vor.u32 $0x180, v4  }
0x5bb: {  	v5 =	vadd.s32 $0xFFF66200, v2;
	_ =	sdelay $0x3  }
0x5bc: {  	[tilespmem:v3+s21+$0x0] =	vst.idx.msk vm0, v1  }
0x5bd: {  	v1 =	vld.idx.msk [tilespmem:v5+s3+$0x0], $0xffff  }
0x5be: {  	v3 =	vor.u32 $0x200, v4  }
0x5bf: {  	v5 =	vadd.s32 $0xFFF66280, v2;
	_ =	sdelay $0x3  }
0x5c0: {  	[tilespmem:v3+s21+$0x0] =	vst.idx.msk vm0, v1  }
0x5c1: {  	v1 =	vld.idx.msk [tilespmem:v5+s3+$0x0], $0xffff  }
0x5c2: {  	v3 =	vor.u32 $0x280, v4  }
0x5c3: {  	v5 =	vadd.s32 $0xFFF66300, v2;
	_ =	sdelay $0x3  }
0x5c4: {  	[tilespmem:v3+s21+$0x0] =	vst.idx.msk vm0, v1  }
0x5c5: {  	v1 =	vld.idx.msk [tilespmem:v5+s3+$0x0], $0xffff  }
0x5c6: {  	v3 =	vor.u32 $0x300, v4  }
0x5c7: {  	v2 =	vadd.s32 $0xFFF66380, v2;
	_ =	sdelay $0x1  }
.Ltmp49:
0x5c8: {  	(pc) =	sbr.rel @p3 .LBB2_61-.Ltmp49, $4  }
0x5c9: {  	_ = 	snop  }
0x5ca: {  	[tilespmem:v3+s21+$0x0] =	vst.idx.msk vm0, v1  }
0x5cb: {  	v1 =	vld.idx.msk [tilespmem:v2+s3+$0x0], $0xffff  }
0x5cc: {  	v2 =	vor.u32 $0x380, v4  }
.LBB2_62:
0x5cd: {  	_ =	sdelay $0x4  }
0x5ce: {  	[tilespmem:v2+s21+$0x0] =	vst.idx.msk vm0, v1  }
.LBB2_63:
0x5cf: {  	s0 =	sadd.s32 $0xB0000, s29  }
0x5d0: {  	s0 =	sshrl.u32 s0, $0x3  }
0x5d1: {  	s0 =	sadd.s32 s1, s0  }
0x5d2: {  	[tilespmem:s3], [sflag:$0x1] =	stream.linear.gather [hbm4b:s0+s3], $0xB000, $0x38;
	[tilespmem:$0x1F080] =	vst v63  }
0x5d3: {  	_ =	swait.ge [sflag:s22], $0xB000  }
0x5d4: {  	(v2sf) =	vpush v0, $0x0;
	_ =	sdelay $0xe  }
0x5d5: {  	s30 =	spop (v2sf)  }
0x5d6: {  	s4 =	sadd.s32 $0xF, s30  }
0x5d7: {  	s0 =	sshra.s32 s31, $0x4;
	s4 =	sshra.s32 s4, $0x4  }
0x5d8: {  	p3 =	sle.s32 s4, s0  }
.Ltmp50:
0x5d9: {  	_ = 	snop;
	(pc) =	sbr.rel @p3 .LBB2_67-.Ltmp50, $3  }
0x5da: {  	_ =	sdelay $0x1  }
0x5db: {  	[sflag:s22] =	ssyncset.done $0x0  }
0x5dc: {  	[sflag:s22] =	ssyncadd.s32 $0xFFFF5000  }
0x5dd: {  	s31 =	sshll.u32 s0, $0x6  }
0x5de: {  	s31 =	sshra.s32 s31, $0x2  }
0x5df: {  	s31 =	sadd.s32 $0x16000, s31  }
0x5e0: {  	v1 =	vld [tilespmem:s31+$0x0];
	_ =	sdelay $0x4  }
0x5e1: {  	v2 =	vshrl.u32 v1, $0xC  }
0x5e2: {  	v2 =	vmax.u32 v2, $0x14A00  }
0x5e3: {  	v2 =	vmin.u32 v2, $0x15FFF  }
0x5e4: {  	v3 =	vshll.u32 v2, $0x3  }
0x5e5: {  	v2 =	vand.u32 $0x7F, v2;
	v3 =	vand.u32 $0xAFC00, v3  }
0x5e6: {  	v2 =	vor.u32 v2, v3  }
0x5e7: {  	v3 =	vadd.s32 $0xFFF5B000, v2;
	_ =	sdelay $0x2  }
0x5e8: {  	v4 =	vadd.s32 $0xEB600000, v1;
	v5 =	vshll.u32 v1, $0x3  }
0x5e9: {  	v1 =	vand.u32 $0x7F, v1;
	v5 =	vand.u32 $0x7C00, v5;
	vm0 =	vlt.u32 v4, $0x1600000  }
0x5ea: {  	v58 =	vor.u32 v1, v5;
	v3 =	vld.idx.msk [tilespmem:v3+s20+$0x0], $0xffff  }
0x5eb: {  	v1 =	vadd.s32 $0xFFF5B080, v2;
	_ =	sdelay $0x3  }
0x5ec: {  	[tilespmem:v58+s21+$0x0] =	vst.idx.msk vm0, v3  }
0x5ed: {  	v3 =	vor.u32 $0x80, v58;
	v1 =	vld.idx.msk [tilespmem:v1+s20+$0x0], $0xffff  }
0x5ee: {  	v59 =	vadd.s32 $0xFFF5B100, v2;
	_ =	sdelay $0x3  }
0x5ef: {  	[tilespmem:v3+s21+$0x0] =	vst.idx.msk vm0, v1  }
0x5f0: {  	v3 =	vor.u32 $0x100, v58;
	v1 =	vld.idx.msk [tilespmem:v59+s20+$0x0], $0xffff  }
0x5f1: {  	v60 =	vadd.s32 $0xFFF5B180, v2;
	_ =	sdelay $0x3  }
0x5f2: {  	[tilespmem:v3+s21+$0x0] =	vst.idx.msk vm0, v1  }
0x5f3: {  	v3 =	vor.u32 $0x180, v58;
	v1 =	vld.idx.msk [tilespmem:v60+s20+$0x0], $0xffff  }
0x5f4: {  	v61 =	vadd.s32 $0xFFF5B200, v2;
	_ =	sdelay $0x3  }
0x5f5: {  	[tilespmem:v3+s21+$0x0] =	vst.idx.msk vm0, v1  }
0x5f6: {  	v3 =	vor.u32 $0x200, v58;
	v1 =	vld.idx.msk [tilespmem:v61+s20+$0x0], $0xffff  }
0x5f7: {  	v62 =	vadd.s32 $0xFFF5B280, v2;
	_ =	sdelay $0x3  }
0x5f8: {  	[tilespmem:v3+s21+$0x0] =	vst.idx.msk vm0, v1  }
0x5f9: {  	v3 =	vor.u32 $0x280, v58;
	v1 =	vld.idx.msk [tilespmem:v62+s20+$0x0], $0xffff  }
0x5fa: {  	v63 =	vadd.s32 $0xFFF5B300, v2;
	_ =	sdelay $0x3  }
0x5fb: {  	[tilespmem:v3+s21+$0x0] =	vst.idx.msk vm0, v1  }
0x5fc: {  	s4 =	ssub.s32 s4, s0;
	v3 =	vor.u32 $0x300, v58;
	v1 =	vld.idx.msk [tilespmem:v63+s20+$0x0], $0xffff  }
0x5fd: {  	p3 =	sne.s32 s4, $0x1;
	v2 =	vadd.s32 $0xFFF5B380, v2  }
.Ltmp51:
0x5fe: {  	_ = 	snop;
	(pc) =	sbr.rel @!p3 .LBB2_66-.Ltmp51, $3  }
0x5ff: {  	_ =	sdelay $0x1  }
0x600: {  	[tilespmem:v3+s21+$0x0] =	vst.idx.msk vm0, v1  }
0x601: {  	s0 =	sadd.s32 $0xFFFFFFFF, s4;
	v1 =	vld.idx.msk [tilespmem:v2+s20+$0x0], $0xffff;
	v2 =	vor.u32 $0x380, v58  }
.LBB2_65:
0x602: {  	_ =	sdelay $0x3  }
0x603: {  	p3 =	sne.s32 s0, $0x1;
	s0 =	sadd.s32 $0xFFFFFFFF, s0;
	s31 =	sadd.s32 $0x10, s31;
	[tilespmem:v2+s21+$0x0] =	vst.idx.msk vm0, v1  }
0x604: {  	v1 =	vld [tilespmem:s31+$0x0];
	_ =	sdelay $0x4  }
0x605: {  	v2 =	vshrl.u32 v1, $0xC;
	v3 =	vadd.s32 $0xEB600000, v1;
	v4 =	vshll.u32 v1, $0x3  }
0x606: {  	v2 =	vmax.u32 v2, $0x14A00;
	v4 =	vand.u32 $0x7C00, v4  }
0x607: {  	v2 =	vmin.u32 v2, $0x15FFF  }
0x608: {  	v5 =	vshll.u32 v2, $0x3  }
0x609: {  	v2 =	vand.u32 $0x7F, v2;
	v5 =	vand.u32 $0xAFC00, v5  }
0x60a: {  	v2 =	vor.u32 v2, v5  }
0x60b: {  	v5 =	vadd.s32 $0xFFF5B000, v2;
	_ =	sdelay $0x4  }
0x60c: {  	v1 =	vand.u32 $0x7F, v1;
	vm0 =	vlt.u32 v3, $0x1600000;
	v3 =	vld.idx.msk [tilespmem:v5+s20+$0x0], $0xffff  }
0x60d: {  	v4 =	vor.u32 v1, v4  }
0x60e: {  	v1 =	vadd.s32 $0xFFF5B080, v2;
	_ =	sdelay $0x3  }
0x60f: {  	[tilespmem:v4+s21+$0x0] =	vst.idx.msk vm0, v3  }
0x610: {  	v1 =	vld.idx.msk [tilespmem:v1+s20+$0x0], $0xffff  }
0x611: {  	v3 =	vor.u32 $0x80, v4  }
0x612: {  	v5 =	vadd.s32 $0xFFF5B100, v2;
	_ =	sdelay $0x3  }
0x613: {  	[tilespmem:v3+s21+$0x0] =	vst.idx.msk vm0, v1  }
0x614: {  	v1 =	vld.idx.msk [tilespmem:v5+s20+$0x0], $0xffff  }
0x615: {  	v3 =	vor.u32 $0x100, v4  }
0x616: {  	v5 =	vadd.s32 $0xFFF5B180, v2;
	_ =	sdelay $0x3  }
0x617: {  	[tilespmem:v3+s21+$0x0] =	vst.idx.msk vm0, v1  }
0x618: {  	v1 =	vld.idx.msk [tilespmem:v5+s20+$0x0], $0xffff  }
0x619: {  	v3 =	vor.u32 $0x180, v4  }
0x61a: {  	v5 =	vadd.s32 $0xFFF5B200, v2;
	_ =	sdelay $0x3  }
0x61b: {  	[tilespmem:v3+s21+$0x0] =	vst.idx.msk vm0, v1  }
0x61c: {  	v1 =	vld.idx.msk [tilespmem:v5+s20+$0x0], $0xffff  }
0x61d: {  	v3 =	vor.u32 $0x200, v4  }
0x61e: {  	v5 =	vadd.s32 $0xFFF5B280, v2;
	_ =	sdelay $0x3  }
0x61f: {  	[tilespmem:v3+s21+$0x0] =	vst.idx.msk vm0, v1  }
0x620: {  	v1 =	vld.idx.msk [tilespmem:v5+s20+$0x0], $0xffff  }
0x621: {  	v3 =	vor.u32 $0x280, v4  }
0x622: {  	v5 =	vadd.s32 $0xFFF5B300, v2;
	_ =	sdelay $0x3  }
0x623: {  	[tilespmem:v3+s21+$0x0] =	vst.idx.msk vm0, v1  }
0x624: {  	v1 =	vld.idx.msk [tilespmem:v5+s20+$0x0], $0xffff  }
0x625: {  	v3 =	vor.u32 $0x300, v4  }
0x626: {  	v2 =	vadd.s32 $0xFFF5B380, v2;
	_ =	sdelay $0x1  }
.Ltmp52:
0x627: {  	(pc) =	sbr.rel @p3 .LBB2_65-.Ltmp52, $4  }
0x628: {  	_ = 	snop  }
0x629: {  	[tilespmem:v3+s21+$0x0] =	vst.idx.msk vm0, v1  }
0x62a: {  	v1 =	vld.idx.msk [tilespmem:v2+s20+$0x0], $0xffff  }
0x62b: {  	v2 =	vor.u32 $0x380, v4  }
.LBB2_66:
0x62c: {  	_ =	sdelay $0x4  }
0x62d: {  	[tilespmem:v2+s21+$0x0] =	vst.idx.msk vm0, v1  }
.LBB2_67:
0x62e: {  	s0 =	sadd.s32 $0xBB000, s29  }
0x62f: {  	s0 =	sshrl.u32 s0, $0x3  }
0x630: {  	s0 =	sadd.s32 s1, s0  }
0x631: {  	[tilespmem:s20], [sflag:$0x2] =	stream.linear.gather [hbm4b:s0+s3], $0x8400, $0x38;
	[tilespmem:$0x1F080] =	vst v63  }
0x632: {  	_ =	swait.ge [sflag:s16], $0xB000  }
0x633: {  	(v2sf) =	vpush v0, $0x1;
	_ =	sdelay $0xe  }
0x634: {  	s31 =	spop (v2sf)  }
0x635: {  	s4 =	sadd.s32 $0xF, s31  }
0x636: {  	s0 =	sshra.s32 s30, $0x4;
	s4 =	sshra.s32 s4, $0x4  }
0x637: {  	p3 =	sle.s32 s4, s0  }
.Ltmp53:
0x638: {  	_ = 	snop;
	(pc) =	sbr.rel @p3 .LBB2_71-.Ltmp53, $3  }
0x639: {  	_ =	sdelay $0x1  }
0x63a: {  	[sflag:s16] =	ssyncset.done $0x0  }
0x63b: {  	[sflag:s16] =	ssyncadd.s32 $0xFFFF5000  }
0x63c: {  	s29 =	sshll.u32 s0, $0x6  }
0x63d: {  	s29 =	sshra.s32 s29, $0x2  }
0x63e: {  	s29 =	sadd.s32 $0x16000, s29  }
0x63f: {  	v1 =	vld [tilespmem:s29+$0x0];
	_ =	sdelay $0x4  }
0x640: {  	v2 =	vshrl.u32 v1, $0xC  }
0x641: {  	v2 =	vmax.u32 v2, $0x16000  }
0x642: {  	v2 =	vmin.u32 v2, $0x175FF  }
0x643: {  	v3 =	vshll.u32 v2, $0x3  }
0x644: {  	v2 =	vand.u32 $0x7F, v2;
	v3 =	vand.u32 $0xFC00, v3  }
0x645: {  	v2 =	vor.u32 v2, v3;
	_ =	sdelay $0x2  }
0x646: {  	v4 =	vshll.u32 v1, $0x3;
	v3 =	vadd.s32 $0xEA000000, v1  }
0x647: {  	v4 =	vand.u32 $0x7C00, v4;
	v1 =	vand.u32 $0x7F, v1;
	vm0 =	vlt.u32 v3, $0x1600000  }
0x648: {  	v4 =	vor.u32 v1, v4;
	v3 =	vld.idx.msk [tilespmem:v2+s3+$0x0], $0xffff  }
0x649: {  	v1 =	vor.u32 $0x80, v2;
	_ =	sdelay $0x3  }
0x64a: {  	[tilespmem:v4+s21+$0x0] =	vst.idx.msk vm0, v3  }
0x64b: {  	v3 =	vor.u32 $0x80, v4;
	v1 =	vld.idx.msk [tilespmem:v1+s3+$0x0], $0xffff  }
0x64c: {  	v5 =	vor.u32 $0x100, v2;
	_ =	sdelay $0x3  }
0x64d: {  	[tilespmem:v3+s21+$0x0] =	vst.idx.msk vm0, v1  }
0x64e: {  	v3 =	vor.u32 $0x100, v4;
	v1 =	vld.idx.msk [tilespmem:v5+s3+$0x0], $0xffff  }
0x64f: {  	v60 =	vor.u32 $0x180, v2;
	_ =	sdelay $0x3  }
0x650: {  	[tilespmem:v3+s21+$0x0] =	vst.idx.msk vm0, v1  }
0x651: {  	v3 =	vor.u32 $0x180, v4;
	v1 =	vld.idx.msk [tilespmem:v60+s3+$0x0], $0xffff  }
0x652: {  	v61 =	vor.u32 $0x200, v2;
	_ =	sdelay $0x3  }
0x653: {  	[tilespmem:v3+s21+$0x0] =	vst.idx.msk vm0, v1  }
0x654: {  	v3 =	vor.u32 $0x200, v4;
	v1 =	vld.idx.msk [tilespmem:v61+s3+$0x0], $0xffff  }
0x655: {  	v62 =	vor.u32 $0x280, v2;
	_ =	sdelay $0x3  }
0x656: {  	[tilespmem:v3+s21+$0x0] =	vst.idx.msk vm0, v1  }
0x657: {  	v3 =	vor.u32 $0x280, v4;
	v1 =	vld.idx.msk [tilespmem:v62+s3+$0x0], $0xffff  }
0x658: {  	v63 =	vor.u32 $0x300, v2;
	_ =	sdelay $0x3  }
0x659: {  	[tilespmem:v3+s21+$0x0] =	vst.idx.msk vm0, v1  }
0x65a: {  	s30 =	ssub.s32 s4, s0;
	v3 =	vor.u32 $0x300, v4;
	v1 =	vld.idx.msk [tilespmem:v63+s3+$0x0], $0xffff  }
0x65b: {  	p3 =	sne.s32 s30, $0x1;
	v2 =	vor.u32 $0x380, v2  }
.Ltmp54:
0x65c: {  	_ = 	snop;
	(pc) =	sbr.rel @!p3 .LBB2_70-.Ltmp54, $3  }
0x65d: {  	_ =	sdelay $0x1  }
0x65e: {  	[tilespmem:v3+s21+$0x0] =	vst.idx.msk vm0, v1  }
0x65f: {  	s0 =	sadd.s32 $0xFFFFFFFF, s30;
	v1 =	vld.idx.msk [tilespmem:v2+s3+$0x0], $0xffff;
	v2 =	vor.u32 $0x380, v4  }
.LBB2_69:
0x660: {  	_ =	sdelay $0x3  }
0x661: {  	p3 =	sne.s32 s0, $0x1;
	s0 =	sadd.s32 $0xFFFFFFFF, s0;
	s29 =	sadd.s32 $0x10, s29;
	[tilespmem:v2+s21+$0x0] =	vst.idx.msk vm0, v1  }
0x662: {  	v1 =	vld [tilespmem:s29+$0x0];
	_ =	sdelay $0x4  }
0x663: {  	v2 =	vshrl.u32 v1, $0xC;
	v3 =	vadd.s32 $0xEA000000, v1;
	v4 =	vshll.u32 v1, $0x3  }
0x664: {  	v2 =	vmax.u32 v2, $0x16000;
	v4 =	vand.u32 $0x7C00, v4  }
0x665: {  	v2 =	vmin.u32 v2, $0x175FF  }
0x666: {  	v5 =	vshll.u32 v2, $0x3  }
0x667: {  	v2 =	vand.u32 $0x7F, v2;
	v5 =	vand.u32 $0xFC00, v5  }
0x668: {  	v2 =	vor.u32 v2, v5;
	_ =	sdelay $0x4  }
0x669: {  	v1 =	vand.u32 $0x7F, v1;
	vm0 =	vlt.u32 v3, $0x1600000;
	v3 =	vld.idx.msk [tilespmem:v2+s3+$0x0], $0xffff  }
0x66a: {  	v4 =	vor.u32 v1, v4  }
0x66b: {  	v1 =	vor.u32 $0x80, v2;
	_ =	sdelay $0x3  }
0x66c: {  	[tilespmem:v4+s21+$0x0] =	vst.idx.msk vm0, v3  }
0x66d: {  	v1 =	vld.idx.msk [tilespmem:v1+s3+$0x0], $0xffff  }
0x66e: {  	v3 =	vor.u32 $0x80, v4  }
0x66f: {  	v5 =	vor.u32 $0x100, v2;
	_ =	sdelay $0x3  }
0x670: {  	[tilespmem:v3+s21+$0x0] =	vst.idx.msk vm0, v1  }
0x671: {  	v1 =	vld.idx.msk [tilespmem:v5+s3+$0x0], $0xffff  }
0x672: {  	v3 =	vor.u32 $0x100, v4  }
0x673: {  	v5 =	vor.u32 $0x180, v2;
	_ =	sdelay $0x3  }
0x674: {  	[tilespmem:v3+s21+$0x0] =	vst.idx.msk vm0, v1  }
0x675: {  	v1 =	vld.idx.msk [tilespmem:v5+s3+$0x0], $0xffff  }
0x676: {  	v3 =	vor.u32 $0x180, v4  }
0x677: {  	v5 =	vor.u32 $0x200, v2;
	_ =	sdelay $0x3  }
0x678: {  	[tilespmem:v3+s21+$0x0] =	vst.idx.msk vm0, v1  }
0x679: {  	v1 =	vld.idx.msk [tilespmem:v5+s3+$0x0], $0xffff  }
0x67a: {  	v3 =	vor.u32 $0x200, v4  }
0x67b: {  	v5 =	vor.u32 $0x280, v2;
	_ =	sdelay $0x3  }
0x67c: {  	[tilespmem:v3+s21+$0x0] =	vst.idx.msk vm0, v1  }
0x67d: {  	v1 =	vld.idx.msk [tilespmem:v5+s3+$0x0], $0xffff  }
0x67e: {  	v3 =	vor.u32 $0x280, v4  }
0x67f: {  	v5 =	vor.u32 $0x300, v2;
	_ =	sdelay $0x3  }
0x680: {  	[tilespmem:v3+s21+$0x0] =	vst.idx.msk vm0, v1  }
0x681: {  	v1 =	vld.idx.msk [tilespmem:v5+s3+$0x0], $0xffff  }
0x682: {  	v3 =	vor.u32 $0x300, v4  }
0x683: {  	v2 =	vor.u32 $0x380, v2;
	_ =	sdelay $0x1  }
.Ltmp55:
0x684: {  	(pc) =	sbr.rel @p3 .LBB2_69-.Ltmp55, $4  }
0x685: {  	_ = 	snop  }
0x686: {  	[tilespmem:v3+s21+$0x0] =	vst.idx.msk vm0, v1  }
0x687: {  	v1 =	vld.idx.msk [tilespmem:v2+s3+$0x0], $0xffff  }
0x688: {  	v2 =	vor.u32 $0x380, v4  }
.LBB2_70:
0x689: {  	_ =	sdelay $0x4  }
0x68a: {  	[tilespmem:v2+s21+$0x0] =	vst.idx.msk vm0, v1  }
.LBB2_71:
0x68b: {  	_ =	swait.ge [sflag:s22], $0x8400  }
0x68c: {  	(v2sf) =	vpush v0, $0x2;
	_ =	sdelay $0xe  }
0x68d: {  	s29 =	spop (v2sf)  }
0x68e: {  	s4 =	sadd.s32 $0xF, s29  }
0x68f: {  	s0 =	sshra.s32 s31, $0x4;
	s4 =	sshra.s32 s4, $0x4  }
0x690: {  	p3 =	sle.s32 s4, s0  }
.Ltmp56:
0x691: {  	_ = 	snop;
	(pc) =	sbr.rel @p3 .LBB2_75-.Ltmp56, $3  }
0x692: {  	_ =	sdelay $0x1  }
0x693: {  	[sflag:s22] =	ssyncset.done $0x0  }
0x694: {  	[sflag:s22] =	ssyncadd.s32 $0xFFFF7C00  }
0x695: {  	s30 =	sshll.u32 s0, $0x6  }
0x696: {  	s30 =	sshra.s32 s30, $0x2  }
0x697: {  	s30 =	sadd.s32 $0x16000, s30  }
0x698: {  	v1 =	vld [tilespmem:s30+$0x0];
	_ =	sdelay $0x4  }
0x699: {  	v2 =	vshrl.u32 v1, $0xC  }
0x69a: {  	v2 =	vmax.u32 v2, $0x17600  }
0x69b: {  	v2 =	vmin.u32 v2, $0x1867F  }
0x69c: {  	v3 =	vshll.u32 v2, $0x3  }
0x69d: {  	v2 =	vand.u32 $0x7F, v2;
	v3 =	vand.u32 $0xFFC00, v3  }
0x69e: {  	v2 =	vor.u32 v2, v3  }
0x69f: {  	v3 =	vadd.s32 $0xFFF45000, v2;
	_ =	sdelay $0x2  }
0x6a0: {  	v4 =	vadd.s32 $0xE8A00000, v1;
	v5 =	vshll.u32 v1, $0x3  }
0x6a1: {  	v1 =	vand.u32 $0x7F, v1;
	v5 =	vand.u32 $0x7C00, v5;
	vm0 =	vlt.u32 v4, $0x1080000  }
0x6a2: {  	v58 =	vor.u32 v1, v5;
	v3 =	vld.idx.msk [tilespmem:v3+s20+$0x0], $0xffff  }
0x6a3: {  	v1 =	vadd.s32 $0xFFF45080, v2;
	_ =	sdelay $0x3  }
0x6a4: {  	[tilespmem:v58+s21+$0x0] =	vst.idx.msk vm0, v3  }
0x6a5: {  	v3 =	vor.u32 $0x80, v58;
	v1 =	vld.idx.msk [tilespmem:v1+s20+$0x0], $0xffff  }
0x6a6: {  	v59 =	vadd.s32 $0xFFF45100, v2;
	_ =	sdelay $0x3  }
0x6a7: {  	[tilespmem:v3+s21+$0x0] =	vst.idx.msk vm0, v1  }
0x6a8: {  	v3 =	vor.u32 $0x100, v58;
	v1 =	vld.idx.msk [tilespmem:v59+s20+$0x0], $0xffff  }
0x6a9: {  	v60 =	vadd.s32 $0xFFF45180, v2;
	_ =	sdelay $0x3  }
0x6aa: {  	[tilespmem:v3+s21+$0x0] =	vst.idx.msk vm0, v1  }
0x6ab: {  	v3 =	vor.u32 $0x180, v58;
	v1 =	vld.idx.msk [tilespmem:v60+s20+$0x0], $0xffff  }
0x6ac: {  	v61 =	vadd.s32 $0xFFF45200, v2;
	_ =	sdelay $0x3  }
0x6ad: {  	[tilespmem:v3+s21+$0x0] =	vst.idx.msk vm0, v1  }
0x6ae: {  	v3 =	vor.u32 $0x200, v58;
	v1 =	vld.idx.msk [tilespmem:v61+s20+$0x0], $0xffff  }
0x6af: {  	v62 =	vadd.s32 $0xFFF45280, v2;
	_ =	sdelay $0x3  }
0x6b0: {  	[tilespmem:v3+s21+$0x0] =	vst.idx.msk vm0, v1  }
0x6b1: {  	v3 =	vor.u32 $0x280, v58;
	v1 =	vld.idx.msk [tilespmem:v62+s20+$0x0], $0xffff  }
0x6b2: {  	v63 =	vadd.s32 $0xFFF45300, v2;
	_ =	sdelay $0x3  }
0x6b3: {  	[tilespmem:v3+s21+$0x0] =	vst.idx.msk vm0, v1  }
0x6b4: {  	s31 =	ssub.s32 s4, s0;
	v3 =	vor.u32 $0x300, v58;
	v1 =	vld.idx.msk [tilespmem:v63+s20+$0x0], $0xffff  }
0x6b5: {  	p3 =	sne.s32 s31, $0x1;
	v2 =	vadd.s32 $0xFFF45380, v2  }
.Ltmp57:
0x6b6: {  	_ = 	snop;
	(pc) =	sbr.rel @!p3 .LBB2_74-.Ltmp57, $3  }
0x6b7: {  	_ =	sdelay $0x1  }
0x6b8: {  	[tilespmem:v3+s21+$0x0] =	vst.idx.msk vm0, v1  }
0x6b9: {  	s0 =	sadd.s32 $0xFFFFFFFF, s31;
	v1 =	vld.idx.msk [tilespmem:v2+s20+$0x0], $0xffff;
	v2 =	vor.u32 $0x380, v58  }
.LBB2_73:
0x6ba: {  	_ =	sdelay $0x3  }
0x6bb: {  	p3 =	sne.s32 s0, $0x1;
	s0 =	sadd.s32 $0xFFFFFFFF, s0;
	s30 =	sadd.s32 $0x10, s30;
	[tilespmem:v2+s21+$0x0] =	vst.idx.msk vm0, v1  }
0x6bc: {  	v1 =	vld [tilespmem:s30+$0x0];
	_ =	sdelay $0x4  }
0x6bd: {  	v2 =	vshrl.u32 v1, $0xC;
	v3 =	vadd.s32 $0xE8A00000, v1;
	v4 =	vshll.u32 v1, $0x3  }
0x6be: {  	v2 =	vmax.u32 v2, $0x17600;
	v4 =	vand.u32 $0x7C00, v4  }
0x6bf: {  	v2 =	vmin.u32 v2, $0x1867F  }
0x6c0: {  	v5 =	vshll.u32 v2, $0x3  }
0x6c1: {  	v2 =	vand.u32 $0x7F, v2;
	v5 =	vand.u32 $0xFFC00, v5  }
0x6c2: {  	v2 =	vor.u32 v2, v5  }
0x6c3: {  	v5 =	vadd.s32 $0xFFF45000, v2;
	_ =	sdelay $0x4  }
0x6c4: {  	v1 =	vand.u32 $0x7F, v1;
	vm0 =	vlt.u32 v3, $0x1080000;
	v3 =	vld.idx.msk [tilespmem:v5+s20+$0x0], $0xffff  }
0x6c5: {  	v4 =	vor.u32 v1, v4  }
0x6c6: {  	v1 =	vadd.s32 $0xFFF45080, v2;
	_ =	sdelay $0x3  }
0x6c7: {  	[tilespmem:v4+s21+$0x0] =	vst.idx.msk vm0, v3  }
0x6c8: {  	v1 =	vld.idx.msk [tilespmem:v1+s20+$0x0], $0xffff  }
0x6c9: {  	v3 =	vor.u32 $0x80, v4  }
0x6ca: {  	v5 =	vadd.s32 $0xFFF45100, v2;
	_ =	sdelay $0x3  }
0x6cb: {  	[tilespmem:v3+s21+$0x0] =	vst.idx.msk vm0, v1  }
0x6cc: {  	v1 =	vld.idx.msk [tilespmem:v5+s20+$0x0], $0xffff  }
0x6cd: {  	v3 =	vor.u32 $0x100, v4  }
0x6ce: {  	v5 =	vadd.s32 $0xFFF45180, v2;
	_ =	sdelay $0x3  }
0x6cf: {  	[tilespmem:v3+s21+$0x0] =	vst.idx.msk vm0, v1  }
0x6d0: {  	v1 =	vld.idx.msk [tilespmem:v5+s20+$0x0], $0xffff  }
0x6d1: {  	v3 =	vor.u32 $0x180, v4  }
0x6d2: {  	v5 =	vadd.s32 $0xFFF45200, v2;
	_ =	sdelay $0x3  }
0x6d3: {  	[tilespmem:v3+s21+$0x0] =	vst.idx.msk vm0, v1  }
0x6d4: {  	v1 =	vld.idx.msk [tilespmem:v5+s20+$0x0], $0xffff  }
0x6d5: {  	v3 =	vor.u32 $0x200, v4  }
0x6d6: {  	v5 =	vadd.s32 $0xFFF45280, v2;
	_ =	sdelay $0x3  }
0x6d7: {  	[tilespmem:v3+s21+$0x0] =	vst.idx.msk vm0, v1  }
0x6d8: {  	v1 =	vld.idx.msk [tilespmem:v5+s20+$0x0], $0xffff  }
0x6d9: {  	v3 =	vor.u32 $0x280, v4  }
0x6da: {  	v5 =	vadd.s32 $0xFFF45300, v2;
	_ =	sdelay $0x3  }
0x6db: {  	[tilespmem:v3+s21+$0x0] =	vst.idx.msk vm0, v1  }
0x6dc: {  	v1 =	vld.idx.msk [tilespmem:v5+s20+$0x0], $0xffff  }
0x6dd: {  	v3 =	vor.u32 $0x300, v4  }
0x6de: {  	v2 =	vadd.s32 $0xFFF45380, v2;
	_ =	sdelay $0x1  }
.Ltmp58:
0x6df: {  	(pc) =	sbr.rel @p3 .LBB2_73-.Ltmp58, $4  }
0x6e0: {  	_ = 	snop  }
0x6e1: {  	[tilespmem:v3+s21+$0x0] =	vst.idx.msk vm0, v1  }
0x6e2: {  	v1 =	vld.idx.msk [tilespmem:v2+s20+$0x0], $0xffff  }
0x6e3: {  	v2 =	vor.u32 $0x380, v4  }
.LBB2_74:
0x6e4: {  	_ =	sdelay $0x4  }
0x6e5: {  	[tilespmem:v2+s21+$0x0] =	vst.idx.msk vm0, v1  }
.LBB2_75:
0x6e6: {  	s0 =	sor.u32 s11, s28  }
0x6e7: {  	s0 =	sshrl.u32 s0, $0x3  }
0x6e8: {  	s0 =	sadd.s32 s9, s0  }
0x6e9: {  	[tilespmem:s3], [sflag:$0x4] =	stream.linear.gather [hbm4b:s0+s3], $0x400, $0x38;
	[tilespmem:$0x1F080] =	vst v63  }
0x6ea: {  	_ =	swait.ge [sflag:s18], $0x400  }
0x6eb: {  	(v2sf) =	vpush v0, $0x3;
	_ =	sdelay $0xe  }
0x6ec: {  	s31 =	spop (v2sf)  }
0x6ed: {  	s4 =	sadd.s32 $0xF, s31  }
0x6ee: {  	s0 =	sshra.s32 s29, $0x4;
	s4 =	sshra.s32 s4, $0x4  }
0x6ef: {  	p3 =	sle.s32 s4, s0  }
.Ltmp59:
0x6f0: {  	_ = 	snop;
	(pc) =	sbr.rel @p3 .LBB2_79-.Ltmp59, $3  }
0x6f1: {  	_ =	sdelay $0x1  }
0x6f2: {  	[sflag:s18] =	ssyncset.done $0x0  }
0x6f3: {  	[sflag:s18] =	ssyncadd.s32 $0xFFFFFC00  }
0x6f4: {  	s28 =	sshll.u32 s0, $0x6  }
0x6f5: {  	s28 =	sshra.s32 s28, $0x2  }
0x6f6: {  	s28 =	sadd.s32 $0x16000, s28  }
0x6f7: {  	v0 =	vld [tilespmem:s28+$0x0];
	_ =	sdelay $0x4  }
0x6f8: {  	v1 =	vshrl.u32 v0, $0xC  }
0x6f9: {  	v1 =	vmax.u32 v1, $0x18680  }
0x6fa: {  	v1 =	vmin.u32 v1, $0x186FF  }
0x6fb: {  	v2 =	vadd.s32 $0xFFFE7980, v1;
	_ =	sdelay $0x2  }
0x6fc: {  	v3 =	vand.u32 $0xFFFE0000, v0;
	v4 =	vshll.u32 v0, $0x3  }
0x6fd: {  	v0 =	vand.u32 $0x7F, v0;
	v4 =	vand.u32 $0x7C00, v4;
	vm0 =	veq.s32 v3, $0x18680000  }
0x6fe: {  	v3 =	vor.u32 v0, v4;
	v2 =	vld.idx.msk [tilespmem:v2+s3+$0x0], $0xffff  }
0x6ff: {  	v0 =	vadd.s32 $0xFFFE7A00, v1;
	_ =	sdelay $0x3  }
0x700: {  	[tilespmem:v3+s21+$0x0] =	vst.idx.msk vm0, v2  }
0x701: {  	v2 =	vor.u32 $0x80, v3;
	v0 =	vld.idx.msk [tilespmem:v0+s3+$0x0], $0xffff  }
0x702: {  	v59 =	vadd.s32 $0xFFFE7A80, v1;
	_ =	sdelay $0x3  }
0x703: {  	[tilespmem:v2+s21+$0x0] =	vst.idx.msk vm0, v0  }
0x704: {  	v2 =	vor.u32 $0x100, v3;
	v0 =	vld.idx.msk [tilespmem:v59+s3+$0x0], $0xffff  }
0x705: {  	v60 =	vadd.s32 $0xFFFE7B00, v1;
	_ =	sdelay $0x3  }
0x706: {  	[tilespmem:v2+s21+$0x0] =	vst.idx.msk vm0, v0  }
0x707: {  	v2 =	vor.u32 $0x180, v3;
	v0 =	vld.idx.msk [tilespmem:v60+s3+$0x0], $0xffff  }
0x708: {  	v61 =	vadd.s32 $0xFFFE7B80, v1;
	_ =	sdelay $0x3  }
0x709: {  	[tilespmem:v2+s21+$0x0] =	vst.idx.msk vm0, v0  }
0x70a: {  	v2 =	vor.u32 $0x200, v3;
	v0 =	vld.idx.msk [tilespmem:v61+s3+$0x0], $0xffff  }
0x70b: {  	v62 =	vadd.s32 $0xFFFE7C00, v1;
	_ =	sdelay $0x3  }
0x70c: {  	[tilespmem:v2+s21+$0x0] =	vst.idx.msk vm0, v0  }
0x70d: {  	v2 =	vor.u32 $0x280, v3;
	v0 =	vld.idx.msk [tilespmem:v62+s3+$0x0], $0xffff  }
0x70e: {  	v63 =	vadd.s32 $0xFFFE7C80, v1;
	_ =	sdelay $0x3  }
0x70f: {  	[tilespmem:v2+s21+$0x0] =	vst.idx.msk vm0, v0  }
0x710: {  	v2 =	vor.u32 $0x300, v3;
	v0 =	vld.idx.msk [tilespmem:v63+s3+$0x0], $0xffff  }
0x711: {  	v1 =	vadd.s32 $0xFFFE7D00, v1;
	_ =	sdelay $0x2  }
0x712: {  	s31 =	ssub.s32 s4, s0  }
0x713: {  	p3 =	sne.s32 s31, $0x1;
	[tilespmem:v2+s21+$0x0] =	vst.idx.msk vm0, v0  }
.Ltmp60:
0x714: {  	v0 =	vld.idx.msk [tilespmem:v1+s3+$0x0], $0xffff;
	v1 =	vor.u32 $0x380, v3;
	(pc) =	sbr.rel @!p3 .LBB2_78-.Ltmp60, $2  }
0x715: {  	_ =	sdelay $0x2  }
0x716: {  	s0 =	sadd.s32 $0xFFFFFFFF, s31  }
.LBB2_77:
0x717: {  	p3 =	sne.s32 s0, $0x1;
	s0 =	sadd.s32 $0xFFFFFFFF, s0;
	[tilespmem:v1+s21+$0x0] =	vst.idx.msk vm0, v0;
	s28 =	sadd.s32 $0x10, s28  }
0x718: {  	v0 =	vld [tilespmem:s28+$0x0];
	_ =	sdelay $0x4  }
0x719: {  	v1 =	vshrl.u32 v0, $0xC;
	v2 =	vand.u32 $0xFFFE0000, v0;
	v3 =	vshll.u32 v0, $0x3  }
0x71a: {  	v1 =	vmax.u32 v1, $0x18680;
	v3 =	vand.u32 $0x7C00, v3  }
0x71b: {  	v1 =	vmin.u32 v1, $0x186FF  }
0x71c: {  	v4 =	vadd.s32 $0xFFFE7980, v1;
	_ =	sdelay $0x4  }
0x71d: {  	v0 =	vand.u32 $0x7F, v0;
	vm0 =	veq.s32 v2, $0x18680000;
	v2 =	vld.idx.msk [tilespmem:v4+s3+$0x0], $0xffff  }
0x71e: {  	v3 =	vor.u32 v0, v3  }
0x71f: {  	v0 =	vadd.s32 $0xFFFE7A00, v1;
	_ =	sdelay $0x3  }
0x720: {  	[tilespmem:v3+s21+$0x0] =	vst.idx.msk vm0, v2  }
0x721: {  	v0 =	vld.idx.msk [tilespmem:v0+s3+$0x0], $0xffff  }
0x722: {  	v2 =	vor.u32 $0x80, v3  }
0x723: {  	v4 =	vadd.s32 $0xFFFE7A80, v1;
	_ =	sdelay $0x3  }
0x724: {  	[tilespmem:v2+s21+$0x0] =	vst.idx.msk vm0, v0  }
0x725: {  	v0 =	vld.idx.msk [tilespmem:v4+s3+$0x0], $0xffff  }
0x726: {  	v2 =	vor.u32 $0x100, v3  }
0x727: {  	v4 =	vadd.s32 $0xFFFE7B00, v1;
	_ =	sdelay $0x3  }
0x728: {  	[tilespmem:v2+s21+$0x0] =	vst.idx.msk vm0, v0  }
0x729: {  	v0 =	vld.idx.msk [tilespmem:v4+s3+$0x0], $0xffff  }
0x72a: {  	v2 =	vor.u32 $0x180, v3  }
0x72b: {  	v4 =	vadd.s32 $0xFFFE7B80, v1;
	_ =	sdelay $0x3  }
0x72c: {  	[tilespmem:v2+s21+$0x0] =	vst.idx.msk vm0, v0  }
0x72d: {  	v0 =	vld.idx.msk [tilespmem:v4+s3+$0x0], $0xffff  }
0x72e: {  	v2 =	vor.u32 $0x200, v3  }
0x72f: {  	v4 =	vadd.s32 $0xFFFE7C00, v1;
	_ =	sdelay $0x3  }
0x730: {  	[tilespmem:v2+s21+$0x0] =	vst.idx.msk vm0, v0  }
0x731: {  	v0 =	vld.idx.msk [tilespmem:v4+s3+$0x0], $0xffff  }
0x732: {  	v2 =	vor.u32 $0x280, v3  }
0x733: {  	v4 =	vadd.s32 $0xFFFE7C80, v1;
	_ =	sdelay $0x3  }
0x734: {  	[tilespmem:v2+s21+$0x0] =	vst.idx.msk vm0, v0  }
0x735: {  	v0 =	vld.idx.msk [tilespmem:v4+s3+$0x0], $0xffff  }
0x736: {  	v2 =	vor.u32 $0x300, v3  }
0x737: {  	v1 =	vadd.s32 $0xFFFE7D00, v1;
	_ =	sdelay $0x1  }
.Ltmp61:
0x738: {  	(pc) =	sbr.rel @p3 .LBB2_77-.Ltmp61, $4  }
0x739: {  	_ = 	snop  }
0x73a: {  	[tilespmem:v2+s21+$0x0] =	vst.idx.msk vm0, v0  }
0x73b: {  	v0 =	vld.idx.msk [tilespmem:v1+s3+$0x0], $0xffff  }
0x73c: {  	v1 =	vor.u32 $0x380, v3  }
.Ltmp62:
0x73d: {  	_ = 	snop;
	(pc) =	sbr.rel .LBB2_78-.Ltmp62, $1  }
0x73e: {  	_ =	sdelay $0x3  }
.LBB2_81:
.Ltmp63:
0x73f: {  	(pc) =	sbr.rel @p1 .LBB2_84-.Ltmp63, $2  }
0x740: {  	_ =	sdelay $0x2  }
0x741: {  	s4 =	smov.u32 s7;
	s0 =	smov.u32 s14  }
.Ltmp64:
0x742: {  	(pc) =	sbr.rel @p2 .LBB2_85-.Ltmp64, $1  }
0x743: {  	_ =	sdelay $0x3  }
.Ltmp65:
0x744: {  	(pc) =	sbr.rel .LBB2_84-.Ltmp65, $2  }
0x745: {  	_ =	sdelay $0x2  }
0x746: {  	s4 =	smov.u32 s12;
	s0 =	smov.u32 s13  }
.LBB2_86:
0x747: {  	_ =	sfence.sel $0x180000  }
0x748: {  	[bflag:$0x0] =	sbarrier.arrive $0xFFFF  }
0x749: {  	_ =	strace $0x90000047  }
0x74a: {  	s0 =	stileid.u32;
	[bflag:$0x2] =	sbarrier.arrive $0xFFFF  }
0x74b: {  	p0 =	sne.s32 s0, $0x0;
	s0 =	rddreg [dreg:$0x3]  }
0x74c: {  	s0 =	sadd.s32 @!p0 $0x100000, s0  }
0x74d: {  	[sflag:s0] =	ssyncadd.tile.s32 @!p0 $0x1;
	_ =	shalt  }
.Lfunc_end2:
_tile_overlayer_lowered:
.L_overlay_start_2:
0x74e: {  	(tag) =	ssettag $0x2  }
0x74f: {  	s0 =	rddreg [dreg:$0x0];
	s2 =	stileid.u32  }
0x750: {  	s1 =	rddreg [dreg:$0x1];
	p0 =	sne.s32 s2, $0x0  }
0x751: {  	s3 =	rddreg [dreg:$0x2];
	[bflag:$0x3] =	sbarrier.arrive $0xFFFF;
	s2 =	simm.s32 @!p0 $0x1C03  }
0x752: {  	[timem:s3], [sflag:s2] =	dma.local @!p0 [hbm:s0], s1  }
0x753: {  	s0 =	simm.s32 @!p0 $0x3  }
0x754: {  	_ =	swait.ge @!p0 [sflag:s0], s1  }
0x755: {  	s1 =	ssub.s32 @!p0 $0x0, s1;
	[sflag:s0] =	ssyncset.done @!p0 $0x0  }
0x756: {  	[sflag:s0] =	ssyncadd.s32 @!p0 s1  }
0x757: {  	[bflag:$0x3] =	sbarrier.arrive $0xFFFF  }
0x758: {  	_ =	shalt  }

</sc_bundles>
